<compile_context>
chip_gen: v7x
topology: tpu7x:2x2x1
jax: 0.10.2.dev20260603
libtpu: 0.0.44.dev20260713+nightly
codegen_flags: <defaults>
</compile_context>

<pallas_src>
import jax
import jax.numpy as jnp
from jax import lax
from jax.experimental import pallas as pl
from jax.experimental.pallas import tpu as pltpu
from jax.experimental.pallas import tpu_sc as plsc

N = 10000
E = 320000
D = 128
H = 128
C = 16
MAXNORM = 1.0 - 4e-3

NC = 2
NS = 16
NW = NC * NS
EPW = E // NW
K = 128
CHUNKS = 79
PAD = CHUNKS * K - EPW
NP_ = 10240
RPT = NP_ // NS
CW = 16


_SC_AGG_CACHE = {}


def _make_sc_agg(width, with_counts):
    key = (width, with_counts)
    if key in _SC_AGG_CACHE:
        return _SC_AGG_CACHE[key]
    mesh = plsc.VectorSubcoreMesh(core_axis_name="c", subcore_axis_name="s",
                                  num_cores=NC, num_subcores=NS)
    nslot = 2 if width >= 128 else 4
    ngroups = -(-CHUNKS // nslot)
    assert ngroups % 2 == 0
    outs = [jax.ShapeDtypeStruct((NC * NP_, width), jnp.float32)]
    scratch = [
        pltpu.VMEM((2, nslot, 2, K), jnp.int32),
        pltpu.VMEM((nslot, K, width), jnp.float32),
        pltpu.VMEM_SHARED((NP_, width), jnp.float32),
        pltpu.SemaphoreType.DMA((2, nslot)),
        pltpu.SemaphoreType.DMA((nslot,)),
        pltpu.SemaphoreType.DMA((nslot,)),
    ]
    if with_counts:
        outs.append(jax.ShapeDtypeStruct((NC * NP_, CW), jnp.float32))
        scratch += [
            pltpu.VMEM((K, CW), jnp.float32),
            pltpu.VMEM_SHARED((NP_, CW), jnp.float32),
        ]

    def body(*refs):
        if with_counts:
            (table, eidx3, zrow, zc, ones_h, out, cnt_out,
             eidx, rows, acc_sh, isem, gsem, ssem, ones_v, cnt_sh) = refs
        else:
            (table, eidx3, zrow, out,
             eidx, rows, acc_sh, isem, gsem, ssem) = refs
        cid = lax.axis_index("c")
        sid = lax.axis_index("s")
        wid = sid * NC + cid
        r0 = sid * RPT
        c0 = wid * CHUNKS
        pltpu.sync_copy(zrow, acc_sh.at[pl.ds(r0, RPT)])
        if with_counts:
            pltpu.sync_copy(zc, cnt_sh.at[pl.ds(r0, RPT)])
            pltpu.sync_copy(ones_h, ones_v)
        plsc.subcore_barrier()

        def ifetch(b, s, i):
            pltpu.async_copy(eidx3.at[c0 + i], eidx.at[b, s], isem.at[b, s])

        def iwait(b, s, i):
            pltpu.make_async_copy(eidx3.at[c0 + i], eidx.at[b, s],
                                  isem.at[b, s]).wait()

        def gfetch(b, s):
            pltpu.async_copy(table.at[eidx.at[b, s, 0]], rows.at[s],
                             gsem.at[s])

        def gwait(b, s):
            pltpu.make_async_copy(table.at[eidx.at[b, s, 0]], rows.at[s],
                                  gsem.at[s]).wait()

        def sissue(b, s):
            pltpu.async_copy(rows.at[s], acc_sh.at[eidx.at[b, s, 1]],
                             ssem.at[s], add=True)
            if with_counts:
                pltpu.async_copy(ones_v, cnt_sh.at[eidx.at[b, s, 1]],
                                 ssem.at[s], add=True)

        def swait(b, s):
            pltpu.make_async_copy(rows.at[s], acc_sh.at[eidx.at[b, s, 1]],
                                  ssem.at[s]).wait()
            if with_counts:
                pltpu.make_async_copy(ones_v, cnt_sh.at[eidx.at[b, s, 1]],
                                      ssem.at[s]).wait()

        if nslot == 2:
            def buf(i):
                return ((i // 2) % 2, i % 2)

            ifetch(0, 0, 0)
            ifetch(0, 1, 1)
            ifetch(1, 0, 2)
            iwait(0, 0, 0)
            gfetch(0, 0)

            def rstep(p, carry):
                for o in range(4):
                    i = p * 4 + o
                    b, s = buf(o)
                    bp, sp = buf(o + 3)
                    bn, sn = buf(o + 1)

                    @pl.when(i < CHUNKS)
                    def _(b=b, s=s):
                        gwait(b, s)
                        sissue(b, s)

                    @pl.when((i >= 1) & (i - 1 < CHUNKS))
                    def _(bp=bp, sp=sp):
                        swait(bp, sp)

                    @pl.when(i + 1 < CHUNKS)
                    def _(bn=bn, sn=sn, i=i):
                        iwait(bn, sn, i + 1)
                        gfetch(bn, sn)

                    @pl.when(i + 3 < CHUNKS)
                    def _(bp=bp, sp=sp, i=i):
                        ifetch(bp, sp, i + 3)
                return carry

            lax.fori_loop(0, (CHUNKS + 4) // 4, rstep, 0)
            plsc.subcore_barrier()
            o0 = cid * NP_ + r0
            pltpu.sync_copy(acc_sh.at[pl.ds(r0, RPT)], out.at[pl.ds(o0, RPT)])
            if with_counts:
                pltpu.sync_copy(cnt_sh.at[pl.ds(r0, RPT)],
                                cnt_out.at[pl.ds(o0, RPT)])
            return

        for s in range(nslot):
            ifetch(0, s, s)
        for s in range(nslot):
            if nslot + s < CHUNKS:
                ifetch(1, s, nslot + s)
        for s in range(nslot):
            iwait(0, s, s)
            gfetch(0, s)

        def do_group(g, bank):
            i0 = g * nslot
            for s in range(nslot):
                @pl.when(i0 + s < CHUNKS)
                def _(s=s):
                    gwait(bank, s)
                    sissue(bank, s)
            for s in range(nslot):
                j = i0 + nslot + s
                m = i0 + 2 * nslot + s

                @pl.when(i0 + s < CHUNKS)
                def _(s=s):
                    swait(bank, s)

                @pl.when(j < CHUNKS)
                def _(s=s, j=j):
                    iwait(1 - bank, s, j)
                    gfetch(1 - bank, s)

                @pl.when(m < CHUNKS)
                def _(s=s, m=m):
                    ifetch(bank, s, m)

            return None

        def step(p, carry):
            do_group(p * 2, 0)
            do_group(p * 2 + 1, 1)
            return carry

        lax.fori_loop(0, ngroups // 2, step, 0)
        plsc.subcore_barrier()
        o0 = cid * NP_ + r0
        pltpu.sync_copy(acc_sh.at[pl.ds(r0, RPT)], out.at[pl.ds(o0, RPT)])
        if with_counts:
            pltpu.sync_copy(cnt_sh.at[pl.ds(r0, RPT)], cnt_out.at[pl.ds(o0, RPT)])

    k = pl.kernel(body, out_type=tuple(outs), mesh=mesh,
                  scratch_types=scratch,
                  compiler_params=pltpu.CompilerParams(
                      use_tc_tiling_on_sc=False))
    _SC_AGG_CACHE[key] = k
    return k


BN = 1024
GRID = NP_ // BN
OFF = NP_ // BN


def _tcb_body(a0, a1, c0, c1, x, w1l, w1r, b1, w2l, w2r, b2, g_out, hr_out):
    cnt = jnp.maximum(c0[...][:, 0:1] + c1[...][:, 0:1], 1.0)
    mean = (a0[...] + a1[...]) / cnt
    h = jnp.dot(mean, w1l[...], preferred_element_type=jnp.float32)
    h += jnp.dot(x[...], w1r[...], preferred_element_type=jnp.float32)
    h = jnp.maximum(h + b1[...], 0.0)
    g_out[...] = jnp.dot(h, w2l[...], preferred_element_type=jnp.float32)
    hr_out[...] = jnp.dot(h, w2r[...], preferred_element_type=jnp.float32) + b2[...]


_tcb = pl.pallas_call(
    _tcb_body,
    grid=(GRID,),
    in_specs=[
        pl.BlockSpec((BN, D), lambda i: (i, 0)),
        pl.BlockSpec((BN, D), lambda i: (i + OFF, 0)),
        pl.BlockSpec((BN, CW), lambda i: (i, 0)),
        pl.BlockSpec((BN, CW), lambda i: (i + OFF, 0)),
        pl.BlockSpec((BN, D), lambda i: (i, 0)),
        pl.BlockSpec((D, H), lambda i: (0, 0)),
        pl.BlockSpec((D, H), lambda i: (0, 0)),
        pl.BlockSpec((1, H), lambda i: (0, 0)),
        pl.BlockSpec((H, C), lambda i: (0, 0)),
        pl.BlockSpec((H, C), lambda i: (0, 0)),
        pl.BlockSpec((1, C), lambda i: (0, 0)),
    ],
    out_specs=[
        pl.BlockSpec((BN, C), lambda i: (i, 0)),
        pl.BlockSpec((BN, C), lambda i: (i, 0)),
    ],
    out_shape=[
        jax.ShapeDtypeStruct((NP_, C), jnp.float32),
        jax.ShapeDtypeStruct((NP_, C), jnp.float32),
    ],
)


def _tcc_body(a0, a1, c0, c1, hr, ra, rb, lw, lb, out):
    cnt = jnp.maximum(c0[...][:, 0:1] + c1[...][:, 0:1], 1.0)
    h2 = (a0[...] + a1[...]) / cnt + hr[...]
    nsq = jnp.sum(h2 * h2, axis=1, keepdims=True)
    norm_o = jnp.maximum(nsq, 1e-15)
    s1 = jnp.where(norm_o > MAXNORM, MAXNORM / norm_o, 1.0)
    p_norm = jnp.maximum(s1 * norm_o, 1e-15)
    z = jnp.clip(p_norm, -1.0 + 1e-7, 1.0 - 1e-7)
    artanh = 0.5 * jnp.log((1.0 + z) / (1.0 - z))
    alpha = s1 * artanh / p_norm
    a = jnp.dot(h2, ra[...], preferred_element_type=jnp.float32)
    b = jnp.dot(h2, rb[...], preferred_element_type=jnp.float32)
    acc = jnp.dot(a * b, lw[...], preferred_element_type=jnp.float32)
    h_euc = alpha * acc + lb[...]
    u_norm = jnp.maximum(
        jnp.sqrt(jnp.sum(h_euc * h_euc, axis=1, keepdims=True)), 1e-15)
    gamma = jnp.tanh(u_norm) * h_euc / u_norm
    n2 = jnp.maximum(
        jnp.sqrt(jnp.sum(gamma * gamma, axis=1, keepdims=True)), 1e-15)
    gamma = jnp.where(n2 > MAXNORM, gamma * (MAXNORM / n2), gamma)
    m = jnp.max(gamma, axis=1, keepdims=True)
    y = gamma - m
    out[...] = y - jnp.log(jnp.sum(jnp.exp(y), axis=1, keepdims=True))


_tcc = pl.pallas_call(
    _tcc_body,
    grid=(GRID,),
    in_specs=[
        pl.BlockSpec((BN, C), lambda i: (i, 0)),
        pl.BlockSpec((BN, C), lambda i: (i + OFF, 0)),
        pl.BlockSpec((BN, CW), lambda i: (i, 0)),
        pl.BlockSpec((BN, CW), lambda i: (i + OFF, 0)),
        pl.BlockSpec((BN, C), lambda i: (i, 0)),
        pl.BlockSpec((C, C * C), lambda i: (0, 0)),
        pl.BlockSpec((C, C * C), lambda i: (0, 0)),
        pl.BlockSpec((C * C, C), lambda i: (0, 0)),
        pl.BlockSpec((1, C), lambda i: (0, 0)),
    ],
    out_specs=pl.BlockSpec((BN, C), lambda i: (i, 0)),
    out_shape=jax.ShapeDtypeStruct((NP_, C), jnp.float32),
)


def kernel(x, edge_index, W1_l, W1_r, b1, W2_l, W2_r, b2, lin_W, lin_b):
    src = edge_index[0].astype(jnp.int32).reshape(NW, EPW)
    dst = edge_index[1].astype(jnp.int32).reshape(NW, EPW)
    pad_s = jnp.broadcast_to((jnp.arange(PAD, dtype=jnp.int32) * 89) % N,
                             (NW, PAD))
    pad_d = jnp.broadcast_to(N + (jnp.arange(PAD, dtype=jnp.int32) % (NP_ - N)),
                             (NW, PAD))
    src = jnp.concatenate([src, pad_s], axis=1).reshape(NW, CHUNKS, 1, K)
    dst = jnp.concatenate([dst, pad_d], axis=1).reshape(NW, CHUNKS, 1, K)
    eidx3 = jnp.concatenate([src, dst], axis=2).reshape(NW * CHUNKS, 2, K)
    zrow_d = jnp.zeros((RPT, D), jnp.float32)
    zrow_c = jnp.zeros((RPT, C), jnp.float32)
    zc = jnp.zeros((RPT, CW), jnp.float32)
    ones_h = jnp.ones((K, CW), jnp.float32)

    acc1, cnt = _make_sc_agg(D, True)(x, eidx3, zrow_d, zc, ones_h)
    g, hr = _tcb(acc1, acc1, cnt, cnt, x, W1_l, W1_r,
                 b1.reshape(1, H), W2_l, W2_r, b2.reshape(1, C))
    (acc2,) = _make_sc_agg(C, False)(g, eidx3, zrow_c)
    ra = jnp.repeat(jnp.eye(C, dtype=jnp.float32), C, axis=1)
    rb = jnp.tile(jnp.eye(C, dtype=jnp.float32), (1, C))
    out = _tcc(acc2, acc2, cnt, cnt, hr,
               ra, rb, lin_W, lin_b.reshape(1, C))
    return out[:N]

# --- scband reference (transcript-rebuilt; emitter-appended) ---
"""Pipeline reference for scband-sage-hbp-23055384445770 (READ-ONLY COPY).

The authoritative reference and input builder live on the scoring server;
editing this copy changes nothing except your own understanding.
"""

import jax, jax.numpy as jnp
import numpy as np

N = 10000
E = 320000
D = 128
H = 128
C = 16
CURV = 1.0


def artanh(x):
    x = jnp.clip(x, -1.0 + 1e-7, 1.0 - 1e-7)
    return 0.5 * (jnp.log1p(x) - jnp.log1p(-x))


def poincare_proj(x, c):
    norm = jnp.clip(jnp.linalg.norm(x, axis=-1, keepdims=True), 1e-15, None)
    maxnorm = (1.0 - 4e-3) / jnp.sqrt(c)
    cond = norm > maxnorm
    projected = x / norm * maxnorm
    return jnp.where(cond, projected, x)


def poincare_logmap0(p, c):
    sqrt_c = jnp.sqrt(c)
    p_norm = jnp.clip(jnp.linalg.norm(p, axis=-1, keepdims=True), 1e-15, None)
    scale = artanh(sqrt_c * p_norm) / (sqrt_c * p_norm)
    return scale * p


def poincare_expmap0(u, c):
    sqrt_c = jnp.sqrt(c)
    u_norm = jnp.clip(jnp.linalg.norm(u, axis=-1, keepdims=True), 1e-15, None)
    gamma = jnp.tanh(sqrt_c * u_norm) * u / (sqrt_c * u_norm)
    return gamma


def sage_conv(x, src, dst, W_l, W_r, b, n_nodes):
    # PyG SAGEConv: out = lin_l(mean_aggr(x_j -> i)) + lin_r(x_i)
    msg = jnp.take(x, src, axis=0)
    sums = jax.ops.segment_sum(msg, dst, num_segments=n_nodes)
    cnt = jax.ops.segment_sum(jnp.ones((src.shape[0], 1), x.dtype), dst, num_segments=n_nodes)
    mean = sums / jnp.maximum(cnt, 1.0)
    return mean @ W_l + x @ W_r + b


def setup_inputs(seed: int = 0) -> dict:
    key = jax.random.key(seed)
    ks = jax.random.split(key, 12)
    x = jax.random.normal(ks[0], (N, D), dtype=jnp.float32)
    edge_index = jax.random.randint(ks[1], (2, E), 0, N).astype(jnp.int64)
    s1 = 1.0 / np.sqrt(D)
    s2 = 1.0 / np.sqrt(H)
    s3 = 1.0 / np.sqrt(C * C)
    W1_l = jax.random.normal(ks[2], (D, H), jnp.float32) * s1
    W1_r = jax.random.normal(ks[3], (D, H), jnp.float32) * s1
    b1 = jnp.zeros((H,), jnp.float32)
    W2_l = jax.random.normal(ks[4], (H, C), jnp.float32) * s2
    W2_r = jax.random.normal(ks[5], (H, C), jnp.float32) * s2
    b2 = jnp.zeros((C,), jnp.float32)
    lin_W = jax.random.normal(ks[6], (C * C, C), jnp.float32) * s3
    lin_b = jnp.zeros((C,), jnp.float32)
    return {"x": x, "edge_index": edge_index, "W1_l": W1_l, "W1_r": W1_r, "b1": b1,
            "W2_l": W2_l, "W2_r": W2_r, "b2": b2, "lin_W": lin_W, "lin_b": lin_b}


def reference(x, edge_index, W1_l, W1_r, b1, W2_l, W2_r, b2, lin_W, lin_b):
    src = edge_index[0]
    dst = edge_index[1]
    c = jnp.float32(CURV)
    h = sage_conv(x, src, dst, W1_l, W1_r, b1, N)
    h = jax.nn.relu(h)
    # dropout p=0.0 -> identity
    h = sage_conv(h, src, dst, W2_l, W2_r, b2, N)  # [N, C]
    # outer product -> [N, C, C] -> flatten [N, C*C]
    outer = jnp.matmul(h[:, :, None], h[:, None, :])
    h_hyp_o = outer.reshape(N, C * C)
    h_hyp = poincare_proj(h_hyp_o, c)
    h_euc = poincare_logmap0(h_hyp, c)  # proj_tan0 is identity for PoincareBall
    h_euc = h_euc @ lin_W + lin_b
    h_tan = h_euc  # proj_tan0 identity
    h_hyp2 = poincare_expmap0(h_tan, c)
    h_hyp2 = poincare_proj(h_hyp2, c)
    return jax.nn.log_softmax(h_hyp2, axis=-1)

if __name__ == "__main__":
    import jax
    _d = setup_inputs()
    print(jax.jit(kernel)(*tuple(_d.values())))

</pallas_src>

<mosaic_0001>
#map = affine_map<(d0, d1) -> (0, 0)>
#map1 = affine_map<(d0, d1) -> (0, 0, 0)>
module attributes {stable_mosaic.version = 14 : i64} {
  func.func @body(%arg0: i32, %arg1: i32, %arg2: memref<10000x128xf32, #tpu.memory_space<hbm>>, %arg3: memref<2528x2x128xi32, #tpu.memory_space<hbm>>, %arg4: memref<640x128xf32, #tpu.memory_space<hbm>>, %arg5: memref<640x16xf32, #tpu.memory_space<hbm>>, %arg6: memref<128x16xf32, #tpu.memory_space<hbm>>, %arg7: memref<20480x128xf32, #tpu.memory_space<hbm>>, %arg8: memref<20480x16xf32, #tpu.memory_space<hbm>>, %arg9: memref<2x2x2x128xi32, #tpu.memory_space<vmem>>, %arg10: memref<2x128x128xf32, #tpu.memory_space<vmem>>, %arg11: memref<10240x128xf32, #tpu.memory_space<vmem_shared>>, %arg12: memref<2x2x!tpu.dma_semaphore, #tpu.memory_space<semaphore_mem>>, %arg13: memref<2x!tpu.dma_semaphore, #tpu.memory_space<semaphore_mem>>, %arg14: memref<2x!tpu.dma_semaphore, #tpu.memory_space<semaphore_mem>>, %arg15: memref<128x16xf32, #tpu.memory_space<vmem>>, %arg16: memref<10240x16xf32, #tpu.memory_space<vmem_shared>>) attributes {dimension_semantics = [#tpu.dimension_semantics<core_parallel>, #tpu.dimension_semantics<subcore_parallel>], iteration_bounds = array<i64: 2, 16>, scalar_prefetch = 0 : i64, scratch_operands = 8 : i64, tpu.core_type = #tpu.core_type<sc_vector_subcore>, window_params = [{transform_indices = #map}, {transform_indices = #map1}, {transform_indices = #map}, {transform_indices = #map}, {transform_indices = #map}, {transform_indices = #map}, {transform_indices = #map}]} {
    %mul3A = arith.constant 2 : i32
    %mul3A_0 = arith.muli %arg1, %mul3A : i32
    %add3A = arith.addi %mul3A_0, %arg0 : i32
    %mul3A_1 = arith.constant 640 : i32
    %mul3A_2 = arith.muli %arg1, %mul3A_1 : i32
    %mul3A_3 = arith.constant 79 : i32
    %mul3A_4 = arith.muli %add3A, %mul3A_3 : i32
    "tpu.region"() ({
      %run_scoped3A = tpu.sem_alloc : memref<!tpu.dma_semaphore, #tpu.memory_space<semaphore_mem>>
      %dma_start3A_125 = arith.constant 0 : i32
      %dma_start3A_126 = tpu.memref_slice %arg11[%mul3A_2, %dma_start3A_125] : memref<10240x128xf32, #tpu.memory_space<vmem_shared>> -> memref<640x128xf32, #tpu.memory_space<vmem_shared>>
      tpu.enqueue_dma source(%arg4 : memref<640x128xf32, #tpu.memory_space<hbm>>) target(%dma_start3A_126 : memref<640x128xf32, #tpu.memory_space<vmem_shared>>) target_semaphore(%run_scoped3A : memref<!tpu.dma_semaphore, #tpu.memory_space<semaphore_mem>>)
      %dma_wait3A_127 = arith.constant 0 : i32
      %dma_wait3A_128 = tpu.memref_slice %arg11[%mul3A_2, %dma_wait3A_127] : memref<10240x128xf32, #tpu.memory_space<vmem_shared>> -> memref<640x128xf32, #tpu.memory_space<vmem_shared>>
      tpu.wait_dma2 semaphore(%run_scoped3A : memref<!tpu.dma_semaphore, #tpu.memory_space<semaphore_mem>>) src(%arg4 : memref<640x128xf32, #tpu.memory_space<hbm>>) dst(%dma_wait3A_128 : memref<640x128xf32, #tpu.memory_space<vmem_shared>>)
      tpu.yield
    }) : () -> ()
    "tpu.region"() ({
      %run_scoped3A = tpu.sem_alloc : memref<!tpu.dma_semaphore, #tpu.memory_space<semaphore_mem>>
      %dma_start3A_125 = arith.constant 0 : i32
      %dma_start3A_126 = tpu.memref_slice %arg16[%mul3A_2, %dma_start3A_125] : memref<10240x16xf32, #tpu.memory_space<vmem_shared>> -> memref<640x16xf32, #tpu.memory_space<vmem_shared>>
      tpu.enqueue_dma source(%arg5 : memref<640x16xf32, #tpu.memory_space<hbm>>) target(%dma_start3A_126 : memref<640x16xf32, #tpu.memory_space<vmem_shared>>) target_semaphore(%run_scoped3A : memref<!tpu.dma_semaphore, #tpu.memory_space<semaphore_mem>>)
      %dma_wait3A_127 = arith.constant 0 : i32
      %dma_wait3A_128 = tpu.memref_slice %arg16[%mul3A_2, %dma_wait3A_127] : memref<10240x16xf32, #tpu.memory_space<vmem_shared>> -> memref<640x16xf32, #tpu.memory_space<vmem_shared>>
      tpu.wait_dma2 semaphore(%run_scoped3A : memref<!tpu.dma_semaphore, #tpu.memory_space<semaphore_mem>>) src(%arg5 : memref<640x16xf32, #tpu.memory_space<hbm>>) dst(%dma_wait3A_128 : memref<640x16xf32, #tpu.memory_space<vmem_shared>>)
      tpu.yield
    }) : () -> ()
    "tpu.region"() ({
      %run_scoped3A = tpu.sem_alloc : memref<!tpu.dma_semaphore, #tpu.memory_space<semaphore_mem>>
      tpu.enqueue_dma source(%arg6 : memref<128x16xf32, #tpu.memory_space<hbm>>) target(%arg15 : memref<128x16xf32, #tpu.memory_space<vmem>>) target_semaphore(%run_scoped3A : memref<!tpu.dma_semaphore, #tpu.memory_space<semaphore_mem>>)
      tpu.wait_dma2 semaphore(%run_scoped3A : memref<!tpu.dma_semaphore, #tpu.memory_space<semaphore_mem>>) src(%arg6 : memref<128x16xf32, #tpu.memory_space<hbm>>) dst(%arg15 : memref<128x16xf32, #tpu.memory_space<vmem>>)
      tpu.yield
    }) : () -> ()
    %barrier3A = arith.constant 0 : index
    tpu.barrier barrier_id(%barrier3A)
    %add3A_5 = arith.constant 0 : i32
    %add3A_6 = arith.addi %mul3A_4, %add3A_5 : i32
    %dma_start3A = arith.constant 0 : i32
    %dma_start3A_7 = arith.constant 0 : i32
    %dma_start3A_8 = arith.constant 0 : i32
    %dma_start3A_9 = arith.constant 0 : i32
    %dma_start3A_10 = arith.constant 0 : i32
    %dma_start3A_11 = arith.constant 0 : i32
    %dma_start3A_12 = tpu.memref_slice %arg9[%dma_start3A, %dma_start3A_7, %dma_start3A_10, %dma_start3A_11] : memref<2x2x2x128xi32, #tpu.memory_space<vmem>> -> memref<1x1x2x128xi32, #tpu.memory_space<vmem>>
    %dma_start3A_13 = tpu.memref_squeeze %dma_start3A_12 : memref<1x1x2x128xi32, #tpu.memory_space<vmem>> -> memref<2x128xi32, #tpu.memory_space<vmem>>
    %dma_start3A_14 = arith.constant 0 : i32
    %dma_start3A_15 = arith.constant 0 : i32
    %dma_start3A_16 = tpu.memref_slice %arg3[%add3A_6, %dma_start3A_14, %dma_start3A_15] : memref<2528x2x128xi32, #tpu.memory_space<hbm>> -> memref<1x2x128xi32, #tpu.memory_space<hbm>>
    %dma_start3A_17 = tpu.memref_squeeze %dma_start3A_16 : memref<1x2x128xi32, #tpu.memory_space<hbm>> -> memref<2x128xi32, #tpu.memory_space<hbm>>
    %dma_start3A_18 = tpu.memref_slice %arg12[%dma_start3A_8, %dma_start3A_9] : memref<2x2x!tpu.dma_semaphore, #tpu.memory_space<semaphore_mem>> -> memref<1x1x!tpu.dma_semaphore, #tpu.memory_space<semaphore_mem>>
    %dma_start3A_19 = tpu.memref_squeeze %dma_start3A_18 : memref<1x1x!tpu.dma_semaphore, #tpu.memory_space<semaphore_mem>> -> memref<!tpu.dma_semaphore, #tpu.memory_space<semaphore_mem>>
    %dma_start3A_20 = arith.constant 0 : i32
    %dma_start3A_21 = arith.constant 0 : i32
    %dma_start3A_22 = tpu.memref_slice %arg9[%dma_start3A, %dma_start3A_7, %dma_start3A_20, %dma_start3A_21] : memref<2x2x2x128xi32, #tpu.memory_space<vmem>> -> memref<1x1x2x128xi32, #tpu.memory_space<vmem>>
    %dma_start3A_23 = tpu.memref_squeeze %dma_start3A_22 : memref<1x1x2x128xi32, #tpu.memory_space<vmem>> -> memref<2x128xi32, #tpu.memory_space<vmem>>
    %dma_start3A_24 = arith.constant 0 : i32
    %dma_start3A_25 = arith.constant 0 : i32
    %dma_start3A_26 = tpu.memref_slice %arg3[%add3A_6, %dma_start3A_24, %dma_start3A_25] : memref<2528x2x128xi32, #tpu.memory_space<hbm>> -> memref<1x2x128xi32, #tpu.memory_space<hbm>>
    %dma_start3A_27 = tpu.memref_squeeze %dma_start3A_26 : memref<1x2x128xi32, #tpu.memory_space<hbm>> -> memref<2x128xi32, #tpu.memory_space<hbm>>
    tpu.enqueue_dma source(%dma_start3A_27 : memref<2x128xi32, #tpu.memory_space<hbm>>) target(%dma_start3A_23 : memref<2x128xi32, #tpu.memory_space<vmem>>) target_semaphore(%dma_start3A_19 : memref<!tpu.dma_semaphore, #tpu.memory_space<semaphore_mem>>)
    %add3A_28 = arith.constant 1 : i32
    %add3A_29 = arith.addi %mul3A_4, %add3A_28 : i32
    %dma_start3A_30 = arith.constant 0 : i32
    %dma_start3A_31 = arith.constant 1 : i32
    %dma_start3A_32 = arith.constant 0 : i32
    %dma_start3A_33 = arith.constant 1 : i32
    %dma_start3A_34 = arith.constant 0 : i32
    %dma_start3A_35 = arith.constant 0 : i32
    %dma_start3A_36 = tpu.memref_slice %arg9[%dma_start3A_30, %dma_start3A_31, %dma_start3A_34, %dma_start3A_35] : memref<2x2x2x128xi32, #tpu.memory_space<vmem>> -> memref<1x1x2x128xi32, #tpu.memory_space<vmem>>
    %dma_start3A_37 = tpu.memref_squeeze %dma_start3A_36 : memref<1x1x2x128xi32, #tpu.memory_space<vmem>> -> memref<2x128xi32, #tpu.memory_space<vmem>>
    %dma_start3A_38 = arith.constant 0 : i32
    %dma_start3A_39 = arith.constant 0 : i32
    %dma_start3A_40 = tpu.memref_slice %arg3[%add3A_29, %dma_start3A_38, %dma_start3A_39] : memref<2528x2x128xi32, #tpu.memory_space<hbm>> -> memref<1x2x128xi32, #tpu.memory_space<hbm>>
    %dma_start3A_41 = tpu.memref_squeeze %dma_start3A_40 : memref<1x2x128xi32, #tpu.memory_space<hbm>> -> memref<2x128xi32, #tpu.memory_space<hbm>>
    %dma_start3A_42 = tpu.memref_slice %arg12[%dma_start3A_32, %dma_start3A_33] : memref<2x2x!tpu.dma_semaphore, #tpu.memory_space<semaphore_mem>> -> memref<1x1x!tpu.dma_semaphore, #tpu.memory_space<semaphore_mem>>
    %dma_start3A_43 = tpu.memref_squeeze %dma_start3A_42 : memref<1x1x!tpu.dma_semaphore, #tpu.memory_space<semaphore_mem>> -> memref<!tpu.dma_semaphore, #tpu.memory_space<semaphore_mem>>
    %dma_start3A_44 = arith.constant 0 : i32
    %dma_start3A_45 = arith.constant 0 : i32
    %dma_start3A_46 = tpu.memref_slice %arg9[%dma_start3A_30, %dma_start3A_31, %dma_start3A_44, %dma_start3A_45] : memref<2x2x2x128xi32, #tpu.memory_space<vmem>> -> memref<1x1x2x128xi32, #tpu.memory_space<vmem>>
    %dma_start3A_47 = tpu.memref_squeeze %dma_start3A_46 : memref<1x1x2x128xi32, #tpu.memory_space<vmem>> -> memref<2x128xi32, #tpu.memory_space<vmem>>
    %dma_start3A_48 = arith.constant 0 : i32
    %dma_start3A_49 = arith.constant 0 : i32
    %dma_start3A_50 = tpu.memref_slice %arg3[%add3A_29, %dma_start3A_48, %dma_start3A_49] : memref<2528x2x128xi32, #tpu.memory_space<hbm>> -> memref<1x2x128xi32, #tpu.memory_space<hbm>>
    %dma_start3A_51 = tpu.memref_squeeze %dma_start3A_50 : memref<1x2x128xi32, #tpu.memory_space<hbm>> -> memref<2x128xi32, #tpu.memory_space<hbm>>
    tpu.enqueue_dma source(%dma_start3A_51 : memref<2x128xi32, #tpu.memory_space<hbm>>) target(%dma_start3A_47 : memref<2x128xi32, #tpu.memory_space<vmem>>) target_semaphore(%dma_start3A_43 : memref<!tpu.dma_semaphore, #tpu.memory_space<semaphore_mem>>)
    %add3A_52 = arith.constant 2 : i32
    %add3A_53 = arith.addi %mul3A_4, %add3A_52 : i32
    %dma_start3A_54 = arith.constant 1 : i32
    %dma_start3A_55 = arith.constant 0 : i32
    %dma_start3A_56 = arith.constant 1 : i32
    %dma_start3A_57 = arith.constant 0 : i32
    %dma_start3A_58 = arith.constant 0 : i32
    %dma_start3A_59 = arith.constant 0 : i32
    %dma_start3A_60 = tpu.memref_slice %arg9[%dma_start3A_54, %dma_start3A_55, %dma_start3A_58, %dma_start3A_59] : memref<2x2x2x128xi32, #tpu.memory_space<vmem>> -> memref<1x1x2x128xi32, #tpu.memory_space<vmem>>
    %dma_start3A_61 = tpu.memref_squeeze %dma_start3A_60 : memref<1x1x2x128xi32, #tpu.memory_space<vmem>> -> memref<2x128xi32, #tpu.memory_space<vmem>>
    %dma_start3A_62 = arith.constant 0 : i32
    %dma_start3A_63 = arith.constant 0 : i32
    %dma_start3A_64 = tpu.memref_slice %arg3[%add3A_53, %dma_start3A_62, %dma_start3A_63] : memref<2528x2x128xi32, #tpu.memory_space<hbm>> -> memref<1x2x128xi32, #tpu.memory_space<hbm>>
    %dma_start3A_65 = tpu.memref_squeeze %dma_start3A_64 : memref<1x2x128xi32, #tpu.memory_space<hbm>> -> memref<2x128xi32, #tpu.memory_space<hbm>>
    %dma_start3A_66 = tpu.memref_slice %arg12[%dma_start3A_56, %dma_start3A_57] : memref<2x2x!tpu.dma_semaphore, #tpu.memory_space<semaphore_mem>> -> memref<1x1x!tpu.dma_semaphore, #tpu.memory_space<semaphore_mem>>
    %dma_start3A_67 = tpu.memref_squeeze %dma_start3A_66 : memref<1x1x!tpu.dma_semaphore, #tpu.memory_space<semaphore_mem>> -> memref<!tpu.dma_semaphore, #tpu.memory_space<semaphore_mem>>
    %dma_start3A_68 = arith.constant 0 : i32
    %dma_start3A_69 = arith.constant 0 : i32
    %dma_start3A_70 = tpu.memref_slice %arg9[%dma_start3A_54, %dma_start3A_55, %dma_start3A_68, %dma_start3A_69] : memref<2x2x2x128xi32, #tpu.memory_space<vmem>> -> memref<1x1x2x128xi32, #tpu.memory_space<vmem>>
    %dma_start3A_71 = tpu.memref_squeeze %dma_start3A_70 : memref<1x1x2x128xi32, #tpu.memory_space<vmem>> -> memref<2x128xi32, #tpu.memory_space<vmem>>
    %dma_start3A_72 = arith.constant 0 : i32
    %dma_start3A_73 = arith.constant 0 : i32
    %dma_start3A_74 = tpu.memref_slice %arg3[%add3A_53, %dma_start3A_72, %dma_start3A_73] : memref<2528x2x128xi32, #tpu.memory_space<hbm>> -> memref<1x2x128xi32, #tpu.memory_space<hbm>>
    %dma_start3A_75 = tpu.memref_squeeze %dma_start3A_74 : memref<1x2x128xi32, #tpu.memory_space<hbm>> -> memref<2x128xi32, #tpu.memory_space<hbm>>
    tpu.enqueue_dma source(%dma_start3A_75 : memref<2x128xi32, #tpu.memory_space<hbm>>) target(%dma_start3A_71 : memref<2x128xi32, #tpu.memory_space<vmem>>) target_semaphore(%dma_start3A_67 : memref<!tpu.dma_semaphore, #tpu.memory_space<semaphore_mem>>)
    %add3A_76 = arith.constant 0 : i32
    %add3A_77 = arith.addi %mul3A_4, %add3A_76 : i32
    %dma_wait3A = arith.constant 0 : i32
    %dma_wait3A_78 = arith.constant 0 : i32
    %dma_wait3A_79 = arith.constant 0 : i32
    %dma_wait3A_80 = arith.constant 0 : i32
    %dma_wait3A_81 = arith.constant 0 : i32
    %dma_wait3A_82 = arith.constant 0 : i32
    %dma_wait3A_83 = tpu.memref_slice %arg9[%dma_wait3A, %dma_wait3A_78, %dma_wait3A_81, %dma_wait3A_82] : memref<2x2x2x128xi32, #tpu.memory_space<vmem>> -> memref<1x1x2x128xi32, #tpu.memory_space<vmem>>
    %dma_wait3A_84 = tpu.memref_squeeze %dma_wait3A_83 : memref<1x1x2x128xi32, #tpu.memory_space<vmem>> -> memref<2x128xi32, #tpu.memory_space<vmem>>
    %dma_wait3A_85 = arith.constant 0 : i32
    %dma_wait3A_86 = arith.constant 0 : i32
    %dma_wait3A_87 = tpu.memref_slice %arg3[%add3A_77, %dma_wait3A_85, %dma_wait3A_86] : memref<2528x2x128xi32, #tpu.memory_space<hbm>> -> memref<1x2x128xi32, #tpu.memory_space<hbm>>
    %dma_wait3A_88 = tpu.memref_squeeze %dma_wait3A_87 : memref<1x2x128xi32, #tpu.memory_space<hbm>> -> memref<2x128xi32, #tpu.memory_space<hbm>>
    %dma_wait3A_89 = tpu.memref_slice %arg12[%dma_wait3A_79, %dma_wait3A_80] : memref<2x2x!tpu.dma_semaphore, #tpu.memory_space<semaphore_mem>> -> memref<1x1x!tpu.dma_semaphore, #tpu.memory_space<semaphore_mem>>
    %dma_wait3A_90 = tpu.memref_squeeze %dma_wait3A_89 : memref<1x1x!tpu.dma_semaphore, #tpu.memory_space<semaphore_mem>> -> memref<!tpu.dma_semaphore, #tpu.memory_space<semaphore_mem>>
    %dma_wait3A_91 = arith.constant 0 : i32
    %dma_wait3A_92 = arith.constant 0 : i32
    %dma_wait3A_93 = tpu.memref_slice %arg9[%dma_wait3A, %dma_wait3A_78, %dma_wait3A_91, %dma_wait3A_92] : memref<2x2x2x128xi32, #tpu.memory_space<vmem>> -> memref<1x1x2x128xi32, #tpu.memory_space<vmem>>
    %dma_wait3A_94 = tpu.memref_squeeze %dma_wait3A_93 : memref<1x1x2x128xi32, #tpu.memory_space<vmem>> -> memref<2x128xi32, #tpu.memory_space<vmem>>
    %dma_wait3A_95 = arith.constant 0 : i32
    %dma_wait3A_96 = arith.constant 0 : i32
    %dma_wait3A_97 = tpu.memref_slice %arg3[%add3A_77, %dma_wait3A_95, %dma_wait3A_96] : memref<2528x2x128xi32, #tpu.memory_space<hbm>> -> memref<1x2x128xi32, #tpu.memory_space<hbm>>
    %dma_wait3A_98 = tpu.memref_squeeze %dma_wait3A_97 : memref<1x2x128xi32, #tpu.memory_space<hbm>> -> memref<2x128xi32, #tpu.memory_space<hbm>>
    tpu.wait_dma2 semaphore(%dma_wait3A_90 : memref<!tpu.dma_semaphore, #tpu.memory_space<semaphore_mem>>) src(%dma_wait3A_98 : memref<2x128xi32, #tpu.memory_space<hbm>>) dst(%dma_wait3A_94 : memref<2x128xi32, #tpu.memory_space<vmem>>)
    %dma_start3A_99 = arith.constant 0 : i32
    %dma_start3A_100 = arith.constant 0 : i32
    %dma_start3A_101 = arith.constant 0 : i32
    %dma_start3A_102 = arith.constant 0 : i32
    %dma_start3A_103 = arith.constant 0 : i32
    %dma_start3A_104 = arith.constant 0 : i32
    %dma_start3A_105 = arith.constant 0 : i32
    %dma_start3A_106 = tpu.memref_slice %arg10[%dma_start3A_102, %dma_start3A_104, %dma_start3A_105] : memref<2x128x128xf32, #tpu.memory_space<vmem>> -> memref<1x128x128xf32, #tpu.memory_space<vmem>>
    %dma_start3A_107 = tpu.memref_squeeze %dma_start3A_106 : memref<1x128x128xf32, #tpu.memory_space<vmem>> -> memref<128x128xf32, #tpu.memory_space<vmem>>
    %dma_start3A_108 = arith.constant 0 : i32
    %dma_start3A_109 = tpu.memref_slice %arg9[%dma_start3A_99, %dma_start3A_100, %dma_start3A_101, %dma_start3A_108] : memref<2x2x2x128xi32, #tpu.memory_space<vmem>> -> memref<1x1x1x128xi32, #tpu.memory_space<vmem>>
    %dma_start3A_110 = tpu.memref_squeeze %dma_start3A_109 : memref<1x1x1x128xi32, #tpu.memory_space<vmem>> -> memref<128xi32, #tpu.memory_space<vmem>>
    %dma_start3A_111 = arith.constant 0 : i32
    %dma_start3A_112 = arith.constant 0 : i32
    %dma_start3A_113 = tpu.memref_slice %arg2[%dma_start3A_111, %dma_start3A_112] : memref<10000x128xf32, #tpu.memory_space<hbm>> -> memref<10000x128xf32, #tpu.memory_space<hbm>>
    %dma_start3A_114 = tpu.memref_slice %arg13[%dma_start3A_103] : memref<2x!tpu.dma_semaphore, #tpu.memory_space<semaphore_mem>> -> memref<1x!tpu.dma_semaphore, #tpu.memory_space<semaphore_mem>>
    %dma_start3A_115 = tpu.memref_squeeze %dma_start3A_114 : memref<1x!tpu.dma_semaphore, #tpu.memory_space<semaphore_mem>> -> memref<!tpu.dma_semaphore, #tpu.memory_space<semaphore_mem>>
    tpu.enqueue_indirect_dma source(%dma_start3A_113 : memref<10000x128xf32, #tpu.memory_space<hbm>>) target(%dma_start3A_107 : memref<128x128xf32, #tpu.memory_space<vmem>>) offsets(%dma_start3A_110 : memref<128xi32, #tpu.memory_space<vmem>>) semaphore(%dma_start3A_115 : memref<!tpu.dma_semaphore, #tpu.memory_space<semaphore_mem>>)
    %scan3A = arith.constant 0 : i32
    %scan3A_116 = arith.constant 0 : i32
    %scan3A_117 = arith.constant 20 : i32
    %scan3A_118 = arith.addi %scan3A_116, %scan3A_117 : i32
    %scan3A_119 = arith.constant 1 : i32
    scf.for %scan3A_125 = %scan3A_116 to %scan3A_118 step %scan3A_119  : i32 {
      %mul3A_126 = arith.constant 4 : i32
      %mul3A_127 = arith.muli %scan3A_125, %mul3A_126 : i32
      %add3A_128 = arith.constant 0 : i32
      %add3A_129 = arith.addi %mul3A_127, %add3A_128 : i32
      %lt3A = arith.constant 79 : i32
      %lt3A_130 = arith.cmpi slt, %add3A_129, %lt3A : i32
      %convert_element_type3A = arith.extui %lt3A_130 : i1 to i32
      %cond3A = arith.constant 0 : i32
      %cond3A_131 = arith.cmpi ne, %convert_element_type3A, %cond3A : i32
      scf.if %cond3A_131 {
        %dma_wait3A_252 = arith.constant 0 : i32
        %dma_wait3A_253 = arith.constant 0 : i32
        %dma_wait3A_254 = arith.constant 0 : i32
        %dma_wait3A_255 = arith.constant 0 : i32
        %dma_wait3A_256 = arith.constant 0 : i32
        %dma_wait3A_257 = arith.constant 0 : i32
        %dma_wait3A_258 = arith.constant 0 : i32
        %dma_wait3A_259 = tpu.memref_slice %arg10[%dma_wait3A_255, %dma_wait3A_257, %dma_wait3A_258] : memref<2x128x128xf32, #tpu.memory_space<vmem>> -> memref<1x128x128xf32, #tpu.memory_space<vmem>>
        %dma_wait3A_260 = tpu.memref_squeeze %dma_wait3A_259 : memref<1x128x128xf32, #tpu.memory_space<vmem>> -> memref<128x128xf32, #tpu.memory_space<vmem>>
        %dma_wait3A_261 = arith.constant 0 : i32
        %dma_wait3A_262 = tpu.memref_slice %arg9[%dma_wait3A_252, %dma_wait3A_253, %dma_wait3A_254, %dma_wait3A_261] : memref<2x2x2x128xi32, #tpu.memory_space<vmem>> -> memref<1x1x1x128xi32, #tpu.memory_space<vmem>>
        %dma_wait3A_263 = tpu.memref_squeeze %dma_wait3A_262 : memref<1x1x1x128xi32, #tpu.memory_space<vmem>> -> memref<128xi32, #tpu.memory_space<vmem>>
        %dma_wait3A_264 = arith.constant 0 : i32
        %dma_wait3A_265 = arith.constant 0 : i32
        %dma_wait3A_266 = tpu.memref_slice %arg2[%dma_wait3A_264, %dma_wait3A_265] : memref<10000x128xf32, #tpu.memory_space<hbm>> -> memref<10000x128xf32, #tpu.memory_space<hbm>>
        %dma_wait3A_267 = tpu.memref_slice %arg13[%dma_wait3A_256] : memref<2x!tpu.dma_semaphore, #tpu.memory_space<semaphore_mem>> -> memref<1x!tpu.dma_semaphore, #tpu.memory_space<semaphore_mem>>
        %dma_wait3A_268 = tpu.memref_squeeze %dma_wait3A_267 : memref<1x!tpu.dma_semaphore, #tpu.memory_space<semaphore_mem>> -> memref<!tpu.dma_semaphore, #tpu.memory_space<semaphore_mem>>
        tpu.wait_indirect_dma semaphore(%dma_wait3A_268 : memref<!tpu.dma_semaphore, #tpu.memory_space<semaphore_mem>>) src(%dma_wait3A_266 : memref<10000x128xf32, #tpu.memory_space<hbm>>) dst(%dma_wait3A_260 : memref<128x128xf32, #tpu.memory_space<vmem>>)
        %dma_start3A_269 = arith.constant 0 : i32
        %dma_start3A_270 = arith.constant 0 : i32
        %dma_start3A_271 = arith.constant 0 : i32
        %dma_start3A_272 = arith.constant 1 : i32
        %dma_start3A_273 = arith.constant 0 : i32
        %dma_start3A_274 = arith.constant 0 : i32
        %dma_start3A_275 = arith.constant 0 : i32
        %dma_start3A_276 = tpu.memref_slice %arg10[%dma_start3A_269, %dma_start3A_274, %dma_start3A_275] : memref<2x128x128xf32, #tpu.memory_space<vmem>> -> memref<1x128x128xf32, #tpu.memory_space<vmem>>
        %dma_start3A_277 = tpu.memref_squeeze %dma_start3A_276 : memref<1x128x128xf32, #tpu.memory_space<vmem>> -> memref<128x128xf32, #tpu.memory_space<vmem>>
        %dma_start3A_278 = arith.constant 0 : i32
        %dma_start3A_279 = tpu.memref_slice %arg9[%dma_start3A_270, %dma_start3A_271, %dma_start3A_272, %dma_start3A_278] : memref<2x2x2x128xi32, #tpu.memory_space<vmem>> -> memref<1x1x1x128xi32, #tpu.memory_space<vmem>>
        %dma_start3A_280 = tpu.memref_squeeze %dma_start3A_279 : memref<1x1x1x128xi32, #tpu.memory_space<vmem>> -> memref<128xi32, #tpu.memory_space<vmem>>
        %dma_start3A_281 = arith.constant 0 : i32
        %dma_start3A_282 = arith.constant 0 : i32
        %dma_start3A_283 = tpu.memref_slice %arg11[%dma_start3A_281, %dma_start3A_282] : memref<10240x128xf32, #tpu.memory_space<vmem_shared>> -> memref<10240x128xf32, #tpu.memory_space<vmem_shared>>
        %dma_start3A_284 = tpu.memref_slice %arg14[%dma_start3A_273] : memref<2x!tpu.dma_semaphore, #tpu.memory_space<semaphore_mem>> -> memref<1x!tpu.dma_semaphore, #tpu.memory_space<semaphore_mem>>
        %dma_start3A_285 = tpu.memref_squeeze %dma_start3A_284 : memref<1x!tpu.dma_semaphore, #tpu.memory_space<semaphore_mem>> -> memref<!tpu.dma_semaphore, #tpu.memory_space<semaphore_mem>>
        tpu.enqueue_indirect_dma source(%dma_start3A_277 : memref<128x128xf32, #tpu.memory_space<vmem>>) target(%dma_start3A_283 : memref<10240x128xf32, #tpu.memory_space<vmem_shared>>) offsets(%dma_start3A_280 : memref<128xi32, #tpu.memory_space<vmem>>) semaphore(%dma_start3A_285 : memref<!tpu.dma_semaphore, #tpu.memory_space<semaphore_mem>>) {add = true}
        %dma_start3A_286 = arith.constant 0 : i32
        %dma_start3A_287 = arith.constant 0 : i32
        %dma_start3A_288 = arith.constant 1 : i32
        %dma_start3A_289 = arith.constant 0 : i32
        %dma_start3A_290 = arith.constant 0 : i32
        %dma_start3A_291 = tpu.memref_slice %arg9[%dma_start3A_286, %dma_start3A_287, %dma_start3A_288, %dma_start3A_290] : memref<2x2x2x128xi32, #tpu.memory_space<vmem>> -> memref<1x1x1x128xi32, #tpu.memory_space<vmem>>
        %dma_start3A_292 = tpu.memref_squeeze %dma_start3A_291 : memref<1x1x1x128xi32, #tpu.memory_space<vmem>> -> memref<128xi32, #tpu.memory_space<vmem>>
        %dma_start3A_293 = arith.constant 0 : i32
        %dma_start3A_294 = arith.constant 0 : i32
        %dma_start3A_295 = tpu.memref_slice %arg16[%dma_start3A_293, %dma_start3A_294] : memref<10240x16xf32, #tpu.memory_space<vmem_shared>> -> memref<10240x16xf32, #tpu.memory_space<vmem_shared>>
        %dma_start3A_296 = tpu.memref_slice %arg14[%dma_start3A_289] : memref<2x!tpu.dma_semaphore, #tpu.memory_space<semaphore_mem>> -> memref<1x!tpu.dma_semaphore, #tpu.memory_space<semaphore_mem>>
        %dma_start3A_297 = tpu.memref_squeeze %dma_start3A_296 : memref<1x!tpu.dma_semaphore, #tpu.memory_space<semaphore_mem>> -> memref<!tpu.dma_semaphore, #tpu.memory_space<semaphore_mem>>
        tpu.enqueue_indirect_dma source(%arg15 : memref<128x16xf32, #tpu.memory_space<vmem>>) target(%dma_start3A_295 : memref<10240x16xf32, #tpu.memory_space<vmem_shared>>) offsets(%dma_start3A_292 : memref<128xi32, #tpu.memory_space<vmem>>) semaphore(%dma_start3A_297 : memref<!tpu.dma_semaphore, #tpu.memory_space<semaphore_mem>>) {add = true}
      } else {
      }
      %ge3A = arith.constant 1 : i32
      %ge3A_132 = arith.cmpi sge, %add3A_129, %ge3A : i32
      %sub3A = arith.constant 1 : i32
      %sub3A_133 = arith.subi %add3A_129, %sub3A : i32
      %lt3A_134 = arith.constant 79 : i32
      %lt3A_135 = arith.cmpi slt, %sub3A_133, %lt3A_134 : i32
      %and3A = arith.andi %ge3A_132, %lt3A_135 : i1
      %convert_element_type3A_136 = arith.extui %and3A : i1 to i32
      %cond3A_137 = arith.constant 0 : i32
      %cond3A_138 = arith.cmpi ne, %convert_element_type3A_136, %cond3A_137 : i32
      scf.if %cond3A_138 {
        %dma_wait3A_252 = arith.constant 1 : i32
        %dma_wait3A_253 = arith.constant 1 : i32
        %dma_wait3A_254 = arith.constant 1 : i32
        %dma_wait3A_255 = arith.constant 1 : i32
        %dma_wait3A_256 = arith.constant 1 : i32
        %dma_wait3A_257 = arith.constant 0 : i32
        %dma_wait3A_258 = arith.constant 0 : i32
        %dma_wait3A_259 = tpu.memref_slice %arg10[%dma_wait3A_252, %dma_wait3A_257, %dma_wait3A_258] : memref<2x128x128xf32, #tpu.memory_space<vmem>> -> memref<1x128x128xf32, #tpu.memory_space<vmem>>
        %dma_wait3A_260 = tpu.memref_squeeze %dma_wait3A_259 : memref<1x128x128xf32, #tpu.memory_space<vmem>> -> memref<128x128xf32, #tpu.memory_space<vmem>>
        %dma_wait3A_261 = arith.constant 0 : i32
        %dma_wait3A_262 = tpu.memref_slice %arg9[%dma_wait3A_253, %dma_wait3A_254, %dma_wait3A_255, %dma_wait3A_261] : memref<2x2x2x128xi32, #tpu.memory_space<vmem>> -> memref<1x1x1x128xi32, #tpu.memory_space<vmem>>
        %dma_wait3A_263 = tpu.memref_squeeze %dma_wait3A_262 : memref<1x1x1x128xi32, #tpu.memory_space<vmem>> -> memref<128xi32, #tpu.memory_space<vmem>>
        %dma_wait3A_264 = arith.constant 0 : i32
        %dma_wait3A_265 = arith.constant 0 : i32
        %dma_wait3A_266 = tpu.memref_slice %arg11[%dma_wait3A_264, %dma_wait3A_265] : memref<10240x128xf32, #tpu.memory_space<vmem_shared>> -> memref<10240x128xf32, #tpu.memory_space<vmem_shared>>
        %dma_wait3A_267 = tpu.memref_slice %arg14[%dma_wait3A_256] : memref<2x!tpu.dma_semaphore, #tpu.memory_space<semaphore_mem>> -> memref<1x!tpu.dma_semaphore, #tpu.memory_space<semaphore_mem>>
        %dma_wait3A_268 = tpu.memref_squeeze %dma_wait3A_267 : memref<1x!tpu.dma_semaphore, #tpu.memory_space<semaphore_mem>> -> memref<!tpu.dma_semaphore, #tpu.memory_space<semaphore_mem>>
        tpu.wait_indirect_dma semaphore(%dma_wait3A_268 : memref<!tpu.dma_semaphore, #tpu.memory_space<semaphore_mem>>) src(%dma_wait3A_260 : memref<128x128xf32, #tpu.memory_space<vmem>>) dst(%dma_wait3A_266 : memref<10240x128xf32, #tpu.memory_space<vmem_shared>>)
        %dma_wait3A_269 = arith.constant 1 : i32
        %dma_wait3A_270 = arith.constant 1 : i32
        %dma_wait3A_271 = arith.constant 1 : i32
        %dma_wait3A_272 = arith.constant 1 : i32
        %dma_wait3A_273 = arith.constant 0 : i32
        %dma_wait3A_274 = tpu.memref_slice %arg9[%dma_wait3A_269, %dma_wait3A_270, %dma_wait3A_271, %dma_wait3A_273] : memref<2x2x2x128xi32, #tpu.memory_space<vmem>> -> memref<1x1x1x128xi32, #tpu.memory_space<vmem>>
        %dma_wait3A_275 = tpu.memref_squeeze %dma_wait3A_274 : memref<1x1x1x128xi32, #tpu.memory_space<vmem>> -> memref<128xi32, #tpu.memory_space<vmem>>
        %dma_wait3A_276 = arith.constant 0 : i32
        %dma_wait3A_277 = arith.constant 0 : i32
        %dma_wait3A_278 = tpu.memref_slice %arg16[%dma_wait3A_276, %dma_wait3A_277] : memref<10240x16xf32, #tpu.memory_space<vmem_shared>> -> memref<10240x16xf32, #tpu.memory_space<vmem_shared>>
        %dma_wait3A_279 = tpu.memref_slice %arg14[%dma_wait3A_272] : memref<2x!tpu.dma_semaphore, #tpu.memory_space<semaphore_mem>> -> memref<1x!tpu.dma_semaphore, #tpu.memory_space<semaphore_mem>>
        %dma_wait3A_280 = tpu.memref_squeeze %dma_wait3A_279 : memref<1x!tpu.dma_semaphore, #tpu.memory_space<semaphore_mem>> -> memref<!tpu.dma_semaphore, #tpu.memory_space<semaphore_mem>>
        tpu.wait_indirect_dma semaphore(%dma_wait3A_280 : memref<!tpu.dma_semaphore, #tpu.memory_space<semaphore_mem>>) src(%arg15 : memref<128x16xf32, #tpu.memory_space<vmem>>) dst(%dma_wait3A_278 : memref<10240x16xf32, #tpu.memory_space<vmem_shared>>)
      } else {
      }
      %add3A_139 = arith.constant 1 : i32
      %add3A_140 = arith.addi %add3A_129, %add3A_139 : i32
      %lt3A_141 = arith.constant 79 : i32
      %lt3A_142 = arith.cmpi slt, %add3A_140, %lt3A_141 : i32
      %convert_element_type3A_143 = arith.extui %lt3A_142 : i1 to i32
      %cond3A_144 = arith.constant 0 : i32
      %cond3A_145 = arith.cmpi ne, %convert_element_type3A_143, %cond3A_144 : i32
      scf.if %cond3A_145 {
        %add3A_252 = arith.constant 1 : i32
        %add3A_253 = arith.addi %add3A_129, %add3A_252 : i32
        %add3A_254 = arith.addi %mul3A_4, %add3A_253 : i32
        %dma_wait3A_255 = arith.constant 0 : i32
        %dma_wait3A_256 = arith.constant 1 : i32
        %dma_wait3A_257 = arith.constant 0 : i32
        %dma_wait3A_258 = arith.constant 1 : i32
        %dma_wait3A_259 = arith.constant 0 : i32
        %dma_wait3A_260 = arith.constant 0 : i32
        %dma_wait3A_261 = tpu.memref_slice %arg9[%dma_wait3A_255, %dma_wait3A_256, %dma_wait3A_259, %dma_wait3A_260] : memref<2x2x2x128xi32, #tpu.memory_space<vmem>> -> memref<1x1x2x128xi32, #tpu.memory_space<vmem>>
        %dma_wait3A_262 = tpu.memref_squeeze %dma_wait3A_261 : memref<1x1x2x128xi32, #tpu.memory_space<vmem>> -> memref<2x128xi32, #tpu.memory_space<vmem>>
        %dma_wait3A_263 = arith.constant 0 : i32
        %dma_wait3A_264 = arith.constant 0 : i32
        %dma_wait3A_265 = tpu.memref_slice %arg3[%add3A_254, %dma_wait3A_263, %dma_wait3A_264] : memref<2528x2x128xi32, #tpu.memory_space<hbm>> -> memref<1x2x128xi32, #tpu.memory_space<hbm>>
        %dma_wait3A_266 = tpu.memref_squeeze %dma_wait3A_265 : memref<1x2x128xi32, #tpu.memory_space<hbm>> -> memref<2x128xi32, #tpu.memory_space<hbm>>
        %dma_wait3A_267 = tpu.memref_slice %arg12[%dma_wait3A_257, %dma_wait3A_258] : memref<2x2x!tpu.dma_semaphore, #tpu.memory_space<semaphore_mem>> -> memref<1x1x!tpu.dma_semaphore, #tpu.memory_space<semaphore_mem>>
        %dma_wait3A_268 = tpu.memref_squeeze %dma_wait3A_267 : memref<1x1x!tpu.dma_semaphore, #tpu.memory_space<semaphore_mem>> -> memref<!tpu.dma_semaphore, #tpu.memory_space<semaphore_mem>>
        %dma_wait3A_269 = arith.constant 0 : i32
        %dma_wait3A_270 = arith.constant 0 : i32
        %dma_wait3A_271 = tpu.memref_slice %arg9[%dma_wait3A_255, %dma_wait3A_256, %dma_wait3A_269, %dma_wait3A_270] : memref<2x2x2x128xi32, #tpu.memory_space<vmem>> -> memref<1x1x2x128xi32, #tpu.memory_space<vmem>>
        %dma_wait3A_272 = tpu.memref_squeeze %dma_wait3A_271 : memref<1x1x2x128xi32, #tpu.memory_space<vmem>> -> memref<2x128xi32, #tpu.memory_space<vmem>>
        %dma_wait3A_273 = arith.constant 0 : i32
        %dma_wait3A_274 = arith.constant 0 : i32
        %dma_wait3A_275 = tpu.memref_slice %arg3[%add3A_254, %dma_wait3A_273, %dma_wait3A_274] : memref<2528x2x128xi32, #tpu.memory_space<hbm>> -> memref<1x2x128xi32, #tpu.memory_space<hbm>>
        %dma_wait3A_276 = tpu.memref_squeeze %dma_wait3A_275 : memref<1x2x128xi32, #tpu.memory_space<hbm>> -> memref<2x128xi32, #tpu.memory_space<hbm>>
        tpu.wait_dma2 semaphore(%dma_wait3A_268 : memref<!tpu.dma_semaphore, #tpu.memory_space<semaphore_mem>>) src(%dma_wait3A_276 : memref<2x128xi32, #tpu.memory_space<hbm>>) dst(%dma_wait3A_272 : memref<2x128xi32, #tpu.memory_space<vmem>>)
        %dma_start3A_277 = arith.constant 0 : i32
        %dma_start3A_278 = arith.constant 1 : i32
        %dma_start3A_279 = arith.constant 0 : i32
        %dma_start3A_280 = arith.constant 1 : i32
        %dma_start3A_281 = arith.constant 1 : i32
        %dma_start3A_282 = arith.constant 0 : i32
        %dma_start3A_283 = arith.constant 0 : i32
        %dma_start3A_284 = tpu.memref_slice %arg10[%dma_start3A_280, %dma_start3A_282, %dma_start3A_283] : memref<2x128x128xf32, #tpu.memory_space<vmem>> -> memref<1x128x128xf32, #tpu.memory_space<vmem>>
        %dma_start3A_285 = tpu.memref_squeeze %dma_start3A_284 : memref<1x128x128xf32, #tpu.memory_space<vmem>> -> memref<128x128xf32, #tpu.memory_space<vmem>>
        %dma_start3A_286 = arith.constant 0 : i32
        %dma_start3A_287 = tpu.memref_slice %arg9[%dma_start3A_277, %dma_start3A_278, %dma_start3A_279, %dma_start3A_286] : memref<2x2x2x128xi32, #tpu.memory_space<vmem>> -> memref<1x1x1x128xi32, #tpu.memory_space<vmem>>
        %dma_start3A_288 = tpu.memref_squeeze %dma_start3A_287 : memref<1x1x1x128xi32, #tpu.memory_space<vmem>> -> memref<128xi32, #tpu.memory_space<vmem>>
        %dma_start3A_289 = arith.constant 0 : i32
        %dma_start3A_290 = arith.constant 0 : i32
        %dma_start3A_291 = tpu.memref_slice %arg2[%dma_start3A_289, %dma_start3A_290] : memref<10000x128xf32, #tpu.memory_space<hbm>> -> memref<10000x128xf32, #tpu.memory_space<hbm>>
        %dma_start3A_292 = tpu.memref_slice %arg13[%dma_start3A_281] : memref<2x!tpu.dma_semaphore, #tpu.memory_space<semaphore_mem>> -> memref<1x!tpu.dma_semaphore, #tpu.memory_space<semaphore_mem>>
        %dma_start3A_293 = tpu.memref_squeeze %dma_start3A_292 : memref<1x!tpu.dma_semaphore, #tpu.memory_space<semaphore_mem>> -> memref<!tpu.dma_semaphore, #tpu.memory_space<semaphore_mem>>
        tpu.enqueue_indirect_dma source(%dma_start3A_291 : memref<10000x128xf32, #tpu.memory_space<hbm>>) target(%dma_start3A_285 : memref<128x128xf32, #tpu.memory_space<vmem>>) offsets(%dma_start3A_288 : memref<128xi32, #tpu.memory_space<vmem>>) semaphore(%dma_start3A_293 : memref<!tpu.dma_semaphore, #tpu.memory_space<semaphore_mem>>)
      } else {
      }
      %add3A_146 = arith.constant 3 : i32
      %add3A_147 = arith.addi %add3A_129, %add3A_146 : i32
      %lt3A_148 = arith.constant 79 : i32
      %lt3A_149 = arith.cmpi slt, %add3A_147, %lt3A_148 : i32
      %convert_element_type3A_150 = arith.extui %lt3A_149 : i1 to i32
      %cond3A_151 = arith.constant 0 : i32
      %cond3A_152 = arith.cmpi ne, %convert_element_type3A_150, %cond3A_151 : i32
      scf.if %cond3A_152 {
        %add3A_252 = arith.constant 3 : i32
        %add3A_253 = arith.addi %add3A_129, %add3A_252 : i32
        %add3A_254 = arith.addi %mul3A_4, %add3A_253 : i32
        %dma_start3A_255 = arith.constant 1 : i32
        %dma_start3A_256 = arith.constant 1 : i32
        %dma_start3A_257 = arith.constant 1 : i32
        %dma_start3A_258 = arith.constant 1 : i32
        %dma_start3A_259 = arith.constant 0 : i32
        %dma_start3A_260 = arith.constant 0 : i32
        %dma_start3A_261 = tpu.memref_slice %arg9[%dma_start3A_255, %dma_start3A_256, %dma_start3A_259, %dma_start3A_260] : memref<2x2x2x128xi32, #tpu.memory_space<vmem>> -> memref<1x1x2x128xi32, #tpu.memory_space<vmem>>
        %dma_start3A_262 = tpu.memref_squeeze %dma_start3A_261 : memref<1x1x2x128xi32, #tpu.memory_space<vmem>> -> memref<2x128xi32, #tpu.memory_space<vmem>>
        %dma_start3A_263 = arith.constant 0 : i32
        %dma_start3A_264 = arith.constant 0 : i32
        %dma_start3A_265 = tpu.memref_slice %arg3[%add3A_254, %dma_start3A_263, %dma_start3A_264] : memref<2528x2x128xi32, #tpu.memory_space<hbm>> -> memref<1x2x128xi32, #tpu.memory_space<hbm>>
        %dma_start3A_266 = tpu.memref_squeeze %dma_start3A_265 : memref<1x2x128xi32, #tpu.memory_space<hbm>> -> memref<2x128xi32, #tpu.memory_space<hbm>>
        %dma_start3A_267 = tpu.memref_slice %arg12[%dma_start3A_257, %dma_start3A_258] : memref<2x2x!tpu.dma_semaphore, #tpu.memory_space<semaphore_mem>> -> memref<1x1x!tpu.dma_semaphore, #tpu.memory_space<semaphore_mem>>
        %dma_start3A_268 = tpu.memref_squeeze %dma_start3A_267 : memref<1x1x!tpu.dma_semaphore, #tpu.memory_space<semaphore_mem>> -> memref<!tpu.dma_semaphore, #tpu.memory_space<semaphore_mem>>
        %dma_start3A_269 = arith.constant 0 : i32
        %dma_start3A_270 = arith.constant 0 : i32
        %dma_start3A_271 = tpu.memref_slice %arg9[%dma_start3A_255, %dma_start3A_256, %dma_start3A_269, %dma_start3A_270] : memref<2x2x2x128xi32, #tpu.memory_space<vmem>> -> memref<1x1x2x128xi32, #tpu.memory_space<vmem>>
        %dma_start3A_272 = tpu.memref_squeeze %dma_start3A_271 : memref<1x1x2x128xi32, #tpu.memory_space<vmem>> -> memref<2x128xi32, #tpu.memory_space<vmem>>
        %dma_start3A_273 = arith.constant 0 : i32
        %dma_start3A_274 = arith.constant 0 : i32
        %dma_start3A_275 = tpu.memref_slice %arg3[%add3A_254, %dma_start3A_273, %dma_start3A_274] : memref<2528x2x128xi32, #tpu.memory_space<hbm>> -> memref<1x2x128xi32, #tpu.memory_space<hbm>>
        %dma_start3A_276 = tpu.memref_squeeze %dma_start3A_275 : memref<1x2x128xi32, #tpu.memory_space<hbm>> -> memref<2x128xi32, #tpu.memory_space<hbm>>
        tpu.enqueue_dma source(%dma_start3A_276 : memref<2x128xi32, #tpu.memory_space<hbm>>) target(%dma_start3A_272 : memref<2x128xi32, #tpu.memory_space<vmem>>) target_semaphore(%dma_start3A_268 : memref<!tpu.dma_semaphore, #tpu.memory_space<semaphore_mem>>)
      } else {
      }
      %mul3A_153 = arith.constant 4 : i32
      %mul3A_154 = arith.muli %scan3A_125, %mul3A_153 : i32
      %add3A_155 = arith.constant 1 : i32
      %add3A_156 = arith.addi %mul3A_154, %add3A_155 : i32
      %lt3A_157 = arith.constant 79 : i32
      %lt3A_158 = arith.cmpi slt, %add3A_156, %lt3A_157 : i32
      %convert_element_type3A_159 = arith.extui %lt3A_158 : i1 to i32
      %cond3A_160 = arith.constant 0 : i32
      %cond3A_161 = arith.cmpi ne, %convert_element_type3A_159, %cond3A_160 : i32
      scf.if %cond3A_161 {
        %dma_wait3A_252 = arith.constant 0 : i32
        %dma_wait3A_253 = arith.constant 1 : i32
        %dma_wait3A_254 = arith.constant 0 : i32
        %dma_wait3A_255 = arith.constant 1 : i32
        %dma_wait3A_256 = arith.constant 1 : i32
        %dma_wait3A_257 = arith.constant 0 : i32
        %dma_wait3A_258 = arith.constant 0 : i32
        %dma_wait3A_259 = tpu.memref_slice %arg10[%dma_wait3A_255, %dma_wait3A_257, %dma_wait3A_258] : memref<2x128x128xf32, #tpu.memory_space<vmem>> -> memref<1x128x128xf32, #tpu.memory_space<vmem>>
        %dma_wait3A_260 = tpu.memref_squeeze %dma_wait3A_259 : memref<1x128x128xf32, #tpu.memory_space<vmem>> -> memref<128x128xf32, #tpu.memory_space<vmem>>
        %dma_wait3A_261 = arith.constant 0 : i32
        %dma_wait3A_262 = tpu.memref_slice %arg9[%dma_wait3A_252, %dma_wait3A_253, %dma_wait3A_254, %dma_wait3A_261] : memref<2x2x2x128xi32, #tpu.memory_space<vmem>> -> memref<1x1x1x128xi32, #tpu.memory_space<vmem>>
        %dma_wait3A_263 = tpu.memref_squeeze %dma_wait3A_262 : memref<1x1x1x128xi32, #tpu.memory_space<vmem>> -> memref<128xi32, #tpu.memory_space<vmem>>
        %dma_wait3A_264 = arith.constant 0 : i32
        %dma_wait3A_265 = arith.constant 0 : i32
        %dma_wait3A_266 = tpu.memref_slice %arg2[%dma_wait3A_264, %dma_wait3A_265] : memref<10000x128xf32, #tpu.memory_space<hbm>> -> memref<10000x128xf32, #tpu.memory_space<hbm>>
        %dma_wait3A_267 = tpu.memref_slice %arg13[%dma_wait3A_256] : memref<2x!tpu.dma_semaphore, #tpu.memory_space<semaphore_mem>> -> memref<1x!tpu.dma_semaphore, #tpu.memory_space<semaphore_mem>>
        %dma_wait3A_268 = tpu.memref_squeeze %dma_wait3A_267 : memref<1x!tpu.dma_semaphore, #tpu.memory_space<semaphore_mem>> -> memref<!tpu.dma_semaphore, #tpu.memory_space<semaphore_mem>>
        tpu.wait_indirect_dma semaphore(%dma_wait3A_268 : memref<!tpu.dma_semaphore, #tpu.memory_space<semaphore_mem>>) src(%dma_wait3A_266 : memref<10000x128xf32, #tpu.memory_space<hbm>>) dst(%dma_wait3A_260 : memref<128x128xf32, #tpu.memory_space<vmem>>)
        %dma_start3A_269 = arith.constant 1 : i32
        %dma_start3A_270 = arith.constant 0 : i32
        %dma_start3A_271 = arith.constant 1 : i32
        %dma_start3A_272 = arith.constant 1 : i32
        %dma_start3A_273 = arith.constant 1 : i32
        %dma_start3A_274 = arith.constant 0 : i32
        %dma_start3A_275 = arith.constant 0 : i32
        %dma_start3A_276 = tpu.memref_slice %arg10[%dma_start3A_269, %dma_start3A_274, %dma_start3A_275] : memref<2x128x128xf32, #tpu.memory_space<vmem>> -> memref<1x128x128xf32, #tpu.memory_space<vmem>>
        %dma_start3A_277 = tpu.memref_squeeze %dma_start3A_276 : memref<1x128x128xf32, #tpu.memory_space<vmem>> -> memref<128x128xf32, #tpu.memory_space<vmem>>
        %dma_start3A_278 = arith.constant 0 : i32
        %dma_start3A_279 = tpu.memref_slice %arg9[%dma_start3A_270, %dma_start3A_271, %dma_start3A_272, %dma_start3A_278] : memref<2x2x2x128xi32, #tpu.memory_space<vmem>> -> memref<1x1x1x128xi32, #tpu.memory_space<vmem>>
        %dma_start3A_280 = tpu.memref_squeeze %dma_start3A_279 : memref<1x1x1x128xi32, #tpu.memory_space<vmem>> -> memref<128xi32, #tpu.memory_space<vmem>>
        %dma_start3A_281 = arith.constant 0 : i32
        %dma_start3A_282 = arith.constant 0 : i32
        %dma_start3A_283 = tpu.memref_slice %arg11[%dma_start3A_281, %dma_start3A_282] : memref<10240x128xf32, #tpu.memory_space<vmem_shared>> -> memref<10240x128xf32, #tpu.memory_space<vmem_shared>>
        %dma_start3A_284 = tpu.memref_slice %arg14[%dma_start3A_273] : memref<2x!tpu.dma_semaphore, #tpu.memory_space<semaphore_mem>> -> memref<1x!tpu.dma_semaphore, #tpu.memory_space<semaphore_mem>>
        %dma_start3A_285 = tpu.memref_squeeze %dma_start3A_284 : memref<1x!tpu.dma_semaphore, #tpu.memory_space<semaphore_mem>> -> memref<!tpu.dma_semaphore, #tpu.memory_space<semaphore_mem>>
        tpu.enqueue_indirect_dma source(%dma_start3A_277 : memref<128x128xf32, #tpu.memory_space<vmem>>) target(%dma_start3A_283 : memref<10240x128xf32, #tpu.memory_space<vmem_shared>>) offsets(%dma_start3A_280 : memref<128xi32, #tpu.memory_space<vmem>>) semaphore(%dma_start3A_285 : memref<!tpu.dma_semaphore, #tpu.memory_space<semaphore_mem>>) {add = true}
        %dma_start3A_286 = arith.constant 0 : i32
        %dma_start3A_287 = arith.constant 1 : i32
        %dma_start3A_288 = arith.constant 1 : i32
        %dma_start3A_289 = arith.constant 1 : i32
        %dma_start3A_290 = arith.constant 0 : i32
        %dma_start3A_291 = tpu.memref_slice %arg9[%dma_start3A_286, %dma_start3A_287, %dma_start3A_288, %dma_start3A_290] : memref<2x2x2x128xi32, #tpu.memory_space<vmem>> -> memref<1x1x1x128xi32, #tpu.memory_space<vmem>>
        %dma_start3A_292 = tpu.memref_squeeze %dma_start3A_291 : memref<1x1x1x128xi32, #tpu.memory_space<vmem>> -> memref<128xi32, #tpu.memory_space<vmem>>
        %dma_start3A_293 = arith.constant 0 : i32
        %dma_start3A_294 = arith.constant 0 : i32
        %dma_start3A_295 = tpu.memref_slice %arg16[%dma_start3A_293, %dma_start3A_294] : memref<10240x16xf32, #tpu.memory_space<vmem_shared>> -> memref<10240x16xf32, #tpu.memory_space<vmem_shared>>
        %dma_start3A_296 = tpu.memref_slice %arg14[%dma_start3A_289] : memref<2x!tpu.dma_semaphore, #tpu.memory_space<semaphore_mem>> -> memref<1x!tpu.dma_semaphore, #tpu.memory_space<semaphore_mem>>
        %dma_start3A_297 = tpu.memref_squeeze %dma_start3A_296 : memref<1x!tpu.dma_semaphore, #tpu.memory_space<semaphore_mem>> -> memref<!tpu.dma_semaphore, #tpu.memory_space<semaphore_mem>>
        tpu.enqueue_indirect_dma source(%arg15 : memref<128x16xf32, #tpu.memory_space<vmem>>) target(%dma_start3A_295 : memref<10240x16xf32, #tpu.memory_space<vmem_shared>>) offsets(%dma_start3A_292 : memref<128xi32, #tpu.memory_space<vmem>>) semaphore(%dma_start3A_297 : memref<!tpu.dma_semaphore, #tpu.memory_space<semaphore_mem>>) {add = true}
      } else {
      }
      %ge3A_162 = arith.constant 1 : i32
      %ge3A_163 = arith.cmpi sge, %add3A_156, %ge3A_162 : i32
      %sub3A_164 = arith.constant 1 : i32
      %sub3A_165 = arith.subi %add3A_156, %sub3A_164 : i32
      %lt3A_166 = arith.constant 79 : i32
      %lt3A_167 = arith.cmpi slt, %sub3A_165, %lt3A_166 : i32
      %and3A_168 = arith.andi %ge3A_163, %lt3A_167 : i1
      %convert_element_type3A_169 = arith.extui %and3A_168 : i1 to i32
      %cond3A_170 = arith.constant 0 : i32
      %cond3A_171 = arith.cmpi ne, %convert_element_type3A_169, %cond3A_170 : i32
      scf.if %cond3A_171 {
        %dma_wait3A_252 = arith.constant 0 : i32
        %dma_wait3A_253 = arith.constant 0 : i32
        %dma_wait3A_254 = arith.constant 0 : i32
        %dma_wait3A_255 = arith.constant 1 : i32
        %dma_wait3A_256 = arith.constant 0 : i32
        %dma_wait3A_257 = arith.constant 0 : i32
        %dma_wait3A_258 = arith.constant 0 : i32
        %dma_wait3A_259 = tpu.memref_slice %arg10[%dma_wait3A_252, %dma_wait3A_257, %dma_wait3A_258] : memref<2x128x128xf32, #tpu.memory_space<vmem>> -> memref<1x128x128xf32, #tpu.memory_space<vmem>>
        %dma_wait3A_260 = tpu.memref_squeeze %dma_wait3A_259 : memref<1x128x128xf32, #tpu.memory_space<vmem>> -> memref<128x128xf32, #tpu.memory_space<vmem>>
        %dma_wait3A_261 = arith.constant 0 : i32
        %dma_wait3A_262 = tpu.memref_slice %arg9[%dma_wait3A_253, %dma_wait3A_254, %dma_wait3A_255, %dma_wait3A_261] : memref<2x2x2x128xi32, #tpu.memory_space<vmem>> -> memref<1x1x1x128xi32, #tpu.memory_space<vmem>>
        %dma_wait3A_263 = tpu.memref_squeeze %dma_wait3A_262 : memref<1x1x1x128xi32, #tpu.memory_space<vmem>> -> memref<128xi32, #tpu.memory_space<vmem>>
        %dma_wait3A_264 = arith.constant 0 : i32
        %dma_wait3A_265 = arith.constant 0 : i32
        %dma_wait3A_266 = tpu.memref_slice %arg11[%dma_wait3A_264, %dma_wait3A_265] : memref<10240x128xf32, #tpu.memory_space<vmem_shared>> -> memref<10240x128xf32, #tpu.memory_space<vmem_shared>>
        %dma_wait3A_267 = tpu.memref_slice %arg14[%dma_wait3A_256] : memref<2x!tpu.dma_semaphore, #tpu.memory_space<semaphore_mem>> -> memref<1x!tpu.dma_semaphore, #tpu.memory_space<semaphore_mem>>
        %dma_wait3A_268 = tpu.memref_squeeze %dma_wait3A_267 : memref<1x!tpu.dma_semaphore, #tpu.memory_space<semaphore_mem>> -> memref<!tpu.dma_semaphore, #tpu.memory_space<semaphore_mem>>
        tpu.wait_indirect_dma semaphore(%dma_wait3A_268 : memref<!tpu.dma_semaphore, #tpu.memory_space<semaphore_mem>>) src(%dma_wait3A_260 : memref<128x128xf32, #tpu.memory_space<vmem>>) dst(%dma_wait3A_266 : memref<10240x128xf32, #tpu.memory_space<vmem_shared>>)
        %dma_wait3A_269 = arith.constant 0 : i32
        %dma_wait3A_270 = arith.constant 0 : i32
        %dma_wait3A_271 = arith.constant 1 : i32
        %dma_wait3A_272 = arith.constant 0 : i32
        %dma_wait3A_273 = arith.constant 0 : i32
        %dma_wait3A_274 = tpu.memref_slice %arg9[%dma_wait3A_269, %dma_wait3A_270, %dma_wait3A_271, %dma_wait3A_273] : memref<2x2x2x128xi32, #tpu.memory_space<vmem>> -> memref<1x1x1x128xi32, #tpu.memory_space<vmem>>
        %dma_wait3A_275 = tpu.memref_squeeze %dma_wait3A_274 : memref<1x1x1x128xi32, #tpu.memory_space<vmem>> -> memref<128xi32, #tpu.memory_space<vmem>>
        %dma_wait3A_276 = arith.constant 0 : i32
        %dma_wait3A_277 = arith.constant 0 : i32
        %dma_wait3A_278 = tpu.memref_slice %arg16[%dma_wait3A_276, %dma_wait3A_277] : memref<10240x16xf32, #tpu.memory_space<vmem_shared>> -> memref<10240x16xf32, #tpu.memory_space<vmem_shared>>
        %dma_wait3A_279 = tpu.memref_slice %arg14[%dma_wait3A_272] : memref<2x!tpu.dma_semaphore, #tpu.memory_space<semaphore_mem>> -> memref<1x!tpu.dma_semaphore, #tpu.memory_space<semaphore_mem>>
        %dma_wait3A_280 = tpu.memref_squeeze %dma_wait3A_279 : memref<1x!tpu.dma_semaphore, #tpu.memory_space<semaphore_mem>> -> memref<!tpu.dma_semaphore, #tpu.memory_space<semaphore_mem>>
        tpu.wait_indirect_dma semaphore(%dma_wait3A_280 : memref<!tpu.dma_semaphore, #tpu.memory_space<semaphore_mem>>) src(%arg15 : memref<128x16xf32, #tpu.memory_space<vmem>>) dst(%dma_wait3A_278 : memref<10240x16xf32, #tpu.memory_space<vmem_shared>>)
      } else {
      }
      %add3A_172 = arith.constant 1 : i32
      %add3A_173 = arith.addi %add3A_156, %add3A_172 : i32
      %lt3A_174 = arith.constant 79 : i32
      %lt3A_175 = arith.cmpi slt, %add3A_173, %lt3A_174 : i32
      %convert_element_type3A_176 = arith.extui %lt3A_175 : i1 to i32
      %cond3A_177 = arith.constant 0 : i32
      %cond3A_178 = arith.cmpi ne, %convert_element_type3A_176, %cond3A_177 : i32
      scf.if %cond3A_178 {
        %add3A_252 = arith.constant 1 : i32
        %add3A_253 = arith.addi %add3A_156, %add3A_252 : i32
        %add3A_254 = arith.addi %mul3A_4, %add3A_253 : i32
        %dma_wait3A_255 = arith.constant 1 : i32
        %dma_wait3A_256 = arith.constant 0 : i32
        %dma_wait3A_257 = arith.constant 1 : i32
        %dma_wait3A_258 = arith.constant 0 : i32
        %dma_wait3A_259 = arith.constant 0 : i32
        %dma_wait3A_260 = arith.constant 0 : i32
        %dma_wait3A_261 = tpu.memref_slice %arg9[%dma_wait3A_255, %dma_wait3A_256, %dma_wait3A_259, %dma_wait3A_260] : memref<2x2x2x128xi32, #tpu.memory_space<vmem>> -> memref<1x1x2x128xi32, #tpu.memory_space<vmem>>
        %dma_wait3A_262 = tpu.memref_squeeze %dma_wait3A_261 : memref<1x1x2x128xi32, #tpu.memory_space<vmem>> -> memref<2x128xi32, #tpu.memory_space<vmem>>
        %dma_wait3A_263 = arith.constant 0 : i32
        %dma_wait3A_264 = arith.constant 0 : i32
        %dma_wait3A_265 = tpu.memref_slice %arg3[%add3A_254, %dma_wait3A_263, %dma_wait3A_264] : memref<2528x2x128xi32, #tpu.memory_space<hbm>> -> memref<1x2x128xi32, #tpu.memory_space<hbm>>
        %dma_wait3A_266 = tpu.memref_squeeze %dma_wait3A_265 : memref<1x2x128xi32, #tpu.memory_space<hbm>> -> memref<2x128xi32, #tpu.memory_space<hbm>>
        %dma_wait3A_267 = tpu.memref_slice %arg12[%dma_wait3A_257, %dma_wait3A_258] : memref<2x2x!tpu.dma_semaphore, #tpu.memory_space<semaphore_mem>> -> memref<1x1x!tpu.dma_semaphore, #tpu.memory_space<semaphore_mem>>
        %dma_wait3A_268 = tpu.memref_squeeze %dma_wait3A_267 : memref<1x1x!tpu.dma_semaphore, #tpu.memory_space<semaphore_mem>> -> memref<!tpu.dma_semaphore, #tpu.memory_space<semaphore_mem>>
        %dma_wait3A_269 = arith.constant 0 : i32
        %dma_wait3A_270 = arith.constant 0 : i32
        %dma_wait3A_271 = tpu.memref_slice %arg9[%dma_wait3A_255, %dma_wait3A_256, %dma_wait3A_269, %dma_wait3A_270] : memref<2x2x2x128xi32, #tpu.memory_space<vmem>> -> memref<1x1x2x128xi32, #tpu.memory_space<vmem>>
        %dma_wait3A_272 = tpu.memref_squeeze %dma_wait3A_271 : memref<1x1x2x128xi32, #tpu.memory_space<vmem>> -> memref<2x128xi32, #tpu.memory_space<vmem>>
        %dma_wait3A_273 = arith.constant 0 : i32
        %dma_wait3A_274 = arith.constant 0 : i32
        %dma_wait3A_275 = tpu.memref_slice %arg3[%add3A_254, %dma_wait3A_273, %dma_wait3A_274] : memref<2528x2x128xi32, #tpu.memory_space<hbm>> -> memref<1x2x128xi32, #tpu.memory_space<hbm>>
        %dma_wait3A_276 = tpu.memref_squeeze %dma_wait3A_275 : memref<1x2x128xi32, #tpu.memory_space<hbm>> -> memref<2x128xi32, #tpu.memory_space<hbm>>
        tpu.wait_dma2 semaphore(%dma_wait3A_268 : memref<!tpu.dma_semaphore, #tpu.memory_space<semaphore_mem>>) src(%dma_wait3A_276 : memref<2x128xi32, #tpu.memory_space<hbm>>) dst(%dma_wait3A_272 : memref<2x128xi32, #tpu.memory_space<vmem>>)
        %dma_start3A_277 = arith.constant 1 : i32
        %dma_start3A_278 = arith.constant 0 : i32
        %dma_start3A_279 = arith.constant 0 : i32
        %dma_start3A_280 = arith.constant 0 : i32
        %dma_start3A_281 = arith.constant 0 : i32
        %dma_start3A_282 = arith.constant 0 : i32
        %dma_start3A_283 = arith.constant 0 : i32
        %dma_start3A_284 = tpu.memref_slice %arg10[%dma_start3A_280, %dma_start3A_282, %dma_start3A_283] : memref<2x128x128xf32, #tpu.memory_space<vmem>> -> memref<1x128x128xf32, #tpu.memory_space<vmem>>
        %dma_start3A_285 = tpu.memref_squeeze %dma_start3A_284 : memref<1x128x128xf32, #tpu.memory_space<vmem>> -> memref<128x128xf32, #tpu.memory_space<vmem>>
        %dma_start3A_286 = arith.constant 0 : i32
        %dma_start3A_287 = tpu.memref_slice %arg9[%dma_start3A_277, %dma_start3A_278, %dma_start3A_279, %dma_start3A_286] : memref<2x2x2x128xi32, #tpu.memory_space<vmem>> -> memref<1x1x1x128xi32, #tpu.memory_space<vmem>>
        %dma_start3A_288 = tpu.memref_squeeze %dma_start3A_287 : memref<1x1x1x128xi32, #tpu.memory_space<vmem>> -> memref<128xi32, #tpu.memory_space<vmem>>
        %dma_start3A_289 = arith.constant 0 : i32
        %dma_start3A_290 = arith.constant 0 : i32
        %dma_start3A_291 = tpu.memref_slice %arg2[%dma_start3A_289, %dma_start3A_290] : memref<10000x128xf32, #tpu.memory_space<hbm>> -> memref<10000x128xf32, #tpu.memory_space<hbm>>
        %dma_start3A_292 = tpu.memref_slice %arg13[%dma_start3A_281] : memref<2x!tpu.dma_semaphore, #tpu.memory_space<semaphore_mem>> -> memref<1x!tpu.dma_semaphore, #tpu.memory_space<semaphore_mem>>
        %dma_start3A_293 = tpu.memref_squeeze %dma_start3A_292 : memref<1x!tpu.dma_semaphore, #tpu.memory_space<semaphore_mem>> -> memref<!tpu.dma_semaphore, #tpu.memory_space<semaphore_mem>>
        tpu.enqueue_indirect_dma source(%dma_start3A_291 : memref<10000x128xf32, #tpu.memory_space<hbm>>) target(%dma_start3A_285 : memref<128x128xf32, #tpu.memory_space<vmem>>) offsets(%dma_start3A_288 : memref<128xi32, #tpu.memory_space<vmem>>) semaphore(%dma_start3A_293 : memref<!tpu.dma_semaphore, #tpu.memory_space<semaphore_mem>>)
      } else {
      }
      %add3A_179 = arith.constant 3 : i32
      %add3A_180 = arith.addi %add3A_156, %add3A_179 : i32
      %lt3A_181 = arith.constant 79 : i32
      %lt3A_182 = arith.cmpi slt, %add3A_180, %lt3A_181 : i32
      %convert_element_type3A_183 = arith.extui %lt3A_182 : i1 to i32
      %cond3A_184 = arith.constant 0 : i32
      %cond3A_185 = arith.cmpi ne, %convert_element_type3A_183, %cond3A_184 : i32
      scf.if %cond3A_185 {
        %add3A_252 = arith.constant 3 : i32
        %add3A_253 = arith.addi %add3A_156, %add3A_252 : i32
        %add3A_254 = arith.addi %mul3A_4, %add3A_253 : i32
        %dma_start3A_255 = arith.constant 0 : i32
        %dma_start3A_256 = arith.constant 0 : i32
        %dma_start3A_257 = arith.constant 0 : i32
        %dma_start3A_258 = arith.constant 0 : i32
        %dma_start3A_259 = arith.constant 0 : i32
        %dma_start3A_260 = arith.constant 0 : i32
        %dma_start3A_261 = tpu.memref_slice %arg9[%dma_start3A_255, %dma_start3A_256, %dma_start3A_259, %dma_start3A_260] : memref<2x2x2x128xi32, #tpu.memory_space<vmem>> -> memref<1x1x2x128xi32, #tpu.memory_space<vmem>>
        %dma_start3A_262 = tpu.memref_squeeze %dma_start3A_261 : memref<1x1x2x128xi32, #tpu.memory_space<vmem>> -> memref<2x128xi32, #tpu.memory_space<vmem>>
        %dma_start3A_263 = arith.constant 0 : i32
        %dma_start3A_264 = arith.constant 0 : i32
        %dma_start3A_265 = tpu.memref_slice %arg3[%add3A_254, %dma_start3A_263, %dma_start3A_264] : memref<2528x2x128xi32, #tpu.memory_space<hbm>> -> memref<1x2x128xi32, #tpu.memory_space<hbm>>
        %dma_start3A_266 = tpu.memref_squeeze %dma_start3A_265 : memref<1x2x128xi32, #tpu.memory_space<hbm>> -> memref<2x128xi32, #tpu.memory_space<hbm>>
        %dma_start3A_267 = tpu.memref_slice %arg12[%dma_start3A_257, %dma_start3A_258] : memref<2x2x!tpu.dma_semaphore, #tpu.memory_space<semaphore_mem>> -> memref<1x1x!tpu.dma_semaphore, #tpu.memory_space<semaphore_mem>>
        %dma_start3A_268 = tpu.memref_squeeze %dma_start3A_267 : memref<1x1x!tpu.dma_semaphore, #tpu.memory_space<semaphore_mem>> -> memref<!tpu.dma_semaphore, #tpu.memory_space<semaphore_mem>>
        %dma_start3A_269 = arith.constant 0 : i32
        %dma_start3A_270 = arith.constant 0 : i32
        %dma_start3A_271 = tpu.memref_slice %arg9[%dma_start3A_255, %dma_start3A_256, %dma_start3A_269, %dma_start3A_270] : memref<2x2x2x128xi32, #tpu.memory_space<vmem>> -> memref<1x1x2x128xi32, #tpu.memory_space<vmem>>
        %dma_start3A_272 = tpu.memref_squeeze %dma_start3A_271 : memref<1x1x2x128xi32, #tpu.memory_space<vmem>> -> memref<2x128xi32, #tpu.memory_space<vmem>>
        %dma_start3A_273 = arith.constant 0 : i32
        %dma_start3A_274 = arith.constant 0 : i32
        %dma_start3A_275 = tpu.memref_slice %arg3[%add3A_254, %dma_start3A_273, %dma_start3A_274] : memref<2528x2x128xi32, #tpu.memory_space<hbm>> -> memref<1x2x128xi32, #tpu.memory_space<hbm>>
        %dma_start3A_276 = tpu.memref_squeeze %dma_start3A_275 : memref<1x2x128xi32, #tpu.memory_space<hbm>> -> memref<2x128xi32, #tpu.memory_space<hbm>>
        tpu.enqueue_dma source(%dma_start3A_276 : memref<2x128xi32, #tpu.memory_space<hbm>>) target(%dma_start3A_272 : memref<2x128xi32, #tpu.memory_space<vmem>>) target_semaphore(%dma_start3A_268 : memref<!tpu.dma_semaphore, #tpu.memory_space<semaphore_mem>>)
      } else {
      }
      %mul3A_186 = arith.constant 4 : i32
      %mul3A_187 = arith.muli %scan3A_125, %mul3A_186 : i32
      %add3A_188 = arith.constant 2 : i32
      %add3A_189 = arith.addi %mul3A_187, %add3A_188 : i32
      %lt3A_190 = arith.constant 79 : i32
      %lt3A_191 = arith.cmpi slt, %add3A_189, %lt3A_190 : i32
      %convert_element_type3A_192 = arith.extui %lt3A_191 : i1 to i32
      %cond3A_193 = arith.constant 0 : i32
      %cond3A_194 = arith.cmpi ne, %convert_element_type3A_192, %cond3A_193 : i32
      scf.if %cond3A_194 {
        %dma_wait3A_252 = arith.constant 1 : i32
        %dma_wait3A_253 = arith.constant 0 : i32
        %dma_wait3A_254 = arith.constant 0 : i32
        %dma_wait3A_255 = arith.constant 0 : i32
        %dma_wait3A_256 = arith.constant 0 : i32
        %dma_wait3A_257 = arith.constant 0 : i32
        %dma_wait3A_258 = arith.constant 0 : i32
        %dma_wait3A_259 = tpu.memref_slice %arg10[%dma_wait3A_255, %dma_wait3A_257, %dma_wait3A_258] : memref<2x128x128xf32, #tpu.memory_space<vmem>> -> memref<1x128x128xf32, #tpu.memory_space<vmem>>
        %dma_wait3A_260 = tpu.memref_squeeze %dma_wait3A_259 : memref<1x128x128xf32, #tpu.memory_space<vmem>> -> memref<128x128xf32, #tpu.memory_space<vmem>>
        %dma_wait3A_261 = arith.constant 0 : i32
        %dma_wait3A_262 = tpu.memref_slice %arg9[%dma_wait3A_252, %dma_wait3A_253, %dma_wait3A_254, %dma_wait3A_261] : memref<2x2x2x128xi32, #tpu.memory_space<vmem>> -> memref<1x1x1x128xi32, #tpu.memory_space<vmem>>
        %dma_wait3A_263 = tpu.memref_squeeze %dma_wait3A_262 : memref<1x1x1x128xi32, #tpu.memory_space<vmem>> -> memref<128xi32, #tpu.memory_space<vmem>>
        %dma_wait3A_264 = arith.constant 0 : i32
        %dma_wait3A_265 = arith.constant 0 : i32
        %dma_wait3A_266 = tpu.memref_slice %arg2[%dma_wait3A_264, %dma_wait3A_265] : memref<10000x128xf32, #tpu.memory_space<hbm>> -> memref<10000x128xf32, #tpu.memory_space<hbm>>
        %dma_wait3A_267 = tpu.memref_slice %arg13[%dma_wait3A_256] : memref<2x!tpu.dma_semaphore, #tpu.memory_space<semaphore_mem>> -> memref<1x!tpu.dma_semaphore, #tpu.memory_space<semaphore_mem>>
        %dma_wait3A_268 = tpu.memref_squeeze %dma_wait3A_267 : memref<1x!tpu.dma_semaphore, #tpu.memory_space<semaphore_mem>> -> memref<!tpu.dma_semaphore, #tpu.memory_space<semaphore_mem>>
        tpu.wait_indirect_dma semaphore(%dma_wait3A_268 : memref<!tpu.dma_semaphore, #tpu.memory_space<semaphore_mem>>) src(%dma_wait3A_266 : memref<10000x128xf32, #tpu.memory_space<hbm>>) dst(%dma_wait3A_260 : memref<128x128xf32, #tpu.memory_space<vmem>>)
        %dma_start3A_269 = arith.constant 0 : i32
        %dma_start3A_270 = arith.constant 1 : i32
        %dma_start3A_271 = arith.constant 0 : i32
        %dma_start3A_272 = arith.constant 1 : i32
        %dma_start3A_273 = arith.constant 0 : i32
        %dma_start3A_274 = arith.constant 0 : i32
        %dma_start3A_275 = arith.constant 0 : i32
        %dma_start3A_276 = tpu.memref_slice %arg10[%dma_start3A_269, %dma_start3A_274, %dma_start3A_275] : memref<2x128x128xf32, #tpu.memory_space<vmem>> -> memref<1x128x128xf32, #tpu.memory_space<vmem>>
        %dma_start3A_277 = tpu.memref_squeeze %dma_start3A_276 : memref<1x128x128xf32, #tpu.memory_space<vmem>> -> memref<128x128xf32, #tpu.memory_space<vmem>>
        %dma_start3A_278 = arith.constant 0 : i32
        %dma_start3A_279 = tpu.memref_slice %arg9[%dma_start3A_270, %dma_start3A_271, %dma_start3A_272, %dma_start3A_278] : memref<2x2x2x128xi32, #tpu.memory_space<vmem>> -> memref<1x1x1x128xi32, #tpu.memory_space<vmem>>
        %dma_start3A_280 = tpu.memref_squeeze %dma_start3A_279 : memref<1x1x1x128xi32, #tpu.memory_space<vmem>> -> memref<128xi32, #tpu.memory_space<vmem>>
        %dma_start3A_281 = arith.constant 0 : i32
        %dma_start3A_282 = arith.constant 0 : i32
        %dma_start3A_283 = tpu.memref_slice %arg11[%dma_start3A_281, %dma_start3A_282] : memref<10240x128xf32, #tpu.memory_space<vmem_shared>> -> memref<10240x128xf32, #tpu.memory_space<vmem_shared>>
        %dma_start3A_284 = tpu.memref_slice %arg14[%dma_start3A_273] : memref<2x!tpu.dma_semaphore, #tpu.memory_space<semaphore_mem>> -> memref<1x!tpu.dma_semaphore, #tpu.memory_space<semaphore_mem>>
        %dma_start3A_285 = tpu.memref_squeeze %dma_start3A_284 : memref<1x!tpu.dma_semaphore, #tpu.memory_space<semaphore_mem>> -> memref<!tpu.dma_semaphore, #tpu.memory_space<semaphore_mem>>
        tpu.enqueue_indirect_dma source(%dma_start3A_277 : memref<128x128xf32, #tpu.memory_space<vmem>>) target(%dma_start3A_283 : memref<10240x128xf32, #tpu.memory_space<vmem_shared>>) offsets(%dma_start3A_280 : memref<128xi32, #tpu.memory_space<vmem>>) semaphore(%dma_start3A_285 : memref<!tpu.dma_semaphore, #tpu.memory_space<semaphore_mem>>) {add = true}
        %dma_start3A_286 = arith.constant 1 : i32
        %dma_start3A_287 = arith.constant 0 : i32
        %dma_start3A_288 = arith.constant 1 : i32
        %dma_start3A_289 = arith.constant 0 : i32
        %dma_start3A_290 = arith.constant 0 : i32
        %dma_start3A_291 = tpu.memref_slice %arg9[%dma_start3A_286, %dma_start3A_287, %dma_start3A_288, %dma_start3A_290] : memref<2x2x2x128xi32, #tpu.memory_space<vmem>> -> memref<1x1x1x128xi32, #tpu.memory_space<vmem>>
        %dma_start3A_292 = tpu.memref_squeeze %dma_start3A_291 : memref<1x1x1x128xi32, #tpu.memory_space<vmem>> -> memref<128xi32, #tpu.memory_space<vmem>>
        %dma_start3A_293 = arith.constant 0 : i32
        %dma_start3A_294 = arith.constant 0 : i32
        %dma_start3A_295 = tpu.memref_slice %arg16[%dma_start3A_293, %dma_start3A_294] : memref<10240x16xf32, #tpu.memory_space<vmem_shared>> -> memref<10240x16xf32, #tpu.memory_space<vmem_shared>>
        %dma_start3A_296 = tpu.memref_slice %arg14[%dma_start3A_289] : memref<2x!tpu.dma_semaphore, #tpu.memory_space<semaphore_mem>> -> memref<1x!tpu.dma_semaphore, #tpu.memory_space<semaphore_mem>>
        %dma_start3A_297 = tpu.memref_squeeze %dma_start3A_296 : memref<1x!tpu.dma_semaphore, #tpu.memory_space<semaphore_mem>> -> memref<!tpu.dma_semaphore, #tpu.memory_space<semaphore_mem>>
        tpu.enqueue_indirect_dma source(%arg15 : memref<128x16xf32, #tpu.memory_space<vmem>>) target(%dma_start3A_295 : memref<10240x16xf32, #tpu.memory_space<vmem_shared>>) offsets(%dma_start3A_292 : memref<128xi32, #tpu.memory_space<vmem>>) semaphore(%dma_start3A_297 : memref<!tpu.dma_semaphore, #tpu.memory_space<semaphore_mem>>) {add = true}
      } else {
      }
      %ge3A_195 = arith.constant 1 : i32
      %ge3A_196 = arith.cmpi sge, %add3A_189, %ge3A_195 : i32
      %sub3A_197 = arith.constant 1 : i32
      %sub3A_198 = arith.subi %add3A_189, %sub3A_197 : i32
      %lt3A_199 = arith.constant 79 : i32
      %lt3A_200 = arith.cmpi slt, %sub3A_198, %lt3A_199 : i32
      %and3A_201 = arith.andi %ge3A_196, %lt3A_200 : i1
      %convert_element_type3A_202 = arith.extui %and3A_201 : i1 to i32
      %cond3A_203 = arith.constant 0 : i32
      %cond3A_204 = arith.cmpi ne, %convert_element_type3A_202, %cond3A_203 : i32
      scf.if %cond3A_204 {
        %dma_wait3A_252 = arith.constant 1 : i32
        %dma_wait3A_253 = arith.constant 0 : i32
        %dma_wait3A_254 = arith.constant 1 : i32
        %dma_wait3A_255 = arith.constant 1 : i32
        %dma_wait3A_256 = arith.constant 1 : i32
        %dma_wait3A_257 = arith.constant 0 : i32
        %dma_wait3A_258 = arith.constant 0 : i32
        %dma_wait3A_259 = tpu.memref_slice %arg10[%dma_wait3A_252, %dma_wait3A_257, %dma_wait3A_258] : memref<2x128x128xf32, #tpu.memory_space<vmem>> -> memref<1x128x128xf32, #tpu.memory_space<vmem>>
        %dma_wait3A_260 = tpu.memref_squeeze %dma_wait3A_259 : memref<1x128x128xf32, #tpu.memory_space<vmem>> -> memref<128x128xf32, #tpu.memory_space<vmem>>
        %dma_wait3A_261 = arith.constant 0 : i32
        %dma_wait3A_262 = tpu.memref_slice %arg9[%dma_wait3A_253, %dma_wait3A_254, %dma_wait3A_255, %dma_wait3A_261] : memref<2x2x2x128xi32, #tpu.memory_space<vmem>> -> memref<1x1x1x128xi32, #tpu.memory_space<vmem>>
        %dma_wait3A_263 = tpu.memref_squeeze %dma_wait3A_262 : memref<1x1x1x128xi32, #tpu.memory_space<vmem>> -> memref<128xi32, #tpu.memory_space<vmem>>
        %dma_wait3A_264 = arith.constant 0 : i32
        %dma_wait3A_265 = arith.constant 0 : i32
        %dma_wait3A_266 = tpu.memref_slice %arg11[%dma_wait3A_264, %dma_wait3A_265] : memref<10240x128xf32, #tpu.memory_space<vmem_shared>> -> memref<10240x128xf32, #tpu.memory_space<vmem_shared>>
        %dma_wait3A_267 = tpu.memref_slice %arg14[%dma_wait3A_256] : memref<2x!tpu.dma_semaphore, #tpu.memory_space<semaphore_mem>> -> memref<1x!tpu.dma_semaphore, #tpu.memory_space<semaphore_mem>>
        %dma_wait3A_268 = tpu.memref_squeeze %dma_wait3A_267 : memref<1x!tpu.dma_semaphore, #tpu.memory_space<semaphore_mem>> -> memref<!tpu.dma_semaphore, #tpu.memory_space<semaphore_mem>>
        tpu.wait_indirect_dma semaphore(%dma_wait3A_268 : memref<!tpu.dma_semaphore, #tpu.memory_space<semaphore_mem>>) src(%dma_wait3A_260 : memref<128x128xf32, #tpu.memory_space<vmem>>) dst(%dma_wait3A_266 : memref<10240x128xf32, #tpu.memory_space<vmem_shared>>)
        %dma_wait3A_269 = arith.constant 0 : i32
        %dma_wait3A_270 = arith.constant 1 : i32
        %dma_wait3A_271 = arith.constant 1 : i32
        %dma_wait3A_272 = arith.constant 1 : i32
        %dma_wait3A_273 = arith.constant 0 : i32
        %dma_wait3A_274 = tpu.memref_slice %arg9[%dma_wait3A_269, %dma_wait3A_270, %dma_wait3A_271, %dma_wait3A_273] : memref<2x2x2x128xi32, #tpu.memory_space<vmem>> -> memref<1x1x1x128xi32, #tpu.memory_space<vmem>>
        %dma_wait3A_275 = tpu.memref_squeeze %dma_wait3A_274 : memref<1x1x1x128xi32, #tpu.memory_space<vmem>> -> memref<128xi32, #tpu.memory_space<vmem>>
        %dma_wait3A_276 = arith.constant 0 : i32
        %dma_wait3A_277 = arith.constant 0 : i32
        %dma_wait3A_278 = tpu.memref_slice %arg16[%dma_wait3A_276, %dma_wait3A_277] : memref<10240x16xf32, #tpu.memory_space<vmem_shared>> -> memref<10240x16xf32, #tpu.memory_space<vmem_shared>>
        %dma_wait3A_279 = tpu.memref_slice %arg14[%dma_wait3A_272] : memref<2x!tpu.dma_semaphore, #tpu.memory_space<semaphore_mem>> -> memref<1x!tpu.dma_semaphore, #tpu.memory_space<semaphore_mem>>
        %dma_wait3A_280 = tpu.memref_squeeze %dma_wait3A_279 : memref<1x!tpu.dma_semaphore, #tpu.memory_space<semaphore_mem>> -> memref<!tpu.dma_semaphore, #tpu.memory_space<semaphore_mem>>
        tpu.wait_indirect_dma semaphore(%dma_wait3A_280 : memref<!tpu.dma_semaphore, #tpu.memory_space<semaphore_mem>>) src(%arg15 : memref<128x16xf32, #tpu.memory_space<vmem>>) dst(%dma_wait3A_278 : memref<10240x16xf32, #tpu.memory_space<vmem_shared>>)
      } else {
      }
      %add3A_205 = arith.constant 1 : i32
      %add3A_206 = arith.addi %add3A_189, %add3A_205 : i32
      %lt3A_207 = arith.constant 79 : i32
      %lt3A_208 = arith.cmpi slt, %add3A_206, %lt3A_207 : i32
      %convert_element_type3A_209 = arith.extui %lt3A_208 : i1 to i32
      %cond3A_210 = arith.constant 0 : i32
      %cond3A_211 = arith.cmpi ne, %convert_element_type3A_209, %cond3A_210 : i32
      scf.if %cond3A_211 {
        %add3A_252 = arith.constant 1 : i32
        %add3A_253 = arith.addi %add3A_189, %add3A_252 : i32
        %add3A_254 = arith.addi %mul3A_4, %add3A_253 : i32
        %dma_wait3A_255 = arith.constant 1 : i32
        %dma_wait3A_256 = arith.constant 1 : i32
        %dma_wait3A_257 = arith.constant 1 : i32
        %dma_wait3A_258 = arith.constant 1 : i32
        %dma_wait3A_259 = arith.constant 0 : i32
        %dma_wait3A_260 = arith.constant 0 : i32
        %dma_wait3A_261 = tpu.memref_slice %arg9[%dma_wait3A_255, %dma_wait3A_256, %dma_wait3A_259, %dma_wait3A_260] : memref<2x2x2x128xi32, #tpu.memory_space<vmem>> -> memref<1x1x2x128xi32, #tpu.memory_space<vmem>>
        %dma_wait3A_262 = tpu.memref_squeeze %dma_wait3A_261 : memref<1x1x2x128xi32, #tpu.memory_space<vmem>> -> memref<2x128xi32, #tpu.memory_space<vmem>>
        %dma_wait3A_263 = arith.constant 0 : i32
        %dma_wait3A_264 = arith.constant 0 : i32
        %dma_wait3A_265 = tpu.memref_slice %arg3[%add3A_254, %dma_wait3A_263, %dma_wait3A_264] : memref<2528x2x128xi32, #tpu.memory_space<hbm>> -> memref<1x2x128xi32, #tpu.memory_space<hbm>>
        %dma_wait3A_266 = tpu.memref_squeeze %dma_wait3A_265 : memref<1x2x128xi32, #tpu.memory_space<hbm>> -> memref<2x128xi32, #tpu.memory_space<hbm>>
        %dma_wait3A_267 = tpu.memref_slice %arg12[%dma_wait3A_257, %dma_wait3A_258] : memref<2x2x!tpu.dma_semaphore, #tpu.memory_space<semaphore_mem>> -> memref<1x1x!tpu.dma_semaphore, #tpu.memory_space<semaphore_mem>>
        %dma_wait3A_268 = tpu.memref_squeeze %dma_wait3A_267 : memref<1x1x!tpu.dma_semaphore, #tpu.memory_space<semaphore_mem>> -> memref<!tpu.dma_semaphore, #tpu.memory_space<semaphore_mem>>
        %dma_wait3A_269 = arith.constant 0 : i32
        %dma_wait3A_270 = arith.constant 0 : i32
        %dma_wait3A_271 = tpu.memref_slice %arg9[%dma_wait3A_255, %dma_wait3A_256, %dma_wait3A_269, %dma_wait3A_270] : memref<2x2x2x128xi32, #tpu.memory_space<vmem>> -> memref<1x1x2x128xi32, #tpu.memory_space<vmem>>
        %dma_wait3A_272 = tpu.memref_squeeze %dma_wait3A_271 : memref<1x1x2x128xi32, #tpu.memory_space<vmem>> -> memref<2x128xi32, #tpu.memory_space<vmem>>
        %dma_wait3A_273 = arith.constant 0 : i32
        %dma_wait3A_274 = arith.constant 0 : i32
        %dma_wait3A_275 = tpu.memref_slice %arg3[%add3A_254, %dma_wait3A_273, %dma_wait3A_274] : memref<2528x2x128xi32, #tpu.memory_space<hbm>> -> memref<1x2x128xi32, #tpu.memory_space<hbm>>
        %dma_wait3A_276 = tpu.memref_squeeze %dma_wait3A_275 : memref<1x2x128xi32, #tpu.memory_space<hbm>> -> memref<2x128xi32, #tpu.memory_space<hbm>>
        tpu.wait_dma2 semaphore(%dma_wait3A_268 : memref<!tpu.dma_semaphore, #tpu.memory_space<semaphore_mem>>) src(%dma_wait3A_276 : memref<2x128xi32, #tpu.memory_space<hbm>>) dst(%dma_wait3A_272 : memref<2x128xi32, #tpu.memory_space<vmem>>)
        %dma_start3A_277 = arith.constant 1 : i32
        %dma_start3A_278 = arith.constant 1 : i32
        %dma_start3A_279 = arith.constant 0 : i32
        %dma_start3A_280 = arith.constant 1 : i32
        %dma_start3A_281 = arith.constant 1 : i32
        %dma_start3A_282 = arith.constant 0 : i32
        %dma_start3A_283 = arith.constant 0 : i32
        %dma_start3A_284 = tpu.memref_slice %arg10[%dma_start3A_280, %dma_start3A_282, %dma_start3A_283] : memref<2x128x128xf32, #tpu.memory_space<vmem>> -> memref<1x128x128xf32, #tpu.memory_space<vmem>>
        %dma_start3A_285 = tpu.memref_squeeze %dma_start3A_284 : memref<1x128x128xf32, #tpu.memory_space<vmem>> -> memref<128x128xf32, #tpu.memory_space<vmem>>
        %dma_start3A_286 = arith.constant 0 : i32
        %dma_start3A_287 = tpu.memref_slice %arg9[%dma_start3A_277, %dma_start3A_278, %dma_start3A_279, %dma_start3A_286] : memref<2x2x2x128xi32, #tpu.memory_space<vmem>> -> memref<1x1x1x128xi32, #tpu.memory_space<vmem>>
        %dma_start3A_288 = tpu.memref_squeeze %dma_start3A_287 : memref<1x1x1x128xi32, #tpu.memory_space<vmem>> -> memref<128xi32, #tpu.memory_space<vmem>>
        %dma_start3A_289 = arith.constant 0 : i32
        %dma_start3A_290 = arith.constant 0 : i32
        %dma_start3A_291 = tpu.memref_slice %arg2[%dma_start3A_289, %dma_start3A_290] : memref<10000x128xf32, #tpu.memory_space<hbm>> -> memref<10000x128xf32, #tpu.memory_space<hbm>>
        %dma_start3A_292 = tpu.memref_slice %arg13[%dma_start3A_281] : memref<2x!tpu.dma_semaphore, #tpu.memory_space<semaphore_mem>> -> memref<1x!tpu.dma_semaphore, #tpu.memory_space<semaphore_mem>>
        %dma_start3A_293 = tpu.memref_squeeze %dma_start3A_292 : memref<1x!tpu.dma_semaphore, #tpu.memory_space<semaphore_mem>> -> memref<!tpu.dma_semaphore, #tpu.memory_space<semaphore_mem>>
        tpu.enqueue_indirect_dma source(%dma_start3A_291 : memref<10000x128xf32, #tpu.memory_space<hbm>>) target(%dma_start3A_285 : memref<128x128xf32, #tpu.memory_space<vmem>>) offsets(%dma_start3A_288 : memref<128xi32, #tpu.memory_space<vmem>>) semaphore(%dma_start3A_293 : memref<!tpu.dma_semaphore, #tpu.memory_space<semaphore_mem>>)
      } else {
      }
      %add3A_212 = arith.constant 3 : i32
      %add3A_213 = arith.addi %add3A_189, %add3A_212 : i32
      %lt3A_214 = arith.constant 79 : i32
      %lt3A_215 = arith.cmpi slt, %add3A_213, %lt3A_214 : i32
      %convert_element_type3A_216 = arith.extui %lt3A_215 : i1 to i32
      %cond3A_217 = arith.constant 0 : i32
      %cond3A_218 = arith.cmpi ne, %convert_element_type3A_216, %cond3A_217 : i32
      scf.if %cond3A_218 {
        %add3A_252 = arith.constant 3 : i32
        %add3A_253 = arith.addi %add3A_189, %add3A_252 : i32
        %add3A_254 = arith.addi %mul3A_4, %add3A_253 : i32
        %dma_start3A_255 = arith.constant 0 : i32
        %dma_start3A_256 = arith.constant 1 : i32
        %dma_start3A_257 = arith.constant 0 : i32
        %dma_start3A_258 = arith.constant 1 : i32
        %dma_start3A_259 = arith.constant 0 : i32
        %dma_start3A_260 = arith.constant 0 : i32
        %dma_start3A_261 = tpu.memref_slice %arg9[%dma_start3A_255, %dma_start3A_256, %dma_start3A_259, %dma_start3A_260] : memref<2x2x2x128xi32, #tpu.memory_space<vmem>> -> memref<1x1x2x128xi32, #tpu.memory_space<vmem>>
        %dma_start3A_262 = tpu.memref_squeeze %dma_start3A_261 : memref<1x1x2x128xi32, #tpu.memory_space<vmem>> -> memref<2x128xi32, #tpu.memory_space<vmem>>
        %dma_start3A_263 = arith.constant 0 : i32
        %dma_start3A_264 = arith.constant 0 : i32
        %dma_start3A_265 = tpu.memref_slice %arg3[%add3A_254, %dma_start3A_263, %dma_start3A_264] : memref<2528x2x128xi32, #tpu.memory_space<hbm>> -> memref<1x2x128xi32, #tpu.memory_space<hbm>>
        %dma_start3A_266 = tpu.memref_squeeze %dma_start3A_265 : memref<1x2x128xi32, #tpu.memory_space<hbm>> -> memref<2x128xi32, #tpu.memory_space<hbm>>
        %dma_start3A_267 = tpu.memref_slice %arg12[%dma_start3A_257, %dma_start3A_258] : memref<2x2x!tpu.dma_semaphore, #tpu.memory_space<semaphore_mem>> -> memref<1x1x!tpu.dma_semaphore, #tpu.memory_space<semaphore_mem>>
        %dma_start3A_268 = tpu.memref_squeeze %dma_start3A_267 : memref<1x1x!tpu.dma_semaphore, #tpu.memory_space<semaphore_mem>> -> memref<!tpu.dma_semaphore, #tpu.memory_space<semaphore_mem>>
        %dma_start3A_269 = arith.constant 0 : i32
        %dma_start3A_270 = arith.constant 0 : i32
        %dma_start3A_271 = tpu.memref_slice %arg9[%dma_start3A_255, %dma_start3A_256, %dma_start3A_269, %dma_start3A_270] : memref<2x2x2x128xi32, #tpu.memory_space<vmem>> -> memref<1x1x2x128xi32, #tpu.memory_space<vmem>>
        %dma_start3A_272 = tpu.memref_squeeze %dma_start3A_271 : memref<1x1x2x128xi32, #tpu.memory_space<vmem>> -> memref<2x128xi32, #tpu.memory_space<vmem>>
        %dma_start3A_273 = arith.constant 0 : i32
        %dma_start3A_274 = arith.constant 0 : i32
        %dma_start3A_275 = tpu.memref_slice %arg3[%add3A_254, %dma_start3A_273, %dma_start3A_274] : memref<2528x2x128xi32, #tpu.memory_space<hbm>> -> memref<1x2x128xi32, #tpu.memory_space<hbm>>
        %dma_start3A_276 = tpu.memref_squeeze %dma_start3A_275 : memref<1x2x128xi32, #tpu.memory_space<hbm>> -> memref<2x128xi32, #tpu.memory_space<hbm>>
        tpu.enqueue_dma source(%dma_start3A_276 : memref<2x128xi32, #tpu.memory_space<hbm>>) target(%dma_start3A_272 : memref<2x128xi32, #tpu.memory_space<vmem>>) target_semaphore(%dma_start3A_268 : memref<!tpu.dma_semaphore, #tpu.memory_space<semaphore_mem>>)
      } else {
      }
      %mul3A_219 = arith.constant 4 : i32
      %mul3A_220 = arith.muli %scan3A_125, %mul3A_219 : i32
      %add3A_221 = arith.constant 3 : i32
      %add3A_222 = arith.addi %mul3A_220, %add3A_221 : i32
      %lt3A_223 = arith.constant 79 : i32
      %lt3A_224 = arith.cmpi slt, %add3A_222, %lt3A_223 : i32
      %convert_element_type3A_225 = arith.extui %lt3A_224 : i1 to i32
      %cond3A_226 = arith.constant 0 : i32
      %cond3A_227 = arith.cmpi ne, %convert_element_type3A_225, %cond3A_226 : i32
      scf.if %cond3A_227 {
        %dma_wait3A_252 = arith.constant 1 : i32
        %dma_wait3A_253 = arith.constant 1 : i32
        %dma_wait3A_254 = arith.constant 0 : i32
        %dma_wait3A_255 = arith.constant 1 : i32
        %dma_wait3A_256 = arith.constant 1 : i32
        %dma_wait3A_257 = arith.constant 0 : i32
        %dma_wait3A_258 = arith.constant 0 : i32
        %dma_wait3A_259 = tpu.memref_slice %arg10[%dma_wait3A_255, %dma_wait3A_257, %dma_wait3A_258] : memref<2x128x128xf32, #tpu.memory_space<vmem>> -> memref<1x128x128xf32, #tpu.memory_space<vmem>>
        %dma_wait3A_260 = tpu.memref_squeeze %dma_wait3A_259 : memref<1x128x128xf32, #tpu.memory_space<vmem>> -> memref<128x128xf32, #tpu.memory_space<vmem>>
        %dma_wait3A_261 = arith.constant 0 : i32
        %dma_wait3A_262 = tpu.memref_slice %arg9[%dma_wait3A_252, %dma_wait3A_253, %dma_wait3A_254, %dma_wait3A_261] : memref<2x2x2x128xi32, #tpu.memory_space<vmem>> -> memref<1x1x1x128xi32, #tpu.memory_space<vmem>>
        %dma_wait3A_263 = tpu.memref_squeeze %dma_wait3A_262 : memref<1x1x1x128xi32, #tpu.memory_space<vmem>> -> memref<128xi32, #tpu.memory_space<vmem>>
        %dma_wait3A_264 = arith.constant 0 : i32
        %dma_wait3A_265 = arith.constant 0 : i32
        %dma_wait3A_266 = tpu.memref_slice %arg2[%dma_wait3A_264, %dma_wait3A_265] : memref<10000x128xf32, #tpu.memory_space<hbm>> -> memref<10000x128xf32, #tpu.memory_space<hbm>>
        %dma_wait3A_267 = tpu.memref_slice %arg13[%dma_wait3A_256] : memref<2x!tpu.dma_semaphore, #tpu.memory_space<semaphore_mem>> -> memref<1x!tpu.dma_semaphore, #tpu.memory_space<semaphore_mem>>
        %dma_wait3A_268 = tpu.memref_squeeze %dma_wait3A_267 : memref<1x!tpu.dma_semaphore, #tpu.memory_space<semaphore_mem>> -> memref<!tpu.dma_semaphore, #tpu.memory_space<semaphore_mem>>
        tpu.wait_indirect_dma semaphore(%dma_wait3A_268 : memref<!tpu.dma_semaphore, #tpu.memory_space<semaphore_mem>>) src(%dma_wait3A_266 : memref<10000x128xf32, #tpu.memory_space<hbm>>) dst(%dma_wait3A_260 : memref<128x128xf32, #tpu.memory_space<vmem>>)
        %dma_start3A_269 = arith.constant 1 : i32
        %dma_start3A_270 = arith.constant 1 : i32
        %dma_start3A_271 = arith.constant 1 : i32
        %dma_start3A_272 = arith.constant 1 : i32
        %dma_start3A_273 = arith.constant 1 : i32
        %dma_start3A_274 = arith.constant 0 : i32
        %dma_start3A_275 = arith.constant 0 : i32
        %dma_start3A_276 = tpu.memref_slice %arg10[%dma_start3A_269, %dma_start3A_274, %dma_start3A_275] : memref<2x128x128xf32, #tpu.memory_space<vmem>> -> memref<1x128x128xf32, #tpu.memory_space<vmem>>
        %dma_start3A_277 = tpu.memref_squeeze %dma_start3A_276 : memref<1x128x128xf32, #tpu.memory_space<vmem>> -> memref<128x128xf32, #tpu.memory_space<vmem>>
        %dma_start3A_278 = arith.constant 0 : i32
        %dma_start3A_279 = tpu.memref_slice %arg9[%dma_start3A_270, %dma_start3A_271, %dma_start3A_272, %dma_start3A_278] : memref<2x2x2x128xi32, #tpu.memory_space<vmem>> -> memref<1x1x1x128xi32, #tpu.memory_space<vmem>>
        %dma_start3A_280 = tpu.memref_squeeze %dma_start3A_279 : memref<1x1x1x128xi32, #tpu.memory_space<vmem>> -> memref<128xi32, #tpu.memory_space<vmem>>
        %dma_start3A_281 = arith.constant 0 : i32
        %dma_start3A_282 = arith.constant 0 : i32
        %dma_start3A_283 = tpu.memref_slice %arg11[%dma_start3A_281, %dma_start3A_282] : memref<10240x128xf32, #tpu.memory_space<vmem_shared>> -> memref<10240x128xf32, #tpu.memory_space<vmem_shared>>
        %dma_start3A_284 = tpu.memref_slice %arg14[%dma_start3A_273] : memref<2x!tpu.dma_semaphore, #tpu.memory_space<semaphore_mem>> -> memref<1x!tpu.dma_semaphore, #tpu.memory_space<semaphore_mem>>
        %dma_start3A_285 = tpu.memref_squeeze %dma_start3A_284 : memref<1x!tpu.dma_semaphore, #tpu.memory_space<semaphore_mem>> -> memref<!tpu.dma_semaphore, #tpu.memory_space<semaphore_mem>>
        tpu.enqueue_indirect_dma source(%dma_start3A_277 : memref<128x128xf32, #tpu.memory_space<vmem>>) target(%dma_start3A_283 : memref<10240x128xf32, #tpu.memory_space<vmem_shared>>) offsets(%dma_start3A_280 : memref<128xi32, #tpu.memory_space<vmem>>) semaphore(%dma_start3A_285 : memref<!tpu.dma_semaphore, #tpu.memory_space<semaphore_mem>>) {add = true}
        %dma_start3A_286 = arith.constant 1 : i32
        %dma_start3A_287 = arith.constant 1 : i32
        %dma_start3A_288 = arith.constant 1 : i32
        %dma_start3A_289 = arith.constant 1 : i32
        %dma_start3A_290 = arith.constant 0 : i32
        %dma_start3A_291 = tpu.memref_slice %arg9[%dma_start3A_286, %dma_start3A_287, %dma_start3A_288, %dma_start3A_290] : memref<2x2x2x128xi32, #tpu.memory_space<vmem>> -> memref<1x1x1x128xi32, #tpu.memory_space<vmem>>
        %dma_start3A_292 = tpu.memref_squeeze %dma_start3A_291 : memref<1x1x1x128xi32, #tpu.memory_space<vmem>> -> memref<128xi32, #tpu.memory_space<vmem>>
        %dma_start3A_293 = arith.constant 0 : i32
        %dma_start3A_294 = arith.constant 0 : i32
        %dma_start3A_295 = tpu.memref_slice %arg16[%dma_start3A_293, %dma_start3A_294] : memref<10240x16xf32, #tpu.memory_space<vmem_shared>> -> memref<10240x16xf32, #tpu.memory_space<vmem_shared>>
        %dma_start3A_296 = tpu.memref_slice %arg14[%dma_start3A_289] : memref<2x!tpu.dma_semaphore, #tpu.memory_space<semaphore_mem>> -> memref<1x!tpu.dma_semaphore, #tpu.memory_space<semaphore_mem>>
        %dma_start3A_297 = tpu.memref_squeeze %dma_start3A_296 : memref<1x!tpu.dma_semaphore, #tpu.memory_space<semaphore_mem>> -> memref<!tpu.dma_semaphore, #tpu.memory_space<semaphore_mem>>
        tpu.enqueue_indirect_dma source(%arg15 : memref<128x16xf32, #tpu.memory_space<vmem>>) target(%dma_start3A_295 : memref<10240x16xf32, #tpu.memory_space<vmem_shared>>) offsets(%dma_start3A_292 : memref<128xi32, #tpu.memory_space<vmem>>) semaphore(%dma_start3A_297 : memref<!tpu.dma_semaphore, #tpu.memory_space<semaphore_mem>>) {add = true}
      } else {
      }
      %ge3A_228 = arith.constant 1 : i32
      %ge3A_229 = arith.cmpi sge, %add3A_222, %ge3A_228 : i32
      %sub3A_230 = arith.constant 1 : i32
      %sub3A_231 = arith.subi %add3A_222, %sub3A_230 : i32
      %lt3A_232 = arith.constant 79 : i32
      %lt3A_233 = arith.cmpi slt, %sub3A_231, %lt3A_232 : i32
      %and3A_234 = arith.andi %ge3A_229, %lt3A_233 : i1
      %convert_element_type3A_235 = arith.extui %and3A_234 : i1 to i32
      %cond3A_236 = arith.constant 0 : i32
      %cond3A_237 = arith.cmpi ne, %convert_element_type3A_235, %cond3A_236 : i32
      scf.if %cond3A_237 {
        %dma_wait3A_252 = arith.constant 0 : i32
        %dma_wait3A_253 = arith.constant 1 : i32
        %dma_wait3A_254 = arith.constant 0 : i32
        %dma_wait3A_255 = arith.constant 1 : i32
        %dma_wait3A_256 = arith.constant 0 : i32
        %dma_wait3A_257 = arith.constant 0 : i32
        %dma_wait3A_258 = arith.constant 0 : i32
        %dma_wait3A_259 = tpu.memref_slice %arg10[%dma_wait3A_252, %dma_wait3A_257, %dma_wait3A_258] : memref<2x128x128xf32, #tpu.memory_space<vmem>> -> memref<1x128x128xf32, #tpu.memory_space<vmem>>
        %dma_wait3A_260 = tpu.memref_squeeze %dma_wait3A_259 : memref<1x128x128xf32, #tpu.memory_space<vmem>> -> memref<128x128xf32, #tpu.memory_space<vmem>>
        %dma_wait3A_261 = arith.constant 0 : i32
        %dma_wait3A_262 = tpu.memref_slice %arg9[%dma_wait3A_253, %dma_wait3A_254, %dma_wait3A_255, %dma_wait3A_261] : memref<2x2x2x128xi32, #tpu.memory_space<vmem>> -> memref<1x1x1x128xi32, #tpu.memory_space<vmem>>
        %dma_wait3A_263 = tpu.memref_squeeze %dma_wait3A_262 : memref<1x1x1x128xi32, #tpu.memory_space<vmem>> -> memref<128xi32, #tpu.memory_space<vmem>>
        %dma_wait3A_264 = arith.constant 0 : i32
        %dma_wait3A_265 = arith.constant 0 : i32
        %dma_wait3A_266 = tpu.memref_slice %arg11[%dma_wait3A_264, %dma_wait3A_265] : memref<10240x128xf32, #tpu.memory_space<vmem_shared>> -> memref<10240x128xf32, #tpu.memory_space<vmem_shared>>
        %dma_wait3A_267 = tpu.memref_slice %arg14[%dma_wait3A_256] : memref<2x!tpu.dma_semaphore, #tpu.memory_space<semaphore_mem>> -> memref<1x!tpu.dma_semaphore, #tpu.memory_space<semaphore_mem>>
        %dma_wait3A_268 = tpu.memref_squeeze %dma_wait3A_267 : memref<1x!tpu.dma_semaphore, #tpu.memory_space<semaphore_mem>> -> memref<!tpu.dma_semaphore, #tpu.memory_space<semaphore_mem>>
        tpu.wait_indirect_dma semaphore(%dma_wait3A_268 : memref<!tpu.dma_semaphore, #tpu.memory_space<semaphore_mem>>) src(%dma_wait3A_260 : memref<128x128xf32, #tpu.memory_space<vmem>>) dst(%dma_wait3A_266 : memref<10240x128xf32, #tpu.memory_space<vmem_shared>>)
        %dma_wait3A_269 = arith.constant 1 : i32
        %dma_wait3A_270 = arith.constant 0 : i32
        %dma_wait3A_271 = arith.constant 1 : i32
        %dma_wait3A_272 = arith.constant 0 : i32
        %dma_wait3A_273 = arith.constant 0 : i32
        %dma_wait3A_274 = tpu.memref_slice %arg9[%dma_wait3A_269, %dma_wait3A_270, %dma_wait3A_271, %dma_wait3A_273] : memref<2x2x2x128xi32, #tpu.memory_space<vmem>> -> memref<1x1x1x128xi32, #tpu.memory_space<vmem>>
        %dma_wait3A_275 = tpu.memref_squeeze %dma_wait3A_274 : memref<1x1x1x128xi32, #tpu.memory_space<vmem>> -> memref<128xi32, #tpu.memory_space<vmem>>
        %dma_wait3A_276 = arith.constant 0 : i32
        %dma_wait3A_277 = arith.constant 0 : i32
        %dma_wait3A_278 = tpu.memref_slice %arg16[%dma_wait3A_276, %dma_wait3A_277] : memref<10240x16xf32, #tpu.memory_space<vmem_shared>> -> memref<10240x16xf32, #tpu.memory_space<vmem_shared>>
        %dma_wait3A_279 = tpu.memref_slice %arg14[%dma_wait3A_272] : memref<2x!tpu.dma_semaphore, #tpu.memory_space<semaphore_mem>> -> memref<1x!tpu.dma_semaphore, #tpu.memory_space<semaphore_mem>>
        %dma_wait3A_280 = tpu.memref_squeeze %dma_wait3A_279 : memref<1x!tpu.dma_semaphore, #tpu.memory_space<semaphore_mem>> -> memref<!tpu.dma_semaphore, #tpu.memory_space<semaphore_mem>>
        tpu.wait_indirect_dma semaphore(%dma_wait3A_280 : memref<!tpu.dma_semaphore, #tpu.memory_space<semaphore_mem>>) src(%arg15 : memref<128x16xf32, #tpu.memory_space<vmem>>) dst(%dma_wait3A_278 : memref<10240x16xf32, #tpu.memory_space<vmem_shared>>)
      } else {
      }
      %add3A_238 = arith.constant 1 : i32
      %add3A_239 = arith.addi %add3A_222, %add3A_238 : i32
      %lt3A_240 = arith.constant 79 : i32
      %lt3A_241 = arith.cmpi slt, %add3A_239, %lt3A_240 : i32
      %convert_element_type3A_242 = arith.extui %lt3A_241 : i1 to i32
      %cond3A_243 = arith.constant 0 : i32
      %cond3A_244 = arith.cmpi ne, %convert_element_type3A_242, %cond3A_243 : i32
      scf.if %cond3A_244 {
        %add3A_252 = arith.constant 1 : i32
        %add3A_253 = arith.addi %add3A_222, %add3A_252 : i32
        %add3A_254 = arith.addi %mul3A_4, %add3A_253 : i32
        %dma_wait3A_255 = arith.constant 0 : i32
        %dma_wait3A_256 = arith.constant 0 : i32
        %dma_wait3A_257 = arith.constant 0 : i32
        %dma_wait3A_258 = arith.constant 0 : i32
        %dma_wait3A_259 = arith.constant 0 : i32
        %dma_wait3A_260 = arith.constant 0 : i32
        %dma_wait3A_261 = tpu.memref_slice %arg9[%dma_wait3A_255, %dma_wait3A_256, %dma_wait3A_259, %dma_wait3A_260] : memref<2x2x2x128xi32, #tpu.memory_space<vmem>> -> memref<1x1x2x128xi32, #tpu.memory_space<vmem>>
        %dma_wait3A_262 = tpu.memref_squeeze %dma_wait3A_261 : memref<1x1x2x128xi32, #tpu.memory_space<vmem>> -> memref<2x128xi32, #tpu.memory_space<vmem>>
        %dma_wait3A_263 = arith.constant 0 : i32
        %dma_wait3A_264 = arith.constant 0 : i32
        %dma_wait3A_265 = tpu.memref_slice %arg3[%add3A_254, %dma_wait3A_263, %dma_wait3A_264] : memref<2528x2x128xi32, #tpu.memory_space<hbm>> -> memref<1x2x128xi32, #tpu.memory_space<hbm>>
        %dma_wait3A_266 = tpu.memref_squeeze %dma_wait3A_265 : memref<1x2x128xi32, #tpu.memory_space<hbm>> -> memref<2x128xi32, #tpu.memory_space<hbm>>
        %dma_wait3A_267 = tpu.memref_slice %arg12[%dma_wait3A_257, %dma_wait3A_258] : memref<2x2x!tpu.dma_semaphore, #tpu.memory_space<semaphore_mem>> -> memref<1x1x!tpu.dma_semaphore, #tpu.memory_space<semaphore_mem>>
        %dma_wait3A_268 = tpu.memref_squeeze %dma_wait3A_267 : memref<1x1x!tpu.dma_semaphore, #tpu.memory_space<semaphore_mem>> -> memref<!tpu.dma_semaphore, #tpu.memory_space<semaphore_mem>>
        %dma_wait3A_269 = arith.constant 0 : i32
        %dma_wait3A_270 = arith.constant 0 : i32
        %dma_wait3A_271 = tpu.memref_slice %arg9[%dma_wait3A_255, %dma_wait3A_256, %dma_wait3A_269, %dma_wait3A_270] : memref<2x2x2x128xi32, #tpu.memory_space<vmem>> -> memref<1x1x2x128xi32, #tpu.memory_space<vmem>>
        %dma_wait3A_272 = tpu.memref_squeeze %dma_wait3A_271 : memref<1x1x2x128xi32, #tpu.memory_space<vmem>> -> memref<2x128xi32, #tpu.memory_space<vmem>>
        %dma_wait3A_273 = arith.constant 0 : i32
        %dma_wait3A_274 = arith.constant 0 : i32
        %dma_wait3A_275 = tpu.memref_slice %arg3[%add3A_254, %dma_wait3A_273, %dma_wait3A_274] : memref<2528x2x128xi32, #tpu.memory_space<hbm>> -> memref<1x2x128xi32, #tpu.memory_space<hbm>>
        %dma_wait3A_276 = tpu.memref_squeeze %dma_wait3A_275 : memref<1x2x128xi32, #tpu.memory_space<hbm>> -> memref<2x128xi32, #tpu.memory_space<hbm>>
        tpu.wait_dma2 semaphore(%dma_wait3A_268 : memref<!tpu.dma_semaphore, #tpu.memory_space<semaphore_mem>>) src(%dma_wait3A_276 : memref<2x128xi32, #tpu.memory_space<hbm>>) dst(%dma_wait3A_272 : memref<2x128xi32, #tpu.memory_space<vmem>>)
        %dma_start3A_277 = arith.constant 0 : i32
        %dma_start3A_278 = arith.constant 0 : i32
        %dma_start3A_279 = arith.constant 0 : i32
        %dma_start3A_280 = arith.constant 0 : i32
        %dma_start3A_281 = arith.constant 0 : i32
        %dma_start3A_282 = arith.constant 0 : i32
        %dma_start3A_283 = arith.constant 0 : i32
        %dma_start3A_284 = tpu.memref_slice %arg10[%dma_start3A_280, %dma_start3A_282, %dma_start3A_283] : memref<2x128x128xf32, #tpu.memory_space<vmem>> -> memref<1x128x128xf32, #tpu.memory_space<vmem>>
        %dma_start3A_285 = tpu.memref_squeeze %dma_start3A_284 : memref<1x128x128xf32, #tpu.memory_space<vmem>> -> memref<128x128xf32, #tpu.memory_space<vmem>>
        %dma_start3A_286 = arith.constant 0 : i32
        %dma_start3A_287 = tpu.memref_slice %arg9[%dma_start3A_277, %dma_start3A_278, %dma_start3A_279, %dma_start3A_286] : memref<2x2x2x128xi32, #tpu.memory_space<vmem>> -> memref<1x1x1x128xi32, #tpu.memory_space<vmem>>
        %dma_start3A_288 = tpu.memref_squeeze %dma_start3A_287 : memref<1x1x1x128xi32, #tpu.memory_space<vmem>> -> memref<128xi32, #tpu.memory_space<vmem>>
        %dma_start3A_289 = arith.constant 0 : i32
        %dma_start3A_290 = arith.constant 0 : i32
        %dma_start3A_291 = tpu.memref_slice %arg2[%dma_start3A_289, %dma_start3A_290] : memref<10000x128xf32, #tpu.memory_space<hbm>> -> memref<10000x128xf32, #tpu.memory_space<hbm>>
        %dma_start3A_292 = tpu.memref_slice %arg13[%dma_start3A_281] : memref<2x!tpu.dma_semaphore, #tpu.memory_space<semaphore_mem>> -> memref<1x!tpu.dma_semaphore, #tpu.memory_space<semaphore_mem>>
        %dma_start3A_293 = tpu.memref_squeeze %dma_start3A_292 : memref<1x!tpu.dma_semaphore, #tpu.memory_space<semaphore_mem>> -> memref<!tpu.dma_semaphore, #tpu.memory_space<semaphore_mem>>
        tpu.enqueue_indirect_dma source(%dma_start3A_291 : memref<10000x128xf32, #tpu.memory_space<hbm>>) target(%dma_start3A_285 : memref<128x128xf32, #tpu.memory_space<vmem>>) offsets(%dma_start3A_288 : memref<128xi32, #tpu.memory_space<vmem>>) semaphore(%dma_start3A_293 : memref<!tpu.dma_semaphore, #tpu.memory_space<semaphore_mem>>)
      } else {
      }
      %add3A_245 = arith.constant 3 : i32
      %add3A_246 = arith.addi %add3A_222, %add3A_245 : i32
      %lt3A_247 = arith.constant 79 : i32
      %lt3A_248 = arith.cmpi slt, %add3A_246, %lt3A_247 : i32
      %convert_element_type3A_249 = arith.extui %lt3A_248 : i1 to i32
      %cond3A_250 = arith.constant 0 : i32
      %cond3A_251 = arith.cmpi ne, %convert_element_type3A_249, %cond3A_250 : i32
      scf.if %cond3A_251 {
        %add3A_252 = arith.constant 3 : i32
        %add3A_253 = arith.addi %add3A_222, %add3A_252 : i32
        %add3A_254 = arith.addi %mul3A_4, %add3A_253 : i32
        %dma_start3A_255 = arith.constant 1 : i32
        %dma_start3A_256 = arith.constant 0 : i32
        %dma_start3A_257 = arith.constant 1 : i32
        %dma_start3A_258 = arith.constant 0 : i32
        %dma_start3A_259 = arith.constant 0 : i32
        %dma_start3A_260 = arith.constant 0 : i32
        %dma_start3A_261 = tpu.memref_slice %arg9[%dma_start3A_255, %dma_start3A_256, %dma_start3A_259, %dma_start3A_260] : memref<2x2x2x128xi32, #tpu.memory_space<vmem>> -> memref<1x1x2x128xi32, #tpu.memory_space<vmem>>
        %dma_start3A_262 = tpu.memref_squeeze %dma_start3A_261 : memref<1x1x2x128xi32, #tpu.memory_space<vmem>> -> memref<2x128xi32, #tpu.memory_space<vmem>>
        %dma_start3A_263 = arith.constant 0 : i32
        %dma_start3A_264 = arith.constant 0 : i32
        %dma_start3A_265 = tpu.memref_slice %arg3[%add3A_254, %dma_start3A_263, %dma_start3A_264] : memref<2528x2x128xi32, #tpu.memory_space<hbm>> -> memref<1x2x128xi32, #tpu.memory_space<hbm>>
        %dma_start3A_266 = tpu.memref_squeeze %dma_start3A_265 : memref<1x2x128xi32, #tpu.memory_space<hbm>> -> memref<2x128xi32, #tpu.memory_space<hbm>>
        %dma_start3A_267 = tpu.memref_slice %arg12[%dma_start3A_257, %dma_start3A_258] : memref<2x2x!tpu.dma_semaphore, #tpu.memory_space<semaphore_mem>> -> memref<1x1x!tpu.dma_semaphore, #tpu.memory_space<semaphore_mem>>
        %dma_start3A_268 = tpu.memref_squeeze %dma_start3A_267 : memref<1x1x!tpu.dma_semaphore, #tpu.memory_space<semaphore_mem>> -> memref<!tpu.dma_semaphore, #tpu.memory_space<semaphore_mem>>
        %dma_start3A_269 = arith.constant 0 : i32
        %dma_start3A_270 = arith.constant 0 : i32
        %dma_start3A_271 = tpu.memref_slice %arg9[%dma_start3A_255, %dma_start3A_256, %dma_start3A_269, %dma_start3A_270] : memref<2x2x2x128xi32, #tpu.memory_space<vmem>> -> memref<1x1x2x128xi32, #tpu.memory_space<vmem>>
        %dma_start3A_272 = tpu.memref_squeeze %dma_start3A_271 : memref<1x1x2x128xi32, #tpu.memory_space<vmem>> -> memref<2x128xi32, #tpu.memory_space<vmem>>
        %dma_start3A_273 = arith.constant 0 : i32
        %dma_start3A_274 = arith.constant 0 : i32
        %dma_start3A_275 = tpu.memref_slice %arg3[%add3A_254, %dma_start3A_273, %dma_start3A_274] : memref<2528x2x128xi32, #tpu.memory_space<hbm>> -> memref<1x2x128xi32, #tpu.memory_space<hbm>>
        %dma_start3A_276 = tpu.memref_squeeze %dma_start3A_275 : memref<1x2x128xi32, #tpu.memory_space<hbm>> -> memref<2x128xi32, #tpu.memory_space<hbm>>
        tpu.enqueue_dma source(%dma_start3A_276 : memref<2x128xi32, #tpu.memory_space<hbm>>) target(%dma_start3A_272 : memref<2x128xi32, #tpu.memory_space<vmem>>) target_semaphore(%dma_start3A_268 : memref<!tpu.dma_semaphore, #tpu.memory_space<semaphore_mem>>)
      } else {
      }
    }
    %scan3A_120 = arith.constant 20 : i32
    %barrier3A_121 = arith.constant 0 : index
    tpu.barrier barrier_id(%barrier3A_121)
    %mul3A_122 = arith.constant 10240 : i32
    %mul3A_123 = arith.muli %arg0, %mul3A_122 : i32
    %add3A_124 = arith.addi %mul3A_123, %mul3A_2 : i32
    "tpu.region"() ({
      %run_scoped3A = tpu.sem_alloc : memref<!tpu.dma_semaphore, #tpu.memory_space<semaphore_mem>>
      %dma_start3A_125 = arith.constant 0 : i32
      %dma_start3A_126 = tpu.memref_slice %arg7[%add3A_124, %dma_start3A_125] : memref<20480x128xf32, #tpu.memory_space<hbm>> -> memref<640x128xf32, #tpu.memory_space<hbm>>
      %dma_start3A_127 = arith.constant 0 : i32
      %dma_start3A_128 = tpu.memref_slice %arg11[%mul3A_2, %dma_start3A_127] : memref<10240x128xf32, #tpu.memory_space<vmem_shared>> -> memref<640x128xf32, #tpu.memory_space<vmem_shared>>
      tpu.enqueue_dma source(%dma_start3A_128 : memref<640x128xf32, #tpu.memory_space<vmem_shared>>) target(%dma_start3A_126 : memref<640x128xf32, #tpu.memory_space<hbm>>) target_semaphore(%run_scoped3A : memref<!tpu.dma_semaphore, #tpu.memory_space<semaphore_mem>>)
      %dma_wait3A_129 = arith.constant 0 : i32
      %dma_wait3A_130 = tpu.memref_slice %arg7[%add3A_124, %dma_wait3A_129] : memref<20480x128xf32, #tpu.memory_space<hbm>> -> memref<640x128xf32, #tpu.memory_space<hbm>>
      %dma_wait3A_131 = arith.constant 0 : i32
      %dma_wait3A_132 = tpu.memref_slice %arg11[%mul3A_2, %dma_wait3A_131] : memref<10240x128xf32, #tpu.memory_space<vmem_shared>> -> memref<640x128xf32, #tpu.memory_space<vmem_shared>>
      tpu.wait_dma2 semaphore(%run_scoped3A : memref<!tpu.dma_semaphore, #tpu.memory_space<semaphore_mem>>) src(%dma_wait3A_132 : memref<640x128xf32, #tpu.memory_space<vmem_shared>>) dst(%dma_wait3A_130 : memref<640x128xf32, #tpu.memory_space<hbm>>)
      tpu.yield
    }) : () -> ()
    "tpu.region"() ({
      %run_scoped3A = tpu.sem_alloc : memref<!tpu.dma_semaphore, #tpu.memory_space<semaphore_mem>>
      %dma_start3A_125 = arith.constant 0 : i32
      %dma_start3A_126 = tpu.memref_slice %arg8[%add3A_124, %dma_start3A_125] : memref<20480x16xf32, #tpu.memory_space<hbm>> -> memref<640x16xf32, #tpu.memory_space<hbm>>
      %dma_start3A_127 = arith.constant 0 : i32
      %dma_start3A_128 = tpu.memref_slice %arg16[%mul3A_2, %dma_start3A_127] : memref<10240x16xf32, #tpu.memory_space<vmem_shared>> -> memref<640x16xf32, #tpu.memory_space<vmem_shared>>
      tpu.enqueue_dma source(%dma_start3A_128 : memref<640x16xf32, #tpu.memory_space<vmem_shared>>) target(%dma_start3A_126 : memref<640x16xf32, #tpu.memory_space<hbm>>) target_semaphore(%run_scoped3A : memref<!tpu.dma_semaphore, #tpu.memory_space<semaphore_mem>>)
      %dma_wait3A_129 = arith.constant 0 : i32
      %dma_wait3A_130 = tpu.memref_slice %arg8[%add3A_124, %dma_wait3A_129] : memref<20480x16xf32, #tpu.memory_space<hbm>> -> memref<640x16xf32, #tpu.memory_space<hbm>>
      %dma_wait3A_131 = arith.constant 0 : i32
      %dma_wait3A_132 = tpu.memref_slice %arg16[%mul3A_2, %dma_wait3A_131] : memref<10240x16xf32, #tpu.memory_space<vmem_shared>> -> memref<640x16xf32, #tpu.memory_space<vmem_shared>>
      tpu.wait_dma2 semaphore(%run_scoped3A : memref<!tpu.dma_semaphore, #tpu.memory_space<semaphore_mem>>) src(%dma_wait3A_132 : memref<640x16xf32, #tpu.memory_space<vmem_shared>>) dst(%dma_wait3A_130 : memref<640x16xf32, #tpu.memory_space<hbm>>)
      tpu.yield
    }) : () -> ()
    return
  }
}

#map = affine_map<(d0, d1) -> (0, 0)>
#map1 = affine_map<(d0, d1) -> (0, 0, 0)>
module attributes {stable_mosaic.version = 14 : i64} {
  func.func @body(%arg0: i32, %arg1: i32, %arg2: memref<10240x16xf32, #tpu.memory_space<hbm>>, %arg3: memref<2528x2x128xi32, #tpu.memory_space<hbm>>, %arg4: memref<640x16xf32, #tpu.memory_space<hbm>>, %arg5: memref<20480x16xf32, #tpu.memory_space<hbm>>, %arg6: memref<2x4x2x128xi32, #tpu.memory_space<vmem>>, %arg7: memref<4x128x16xf32, #tpu.memory_space<vmem>>, %arg8: memref<10240x16xf32, #tpu.memory_space<vmem_shared>>, %arg9: memref<2x4x!tpu.dma_semaphore, #tpu.memory_space<semaphore_mem>>, %arg10: memref<4x!tpu.dma_semaphore, #tpu.memory_space<semaphore_mem>>, %arg11: memref<4x!tpu.dma_semaphore, #tpu.memory_space<semaphore_mem>>) attributes {dimension_semantics = [#tpu.dimension_semantics<core_parallel>, #tpu.dimension_semantics<subcore_parallel>], iteration_bounds = array<i64: 2, 16>, scalar_prefetch = 0 : i64, scratch_operands = 6 : i64, tpu.core_type = #tpu.core_type<sc_vector_subcore>, window_params = [{transform_indices = #map}, {transform_indices = #map1}, {transform_indices = #map}, {transform_indices = #map}]} {
    %mul3A = arith.constant 2 : i32
    %mul3A_0 = arith.muli %arg1, %mul3A : i32
    %add3A = arith.addi %mul3A_0, %arg0 : i32
    %mul3A_1 = arith.constant 640 : i32
    %mul3A_2 = arith.muli %arg1, %mul3A_1 : i32
    %mul3A_3 = arith.constant 79 : i32
    %mul3A_4 = arith.muli %add3A, %mul3A_3 : i32
    "tpu.region"() ({
      %run_scoped3A = tpu.sem_alloc : memref<!tpu.dma_semaphore, #tpu.memory_space<semaphore_mem>>
      %dma_start3A_368 = arith.constant 0 : i32
      %dma_start3A_369 = tpu.memref_slice %arg8[%mul3A_2, %dma_start3A_368] : memref<10240x16xf32, #tpu.memory_space<vmem_shared>> -> memref<640x16xf32, #tpu.memory_space<vmem_shared>>
      tpu.enqueue_dma source(%arg4 : memref<640x16xf32, #tpu.memory_space<hbm>>) target(%dma_start3A_369 : memref<640x16xf32, #tpu.memory_space<vmem_shared>>) target_semaphore(%run_scoped3A : memref<!tpu.dma_semaphore, #tpu.memory_space<semaphore_mem>>)
      %dma_wait3A_370 = arith.constant 0 : i32
      %dma_wait3A_371 = tpu.memref_slice %arg8[%mul3A_2, %dma_wait3A_370] : memref<10240x16xf32, #tpu.memory_space<vmem_shared>> -> memref<640x16xf32, #tpu.memory_space<vmem_shared>>
      tpu.wait_dma2 semaphore(%run_scoped3A : memref<!tpu.dma_semaphore, #tpu.memory_space<semaphore_mem>>) src(%arg4 : memref<640x16xf32, #tpu.memory_space<hbm>>) dst(%dma_wait3A_371 : memref<640x16xf32, #tpu.memory_space<vmem_shared>>)
      tpu.yield
    }) : () -> ()
    %barrier3A = arith.constant 0 : index
    tpu.barrier barrier_id(%barrier3A)
    %add3A_5 = arith.constant 0 : i32
    %add3A_6 = arith.addi %mul3A_4, %add3A_5 : i32
    %dma_start3A = arith.constant 0 : i32
    %dma_start3A_7 = arith.constant 0 : i32
    %dma_start3A_8 = arith.constant 0 : i32
    %dma_start3A_9 = arith.constant 0 : i32
    %dma_start3A_10 = arith.constant 0 : i32
    %dma_start3A_11 = arith.constant 0 : i32
    %dma_start3A_12 = tpu.memref_slice %arg6[%dma_start3A, %dma_start3A_7, %dma_start3A_10, %dma_start3A_11] : memref<2x4x2x128xi32, #tpu.memory_space<vmem>> -> memref<1x1x2x128xi32, #tpu.memory_space<vmem>>
    %dma_start3A_13 = tpu.memref_squeeze %dma_start3A_12 : memref<1x1x2x128xi32, #tpu.memory_space<vmem>> -> memref<2x128xi32, #tpu.memory_space<vmem>>
    %dma_start3A_14 = arith.constant 0 : i32
    %dma_start3A_15 = arith.constant 0 : i32
    %dma_start3A_16 = tpu.memref_slice %arg3[%add3A_6, %dma_start3A_14, %dma_start3A_15] : memref<2528x2x128xi32, #tpu.memory_space<hbm>> -> memref<1x2x128xi32, #tpu.memory_space<hbm>>
    %dma_start3A_17 = tpu.memref_squeeze %dma_start3A_16 : memref<1x2x128xi32, #tpu.memory_space<hbm>> -> memref<2x128xi32, #tpu.memory_space<hbm>>
    %dma_start3A_18 = tpu.memref_slice %arg9[%dma_start3A_8, %dma_start3A_9] : memref<2x4x!tpu.dma_semaphore, #tpu.memory_space<semaphore_mem>> -> memref<1x1x!tpu.dma_semaphore, #tpu.memory_space<semaphore_mem>>
    %dma_start3A_19 = tpu.memref_squeeze %dma_start3A_18 : memref<1x1x!tpu.dma_semaphore, #tpu.memory_space<semaphore_mem>> -> memref<!tpu.dma_semaphore, #tpu.memory_space<semaphore_mem>>
    %dma_start3A_20 = arith.constant 0 : i32
    %dma_start3A_21 = arith.constant 0 : i32
    %dma_start3A_22 = tpu.memref_slice %arg6[%dma_start3A, %dma_start3A_7, %dma_start3A_20, %dma_start3A_21] : memref<2x4x2x128xi32, #tpu.memory_space<vmem>> -> memref<1x1x2x128xi32, #tpu.memory_space<vmem>>
    %dma_start3A_23 = tpu.memref_squeeze %dma_start3A_22 : memref<1x1x2x128xi32, #tpu.memory_space<vmem>> -> memref<2x128xi32, #tpu.memory_space<vmem>>
    %dma_start3A_24 = arith.constant 0 : i32
    %dma_start3A_25 = arith.constant 0 : i32
    %dma_start3A_26 = tpu.memref_slice %arg3[%add3A_6, %dma_start3A_24, %dma_start3A_25] : memref<2528x2x128xi32, #tpu.memory_space<hbm>> -> memref<1x2x128xi32, #tpu.memory_space<hbm>>
    %dma_start3A_27 = tpu.memref_squeeze %dma_start3A_26 : memref<1x2x128xi32, #tpu.memory_space<hbm>> -> memref<2x128xi32, #tpu.memory_space<hbm>>
    tpu.enqueue_dma source(%dma_start3A_27 : memref<2x128xi32, #tpu.memory_space<hbm>>) target(%dma_start3A_23 : memref<2x128xi32, #tpu.memory_space<vmem>>) target_semaphore(%dma_start3A_19 : memref<!tpu.dma_semaphore, #tpu.memory_space<semaphore_mem>>)
    %add3A_28 = arith.constant 1 : i32
    %add3A_29 = arith.addi %mul3A_4, %add3A_28 : i32
    %dma_start3A_30 = arith.constant 0 : i32
    %dma_start3A_31 = arith.constant 1 : i32
    %dma_start3A_32 = arith.constant 0 : i32
    %dma_start3A_33 = arith.constant 1 : i32
    %dma_start3A_34 = arith.constant 0 : i32
    %dma_start3A_35 = arith.constant 0 : i32
    %dma_start3A_36 = tpu.memref_slice %arg6[%dma_start3A_30, %dma_start3A_31, %dma_start3A_34, %dma_start3A_35] : memref<2x4x2x128xi32, #tpu.memory_space<vmem>> -> memref<1x1x2x128xi32, #tpu.memory_space<vmem>>
    %dma_start3A_37 = tpu.memref_squeeze %dma_start3A_36 : memref<1x1x2x128xi32, #tpu.memory_space<vmem>> -> memref<2x128xi32, #tpu.memory_space<vmem>>
    %dma_start3A_38 = arith.constant 0 : i32
    %dma_start3A_39 = arith.constant 0 : i32
    %dma_start3A_40 = tpu.memref_slice %arg3[%add3A_29, %dma_start3A_38, %dma_start3A_39] : memref<2528x2x128xi32, #tpu.memory_space<hbm>> -> memref<1x2x128xi32, #tpu.memory_space<hbm>>
    %dma_start3A_41 = tpu.memref_squeeze %dma_start3A_40 : memref<1x2x128xi32, #tpu.memory_space<hbm>> -> memref<2x128xi32, #tpu.memory_space<hbm>>
    %dma_start3A_42 = tpu.memref_slice %arg9[%dma_start3A_32, %dma_start3A_33] : memref<2x4x!tpu.dma_semaphore, #tpu.memory_space<semaphore_mem>> -> memref<1x1x!tpu.dma_semaphore, #tpu.memory_space<semaphore_mem>>
    %dma_start3A_43 = tpu.memref_squeeze %dma_start3A_42 : memref<1x1x!tpu.dma_semaphore, #tpu.memory_space<semaphore_mem>> -> memref<!tpu.dma_semaphore, #tpu.memory_space<semaphore_mem>>
    %dma_start3A_44 = arith.constant 0 : i32
    %dma_start3A_45 = arith.constant 0 : i32
    %dma_start3A_46 = tpu.memref_slice %arg6[%dma_start3A_30, %dma_start3A_31, %dma_start3A_44, %dma_start3A_45] : memref<2x4x2x128xi32, #tpu.memory_space<vmem>> -> memref<1x1x2x128xi32, #tpu.memory_space<vmem>>
    %dma_start3A_47 = tpu.memref_squeeze %dma_start3A_46 : memref<1x1x2x128xi32, #tpu.memory_space<vmem>> -> memref<2x128xi32, #tpu.memory_space<vmem>>
    %dma_start3A_48 = arith.constant 0 : i32
    %dma_start3A_49 = arith.constant 0 : i32
    %dma_start3A_50 = tpu.memref_slice %arg3[%add3A_29, %dma_start3A_48, %dma_start3A_49] : memref<2528x2x128xi32, #tpu.memory_space<hbm>> -> memref<1x2x128xi32, #tpu.memory_space<hbm>>
    %dma_start3A_51 = tpu.memref_squeeze %dma_start3A_50 : memref<1x2x128xi32, #tpu.memory_space<hbm>> -> memref<2x128xi32, #tpu.memory_space<hbm>>
    tpu.enqueue_dma source(%dma_start3A_51 : memref<2x128xi32, #tpu.memory_space<hbm>>) target(%dma_start3A_47 : memref<2x128xi32, #tpu.memory_space<vmem>>) target_semaphore(%dma_start3A_43 : memref<!tpu.dma_semaphore, #tpu.memory_space<semaphore_mem>>)
    %add3A_52 = arith.constant 2 : i32
    %add3A_53 = arith.addi %mul3A_4, %add3A_52 : i32
    %dma_start3A_54 = arith.constant 0 : i32
    %dma_start3A_55 = arith.constant 2 : i32
    %dma_start3A_56 = arith.constant 0 : i32
    %dma_start3A_57 = arith.constant 2 : i32
    %dma_start3A_58 = arith.constant 0 : i32
    %dma_start3A_59 = arith.constant 0 : i32
    %dma_start3A_60 = tpu.memref_slice %arg6[%dma_start3A_54, %dma_start3A_55, %dma_start3A_58, %dma_start3A_59] : memref<2x4x2x128xi32, #tpu.memory_space<vmem>> -> memref<1x1x2x128xi32, #tpu.memory_space<vmem>>
    %dma_start3A_61 = tpu.memref_squeeze %dma_start3A_60 : memref<1x1x2x128xi32, #tpu.memory_space<vmem>> -> memref<2x128xi32, #tpu.memory_space<vmem>>
    %dma_start3A_62 = arith.constant 0 : i32
    %dma_start3A_63 = arith.constant 0 : i32
    %dma_start3A_64 = tpu.memref_slice %arg3[%add3A_53, %dma_start3A_62, %dma_start3A_63] : memref<2528x2x128xi32, #tpu.memory_space<hbm>> -> memref<1x2x128xi32, #tpu.memory_space<hbm>>
    %dma_start3A_65 = tpu.memref_squeeze %dma_start3A_64 : memref<1x2x128xi32, #tpu.memory_space<hbm>> -> memref<2x128xi32, #tpu.memory_space<hbm>>
    %dma_start3A_66 = tpu.memref_slice %arg9[%dma_start3A_56, %dma_start3A_57] : memref<2x4x!tpu.dma_semaphore, #tpu.memory_space<semaphore_mem>> -> memref<1x1x!tpu.dma_semaphore, #tpu.memory_space<semaphore_mem>>
    %dma_start3A_67 = tpu.memref_squeeze %dma_start3A_66 : memref<1x1x!tpu.dma_semaphore, #tpu.memory_space<semaphore_mem>> -> memref<!tpu.dma_semaphore, #tpu.memory_space<semaphore_mem>>
    %dma_start3A_68 = arith.constant 0 : i32
    %dma_start3A_69 = arith.constant 0 : i32
    %dma_start3A_70 = tpu.memref_slice %arg6[%dma_start3A_54, %dma_start3A_55, %dma_start3A_68, %dma_start3A_69] : memref<2x4x2x128xi32, #tpu.memory_space<vmem>> -> memref<1x1x2x128xi32, #tpu.memory_space<vmem>>
    %dma_start3A_71 = tpu.memref_squeeze %dma_start3A_70 : memref<1x1x2x128xi32, #tpu.memory_space<vmem>> -> memref<2x128xi32, #tpu.memory_space<vmem>>
    %dma_start3A_72 = arith.constant 0 : i32
    %dma_start3A_73 = arith.constant 0 : i32
    %dma_start3A_74 = tpu.memref_slice %arg3[%add3A_53, %dma_start3A_72, %dma_start3A_73] : memref<2528x2x128xi32, #tpu.memory_space<hbm>> -> memref<1x2x128xi32, #tpu.memory_space<hbm>>
    %dma_start3A_75 = tpu.memref_squeeze %dma_start3A_74 : memref<1x2x128xi32, #tpu.memory_space<hbm>> -> memref<2x128xi32, #tpu.memory_space<hbm>>
    tpu.enqueue_dma source(%dma_start3A_75 : memref<2x128xi32, #tpu.memory_space<hbm>>) target(%dma_start3A_71 : memref<2x128xi32, #tpu.memory_space<vmem>>) target_semaphore(%dma_start3A_67 : memref<!tpu.dma_semaphore, #tpu.memory_space<semaphore_mem>>)
    %add3A_76 = arith.constant 3 : i32
    %add3A_77 = arith.addi %mul3A_4, %add3A_76 : i32
    %dma_start3A_78 = arith.constant 0 : i32
    %dma_start3A_79 = arith.constant 3 : i32
    %dma_start3A_80 = arith.constant 0 : i32
    %dma_start3A_81 = arith.constant 3 : i32
    %dma_start3A_82 = arith.constant 0 : i32
    %dma_start3A_83 = arith.constant 0 : i32
    %dma_start3A_84 = tpu.memref_slice %arg6[%dma_start3A_78, %dma_start3A_79, %dma_start3A_82, %dma_start3A_83] : memref<2x4x2x128xi32, #tpu.memory_space<vmem>> -> memref<1x1x2x128xi32, #tpu.memory_space<vmem>>
    %dma_start3A_85 = tpu.memref_squeeze %dma_start3A_84 : memref<1x1x2x128xi32, #tpu.memory_space<vmem>> -> memref<2x128xi32, #tpu.memory_space<vmem>>
    %dma_start3A_86 = arith.constant 0 : i32
    %dma_start3A_87 = arith.constant 0 : i32
    %dma_start3A_88 = tpu.memref_slice %arg3[%add3A_77, %dma_start3A_86, %dma_start3A_87] : memref<2528x2x128xi32, #tpu.memory_space<hbm>> -> memref<1x2x128xi32, #tpu.memory_space<hbm>>
    %dma_start3A_89 = tpu.memref_squeeze %dma_start3A_88 : memref<1x2x128xi32, #tpu.memory_space<hbm>> -> memref<2x128xi32, #tpu.memory_space<hbm>>
    %dma_start3A_90 = tpu.memref_slice %arg9[%dma_start3A_80, %dma_start3A_81] : memref<2x4x!tpu.dma_semaphore, #tpu.memory_space<semaphore_mem>> -> memref<1x1x!tpu.dma_semaphore, #tpu.memory_space<semaphore_mem>>
    %dma_start3A_91 = tpu.memref_squeeze %dma_start3A_90 : memref<1x1x!tpu.dma_semaphore, #tpu.memory_space<semaphore_mem>> -> memref<!tpu.dma_semaphore, #tpu.memory_space<semaphore_mem>>
    %dma_start3A_92 = arith.constant 0 : i32
    %dma_start3A_93 = arith.constant 0 : i32
    %dma_start3A_94 = tpu.memref_slice %arg6[%dma_start3A_78, %dma_start3A_79, %dma_start3A_92, %dma_start3A_93] : memref<2x4x2x128xi32, #tpu.memory_space<vmem>> -> memref<1x1x2x128xi32, #tpu.memory_space<vmem>>
    %dma_start3A_95 = tpu.memref_squeeze %dma_start3A_94 : memref<1x1x2x128xi32, #tpu.memory_space<vmem>> -> memref<2x128xi32, #tpu.memory_space<vmem>>
    %dma_start3A_96 = arith.constant 0 : i32
    %dma_start3A_97 = arith.constant 0 : i32
    %dma_start3A_98 = tpu.memref_slice %arg3[%add3A_77, %dma_start3A_96, %dma_start3A_97] : memref<2528x2x128xi32, #tpu.memory_space<hbm>> -> memref<1x2x128xi32, #tpu.memory_space<hbm>>
    %dma_start3A_99 = tpu.memref_squeeze %dma_start3A_98 : memref<1x2x128xi32, #tpu.memory_space<hbm>> -> memref<2x128xi32, #tpu.memory_space<hbm>>
    tpu.enqueue_dma source(%dma_start3A_99 : memref<2x128xi32, #tpu.memory_space<hbm>>) target(%dma_start3A_95 : memref<2x128xi32, #tpu.memory_space<vmem>>) target_semaphore(%dma_start3A_91 : memref<!tpu.dma_semaphore, #tpu.memory_space<semaphore_mem>>)
    %add3A_100 = arith.constant 4 : i32
    %add3A_101 = arith.addi %mul3A_4, %add3A_100 : i32
    %dma_start3A_102 = arith.constant 1 : i32
    %dma_start3A_103 = arith.constant 0 : i32
    %dma_start3A_104 = arith.constant 1 : i32
    %dma_start3A_105 = arith.constant 0 : i32
    %dma_start3A_106 = arith.constant 0 : i32
    %dma_start3A_107 = arith.constant 0 : i32
    %dma_start3A_108 = tpu.memref_slice %arg6[%dma_start3A_102, %dma_start3A_103, %dma_start3A_106, %dma_start3A_107] : memref<2x4x2x128xi32, #tpu.memory_space<vmem>> -> memref<1x1x2x128xi32, #tpu.memory_space<vmem>>
    %dma_start3A_109 = tpu.memref_squeeze %dma_start3A_108 : memref<1x1x2x128xi32, #tpu.memory_space<vmem>> -> memref<2x128xi32, #tpu.memory_space<vmem>>
    %dma_start3A_110 = arith.constant 0 : i32
    %dma_start3A_111 = arith.constant 0 : i32
    %dma_start3A_112 = tpu.memref_slice %arg3[%add3A_101, %dma_start3A_110, %dma_start3A_111] : memref<2528x2x128xi32, #tpu.memory_space<hbm>> -> memref<1x2x128xi32, #tpu.memory_space<hbm>>
    %dma_start3A_113 = tpu.memref_squeeze %dma_start3A_112 : memref<1x2x128xi32, #tpu.memory_space<hbm>> -> memref<2x128xi32, #tpu.memory_space<hbm>>
    %dma_start3A_114 = tpu.memref_slice %arg9[%dma_start3A_104, %dma_start3A_105] : memref<2x4x!tpu.dma_semaphore, #tpu.memory_space<semaphore_mem>> -> memref<1x1x!tpu.dma_semaphore, #tpu.memory_space<semaphore_mem>>
    %dma_start3A_115 = tpu.memref_squeeze %dma_start3A_114 : memref<1x1x!tpu.dma_semaphore, #tpu.memory_space<semaphore_mem>> -> memref<!tpu.dma_semaphore, #tpu.memory_space<semaphore_mem>>
    %dma_start3A_116 = arith.constant 0 : i32
    %dma_start3A_117 = arith.constant 0 : i32
    %dma_start3A_118 = tpu.memref_slice %arg6[%dma_start3A_102, %dma_start3A_103, %dma_start3A_116, %dma_start3A_117] : memref<2x4x2x128xi32, #tpu.memory_space<vmem>> -> memref<1x1x2x128xi32, #tpu.memory_space<vmem>>
    %dma_start3A_119 = tpu.memref_squeeze %dma_start3A_118 : memref<1x1x2x128xi32, #tpu.memory_space<vmem>> -> memref<2x128xi32, #tpu.memory_space<vmem>>
    %dma_start3A_120 = arith.constant 0 : i32
    %dma_start3A_121 = arith.constant 0 : i32
    %dma_start3A_122 = tpu.memref_slice %arg3[%add3A_101, %dma_start3A_120, %dma_start3A_121] : memref<2528x2x128xi32, #tpu.memory_space<hbm>> -> memref<1x2x128xi32, #tpu.memory_space<hbm>>
    %dma_start3A_123 = tpu.memref_squeeze %dma_start3A_122 : memref<1x2x128xi32, #tpu.memory_space<hbm>> -> memref<2x128xi32, #tpu.memory_space<hbm>>
    tpu.enqueue_dma source(%dma_start3A_123 : memref<2x128xi32, #tpu.memory_space<hbm>>) target(%dma_start3A_119 : memref<2x128xi32, #tpu.memory_space<vmem>>) target_semaphore(%dma_start3A_115 : memref<!tpu.dma_semaphore, #tpu.memory_space<semaphore_mem>>)
    %add3A_124 = arith.constant 5 : i32
    %add3A_125 = arith.addi %mul3A_4, %add3A_124 : i32
    %dma_start3A_126 = arith.constant 1 : i32
    %dma_start3A_127 = arith.constant 1 : i32
    %dma_start3A_128 = arith.constant 1 : i32
    %dma_start3A_129 = arith.constant 1 : i32
    %dma_start3A_130 = arith.constant 0 : i32
    %dma_start3A_131 = arith.constant 0 : i32
    %dma_start3A_132 = tpu.memref_slice %arg6[%dma_start3A_126, %dma_start3A_127, %dma_start3A_130, %dma_start3A_131] : memref<2x4x2x128xi32, #tpu.memory_space<vmem>> -> memref<1x1x2x128xi32, #tpu.memory_space<vmem>>
    %dma_start3A_133 = tpu.memref_squeeze %dma_start3A_132 : memref<1x1x2x128xi32, #tpu.memory_space<vmem>> -> memref<2x128xi32, #tpu.memory_space<vmem>>
    %dma_start3A_134 = arith.constant 0 : i32
    %dma_start3A_135 = arith.constant 0 : i32
    %dma_start3A_136 = tpu.memref_slice %arg3[%add3A_125, %dma_start3A_134, %dma_start3A_135] : memref<2528x2x128xi32, #tpu.memory_space<hbm>> -> memref<1x2x128xi32, #tpu.memory_space<hbm>>
    %dma_start3A_137 = tpu.memref_squeeze %dma_start3A_136 : memref<1x2x128xi32, #tpu.memory_space<hbm>> -> memref<2x128xi32, #tpu.memory_space<hbm>>
    %dma_start3A_138 = tpu.memref_slice %arg9[%dma_start3A_128, %dma_start3A_129] : memref<2x4x!tpu.dma_semaphore, #tpu.memory_space<semaphore_mem>> -> memref<1x1x!tpu.dma_semaphore, #tpu.memory_space<semaphore_mem>>
    %dma_start3A_139 = tpu.memref_squeeze %dma_start3A_138 : memref<1x1x!tpu.dma_semaphore, #tpu.memory_space<semaphore_mem>> -> memref<!tpu.dma_semaphore, #tpu.memory_space<semaphore_mem>>
    %dma_start3A_140 = arith.constant 0 : i32
    %dma_start3A_141 = arith.constant 0 : i32
    %dma_start3A_142 = tpu.memref_slice %arg6[%dma_start3A_126, %dma_start3A_127, %dma_start3A_140, %dma_start3A_141] : memref<2x4x2x128xi32, #tpu.memory_space<vmem>> -> memref<1x1x2x128xi32, #tpu.memory_space<vmem>>
    %dma_start3A_143 = tpu.memref_squeeze %dma_start3A_142 : memref<1x1x2x128xi32, #tpu.memory_space<vmem>> -> memref<2x128xi32, #tpu.memory_space<vmem>>
    %dma_start3A_144 = arith.constant 0 : i32
    %dma_start3A_145 = arith.constant 0 : i32
    %dma_start3A_146 = tpu.memref_slice %arg3[%add3A_125, %dma_start3A_144, %dma_start3A_145] : memref<2528x2x128xi32, #tpu.memory_space<hbm>> -> memref<1x2x128xi32, #tpu.memory_space<hbm>>
    %dma_start3A_147 = tpu.memref_squeeze %dma_start3A_146 : memref<1x2x128xi32, #tpu.memory_space<hbm>> -> memref<2x128xi32, #tpu.memory_space<hbm>>
    tpu.enqueue_dma source(%dma_start3A_147 : memref<2x128xi32, #tpu.memory_space<hbm>>) target(%dma_start3A_143 : memref<2x128xi32, #tpu.memory_space<vmem>>) target_semaphore(%dma_start3A_139 : memref<!tpu.dma_semaphore, #tpu.memory_space<semaphore_mem>>)
    %add3A_148 = arith.constant 6 : i32
    %add3A_149 = arith.addi %mul3A_4, %add3A_148 : i32
    %dma_start3A_150 = arith.constant 1 : i32
    %dma_start3A_151 = arith.constant 2 : i32
    %dma_start3A_152 = arith.constant 1 : i32
    %dma_start3A_153 = arith.constant 2 : i32
    %dma_start3A_154 = arith.constant 0 : i32
    %dma_start3A_155 = arith.constant 0 : i32
    %dma_start3A_156 = tpu.memref_slice %arg6[%dma_start3A_150, %dma_start3A_151, %dma_start3A_154, %dma_start3A_155] : memref<2x4x2x128xi32, #tpu.memory_space<vmem>> -> memref<1x1x2x128xi32, #tpu.memory_space<vmem>>
    %dma_start3A_157 = tpu.memref_squeeze %dma_start3A_156 : memref<1x1x2x128xi32, #tpu.memory_space<vmem>> -> memref<2x128xi32, #tpu.memory_space<vmem>>
    %dma_start3A_158 = arith.constant 0 : i32
    %dma_start3A_159 = arith.constant 0 : i32
    %dma_start3A_160 = tpu.memref_slice %arg3[%add3A_149, %dma_start3A_158, %dma_start3A_159] : memref<2528x2x128xi32, #tpu.memory_space<hbm>> -> memref<1x2x128xi32, #tpu.memory_space<hbm>>
    %dma_start3A_161 = tpu.memref_squeeze %dma_start3A_160 : memref<1x2x128xi32, #tpu.memory_space<hbm>> -> memref<2x128xi32, #tpu.memory_space<hbm>>
    %dma_start3A_162 = tpu.memref_slice %arg9[%dma_start3A_152, %dma_start3A_153] : memref<2x4x!tpu.dma_semaphore, #tpu.memory_space<semaphore_mem>> -> memref<1x1x!tpu.dma_semaphore, #tpu.memory_space<semaphore_mem>>
    %dma_start3A_163 = tpu.memref_squeeze %dma_start3A_162 : memref<1x1x!tpu.dma_semaphore, #tpu.memory_space<semaphore_mem>> -> memref<!tpu.dma_semaphore, #tpu.memory_space<semaphore_mem>>
    %dma_start3A_164 = arith.constant 0 : i32
    %dma_start3A_165 = arith.constant 0 : i32
    %dma_start3A_166 = tpu.memref_slice %arg6[%dma_start3A_150, %dma_start3A_151, %dma_start3A_164, %dma_start3A_165] : memref<2x4x2x128xi32, #tpu.memory_space<vmem>> -> memref<1x1x2x128xi32, #tpu.memory_space<vmem>>
    %dma_start3A_167 = tpu.memref_squeeze %dma_start3A_166 : memref<1x1x2x128xi32, #tpu.memory_space<vmem>> -> memref<2x128xi32, #tpu.memory_space<vmem>>
    %dma_start3A_168 = arith.constant 0 : i32
    %dma_start3A_169 = arith.constant 0 : i32
    %dma_start3A_170 = tpu.memref_slice %arg3[%add3A_149, %dma_start3A_168, %dma_start3A_169] : memref<2528x2x128xi32, #tpu.memory_space<hbm>> -> memref<1x2x128xi32, #tpu.memory_space<hbm>>
    %dma_start3A_171 = tpu.memref_squeeze %dma_start3A_170 : memref<1x2x128xi32, #tpu.memory_space<hbm>> -> memref<2x128xi32, #tpu.memory_space<hbm>>
    tpu.enqueue_dma source(%dma_start3A_171 : memref<2x128xi32, #tpu.memory_space<hbm>>) target(%dma_start3A_167 : memref<2x128xi32, #tpu.memory_space<vmem>>) target_semaphore(%dma_start3A_163 : memref<!tpu.dma_semaphore, #tpu.memory_space<semaphore_mem>>)
    %add3A_172 = arith.constant 7 : i32
    %add3A_173 = arith.addi %mul3A_4, %add3A_172 : i32
    %dma_start3A_174 = arith.constant 1 : i32
    %dma_start3A_175 = arith.constant 3 : i32
    %dma_start3A_176 = arith.constant 1 : i32
    %dma_start3A_177 = arith.constant 3 : i32
    %dma_start3A_178 = arith.constant 0 : i32
    %dma_start3A_179 = arith.constant 0 : i32
    %dma_start3A_180 = tpu.memref_slice %arg6[%dma_start3A_174, %dma_start3A_175, %dma_start3A_178, %dma_start3A_179] : memref<2x4x2x128xi32, #tpu.memory_space<vmem>> -> memref<1x1x2x128xi32, #tpu.memory_space<vmem>>
    %dma_start3A_181 = tpu.memref_squeeze %dma_start3A_180 : memref<1x1x2x128xi32, #tpu.memory_space<vmem>> -> memref<2x128xi32, #tpu.memory_space<vmem>>
    %dma_start3A_182 = arith.constant 0 : i32
    %dma_start3A_183 = arith.constant 0 : i32
    %dma_start3A_184 = tpu.memref_slice %arg3[%add3A_173, %dma_start3A_182, %dma_start3A_183] : memref<2528x2x128xi32, #tpu.memory_space<hbm>> -> memref<1x2x128xi32, #tpu.memory_space<hbm>>
    %dma_start3A_185 = tpu.memref_squeeze %dma_start3A_184 : memref<1x2x128xi32, #tpu.memory_space<hbm>> -> memref<2x128xi32, #tpu.memory_space<hbm>>
    %dma_start3A_186 = tpu.memref_slice %arg9[%dma_start3A_176, %dma_start3A_177] : memref<2x4x!tpu.dma_semaphore, #tpu.memory_space<semaphore_mem>> -> memref<1x1x!tpu.dma_semaphore, #tpu.memory_space<semaphore_mem>>
    %dma_start3A_187 = tpu.memref_squeeze %dma_start3A_186 : memref<1x1x!tpu.dma_semaphore, #tpu.memory_space<semaphore_mem>> -> memref<!tpu.dma_semaphore, #tpu.memory_space<semaphore_mem>>
    %dma_start3A_188 = arith.constant 0 : i32
    %dma_start3A_189 = arith.constant 0 : i32
    %dma_start3A_190 = tpu.memref_slice %arg6[%dma_start3A_174, %dma_start3A_175, %dma_start3A_188, %dma_start3A_189] : memref<2x4x2x128xi32, #tpu.memory_space<vmem>> -> memref<1x1x2x128xi32, #tpu.memory_space<vmem>>
    %dma_start3A_191 = tpu.memref_squeeze %dma_start3A_190 : memref<1x1x2x128xi32, #tpu.memory_space<vmem>> -> memref<2x128xi32, #tpu.memory_space<vmem>>
    %dma_start3A_192 = arith.constant 0 : i32
    %dma_start3A_193 = arith.constant 0 : i32
    %dma_start3A_194 = tpu.memref_slice %arg3[%add3A_173, %dma_start3A_192, %dma_start3A_193] : memref<2528x2x128xi32, #tpu.memory_space<hbm>> -> memref<1x2x128xi32, #tpu.memory_space<hbm>>
    %dma_start3A_195 = tpu.memref_squeeze %dma_start3A_194 : memref<1x2x128xi32, #tpu.memory_space<hbm>> -> memref<2x128xi32, #tpu.memory_space<hbm>>
    tpu.enqueue_dma source(%dma_start3A_195 : memref<2x128xi32, #tpu.memory_space<hbm>>) target(%dma_start3A_191 : memref<2x128xi32, #tpu.memory_space<vmem>>) target_semaphore(%dma_start3A_187 : memref<!tpu.dma_semaphore, #tpu.memory_space<semaphore_mem>>)
    %add3A_196 = arith.constant 0 : i32
    %add3A_197 = arith.addi %mul3A_4, %add3A_196 : i32
    %dma_wait3A = arith.constant 0 : i32
    %dma_wait3A_198 = arith.constant 0 : i32
    %dma_wait3A_199 = arith.constant 0 : i32
    %dma_wait3A_200 = arith.constant 0 : i32
    %dma_wait3A_201 = arith.constant 0 : i32
    %dma_wait3A_202 = arith.constant 0 : i32
    %dma_wait3A_203 = tpu.memref_slice %arg6[%dma_wait3A, %dma_wait3A_198, %dma_wait3A_201, %dma_wait3A_202] : memref<2x4x2x128xi32, #tpu.memory_space<vmem>> -> memref<1x1x2x128xi32, #tpu.memory_space<vmem>>
    %dma_wait3A_204 = tpu.memref_squeeze %dma_wait3A_203 : memref<1x1x2x128xi32, #tpu.memory_space<vmem>> -> memref<2x128xi32, #tpu.memory_space<vmem>>
    %dma_wait3A_205 = arith.constant 0 : i32
    %dma_wait3A_206 = arith.constant 0 : i32
    %dma_wait3A_207 = tpu.memref_slice %arg3[%add3A_197, %dma_wait3A_205, %dma_wait3A_206] : memref<2528x2x128xi32, #tpu.memory_space<hbm>> -> memref<1x2x128xi32, #tpu.memory_space<hbm>>
    %dma_wait3A_208 = tpu.memref_squeeze %dma_wait3A_207 : memref<1x2x128xi32, #tpu.memory_space<hbm>> -> memref<2x128xi32, #tpu.memory_space<hbm>>
    %dma_wait3A_209 = tpu.memref_slice %arg9[%dma_wait3A_199, %dma_wait3A_200] : memref<2x4x!tpu.dma_semaphore, #tpu.memory_space<semaphore_mem>> -> memref<1x1x!tpu.dma_semaphore, #tpu.memory_space<semaphore_mem>>
    %dma_wait3A_210 = tpu.memref_squeeze %dma_wait3A_209 : memref<1x1x!tpu.dma_semaphore, #tpu.memory_space<semaphore_mem>> -> memref<!tpu.dma_semaphore, #tpu.memory_space<semaphore_mem>>
    %dma_wait3A_211 = arith.constant 0 : i32
    %dma_wait3A_212 = arith.constant 0 : i32
    %dma_wait3A_213 = tpu.memref_slice %arg6[%dma_wait3A, %dma_wait3A_198, %dma_wait3A_211, %dma_wait3A_212] : memref<2x4x2x128xi32, #tpu.memory_space<vmem>> -> memref<1x1x2x128xi32, #tpu.memory_space<vmem>>
    %dma_wait3A_214 = tpu.memref_squeeze %dma_wait3A_213 : memref<1x1x2x128xi32, #tpu.memory_space<vmem>> -> memref<2x128xi32, #tpu.memory_space<vmem>>
    %dma_wait3A_215 = arith.constant 0 : i32
    %dma_wait3A_216 = arith.constant 0 : i32
    %dma_wait3A_217 = tpu.memref_slice %arg3[%add3A_197, %dma_wait3A_215, %dma_wait3A_216] : memref<2528x2x128xi32, #tpu.memory_space<hbm>> -> memref<1x2x128xi32, #tpu.memory_space<hbm>>
    %dma_wait3A_218 = tpu.memref_squeeze %dma_wait3A_217 : memref<1x2x128xi32, #tpu.memory_space<hbm>> -> memref<2x128xi32, #tpu.memory_space<hbm>>
    tpu.wait_dma2 semaphore(%dma_wait3A_210 : memref<!tpu.dma_semaphore, #tpu.memory_space<semaphore_mem>>) src(%dma_wait3A_218 : memref<2x128xi32, #tpu.memory_space<hbm>>) dst(%dma_wait3A_214 : memref<2x128xi32, #tpu.memory_space<vmem>>)
    %dma_start3A_219 = arith.constant 0 : i32
    %dma_start3A_220 = arith.constant 0 : i32
    %dma_start3A_221 = arith.constant 0 : i32
    %dma_start3A_222 = arith.constant 0 : i32
    %dma_start3A_223 = arith.constant 0 : i32
    %dma_start3A_224 = arith.constant 0 : i32
    %dma_start3A_225 = arith.constant 0 : i32
    %dma_start3A_226 = tpu.memref_slice %arg7[%dma_start3A_222, %dma_start3A_224, %dma_start3A_225] : memref<4x128x16xf32, #tpu.memory_space<vmem>> -> memref<1x128x16xf32, #tpu.memory_space<vmem>>
    %dma_start3A_227 = tpu.memref_squeeze %dma_start3A_226 : memref<1x128x16xf32, #tpu.memory_space<vmem>> -> memref<128x16xf32, #tpu.memory_space<vmem>>
    %dma_start3A_228 = arith.constant 0 : i32
    %dma_start3A_229 = tpu.memref_slice %arg6[%dma_start3A_219, %dma_start3A_220, %dma_start3A_221, %dma_start3A_228] : memref<2x4x2x128xi32, #tpu.memory_space<vmem>> -> memref<1x1x1x128xi32, #tpu.memory_space<vmem>>
    %dma_start3A_230 = tpu.memref_squeeze %dma_start3A_229 : memref<1x1x1x128xi32, #tpu.memory_space<vmem>> -> memref<128xi32, #tpu.memory_space<vmem>>
    %dma_start3A_231 = arith.constant 0 : i32
    %dma_start3A_232 = arith.constant 0 : i32
    %dma_start3A_233 = tpu.memref_slice %arg2[%dma_start3A_231, %dma_start3A_232] : memref<10240x16xf32, #tpu.memory_space<hbm>> -> memref<10240x16xf32, #tpu.memory_space<hbm>>
    %dma_start3A_234 = tpu.memref_slice %arg10[%dma_start3A_223] : memref<4x!tpu.dma_semaphore, #tpu.memory_space<semaphore_mem>> -> memref<1x!tpu.dma_semaphore, #tpu.memory_space<semaphore_mem>>
    %dma_start3A_235 = tpu.memref_squeeze %dma_start3A_234 : memref<1x!tpu.dma_semaphore, #tpu.memory_space<semaphore_mem>> -> memref<!tpu.dma_semaphore, #tpu.memory_space<semaphore_mem>>
    tpu.enqueue_indirect_dma source(%dma_start3A_233 : memref<10240x16xf32, #tpu.memory_space<hbm>>) target(%dma_start3A_227 : memref<128x16xf32, #tpu.memory_space<vmem>>) offsets(%dma_start3A_230 : memref<128xi32, #tpu.memory_space<vmem>>) semaphore(%dma_start3A_235 : memref<!tpu.dma_semaphore, #tpu.memory_space<semaphore_mem>>)
    %add3A_236 = arith.constant 1 : i32
    %add3A_237 = arith.addi %mul3A_4, %add3A_236 : i32
    %dma_wait3A_238 = arith.constant 0 : i32
    %dma_wait3A_239 = arith.constant 1 : i32
    %dma_wait3A_240 = arith.constant 0 : i32
    %dma_wait3A_241 = arith.constant 1 : i32
    %dma_wait3A_242 = arith.constant 0 : i32
    %dma_wait3A_243 = arith.constant 0 : i32
    %dma_wait3A_244 = tpu.memref_slice %arg6[%dma_wait3A_238, %dma_wait3A_239, %dma_wait3A_242, %dma_wait3A_243] : memref<2x4x2x128xi32, #tpu.memory_space<vmem>> -> memref<1x1x2x128xi32, #tpu.memory_space<vmem>>
    %dma_wait3A_245 = tpu.memref_squeeze %dma_wait3A_244 : memref<1x1x2x128xi32, #tpu.memory_space<vmem>> -> memref<2x128xi32, #tpu.memory_space<vmem>>
    %dma_wait3A_246 = arith.constant 0 : i32
    %dma_wait3A_247 = arith.constant 0 : i32
    %dma_wait3A_248 = tpu.memref_slice %arg3[%add3A_237, %dma_wait3A_246, %dma_wait3A_247] : memref<2528x2x128xi32, #tpu.memory_space<hbm>> -> memref<1x2x128xi32, #tpu.memory_space<hbm>>
    %dma_wait3A_249 = tpu.memref_squeeze %dma_wait3A_248 : memref<1x2x128xi32, #tpu.memory_space<hbm>> -> memref<2x128xi32, #tpu.memory_space<hbm>>
    %dma_wait3A_250 = tpu.memref_slice %arg9[%dma_wait3A_240, %dma_wait3A_241] : memref<2x4x!tpu.dma_semaphore, #tpu.memory_space<semaphore_mem>> -> memref<1x1x!tpu.dma_semaphore, #tpu.memory_space<semaphore_mem>>
    %dma_wait3A_251 = tpu.memref_squeeze %dma_wait3A_250 : memref<1x1x!tpu.dma_semaphore, #tpu.memory_space<semaphore_mem>> -> memref<!tpu.dma_semaphore, #tpu.memory_space<semaphore_mem>>
    %dma_wait3A_252 = arith.constant 0 : i32
    %dma_wait3A_253 = arith.constant 0 : i32
    %dma_wait3A_254 = tpu.memref_slice %arg6[%dma_wait3A_238, %dma_wait3A_239, %dma_wait3A_252, %dma_wait3A_253] : memref<2x4x2x128xi32, #tpu.memory_space<vmem>> -> memref<1x1x2x128xi32, #tpu.memory_space<vmem>>
    %dma_wait3A_255 = tpu.memref_squeeze %dma_wait3A_254 : memref<1x1x2x128xi32, #tpu.memory_space<vmem>> -> memref<2x128xi32, #tpu.memory_space<vmem>>
    %dma_wait3A_256 = arith.constant 0 : i32
    %dma_wait3A_257 = arith.constant 0 : i32
    %dma_wait3A_258 = tpu.memref_slice %arg3[%add3A_237, %dma_wait3A_256, %dma_wait3A_257] : memref<2528x2x128xi32, #tpu.memory_space<hbm>> -> memref<1x2x128xi32, #tpu.memory_space<hbm>>
    %dma_wait3A_259 = tpu.memref_squeeze %dma_wait3A_258 : memref<1x2x128xi32, #tpu.memory_space<hbm>> -> memref<2x128xi32, #tpu.memory_space<hbm>>
    tpu.wait_dma2 semaphore(%dma_wait3A_251 : memref<!tpu.dma_semaphore, #tpu.memory_space<semaphore_mem>>) src(%dma_wait3A_259 : memref<2x128xi32, #tpu.memory_space<hbm>>) dst(%dma_wait3A_255 : memref<2x128xi32, #tpu.memory_space<vmem>>)
    %dma_start3A_260 = arith.constant 0 : i32
    %dma_start3A_261 = arith.constant 1 : i32
    %dma_start3A_262 = arith.constant 0 : i32
    %dma_start3A_263 = arith.constant 1 : i32
    %dma_start3A_264 = arith.constant 1 : i32
    %dma_start3A_265 = arith.constant 0 : i32
    %dma_start3A_266 = arith.constant 0 : i32
    %dma_start3A_267 = tpu.memref_slice %arg7[%dma_start3A_263, %dma_start3A_265, %dma_start3A_266] : memref<4x128x16xf32, #tpu.memory_space<vmem>> -> memref<1x128x16xf32, #tpu.memory_space<vmem>>
    %dma_start3A_268 = tpu.memref_squeeze %dma_start3A_267 : memref<1x128x16xf32, #tpu.memory_space<vmem>> -> memref<128x16xf32, #tpu.memory_space<vmem>>
    %dma_start3A_269 = arith.constant 0 : i32
    %dma_start3A_270 = tpu.memref_slice %arg6[%dma_start3A_260, %dma_start3A_261, %dma_start3A_262, %dma_start3A_269] : memref<2x4x2x128xi32, #tpu.memory_space<vmem>> -> memref<1x1x1x128xi32, #tpu.memory_space<vmem>>
    %dma_start3A_271 = tpu.memref_squeeze %dma_start3A_270 : memref<1x1x1x128xi32, #tpu.memory_space<vmem>> -> memref<128xi32, #tpu.memory_space<vmem>>
    %dma_start3A_272 = arith.constant 0 : i32
    %dma_start3A_273 = arith.constant 0 : i32
    %dma_start3A_274 = tpu.memref_slice %arg2[%dma_start3A_272, %dma_start3A_273] : memref<10240x16xf32, #tpu.memory_space<hbm>> -> memref<10240x16xf32, #tpu.memory_space<hbm>>
    %dma_start3A_275 = tpu.memref_slice %arg10[%dma_start3A_264] : memref<4x!tpu.dma_semaphore, #tpu.memory_space<semaphore_mem>> -> memref<1x!tpu.dma_semaphore, #tpu.memory_space<semaphore_mem>>
    %dma_start3A_276 = tpu.memref_squeeze %dma_start3A_275 : memref<1x!tpu.dma_semaphore, #tpu.memory_space<semaphore_mem>> -> memref<!tpu.dma_semaphore, #tpu.memory_space<semaphore_mem>>
    tpu.enqueue_indirect_dma source(%dma_start3A_274 : memref<10240x16xf32, #tpu.memory_space<hbm>>) target(%dma_start3A_268 : memref<128x16xf32, #tpu.memory_space<vmem>>) offsets(%dma_start3A_271 : memref<128xi32, #tpu.memory_space<vmem>>) semaphore(%dma_start3A_276 : memref<!tpu.dma_semaphore, #tpu.memory_space<semaphore_mem>>)
    %add3A_277 = arith.constant 2 : i32
    %add3A_278 = arith.addi %mul3A_4, %add3A_277 : i32
    %dma_wait3A_279 = arith.constant 0 : i32
    %dma_wait3A_280 = arith.constant 2 : i32
    %dma_wait3A_281 = arith.constant 0 : i32
    %dma_wait3A_282 = arith.constant 2 : i32
    %dma_wait3A_283 = arith.constant 0 : i32
    %dma_wait3A_284 = arith.constant 0 : i32
    %dma_wait3A_285 = tpu.memref_slice %arg6[%dma_wait3A_279, %dma_wait3A_280, %dma_wait3A_283, %dma_wait3A_284] : memref<2x4x2x128xi32, #tpu.memory_space<vmem>> -> memref<1x1x2x128xi32, #tpu.memory_space<vmem>>
    %dma_wait3A_286 = tpu.memref_squeeze %dma_wait3A_285 : memref<1x1x2x128xi32, #tpu.memory_space<vmem>> -> memref<2x128xi32, #tpu.memory_space<vmem>>
    %dma_wait3A_287 = arith.constant 0 : i32
    %dma_wait3A_288 = arith.constant 0 : i32
    %dma_wait3A_289 = tpu.memref_slice %arg3[%add3A_278, %dma_wait3A_287, %dma_wait3A_288] : memref<2528x2x128xi32, #tpu.memory_space<hbm>> -> memref<1x2x128xi32, #tpu.memory_space<hbm>>
    %dma_wait3A_290 = tpu.memref_squeeze %dma_wait3A_289 : memref<1x2x128xi32, #tpu.memory_space<hbm>> -> memref<2x128xi32, #tpu.memory_space<hbm>>
    %dma_wait3A_291 = tpu.memref_slice %arg9[%dma_wait3A_281, %dma_wait3A_282] : memref<2x4x!tpu.dma_semaphore, #tpu.memory_space<semaphore_mem>> -> memref<1x1x!tpu.dma_semaphore, #tpu.memory_space<semaphore_mem>>
    %dma_wait3A_292 = tpu.memref_squeeze %dma_wait3A_291 : memref<1x1x!tpu.dma_semaphore, #tpu.memory_space<semaphore_mem>> -> memref<!tpu.dma_semaphore, #tpu.memory_space<semaphore_mem>>
    %dma_wait3A_293 = arith.constant 0 : i32
    %dma_wait3A_294 = arith.constant 0 : i32
    %dma_wait3A_295 = tpu.memref_slice %arg6[%dma_wait3A_279, %dma_wait3A_280, %dma_wait3A_293, %dma_wait3A_294] : memref<2x4x2x128xi32, #tpu.memory_space<vmem>> -> memref<1x1x2x128xi32, #tpu.memory_space<vmem>>
    %dma_wait3A_296 = tpu.memref_squeeze %dma_wait3A_295 : memref<1x1x2x128xi32, #tpu.memory_space<vmem>> -> memref<2x128xi32, #tpu.memory_space<vmem>>
    %dma_wait3A_297 = arith.constant 0 : i32
    %dma_wait3A_298 = arith.constant 0 : i32
    %dma_wait3A_299 = tpu.memref_slice %arg3[%add3A_278, %dma_wait3A_297, %dma_wait3A_298] : memref<2528x2x128xi32, #tpu.memory_space<hbm>> -> memref<1x2x128xi32, #tpu.memory_space<hbm>>
    %dma_wait3A_300 = tpu.memref_squeeze %dma_wait3A_299 : memref<1x2x128xi32, #tpu.memory_space<hbm>> -> memref<2x128xi32, #tpu.memory_space<hbm>>
    tpu.wait_dma2 semaphore(%dma_wait3A_292 : memref<!tpu.dma_semaphore, #tpu.memory_space<semaphore_mem>>) src(%dma_wait3A_300 : memref<2x128xi32, #tpu.memory_space<hbm>>) dst(%dma_wait3A_296 : memref<2x128xi32, #tpu.memory_space<vmem>>)
    %dma_start3A_301 = arith.constant 0 : i32
    %dma_start3A_302 = arith.constant 2 : i32
    %dma_start3A_303 = arith.constant 0 : i32
    %dma_start3A_304 = arith.constant 2 : i32
    %dma_start3A_305 = arith.constant 2 : i32
    %dma_start3A_306 = arith.constant 0 : i32
    %dma_start3A_307 = arith.constant 0 : i32
    %dma_start3A_308 = tpu.memref_slice %arg7[%dma_start3A_304, %dma_start3A_306, %dma_start3A_307] : memref<4x128x16xf32, #tpu.memory_space<vmem>> -> memref<1x128x16xf32, #tpu.memory_space<vmem>>
    %dma_start3A_309 = tpu.memref_squeeze %dma_start3A_308 : memref<1x128x16xf32, #tpu.memory_space<vmem>> -> memref<128x16xf32, #tpu.memory_space<vmem>>
    %dma_start3A_310 = arith.constant 0 : i32
    %dma_start3A_311 = tpu.memref_slice %arg6[%dma_start3A_301, %dma_start3A_302, %dma_start3A_303, %dma_start3A_310] : memref<2x4x2x128xi32, #tpu.memory_space<vmem>> -> memref<1x1x1x128xi32, #tpu.memory_space<vmem>>
    %dma_start3A_312 = tpu.memref_squeeze %dma_start3A_311 : memref<1x1x1x128xi32, #tpu.memory_space<vmem>> -> memref<128xi32, #tpu.memory_space<vmem>>
    %dma_start3A_313 = arith.constant 0 : i32
    %dma_start3A_314 = arith.constant 0 : i32
    %dma_start3A_315 = tpu.memref_slice %arg2[%dma_start3A_313, %dma_start3A_314] : memref<10240x16xf32, #tpu.memory_space<hbm>> -> memref<10240x16xf32, #tpu.memory_space<hbm>>
    %dma_start3A_316 = tpu.memref_slice %arg10[%dma_start3A_305] : memref<4x!tpu.dma_semaphore, #tpu.memory_space<semaphore_mem>> -> memref<1x!tpu.dma_semaphore, #tpu.memory_space<semaphore_mem>>
    %dma_start3A_317 = tpu.memref_squeeze %dma_start3A_316 : memref<1x!tpu.dma_semaphore, #tpu.memory_space<semaphore_mem>> -> memref<!tpu.dma_semaphore, #tpu.memory_space<semaphore_mem>>
    tpu.enqueue_indirect_dma source(%dma_start3A_315 : memref<10240x16xf32, #tpu.memory_space<hbm>>) target(%dma_start3A_309 : memref<128x16xf32, #tpu.memory_space<vmem>>) offsets(%dma_start3A_312 : memref<128xi32, #tpu.memory_space<vmem>>) semaphore(%dma_start3A_317 : memref<!tpu.dma_semaphore, #tpu.memory_space<semaphore_mem>>)
    %add3A_318 = arith.constant 3 : i32
    %add3A_319 = arith.addi %mul3A_4, %add3A_318 : i32
    %dma_wait3A_320 = arith.constant 0 : i32
    %dma_wait3A_321 = arith.constant 3 : i32
    %dma_wait3A_322 = arith.constant 0 : i32
    %dma_wait3A_323 = arith.constant 3 : i32
    %dma_wait3A_324 = arith.constant 0 : i32
    %dma_wait3A_325 = arith.constant 0 : i32
    %dma_wait3A_326 = tpu.memref_slice %arg6[%dma_wait3A_320, %dma_wait3A_321, %dma_wait3A_324, %dma_wait3A_325] : memref<2x4x2x128xi32, #tpu.memory_space<vmem>> -> memref<1x1x2x128xi32, #tpu.memory_space<vmem>>
    %dma_wait3A_327 = tpu.memref_squeeze %dma_wait3A_326 : memref<1x1x2x128xi32, #tpu.memory_space<vmem>> -> memref<2x128xi32, #tpu.memory_space<vmem>>
    %dma_wait3A_328 = arith.constant 0 : i32
    %dma_wait3A_329 = arith.constant 0 : i32
    %dma_wait3A_330 = tpu.memref_slice %arg3[%add3A_319, %dma_wait3A_328, %dma_wait3A_329] : memref<2528x2x128xi32, #tpu.memory_space<hbm>> -> memref<1x2x128xi32, #tpu.memory_space<hbm>>
    %dma_wait3A_331 = tpu.memref_squeeze %dma_wait3A_330 : memref<1x2x128xi32, #tpu.memory_space<hbm>> -> memref<2x128xi32, #tpu.memory_space<hbm>>
    %dma_wait3A_332 = tpu.memref_slice %arg9[%dma_wait3A_322, %dma_wait3A_323] : memref<2x4x!tpu.dma_semaphore, #tpu.memory_space<semaphore_mem>> -> memref<1x1x!tpu.dma_semaphore, #tpu.memory_space<semaphore_mem>>
    %dma_wait3A_333 = tpu.memref_squeeze %dma_wait3A_332 : memref<1x1x!tpu.dma_semaphore, #tpu.memory_space<semaphore_mem>> -> memref<!tpu.dma_semaphore, #tpu.memory_space<semaphore_mem>>
    %dma_wait3A_334 = arith.constant 0 : i32
    %dma_wait3A_335 = arith.constant 0 : i32
    %dma_wait3A_336 = tpu.memref_slice %arg6[%dma_wait3A_320, %dma_wait3A_321, %dma_wait3A_334, %dma_wait3A_335] : memref<2x4x2x128xi32, #tpu.memory_space<vmem>> -> memref<1x1x2x128xi32, #tpu.memory_space<vmem>>
    %dma_wait3A_337 = tpu.memref_squeeze %dma_wait3A_336 : memref<1x1x2x128xi32, #tpu.memory_space<vmem>> -> memref<2x128xi32, #tpu.memory_space<vmem>>
    %dma_wait3A_338 = arith.constant 0 : i32
    %dma_wait3A_339 = arith.constant 0 : i32
    %dma_wait3A_340 = tpu.memref_slice %arg3[%add3A_319, %dma_wait3A_338, %dma_wait3A_339] : memref<2528x2x128xi32, #tpu.memory_space<hbm>> -> memref<1x2x128xi32, #tpu.memory_space<hbm>>
    %dma_wait3A_341 = tpu.memref_squeeze %dma_wait3A_340 : memref<1x2x128xi32, #tpu.memory_space<hbm>> -> memref<2x128xi32, #tpu.memory_space<hbm>>
    tpu.wait_dma2 semaphore(%dma_wait3A_333 : memref<!tpu.dma_semaphore, #tpu.memory_space<semaphore_mem>>) src(%dma_wait3A_341 : memref<2x128xi32, #tpu.memory_space<hbm>>) dst(%dma_wait3A_337 : memref<2x128xi32, #tpu.memory_space<vmem>>)
    %dma_start3A_342 = arith.constant 0 : i32
    %dma_start3A_343 = arith.constant 3 : i32
    %dma_start3A_344 = arith.constant 0 : i32
    %dma_start3A_345 = arith.constant 3 : i32
    %dma_start3A_346 = arith.constant 3 : i32
    %dma_start3A_347 = arith.constant 0 : i32
    %dma_start3A_348 = arith.constant 0 : i32
    %dma_start3A_349 = tpu.memref_slice %arg7[%dma_start3A_345, %dma_start3A_347, %dma_start3A_348] : memref<4x128x16xf32, #tpu.memory_space<vmem>> -> memref<1x128x16xf32, #tpu.memory_space<vmem>>
    %dma_start3A_350 = tpu.memref_squeeze %dma_start3A_349 : memref<1x128x16xf32, #tpu.memory_space<vmem>> -> memref<128x16xf32, #tpu.memory_space<vmem>>
    %dma_start3A_351 = arith.constant 0 : i32
    %dma_start3A_352 = tpu.memref_slice %arg6[%dma_start3A_342, %dma_start3A_343, %dma_start3A_344, %dma_start3A_351] : memref<2x4x2x128xi32, #tpu.memory_space<vmem>> -> memref<1x1x1x128xi32, #tpu.memory_space<vmem>>
    %dma_start3A_353 = tpu.memref_squeeze %dma_start3A_352 : memref<1x1x1x128xi32, #tpu.memory_space<vmem>> -> memref<128xi32, #tpu.memory_space<vmem>>
    %dma_start3A_354 = arith.constant 0 : i32
    %dma_start3A_355 = arith.constant 0 : i32
    %dma_start3A_356 = tpu.memref_slice %arg2[%dma_start3A_354, %dma_start3A_355] : memref<10240x16xf32, #tpu.memory_space<hbm>> -> memref<10240x16xf32, #tpu.memory_space<hbm>>
    %dma_start3A_357 = tpu.memref_slice %arg10[%dma_start3A_346] : memref<4x!tpu.dma_semaphore, #tpu.memory_space<semaphore_mem>> -> memref<1x!tpu.dma_semaphore, #tpu.memory_space<semaphore_mem>>
    %dma_start3A_358 = tpu.memref_squeeze %dma_start3A_357 : memref<1x!tpu.dma_semaphore, #tpu.memory_space<semaphore_mem>> -> memref<!tpu.dma_semaphore, #tpu.memory_space<semaphore_mem>>
    tpu.enqueue_indirect_dma source(%dma_start3A_356 : memref<10240x16xf32, #tpu.memory_space<hbm>>) target(%dma_start3A_350 : memref<128x16xf32, #tpu.memory_space<vmem>>) offsets(%dma_start3A_353 : memref<128xi32, #tpu.memory_space<vmem>>) semaphore(%dma_start3A_358 : memref<!tpu.dma_semaphore, #tpu.memory_space<semaphore_mem>>)
    %scan3A = arith.constant 0 : i32
    %scan3A_359 = arith.constant 0 : i32
    %scan3A_360 = arith.constant 10 : i32
    %scan3A_361 = arith.addi %scan3A_359, %scan3A_360 : i32
    %scan3A_362 = arith.constant 1 : i32
    scf.for %scan3A_368 = %scan3A_359 to %scan3A_361 step %scan3A_362  : i32 {
      %mul3A_369 = arith.constant 2 : i32
      %mul3A_370 = arith.muli %scan3A_368, %mul3A_369 : i32
      %mul3A_371 = arith.constant 4 : i32
      %mul3A_372 = arith.muli %mul3A_370, %mul3A_371 : i32
      %add3A_373 = arith.constant 0 : i32
      %add3A_374 = arith.addi %mul3A_372, %add3A_373 : i32
      %lt3A = arith.constant 79 : i32
      %lt3A_375 = arith.cmpi slt, %add3A_374, %lt3A : i32
      %convert_element_type3A = arith.extui %lt3A_375 : i1 to i32
      %cond3A = arith.constant 0 : i32
      %cond3A_376 = arith.cmpi ne, %convert_element_type3A, %cond3A : i32
      scf.if %cond3A_376 {
        %dma_wait3A_632 = arith.constant 0 : i32
        %dma_wait3A_633 = arith.constant 0 : i32
        %dma_wait3A_634 = arith.constant 0 : i32
        %dma_wait3A_635 = arith.constant 0 : i32
        %dma_wait3A_636 = arith.constant 0 : i32
        %dma_wait3A_637 = arith.constant 0 : i32
        %dma_wait3A_638 = arith.constant 0 : i32
        %dma_wait3A_639 = tpu.memref_slice %arg7[%dma_wait3A_635, %dma_wait3A_637, %dma_wait3A_638] : memref<4x128x16xf32, #tpu.memory_space<vmem>> -> memref<1x128x16xf32, #tpu.memory_space<vmem>>
        %dma_wait3A_640 = tpu.memref_squeeze %dma_wait3A_639 : memref<1x128x16xf32, #tpu.memory_space<vmem>> -> memref<128x16xf32, #tpu.memory_space<vmem>>
        %dma_wait3A_641 = arith.constant 0 : i32
        %dma_wait3A_642 = tpu.memref_slice %arg6[%dma_wait3A_632, %dma_wait3A_633, %dma_wait3A_634, %dma_wait3A_641] : memref<2x4x2x128xi32, #tpu.memory_space<vmem>> -> memref<1x1x1x128xi32, #tpu.memory_space<vmem>>
        %dma_wait3A_643 = tpu.memref_squeeze %dma_wait3A_642 : memref<1x1x1x128xi32, #tpu.memory_space<vmem>> -> memref<128xi32, #tpu.memory_space<vmem>>
        %dma_wait3A_644 = arith.constant 0 : i32
        %dma_wait3A_645 = arith.constant 0 : i32
        %dma_wait3A_646 = tpu.memref_slice %arg2[%dma_wait3A_644, %dma_wait3A_645] : memref<10240x16xf32, #tpu.memory_space<hbm>> -> memref<10240x16xf32, #tpu.memory_space<hbm>>
        %dma_wait3A_647 = tpu.memref_slice %arg10[%dma_wait3A_636] : memref<4x!tpu.dma_semaphore, #tpu.memory_space<semaphore_mem>> -> memref<1x!tpu.dma_semaphore, #tpu.memory_space<semaphore_mem>>
        %dma_wait3A_648 = tpu.memref_squeeze %dma_wait3A_647 : memref<1x!tpu.dma_semaphore, #tpu.memory_space<semaphore_mem>> -> memref<!tpu.dma_semaphore, #tpu.memory_space<semaphore_mem>>
        tpu.wait_indirect_dma semaphore(%dma_wait3A_648 : memref<!tpu.dma_semaphore, #tpu.memory_space<semaphore_mem>>) src(%dma_wait3A_646 : memref<10240x16xf32, #tpu.memory_space<hbm>>) dst(%dma_wait3A_640 : memref<128x16xf32, #tpu.memory_space<vmem>>)
        %dma_start3A_649 = arith.constant 0 : i32
        %dma_start3A_650 = arith.constant 0 : i32
        %dma_start3A_651 = arith.constant 0 : i32
        %dma_start3A_652 = arith.constant 1 : i32
        %dma_start3A_653 = arith.constant 0 : i32
        %dma_start3A_654 = arith.constant 0 : i32
        %dma_start3A_655 = arith.constant 0 : i32
        %dma_start3A_656 = tpu.memref_slice %arg7[%dma_start3A_649, %dma_start3A_654, %dma_start3A_655] : memref<4x128x16xf32, #tpu.memory_space<vmem>> -> memref<1x128x16xf32, #tpu.memory_space<vmem>>
        %dma_start3A_657 = tpu.memref_squeeze %dma_start3A_656 : memref<1x128x16xf32, #tpu.memory_space<vmem>> -> memref<128x16xf32, #tpu.memory_space<vmem>>
        %dma_start3A_658 = arith.constant 0 : i32
        %dma_start3A_659 = tpu.memref_slice %arg6[%dma_start3A_650, %dma_start3A_651, %dma_start3A_652, %dma_start3A_658] : memref<2x4x2x128xi32, #tpu.memory_space<vmem>> -> memref<1x1x1x128xi32, #tpu.memory_space<vmem>>
        %dma_start3A_660 = tpu.memref_squeeze %dma_start3A_659 : memref<1x1x1x128xi32, #tpu.memory_space<vmem>> -> memref<128xi32, #tpu.memory_space<vmem>>
        %dma_start3A_661 = arith.constant 0 : i32
        %dma_start3A_662 = arith.constant 0 : i32
        %dma_start3A_663 = tpu.memref_slice %arg8[%dma_start3A_661, %dma_start3A_662] : memref<10240x16xf32, #tpu.memory_space<vmem_shared>> -> memref<10240x16xf32, #tpu.memory_space<vmem_shared>>
        %dma_start3A_664 = tpu.memref_slice %arg11[%dma_start3A_653] : memref<4x!tpu.dma_semaphore, #tpu.memory_space<semaphore_mem>> -> memref<1x!tpu.dma_semaphore, #tpu.memory_space<semaphore_mem>>
        %dma_start3A_665 = tpu.memref_squeeze %dma_start3A_664 : memref<1x!tpu.dma_semaphore, #tpu.memory_space<semaphore_mem>> -> memref<!tpu.dma_semaphore, #tpu.memory_space<semaphore_mem>>
        tpu.enqueue_indirect_dma source(%dma_start3A_657 : memref<128x16xf32, #tpu.memory_space<vmem>>) target(%dma_start3A_663 : memref<10240x16xf32, #tpu.memory_space<vmem_shared>>) offsets(%dma_start3A_660 : memref<128xi32, #tpu.memory_space<vmem>>) semaphore(%dma_start3A_665 : memref<!tpu.dma_semaphore, #tpu.memory_space<semaphore_mem>>) {add = true}
      } else {
      }
      %add3A_377 = arith.constant 1 : i32
      %add3A_378 = arith.addi %mul3A_372, %add3A_377 : i32
      %lt3A_379 = arith.constant 79 : i32
      %lt3A_380 = arith.cmpi slt, %add3A_378, %lt3A_379 : i32
      %convert_element_type3A_381 = arith.extui %lt3A_380 : i1 to i32
      %cond3A_382 = arith.constant 0 : i32
      %cond3A_383 = arith.cmpi ne, %convert_element_type3A_381, %cond3A_382 : i32
      scf.if %cond3A_383 {
        %dma_wait3A_632 = arith.constant 0 : i32
        %dma_wait3A_633 = arith.constant 1 : i32
        %dma_wait3A_634 = arith.constant 0 : i32
        %dma_wait3A_635 = arith.constant 1 : i32
        %dma_wait3A_636 = arith.constant 1 : i32
        %dma_wait3A_637 = arith.constant 0 : i32
        %dma_wait3A_638 = arith.constant 0 : i32
        %dma_wait3A_639 = tpu.memref_slice %arg7[%dma_wait3A_635, %dma_wait3A_637, %dma_wait3A_638] : memref<4x128x16xf32, #tpu.memory_space<vmem>> -> memref<1x128x16xf32, #tpu.memory_space<vmem>>
        %dma_wait3A_640 = tpu.memref_squeeze %dma_wait3A_639 : memref<1x128x16xf32, #tpu.memory_space<vmem>> -> memref<128x16xf32, #tpu.memory_space<vmem>>
        %dma_wait3A_641 = arith.constant 0 : i32
        %dma_wait3A_642 = tpu.memref_slice %arg6[%dma_wait3A_632, %dma_wait3A_633, %dma_wait3A_634, %dma_wait3A_641] : memref<2x4x2x128xi32, #tpu.memory_space<vmem>> -> memref<1x1x1x128xi32, #tpu.memory_space<vmem>>
        %dma_wait3A_643 = tpu.memref_squeeze %dma_wait3A_642 : memref<1x1x1x128xi32, #tpu.memory_space<vmem>> -> memref<128xi32, #tpu.memory_space<vmem>>
        %dma_wait3A_644 = arith.constant 0 : i32
        %dma_wait3A_645 = arith.constant 0 : i32
        %dma_wait3A_646 = tpu.memref_slice %arg2[%dma_wait3A_644, %dma_wait3A_645] : memref<10240x16xf32, #tpu.memory_space<hbm>> -> memref<10240x16xf32, #tpu.memory_space<hbm>>
        %dma_wait3A_647 = tpu.memref_slice %arg10[%dma_wait3A_636] : memref<4x!tpu.dma_semaphore, #tpu.memory_space<semaphore_mem>> -> memref<1x!tpu.dma_semaphore, #tpu.memory_space<semaphore_mem>>
        %dma_wait3A_648 = tpu.memref_squeeze %dma_wait3A_647 : memref<1x!tpu.dma_semaphore, #tpu.memory_space<semaphore_mem>> -> memref<!tpu.dma_semaphore, #tpu.memory_space<semaphore_mem>>
        tpu.wait_indirect_dma semaphore(%dma_wait3A_648 : memref<!tpu.dma_semaphore, #tpu.memory_space<semaphore_mem>>) src(%dma_wait3A_646 : memref<10240x16xf32, #tpu.memory_space<hbm>>) dst(%dma_wait3A_640 : memref<128x16xf32, #tpu.memory_space<vmem>>)
        %dma_start3A_649 = arith.constant 1 : i32
        %dma_start3A_650 = arith.constant 0 : i32
        %dma_start3A_651 = arith.constant 1 : i32
        %dma_start3A_652 = arith.constant 1 : i32
        %dma_start3A_653 = arith.constant 1 : i32
        %dma_start3A_654 = arith.constant 0 : i32
        %dma_start3A_655 = arith.constant 0 : i32
        %dma_start3A_656 = tpu.memref_slice %arg7[%dma_start3A_649, %dma_start3A_654, %dma_start3A_655] : memref<4x128x16xf32, #tpu.memory_space<vmem>> -> memref<1x128x16xf32, #tpu.memory_space<vmem>>
        %dma_start3A_657 = tpu.memref_squeeze %dma_start3A_656 : memref<1x128x16xf32, #tpu.memory_space<vmem>> -> memref<128x16xf32, #tpu.memory_space<vmem>>
        %dma_start3A_658 = arith.constant 0 : i32
        %dma_start3A_659 = tpu.memref_slice %arg6[%dma_start3A_650, %dma_start3A_651, %dma_start3A_652, %dma_start3A_658] : memref<2x4x2x128xi32, #tpu.memory_space<vmem>> -> memref<1x1x1x128xi32, #tpu.memory_space<vmem>>
        %dma_start3A_660 = tpu.memref_squeeze %dma_start3A_659 : memref<1x1x1x128xi32, #tpu.memory_space<vmem>> -> memref<128xi32, #tpu.memory_space<vmem>>
        %dma_start3A_661 = arith.constant 0 : i32
        %dma_start3A_662 = arith.constant 0 : i32
        %dma_start3A_663 = tpu.memref_slice %arg8[%dma_start3A_661, %dma_start3A_662] : memref<10240x16xf32, #tpu.memory_space<vmem_shared>> -> memref<10240x16xf32, #tpu.memory_space<vmem_shared>>
        %dma_start3A_664 = tpu.memref_slice %arg11[%dma_start3A_653] : memref<4x!tpu.dma_semaphore, #tpu.memory_space<semaphore_mem>> -> memref<1x!tpu.dma_semaphore, #tpu.memory_space<semaphore_mem>>
        %dma_start3A_665 = tpu.memref_squeeze %dma_start3A_664 : memref<1x!tpu.dma_semaphore, #tpu.memory_space<semaphore_mem>> -> memref<!tpu.dma_semaphore, #tpu.memory_space<semaphore_mem>>
        tpu.enqueue_indirect_dma source(%dma_start3A_657 : memref<128x16xf32, #tpu.memory_space<vmem>>) target(%dma_start3A_663 : memref<10240x16xf32, #tpu.memory_space<vmem_shared>>) offsets(%dma_start3A_660 : memref<128xi32, #tpu.memory_space<vmem>>) semaphore(%dma_start3A_665 : memref<!tpu.dma_semaphore, #tpu.memory_space<semaphore_mem>>) {add = true}
      } else {
      }
      %add3A_384 = arith.constant 2 : i32
      %add3A_385 = arith.addi %mul3A_372, %add3A_384 : i32
      %lt3A_386 = arith.constant 79 : i32
      %lt3A_387 = arith.cmpi slt, %add3A_385, %lt3A_386 : i32
      %convert_element_type3A_388 = arith.extui %lt3A_387 : i1 to i32
      %cond3A_389 = arith.constant 0 : i32
      %cond3A_390 = arith.cmpi ne, %convert_element_type3A_388, %cond3A_389 : i32
      scf.if %cond3A_390 {
        %dma_wait3A_632 = arith.constant 0 : i32
        %dma_wait3A_633 = arith.constant 2 : i32
        %dma_wait3A_634 = arith.constant 0 : i32
        %dma_wait3A_635 = arith.constant 2 : i32
        %dma_wait3A_636 = arith.constant 2 : i32
        %dma_wait3A_637 = arith.constant 0 : i32
        %dma_wait3A_638 = arith.constant 0 : i32
        %dma_wait3A_639 = tpu.memref_slice %arg7[%dma_wait3A_635, %dma_wait3A_637, %dma_wait3A_638] : memref<4x128x16xf32, #tpu.memory_space<vmem>> -> memref<1x128x16xf32, #tpu.memory_space<vmem>>
        %dma_wait3A_640 = tpu.memref_squeeze %dma_wait3A_639 : memref<1x128x16xf32, #tpu.memory_space<vmem>> -> memref<128x16xf32, #tpu.memory_space<vmem>>
        %dma_wait3A_641 = arith.constant 0 : i32
        %dma_wait3A_642 = tpu.memref_slice %arg6[%dma_wait3A_632, %dma_wait3A_633, %dma_wait3A_634, %dma_wait3A_641] : memref<2x4x2x128xi32, #tpu.memory_space<vmem>> -> memref<1x1x1x128xi32, #tpu.memory_space<vmem>>
        %dma_wait3A_643 = tpu.memref_squeeze %dma_wait3A_642 : memref<1x1x1x128xi32, #tpu.memory_space<vmem>> -> memref<128xi32, #tpu.memory_space<vmem>>
        %dma_wait3A_644 = arith.constant 0 : i32
        %dma_wait3A_645 = arith.constant 0 : i32
        %dma_wait3A_646 = tpu.memref_slice %arg2[%dma_wait3A_644, %dma_wait3A_645] : memref<10240x16xf32, #tpu.memory_space<hbm>> -> memref<10240x16xf32, #tpu.memory_space<hbm>>
        %dma_wait3A_647 = tpu.memref_slice %arg10[%dma_wait3A_636] : memref<4x!tpu.dma_semaphore, #tpu.memory_space<semaphore_mem>> -> memref<1x!tpu.dma_semaphore, #tpu.memory_space<semaphore_mem>>
        %dma_wait3A_648 = tpu.memref_squeeze %dma_wait3A_647 : memref<1x!tpu.dma_semaphore, #tpu.memory_space<semaphore_mem>> -> memref<!tpu.dma_semaphore, #tpu.memory_space<semaphore_mem>>
        tpu.wait_indirect_dma semaphore(%dma_wait3A_648 : memref<!tpu.dma_semaphore, #tpu.memory_space<semaphore_mem>>) src(%dma_wait3A_646 : memref<10240x16xf32, #tpu.memory_space<hbm>>) dst(%dma_wait3A_640 : memref<128x16xf32, #tpu.memory_space<vmem>>)
        %dma_start3A_649 = arith.constant 2 : i32
        %dma_start3A_650 = arith.constant 0 : i32
        %dma_start3A_651 = arith.constant 2 : i32
        %dma_start3A_652 = arith.constant 1 : i32
        %dma_start3A_653 = arith.constant 2 : i32
        %dma_start3A_654 = arith.constant 0 : i32
        %dma_start3A_655 = arith.constant 0 : i32
        %dma_start3A_656 = tpu.memref_slice %arg7[%dma_start3A_649, %dma_start3A_654, %dma_start3A_655] : memref<4x128x16xf32, #tpu.memory_space<vmem>> -> memref<1x128x16xf32, #tpu.memory_space<vmem>>
        %dma_start3A_657 = tpu.memref_squeeze %dma_start3A_656 : memref<1x128x16xf32, #tpu.memory_space<vmem>> -> memref<128x16xf32, #tpu.memory_space<vmem>>
        %dma_start3A_658 = arith.constant 0 : i32
        %dma_start3A_659 = tpu.memref_slice %arg6[%dma_start3A_650, %dma_start3A_651, %dma_start3A_652, %dma_start3A_658] : memref<2x4x2x128xi32, #tpu.memory_space<vmem>> -> memref<1x1x1x128xi32, #tpu.memory_space<vmem>>
        %dma_start3A_660 = tpu.memref_squeeze %dma_start3A_659 : memref<1x1x1x128xi32, #tpu.memory_space<vmem>> -> memref<128xi32, #tpu.memory_space<vmem>>
        %dma_start3A_661 = arith.constant 0 : i32
        %dma_start3A_662 = arith.constant 0 : i32
        %dma_start3A_663 = tpu.memref_slice %arg8[%dma_start3A_661, %dma_start3A_662] : memref<10240x16xf32, #tpu.memory_space<vmem_shared>> -> memref<10240x16xf32, #tpu.memory_space<vmem_shared>>
        %dma_start3A_664 = tpu.memref_slice %arg11[%dma_start3A_653] : memref<4x!tpu.dma_semaphore, #tpu.memory_space<semaphore_mem>> -> memref<1x!tpu.dma_semaphore, #tpu.memory_space<semaphore_mem>>
        %dma_start3A_665 = tpu.memref_squeeze %dma_start3A_664 : memref<1x!tpu.dma_semaphore, #tpu.memory_space<semaphore_mem>> -> memref<!tpu.dma_semaphore, #tpu.memory_space<semaphore_mem>>
        tpu.enqueue_indirect_dma source(%dma_start3A_657 : memref<128x16xf32, #tpu.memory_space<vmem>>) target(%dma_start3A_663 : memref<10240x16xf32, #tpu.memory_space<vmem_shared>>) offsets(%dma_start3A_660 : memref<128xi32, #tpu.memory_space<vmem>>) semaphore(%dma_start3A_665 : memref<!tpu.dma_semaphore, #tpu.memory_space<semaphore_mem>>) {add = true}
      } else {
      }
      %add3A_391 = arith.constant 3 : i32
      %add3A_392 = arith.addi %mul3A_372, %add3A_391 : i32
      %lt3A_393 = arith.constant 79 : i32
      %lt3A_394 = arith.cmpi slt, %add3A_392, %lt3A_393 : i32
      %convert_element_type3A_395 = arith.extui %lt3A_394 : i1 to i32
      %cond3A_396 = arith.constant 0 : i32
      %cond3A_397 = arith.cmpi ne, %convert_element_type3A_395, %cond3A_396 : i32
      scf.if %cond3A_397 {
        %dma_wait3A_632 = arith.constant 0 : i32
        %dma_wait3A_633 = arith.constant 3 : i32
        %dma_wait3A_634 = arith.constant 0 : i32
        %dma_wait3A_635 = arith.constant 3 : i32
        %dma_wait3A_636 = arith.constant 3 : i32
        %dma_wait3A_637 = arith.constant 0 : i32
        %dma_wait3A_638 = arith.constant 0 : i32
        %dma_wait3A_639 = tpu.memref_slice %arg7[%dma_wait3A_635, %dma_wait3A_637, %dma_wait3A_638] : memref<4x128x16xf32, #tpu.memory_space<vmem>> -> memref<1x128x16xf32, #tpu.memory_space<vmem>>
        %dma_wait3A_640 = tpu.memref_squeeze %dma_wait3A_639 : memref<1x128x16xf32, #tpu.memory_space<vmem>> -> memref<128x16xf32, #tpu.memory_space<vmem>>
        %dma_wait3A_641 = arith.constant 0 : i32
        %dma_wait3A_642 = tpu.memref_slice %arg6[%dma_wait3A_632, %dma_wait3A_633, %dma_wait3A_634, %dma_wait3A_641] : memref<2x4x2x128xi32, #tpu.memory_space<vmem>> -> memref<1x1x1x128xi32, #tpu.memory_space<vmem>>
        %dma_wait3A_643 = tpu.memref_squeeze %dma_wait3A_642 : memref<1x1x1x128xi32, #tpu.memory_space<vmem>> -> memref<128xi32, #tpu.memory_space<vmem>>
        %dma_wait3A_644 = arith.constant 0 : i32
        %dma_wait3A_645 = arith.constant 0 : i32
        %dma_wait3A_646 = tpu.memref_slice %arg2[%dma_wait3A_644, %dma_wait3A_645] : memref<10240x16xf32, #tpu.memory_space<hbm>> -> memref<10240x16xf32, #tpu.memory_space<hbm>>
        %dma_wait3A_647 = tpu.memref_slice %arg10[%dma_wait3A_636] : memref<4x!tpu.dma_semaphore, #tpu.memory_space<semaphore_mem>> -> memref<1x!tpu.dma_semaphore, #tpu.memory_space<semaphore_mem>>
        %dma_wait3A_648 = tpu.memref_squeeze %dma_wait3A_647 : memref<1x!tpu.dma_semaphore, #tpu.memory_space<semaphore_mem>> -> memref<!tpu.dma_semaphore, #tpu.memory_space<semaphore_mem>>
        tpu.wait_indirect_dma semaphore(%dma_wait3A_648 : memref<!tpu.dma_semaphore, #tpu.memory_space<semaphore_mem>>) src(%dma_wait3A_646 : memref<10240x16xf32, #tpu.memory_space<hbm>>) dst(%dma_wait3A_640 : memref<128x16xf32, #tpu.memory_space<vmem>>)
        %dma_start3A_649 = arith.constant 3 : i32
        %dma_start3A_650 = arith.constant 0 : i32
        %dma_start3A_651 = arith.constant 3 : i32
        %dma_start3A_652 = arith.constant 1 : i32
        %dma_start3A_653 = arith.constant 3 : i32
        %dma_start3A_654 = arith.constant 0 : i32
        %dma_start3A_655 = arith.constant 0 : i32
        %dma_start3A_656 = tpu.memref_slice %arg7[%dma_start3A_649, %dma_start3A_654, %dma_start3A_655] : memref<4x128x16xf32, #tpu.memory_space<vmem>> -> memref<1x128x16xf32, #tpu.memory_space<vmem>>
        %dma_start3A_657 = tpu.memref_squeeze %dma_start3A_656 : memref<1x128x16xf32, #tpu.memory_space<vmem>> -> memref<128x16xf32, #tpu.memory_space<vmem>>
        %dma_start3A_658 = arith.constant 0 : i32
        %dma_start3A_659 = tpu.memref_slice %arg6[%dma_start3A_650, %dma_start3A_651, %dma_start3A_652, %dma_start3A_658] : memref<2x4x2x128xi32, #tpu.memory_space<vmem>> -> memref<1x1x1x128xi32, #tpu.memory_space<vmem>>
        %dma_start3A_660 = tpu.memref_squeeze %dma_start3A_659 : memref<1x1x1x128xi32, #tpu.memory_space<vmem>> -> memref<128xi32, #tpu.memory_space<vmem>>
        %dma_start3A_661 = arith.constant 0 : i32
        %dma_start3A_662 = arith.constant 0 : i32
        %dma_start3A_663 = tpu.memref_slice %arg8[%dma_start3A_661, %dma_start3A_662] : memref<10240x16xf32, #tpu.memory_space<vmem_shared>> -> memref<10240x16xf32, #tpu.memory_space<vmem_shared>>
        %dma_start3A_664 = tpu.memref_slice %arg11[%dma_start3A_653] : memref<4x!tpu.dma_semaphore, #tpu.memory_space<semaphore_mem>> -> memref<1x!tpu.dma_semaphore, #tpu.memory_space<semaphore_mem>>
        %dma_start3A_665 = tpu.memref_squeeze %dma_start3A_664 : memref<1x!tpu.dma_semaphore, #tpu.memory_space<semaphore_mem>> -> memref<!tpu.dma_semaphore, #tpu.memory_space<semaphore_mem>>
        tpu.enqueue_indirect_dma source(%dma_start3A_657 : memref<128x16xf32, #tpu.memory_space<vmem>>) target(%dma_start3A_663 : memref<10240x16xf32, #tpu.memory_space<vmem_shared>>) offsets(%dma_start3A_660 : memref<128xi32, #tpu.memory_space<vmem>>) semaphore(%dma_start3A_665 : memref<!tpu.dma_semaphore, #tpu.memory_space<semaphore_mem>>) {add = true}
      } else {
      }
      %add3A_398 = arith.constant 4 : i32
      %add3A_399 = arith.addi %mul3A_372, %add3A_398 : i32
      %add3A_400 = arith.constant 0 : i32
      %add3A_401 = arith.addi %add3A_399, %add3A_400 : i32
      %add3A_402 = arith.constant 8 : i32
      %add3A_403 = arith.addi %mul3A_372, %add3A_402 : i32
      %add3A_404 = arith.constant 0 : i32
      %add3A_405 = arith.addi %add3A_403, %add3A_404 : i32
      %add3A_406 = arith.constant 0 : i32
      %add3A_407 = arith.addi %mul3A_372, %add3A_406 : i32
      %lt3A_408 = arith.constant 79 : i32
      %lt3A_409 = arith.cmpi slt, %add3A_407, %lt3A_408 : i32
      %convert_element_type3A_410 = arith.extui %lt3A_409 : i1 to i32
      %cond3A_411 = arith.constant 0 : i32
      %cond3A_412 = arith.cmpi ne, %convert_element_type3A_410, %cond3A_411 : i32
      scf.if %cond3A_412 {
        %dma_wait3A_632 = arith.constant 0 : i32
        %dma_wait3A_633 = arith.constant 0 : i32
        %dma_wait3A_634 = arith.constant 0 : i32
        %dma_wait3A_635 = arith.constant 1 : i32
        %dma_wait3A_636 = arith.constant 0 : i32
        %dma_wait3A_637 = arith.constant 0 : i32
        %dma_wait3A_638 = arith.constant 0 : i32
        %dma_wait3A_639 = tpu.memref_slice %arg7[%dma_wait3A_632, %dma_wait3A_637, %dma_wait3A_638] : memref<4x128x16xf32, #tpu.memory_space<vmem>> -> memref<1x128x16xf32, #tpu.memory_space<vmem>>
        %dma_wait3A_640 = tpu.memref_squeeze %dma_wait3A_639 : memref<1x128x16xf32, #tpu.memory_space<vmem>> -> memref<128x16xf32, #tpu.memory_space<vmem>>
        %dma_wait3A_641 = arith.constant 0 : i32
        %dma_wait3A_642 = tpu.memref_slice %arg6[%dma_wait3A_633, %dma_wait3A_634, %dma_wait3A_635, %dma_wait3A_641] : memref<2x4x2x128xi32, #tpu.memory_space<vmem>> -> memref<1x1x1x128xi32, #tpu.memory_space<vmem>>
        %dma_wait3A_643 = tpu.memref_squeeze %dma_wait3A_642 : memref<1x1x1x128xi32, #tpu.memory_space<vmem>> -> memref<128xi32, #tpu.memory_space<vmem>>
        %dma_wait3A_644 = arith.constant 0 : i32
        %dma_wait3A_645 = arith.constant 0 : i32
        %dma_wait3A_646 = tpu.memref_slice %arg8[%dma_wait3A_644, %dma_wait3A_645] : memref<10240x16xf32, #tpu.memory_space<vmem_shared>> -> memref<10240x16xf32, #tpu.memory_space<vmem_shared>>
        %dma_wait3A_647 = tpu.memref_slice %arg11[%dma_wait3A_636] : memref<4x!tpu.dma_semaphore, #tpu.memory_space<semaphore_mem>> -> memref<1x!tpu.dma_semaphore, #tpu.memory_space<semaphore_mem>>
        %dma_wait3A_648 = tpu.memref_squeeze %dma_wait3A_647 : memref<1x!tpu.dma_semaphore, #tpu.memory_space<semaphore_mem>> -> memref<!tpu.dma_semaphore, #tpu.memory_space<semaphore_mem>>
        tpu.wait_indirect_dma semaphore(%dma_wait3A_648 : memref<!tpu.dma_semaphore, #tpu.memory_space<semaphore_mem>>) src(%dma_wait3A_640 : memref<128x16xf32, #tpu.memory_space<vmem>>) dst(%dma_wait3A_646 : memref<10240x16xf32, #tpu.memory_space<vmem_shared>>)
      } else {
      }
      %lt3A_413 = arith.constant 79 : i32
      %lt3A_414 = arith.cmpi slt, %add3A_401, %lt3A_413 : i32
      %convert_element_type3A_415 = arith.extui %lt3A_414 : i1 to i32
      %cond3A_416 = arith.constant 0 : i32
      %cond3A_417 = arith.cmpi ne, %convert_element_type3A_415, %cond3A_416 : i32
      scf.if %cond3A_417 {
        %add3A_632 = arith.addi %mul3A_4, %add3A_401 : i32
        %dma_wait3A_633 = arith.constant 1 : i32
        %dma_wait3A_634 = arith.constant 0 : i32
        %dma_wait3A_635 = arith.constant 1 : i32
        %dma_wait3A_636 = arith.constant 0 : i32
        %dma_wait3A_637 = arith.constant 0 : i32
        %dma_wait3A_638 = arith.constant 0 : i32
        %dma_wait3A_639 = tpu.memref_slice %arg6[%dma_wait3A_633, %dma_wait3A_634, %dma_wait3A_637, %dma_wait3A_638] : memref<2x4x2x128xi32, #tpu.memory_space<vmem>> -> memref<1x1x2x128xi32, #tpu.memory_space<vmem>>
        %dma_wait3A_640 = tpu.memref_squeeze %dma_wait3A_639 : memref<1x1x2x128xi32, #tpu.memory_space<vmem>> -> memref<2x128xi32, #tpu.memory_space<vmem>>
        %dma_wait3A_641 = arith.constant 0 : i32
        %dma_wait3A_642 = arith.constant 0 : i32
        %dma_wait3A_643 = tpu.memref_slice %arg3[%add3A_632, %dma_wait3A_641, %dma_wait3A_642] : memref<2528x2x128xi32, #tpu.memory_space<hbm>> -> memref<1x2x128xi32, #tpu.memory_space<hbm>>
        %dma_wait3A_644 = tpu.memref_squeeze %dma_wait3A_643 : memref<1x2x128xi32, #tpu.memory_space<hbm>> -> memref<2x128xi32, #tpu.memory_space<hbm>>
        %dma_wait3A_645 = tpu.memref_slice %arg9[%dma_wait3A_635, %dma_wait3A_636] : memref<2x4x!tpu.dma_semaphore, #tpu.memory_space<semaphore_mem>> -> memref<1x1x!tpu.dma_semaphore, #tpu.memory_space<semaphore_mem>>
        %dma_wait3A_646 = tpu.memref_squeeze %dma_wait3A_645 : memref<1x1x!tpu.dma_semaphore, #tpu.memory_space<semaphore_mem>> -> memref<!tpu.dma_semaphore, #tpu.memory_space<semaphore_mem>>
        %dma_wait3A_647 = arith.constant 0 : i32
        %dma_wait3A_648 = arith.constant 0 : i32
        %dma_wait3A_649 = tpu.memref_slice %arg6[%dma_wait3A_633, %dma_wait3A_634, %dma_wait3A_647, %dma_wait3A_648] : memref<2x4x2x128xi32, #tpu.memory_space<vmem>> -> memref<1x1x2x128xi32, #tpu.memory_space<vmem>>
        %dma_wait3A_650 = tpu.memref_squeeze %dma_wait3A_649 : memref<1x1x2x128xi32, #tpu.memory_space<vmem>> -> memref<2x128xi32, #tpu.memory_space<vmem>>
        %dma_wait3A_651 = arith.constant 0 : i32
        %dma_wait3A_652 = arith.constant 0 : i32
        %dma_wait3A_653 = tpu.memref_slice %arg3[%add3A_632, %dma_wait3A_651, %dma_wait3A_652] : memref<2528x2x128xi32, #tpu.memory_space<hbm>> -> memref<1x2x128xi32, #tpu.memory_space<hbm>>
        %dma_wait3A_654 = tpu.memref_squeeze %dma_wait3A_653 : memref<1x2x128xi32, #tpu.memory_space<hbm>> -> memref<2x128xi32, #tpu.memory_space<hbm>>
        tpu.wait_dma2 semaphore(%dma_wait3A_646 : memref<!tpu.dma_semaphore, #tpu.memory_space<semaphore_mem>>) src(%dma_wait3A_654 : memref<2x128xi32, #tpu.memory_space<hbm>>) dst(%dma_wait3A_650 : memref<2x128xi32, #tpu.memory_space<vmem>>)
        %dma_start3A_655 = arith.constant 1 : i32
        %dma_start3A_656 = arith.constant 0 : i32
        %dma_start3A_657 = arith.constant 0 : i32
        %dma_start3A_658 = arith.constant 0 : i32
        %dma_start3A_659 = arith.constant 0 : i32
        %dma_start3A_660 = arith.constant 0 : i32
        %dma_start3A_661 = arith.constant 0 : i32
        %dma_start3A_662 = tpu.memref_slice %arg7[%dma_start3A_658, %dma_start3A_660, %dma_start3A_661] : memref<4x128x16xf32, #tpu.memory_space<vmem>> -> memref<1x128x16xf32, #tpu.memory_space<vmem>>
        %dma_start3A_663 = tpu.memref_squeeze %dma_start3A_662 : memref<1x128x16xf32, #tpu.memory_space<vmem>> -> memref<128x16xf32, #tpu.memory_space<vmem>>
        %dma_start3A_664 = arith.constant 0 : i32
        %dma_start3A_665 = tpu.memref_slice %arg6[%dma_start3A_655, %dma_start3A_656, %dma_start3A_657, %dma_start3A_664] : memref<2x4x2x128xi32, #tpu.memory_space<vmem>> -> memref<1x1x1x128xi32, #tpu.memory_space<vmem>>
        %dma_start3A_666 = tpu.memref_squeeze %dma_start3A_665 : memref<1x1x1x128xi32, #tpu.memory_space<vmem>> -> memref<128xi32, #tpu.memory_space<vmem>>
        %dma_start3A_667 = arith.constant 0 : i32
        %dma_start3A_668 = arith.constant 0 : i32
        %dma_start3A_669 = tpu.memref_slice %arg2[%dma_start3A_667, %dma_start3A_668] : memref<10240x16xf32, #tpu.memory_space<hbm>> -> memref<10240x16xf32, #tpu.memory_space<hbm>>
        %dma_start3A_670 = tpu.memref_slice %arg10[%dma_start3A_659] : memref<4x!tpu.dma_semaphore, #tpu.memory_space<semaphore_mem>> -> memref<1x!tpu.dma_semaphore, #tpu.memory_space<semaphore_mem>>
        %dma_start3A_671 = tpu.memref_squeeze %dma_start3A_670 : memref<1x!tpu.dma_semaphore, #tpu.memory_space<semaphore_mem>> -> memref<!tpu.dma_semaphore, #tpu.memory_space<semaphore_mem>>
        tpu.enqueue_indirect_dma source(%dma_start3A_669 : memref<10240x16xf32, #tpu.memory_space<hbm>>) target(%dma_start3A_663 : memref<128x16xf32, #tpu.memory_space<vmem>>) offsets(%dma_start3A_666 : memref<128xi32, #tpu.memory_space<vmem>>) semaphore(%dma_start3A_671 : memref<!tpu.dma_semaphore, #tpu.memory_space<semaphore_mem>>)
      } else {
      }
      %lt3A_418 = arith.constant 79 : i32
      %lt3A_419 = arith.cmpi slt, %add3A_405, %lt3A_418 : i32
      %convert_element_type3A_420 = arith.extui %lt3A_419 : i1 to i32
      %cond3A_421 = arith.constant 0 : i32
      %cond3A_422 = arith.cmpi ne, %convert_element_type3A_420, %cond3A_421 : i32
      scf.if %cond3A_422 {
        %add3A_632 = arith.addi %mul3A_4, %add3A_405 : i32
        %dma_start3A_633 = arith.constant 0 : i32
        %dma_start3A_634 = arith.constant 0 : i32
        %dma_start3A_635 = arith.constant 0 : i32
        %dma_start3A_636 = arith.constant 0 : i32
        %dma_start3A_637 = arith.constant 0 : i32
        %dma_start3A_638 = arith.constant 0 : i32
        %dma_start3A_639 = tpu.memref_slice %arg6[%dma_start3A_633, %dma_start3A_634, %dma_start3A_637, %dma_start3A_638] : memref<2x4x2x128xi32, #tpu.memory_space<vmem>> -> memref<1x1x2x128xi32, #tpu.memory_space<vmem>>
        %dma_start3A_640 = tpu.memref_squeeze %dma_start3A_639 : memref<1x1x2x128xi32, #tpu.memory_space<vmem>> -> memref<2x128xi32, #tpu.memory_space<vmem>>
        %dma_start3A_641 = arith.constant 0 : i32
        %dma_start3A_642 = arith.constant 0 : i32
        %dma_start3A_643 = tpu.memref_slice %arg3[%add3A_632, %dma_start3A_641, %dma_start3A_642] : memref<2528x2x128xi32, #tpu.memory_space<hbm>> -> memref<1x2x128xi32, #tpu.memory_space<hbm>>
        %dma_start3A_644 = tpu.memref_squeeze %dma_start3A_643 : memref<1x2x128xi32, #tpu.memory_space<hbm>> -> memref<2x128xi32, #tpu.memory_space<hbm>>
        %dma_start3A_645 = tpu.memref_slice %arg9[%dma_start3A_635, %dma_start3A_636] : memref<2x4x!tpu.dma_semaphore, #tpu.memory_space<semaphore_mem>> -> memref<1x1x!tpu.dma_semaphore, #tpu.memory_space<semaphore_mem>>
        %dma_start3A_646 = tpu.memref_squeeze %dma_start3A_645 : memref<1x1x!tpu.dma_semaphore, #tpu.memory_space<semaphore_mem>> -> memref<!tpu.dma_semaphore, #tpu.memory_space<semaphore_mem>>
        %dma_start3A_647 = arith.constant 0 : i32
        %dma_start3A_648 = arith.constant 0 : i32
        %dma_start3A_649 = tpu.memref_slice %arg6[%dma_start3A_633, %dma_start3A_634, %dma_start3A_647, %dma_start3A_648] : memref<2x4x2x128xi32, #tpu.memory_space<vmem>> -> memref<1x1x2x128xi32, #tpu.memory_space<vmem>>
        %dma_start3A_650 = tpu.memref_squeeze %dma_start3A_649 : memref<1x1x2x128xi32, #tpu.memory_space<vmem>> -> memref<2x128xi32, #tpu.memory_space<vmem>>
        %dma_start3A_651 = arith.constant 0 : i32
        %dma_start3A_652 = arith.constant 0 : i32
        %dma_start3A_653 = tpu.memref_slice %arg3[%add3A_632, %dma_start3A_651, %dma_start3A_652] : memref<2528x2x128xi32, #tpu.memory_space<hbm>> -> memref<1x2x128xi32, #tpu.memory_space<hbm>>
        %dma_start3A_654 = tpu.memref_squeeze %dma_start3A_653 : memref<1x2x128xi32, #tpu.memory_space<hbm>> -> memref<2x128xi32, #tpu.memory_space<hbm>>
        tpu.enqueue_dma source(%dma_start3A_654 : memref<2x128xi32, #tpu.memory_space<hbm>>) target(%dma_start3A_650 : memref<2x128xi32, #tpu.memory_space<vmem>>) target_semaphore(%dma_start3A_646 : memref<!tpu.dma_semaphore, #tpu.memory_space<semaphore_mem>>)
      } else {
      }
      %add3A_423 = arith.constant 4 : i32
      %add3A_424 = arith.addi %mul3A_372, %add3A_423 : i32
      %add3A_425 = arith.constant 1 : i32
      %add3A_426 = arith.addi %add3A_424, %add3A_425 : i32
      %add3A_427 = arith.constant 8 : i32
      %add3A_428 = arith.addi %mul3A_372, %add3A_427 : i32
      %add3A_429 = arith.constant 1 : i32
      %add3A_430 = arith.addi %add3A_428, %add3A_429 : i32
      %add3A_431 = arith.constant 1 : i32
      %add3A_432 = arith.addi %mul3A_372, %add3A_431 : i32
      %lt3A_433 = arith.constant 79 : i32
      %lt3A_434 = arith.cmpi slt, %add3A_432, %lt3A_433 : i32
      %convert_element_type3A_435 = arith.extui %lt3A_434 : i1 to i32
      %cond3A_436 = arith.constant 0 : i32
      %cond3A_437 = arith.cmpi ne, %convert_element_type3A_435, %cond3A_436 : i32
      scf.if %cond3A_437 {
        %dma_wait3A_632 = arith.constant 1 : i32
        %dma_wait3A_633 = arith.constant 0 : i32
        %dma_wait3A_634 = arith.constant 1 : i32
        %dma_wait3A_635 = arith.constant 1 : i32
        %dma_wait3A_636 = arith.constant 1 : i32
        %dma_wait3A_637 = arith.constant 0 : i32
        %dma_wait3A_638 = arith.constant 0 : i32
        %dma_wait3A_639 = tpu.memref_slice %arg7[%dma_wait3A_632, %dma_wait3A_637, %dma_wait3A_638] : memref<4x128x16xf32, #tpu.memory_space<vmem>> -> memref<1x128x16xf32, #tpu.memory_space<vmem>>
        %dma_wait3A_640 = tpu.memref_squeeze %dma_wait3A_639 : memref<1x128x16xf32, #tpu.memory_space<vmem>> -> memref<128x16xf32, #tpu.memory_space<vmem>>
        %dma_wait3A_641 = arith.constant 0 : i32
        %dma_wait3A_642 = tpu.memref_slice %arg6[%dma_wait3A_633, %dma_wait3A_634, %dma_wait3A_635, %dma_wait3A_641] : memref<2x4x2x128xi32, #tpu.memory_space<vmem>> -> memref<1x1x1x128xi32, #tpu.memory_space<vmem>>
        %dma_wait3A_643 = tpu.memref_squeeze %dma_wait3A_642 : memref<1x1x1x128xi32, #tpu.memory_space<vmem>> -> memref<128xi32, #tpu.memory_space<vmem>>
        %dma_wait3A_644 = arith.constant 0 : i32
        %dma_wait3A_645 = arith.constant 0 : i32
        %dma_wait3A_646 = tpu.memref_slice %arg8[%dma_wait3A_644, %dma_wait3A_645] : memref<10240x16xf32, #tpu.memory_space<vmem_shared>> -> memref<10240x16xf32, #tpu.memory_space<vmem_shared>>
        %dma_wait3A_647 = tpu.memref_slice %arg11[%dma_wait3A_636] : memref<4x!tpu.dma_semaphore, #tpu.memory_space<semaphore_mem>> -> memref<1x!tpu.dma_semaphore, #tpu.memory_space<semaphore_mem>>
        %dma_wait3A_648 = tpu.memref_squeeze %dma_wait3A_647 : memref<1x!tpu.dma_semaphore, #tpu.memory_space<semaphore_mem>> -> memref<!tpu.dma_semaphore, #tpu.memory_space<semaphore_mem>>
        tpu.wait_indirect_dma semaphore(%dma_wait3A_648 : memref<!tpu.dma_semaphore, #tpu.memory_space<semaphore_mem>>) src(%dma_wait3A_640 : memref<128x16xf32, #tpu.memory_space<vmem>>) dst(%dma_wait3A_646 : memref<10240x16xf32, #tpu.memory_space<vmem_shared>>)
      } else {
      }
      %lt3A_438 = arith.constant 79 : i32
      %lt3A_439 = arith.cmpi slt, %add3A_426, %lt3A_438 : i32
      %convert_element_type3A_440 = arith.extui %lt3A_439 : i1 to i32
      %cond3A_441 = arith.constant 0 : i32
      %cond3A_442 = arith.cmpi ne, %convert_element_type3A_440, %cond3A_441 : i32
      scf.if %cond3A_442 {
        %add3A_632 = arith.addi %mul3A_4, %add3A_426 : i32
        %dma_wait3A_633 = arith.constant 1 : i32
        %dma_wait3A_634 = arith.constant 1 : i32
        %dma_wait3A_635 = arith.constant 1 : i32
        %dma_wait3A_636 = arith.constant 1 : i32
        %dma_wait3A_637 = arith.constant 0 : i32
        %dma_wait3A_638 = arith.constant 0 : i32
        %dma_wait3A_639 = tpu.memref_slice %arg6[%dma_wait3A_633, %dma_wait3A_634, %dma_wait3A_637, %dma_wait3A_638] : memref<2x4x2x128xi32, #tpu.memory_space<vmem>> -> memref<1x1x2x128xi32, #tpu.memory_space<vmem>>
        %dma_wait3A_640 = tpu.memref_squeeze %dma_wait3A_639 : memref<1x1x2x128xi32, #tpu.memory_space<vmem>> -> memref<2x128xi32, #tpu.memory_space<vmem>>
        %dma_wait3A_641 = arith.constant 0 : i32
        %dma_wait3A_642 = arith.constant 0 : i32
        %dma_wait3A_643 = tpu.memref_slice %arg3[%add3A_632, %dma_wait3A_641, %dma_wait3A_642] : memref<2528x2x128xi32, #tpu.memory_space<hbm>> -> memref<1x2x128xi32, #tpu.memory_space<hbm>>
        %dma_wait3A_644 = tpu.memref_squeeze %dma_wait3A_643 : memref<1x2x128xi32, #tpu.memory_space<hbm>> -> memref<2x128xi32, #tpu.memory_space<hbm>>
        %dma_wait3A_645 = tpu.memref_slice %arg9[%dma_wait3A_635, %dma_wait3A_636] : memref<2x4x!tpu.dma_semaphore, #tpu.memory_space<semaphore_mem>> -> memref<1x1x!tpu.dma_semaphore, #tpu.memory_space<semaphore_mem>>
        %dma_wait3A_646 = tpu.memref_squeeze %dma_wait3A_645 : memref<1x1x!tpu.dma_semaphore, #tpu.memory_space<semaphore_mem>> -> memref<!tpu.dma_semaphore, #tpu.memory_space<semaphore_mem>>
        %dma_wait3A_647 = arith.constant 0 : i32
        %dma_wait3A_648 = arith.constant 0 : i32
        %dma_wait3A_649 = tpu.memref_slice %arg6[%dma_wait3A_633, %dma_wait3A_634, %dma_wait3A_647, %dma_wait3A_648] : memref<2x4x2x128xi32, #tpu.memory_space<vmem>> -> memref<1x1x2x128xi32, #tpu.memory_space<vmem>>
        %dma_wait3A_650 = tpu.memref_squeeze %dma_wait3A_649 : memref<1x1x2x128xi32, #tpu.memory_space<vmem>> -> memref<2x128xi32, #tpu.memory_space<vmem>>
        %dma_wait3A_651 = arith.constant 0 : i32
        %dma_wait3A_652 = arith.constant 0 : i32
        %dma_wait3A_653 = tpu.memref_slice %arg3[%add3A_632, %dma_wait3A_651, %dma_wait3A_652] : memref<2528x2x128xi32, #tpu.memory_space<hbm>> -> memref<1x2x128xi32, #tpu.memory_space<hbm>>
        %dma_wait3A_654 = tpu.memref_squeeze %dma_wait3A_653 : memref<1x2x128xi32, #tpu.memory_space<hbm>> -> memref<2x128xi32, #tpu.memory_space<hbm>>
        tpu.wait_dma2 semaphore(%dma_wait3A_646 : memref<!tpu.dma_semaphore, #tpu.memory_space<semaphore_mem>>) src(%dma_wait3A_654 : memref<2x128xi32, #tpu.memory_space<hbm>>) dst(%dma_wait3A_650 : memref<2x128xi32, #tpu.memory_space<vmem>>)
        %dma_start3A_655 = arith.constant 1 : i32
        %dma_start3A_656 = arith.constant 1 : i32
        %dma_start3A_657 = arith.constant 0 : i32
        %dma_start3A_658 = arith.constant 1 : i32
        %dma_start3A_659 = arith.constant 1 : i32
        %dma_start3A_660 = arith.constant 0 : i32
        %dma_start3A_661 = arith.constant 0 : i32
        %dma_start3A_662 = tpu.memref_slice %arg7[%dma_start3A_658, %dma_start3A_660, %dma_start3A_661] : memref<4x128x16xf32, #tpu.memory_space<vmem>> -> memref<1x128x16xf32, #tpu.memory_space<vmem>>
        %dma_start3A_663 = tpu.memref_squeeze %dma_start3A_662 : memref<1x128x16xf32, #tpu.memory_space<vmem>> -> memref<128x16xf32, #tpu.memory_space<vmem>>
        %dma_start3A_664 = arith.constant 0 : i32
        %dma_start3A_665 = tpu.memref_slice %arg6[%dma_start3A_655, %dma_start3A_656, %dma_start3A_657, %dma_start3A_664] : memref<2x4x2x128xi32, #tpu.memory_space<vmem>> -> memref<1x1x1x128xi32, #tpu.memory_space<vmem>>
        %dma_start3A_666 = tpu.memref_squeeze %dma_start3A_665 : memref<1x1x1x128xi32, #tpu.memory_space<vmem>> -> memref<128xi32, #tpu.memory_space<vmem>>
        %dma_start3A_667 = arith.constant 0 : i32
        %dma_start3A_668 = arith.constant 0 : i32
        %dma_start3A_669 = tpu.memref_slice %arg2[%dma_start3A_667, %dma_start3A_668] : memref<10240x16xf32, #tpu.memory_space<hbm>> -> memref<10240x16xf32, #tpu.memory_space<hbm>>
        %dma_start3A_670 = tpu.memref_slice %arg10[%dma_start3A_659] : memref<4x!tpu.dma_semaphore, #tpu.memory_space<semaphore_mem>> -> memref<1x!tpu.dma_semaphore, #tpu.memory_space<semaphore_mem>>
        %dma_start3A_671 = tpu.memref_squeeze %dma_start3A_670 : memref<1x!tpu.dma_semaphore, #tpu.memory_space<semaphore_mem>> -> memref<!tpu.dma_semaphore, #tpu.memory_space<semaphore_mem>>
        tpu.enqueue_indirect_dma source(%dma_start3A_669 : memref<10240x16xf32, #tpu.memory_space<hbm>>) target(%dma_start3A_663 : memref<128x16xf32, #tpu.memory_space<vmem>>) offsets(%dma_start3A_666 : memref<128xi32, #tpu.memory_space<vmem>>) semaphore(%dma_start3A_671 : memref<!tpu.dma_semaphore, #tpu.memory_space<semaphore_mem>>)
      } else {
      }
      %lt3A_443 = arith.constant 79 : i32
      %lt3A_444 = arith.cmpi slt, %add3A_430, %lt3A_443 : i32
      %convert_element_type3A_445 = arith.extui %lt3A_444 : i1 to i32
      %cond3A_446 = arith.constant 0 : i32
      %cond3A_447 = arith.cmpi ne, %convert_element_type3A_445, %cond3A_446 : i32
      scf.if %cond3A_447 {
        %add3A_632 = arith.addi %mul3A_4, %add3A_430 : i32
        %dma_start3A_633 = arith.constant 0 : i32
        %dma_start3A_634 = arith.constant 1 : i32
        %dma_start3A_635 = arith.constant 0 : i32
        %dma_start3A_636 = arith.constant 1 : i32
        %dma_start3A_637 = arith.constant 0 : i32
        %dma_start3A_638 = arith.constant 0 : i32
        %dma_start3A_639 = tpu.memref_slice %arg6[%dma_start3A_633, %dma_start3A_634, %dma_start3A_637, %dma_start3A_638] : memref<2x4x2x128xi32, #tpu.memory_space<vmem>> -> memref<1x1x2x128xi32, #tpu.memory_space<vmem>>
        %dma_start3A_640 = tpu.memref_squeeze %dma_start3A_639 : memref<1x1x2x128xi32, #tpu.memory_space<vmem>> -> memref<2x128xi32, #tpu.memory_space<vmem>>
        %dma_start3A_641 = arith.constant 0 : i32
        %dma_start3A_642 = arith.constant 0 : i32
        %dma_start3A_643 = tpu.memref_slice %arg3[%add3A_632, %dma_start3A_641, %dma_start3A_642] : memref<2528x2x128xi32, #tpu.memory_space<hbm>> -> memref<1x2x128xi32, #tpu.memory_space<hbm>>
        %dma_start3A_644 = tpu.memref_squeeze %dma_start3A_643 : memref<1x2x128xi32, #tpu.memory_space<hbm>> -> memref<2x128xi32, #tpu.memory_space<hbm>>
        %dma_start3A_645 = tpu.memref_slice %arg9[%dma_start3A_635, %dma_start3A_636] : memref<2x4x!tpu.dma_semaphore, #tpu.memory_space<semaphore_mem>> -> memref<1x1x!tpu.dma_semaphore, #tpu.memory_space<semaphore_mem>>
        %dma_start3A_646 = tpu.memref_squeeze %dma_start3A_645 : memref<1x1x!tpu.dma_semaphore, #tpu.memory_space<semaphore_mem>> -> memref<!tpu.dma_semaphore, #tpu.memory_space<semaphore_mem>>
        %dma_start3A_647 = arith.constant 0 : i32
        %dma_start3A_648 = arith.constant 0 : i32
        %dma_start3A_649 = tpu.memref_slice %arg6[%dma_start3A_633, %dma_start3A_634, %dma_start3A_647, %dma_start3A_648] : memref<2x4x2x128xi32, #tpu.memory_space<vmem>> -> memref<1x1x2x128xi32, #tpu.memory_space<vmem>>
        %dma_start3A_650 = tpu.memref_squeeze %dma_start3A_649 : memref<1x1x2x128xi32, #tpu.memory_space<vmem>> -> memref<2x128xi32, #tpu.memory_space<vmem>>
        %dma_start3A_651 = arith.constant 0 : i32
        %dma_start3A_652 = arith.constant 0 : i32
        %dma_start3A_653 = tpu.memref_slice %arg3[%add3A_632, %dma_start3A_651, %dma_start3A_652] : memref<2528x2x128xi32, #tpu.memory_space<hbm>> -> memref<1x2x128xi32, #tpu.memory_space<hbm>>
        %dma_start3A_654 = tpu.memref_squeeze %dma_start3A_653 : memref<1x2x128xi32, #tpu.memory_space<hbm>> -> memref<2x128xi32, #tpu.memory_space<hbm>>
        tpu.enqueue_dma source(%dma_start3A_654 : memref<2x128xi32, #tpu.memory_space<hbm>>) target(%dma_start3A_650 : memref<2x128xi32, #tpu.memory_space<vmem>>) target_semaphore(%dma_start3A_646 : memref<!tpu.dma_semaphore, #tpu.memory_space<semaphore_mem>>)
      } else {
      }
      %add3A_448 = arith.constant 4 : i32
      %add3A_449 = arith.addi %mul3A_372, %add3A_448 : i32
      %add3A_450 = arith.constant 2 : i32
      %add3A_451 = arith.addi %add3A_449, %add3A_450 : i32
      %add3A_452 = arith.constant 8 : i32
      %add3A_453 = arith.addi %mul3A_372, %add3A_452 : i32
      %add3A_454 = arith.constant 2 : i32
      %add3A_455 = arith.addi %add3A_453, %add3A_454 : i32
      %add3A_456 = arith.constant 2 : i32
      %add3A_457 = arith.addi %mul3A_372, %add3A_456 : i32
      %lt3A_458 = arith.constant 79 : i32
      %lt3A_459 = arith.cmpi slt, %add3A_457, %lt3A_458 : i32
      %convert_element_type3A_460 = arith.extui %lt3A_459 : i1 to i32
      %cond3A_461 = arith.constant 0 : i32
      %cond3A_462 = arith.cmpi ne, %convert_element_type3A_460, %cond3A_461 : i32
      scf.if %cond3A_462 {
        %dma_wait3A_632 = arith.constant 2 : i32
        %dma_wait3A_633 = arith.constant 0 : i32
        %dma_wait3A_634 = arith.constant 2 : i32
        %dma_wait3A_635 = arith.constant 1 : i32
        %dma_wait3A_636 = arith.constant 2 : i32
        %dma_wait3A_637 = arith.constant 0 : i32
        %dma_wait3A_638 = arith.constant 0 : i32
        %dma_wait3A_639 = tpu.memref_slice %arg7[%dma_wait3A_632, %dma_wait3A_637, %dma_wait3A_638] : memref<4x128x16xf32, #tpu.memory_space<vmem>> -> memref<1x128x16xf32, #tpu.memory_space<vmem>>
        %dma_wait3A_640 = tpu.memref_squeeze %dma_wait3A_639 : memref<1x128x16xf32, #tpu.memory_space<vmem>> -> memref<128x16xf32, #tpu.memory_space<vmem>>
        %dma_wait3A_641 = arith.constant 0 : i32
        %dma_wait3A_642 = tpu.memref_slice %arg6[%dma_wait3A_633, %dma_wait3A_634, %dma_wait3A_635, %dma_wait3A_641] : memref<2x4x2x128xi32, #tpu.memory_space<vmem>> -> memref<1x1x1x128xi32, #tpu.memory_space<vmem>>
        %dma_wait3A_643 = tpu.memref_squeeze %dma_wait3A_642 : memref<1x1x1x128xi32, #tpu.memory_space<vmem>> -> memref<128xi32, #tpu.memory_space<vmem>>
        %dma_wait3A_644 = arith.constant 0 : i32
        %dma_wait3A_645 = arith.constant 0 : i32
        %dma_wait3A_646 = tpu.memref_slice %arg8[%dma_wait3A_644, %dma_wait3A_645] : memref<10240x16xf32, #tpu.memory_space<vmem_shared>> -> memref<10240x16xf32, #tpu.memory_space<vmem_shared>>
        %dma_wait3A_647 = tpu.memref_slice %arg11[%dma_wait3A_636] : memref<4x!tpu.dma_semaphore, #tpu.memory_space<semaphore_mem>> -> memref<1x!tpu.dma_semaphore, #tpu.memory_space<semaphore_mem>>
        %dma_wait3A_648 = tpu.memref_squeeze %dma_wait3A_647 : memref<1x!tpu.dma_semaphore, #tpu.memory_space<semaphore_mem>> -> memref<!tpu.dma_semaphore, #tpu.memory_space<semaphore_mem>>
        tpu.wait_indirect_dma semaphore(%dma_wait3A_648 : memref<!tpu.dma_semaphore, #tpu.memory_space<semaphore_mem>>) src(%dma_wait3A_640 : memref<128x16xf32, #tpu.memory_space<vmem>>) dst(%dma_wait3A_646 : memref<10240x16xf32, #tpu.memory_space<vmem_shared>>)
      } else {
      }
      %lt3A_463 = arith.constant 79 : i32
      %lt3A_464 = arith.cmpi slt, %add3A_451, %lt3A_463 : i32
      %convert_element_type3A_465 = arith.extui %lt3A_464 : i1 to i32
      %cond3A_466 = arith.constant 0 : i32
      %cond3A_467 = arith.cmpi ne, %convert_element_type3A_465, %cond3A_466 : i32
      scf.if %cond3A_467 {
        %add3A_632 = arith.addi %mul3A_4, %add3A_451 : i32
        %dma_wait3A_633 = arith.constant 1 : i32
        %dma_wait3A_634 = arith.constant 2 : i32
        %dma_wait3A_635 = arith.constant 1 : i32
        %dma_wait3A_636 = arith.constant 2 : i32
        %dma_wait3A_637 = arith.constant 0 : i32
        %dma_wait3A_638 = arith.constant 0 : i32
        %dma_wait3A_639 = tpu.memref_slice %arg6[%dma_wait3A_633, %dma_wait3A_634, %dma_wait3A_637, %dma_wait3A_638] : memref<2x4x2x128xi32, #tpu.memory_space<vmem>> -> memref<1x1x2x128xi32, #tpu.memory_space<vmem>>
        %dma_wait3A_640 = tpu.memref_squeeze %dma_wait3A_639 : memref<1x1x2x128xi32, #tpu.memory_space<vmem>> -> memref<2x128xi32, #tpu.memory_space<vmem>>
        %dma_wait3A_641 = arith.constant 0 : i32
        %dma_wait3A_642 = arith.constant 0 : i32
        %dma_wait3A_643 = tpu.memref_slice %arg3[%add3A_632, %dma_wait3A_641, %dma_wait3A_642] : memref<2528x2x128xi32, #tpu.memory_space<hbm>> -> memref<1x2x128xi32, #tpu.memory_space<hbm>>
        %dma_wait3A_644 = tpu.memref_squeeze %dma_wait3A_643 : memref<1x2x128xi32, #tpu.memory_space<hbm>> -> memref<2x128xi32, #tpu.memory_space<hbm>>
        %dma_wait3A_645 = tpu.memref_slice %arg9[%dma_wait3A_635, %dma_wait3A_636] : memref<2x4x!tpu.dma_semaphore, #tpu.memory_space<semaphore_mem>> -> memref<1x1x!tpu.dma_semaphore, #tpu.memory_space<semaphore_mem>>
        %dma_wait3A_646 = tpu.memref_squeeze %dma_wait3A_645 : memref<1x1x!tpu.dma_semaphore, #tpu.memory_space<semaphore_mem>> -> memref<!tpu.dma_semaphore, #tpu.memory_space<semaphore_mem>>
        %dma_wait3A_647 = arith.constant 0 : i32
        %dma_wait3A_648 = arith.constant 0 : i32
        %dma_wait3A_649 = tpu.memref_slice %arg6[%dma_wait3A_633, %dma_wait3A_634, %dma_wait3A_647, %dma_wait3A_648] : memref<2x4x2x128xi32, #tpu.memory_space<vmem>> -> memref<1x1x2x128xi32, #tpu.memory_space<vmem>>
        %dma_wait3A_650 = tpu.memref_squeeze %dma_wait3A_649 : memref<1x1x2x128xi32, #tpu.memory_space<vmem>> -> memref<2x128xi32, #tpu.memory_space<vmem>>
        %dma_wait3A_651 = arith.constant 0 : i32
        %dma_wait3A_652 = arith.constant 0 : i32
        %dma_wait3A_653 = tpu.memref_slice %arg3[%add3A_632, %dma_wait3A_651, %dma_wait3A_652] : memref<2528x2x128xi32, #tpu.memory_space<hbm>> -> memref<1x2x128xi32, #tpu.memory_space<hbm>>
        %dma_wait3A_654 = tpu.memref_squeeze %dma_wait3A_653 : memref<1x2x128xi32, #tpu.memory_space<hbm>> -> memref<2x128xi32, #tpu.memory_space<hbm>>
        tpu.wait_dma2 semaphore(%dma_wait3A_646 : memref<!tpu.dma_semaphore, #tpu.memory_space<semaphore_mem>>) src(%dma_wait3A_654 : memref<2x128xi32, #tpu.memory_space<hbm>>) dst(%dma_wait3A_650 : memref<2x128xi32, #tpu.memory_space<vmem>>)
        %dma_start3A_655 = arith.constant 1 : i32
        %dma_start3A_656 = arith.constant 2 : i32
        %dma_start3A_657 = arith.constant 0 : i32
        %dma_start3A_658 = arith.constant 2 : i32
        %dma_start3A_659 = arith.constant 2 : i32
        %dma_start3A_660 = arith.constant 0 : i32
        %dma_start3A_661 = arith.constant 0 : i32
        %dma_start3A_662 = tpu.memref_slice %arg7[%dma_start3A_658, %dma_start3A_660, %dma_start3A_661] : memref<4x128x16xf32, #tpu.memory_space<vmem>> -> memref<1x128x16xf32, #tpu.memory_space<vmem>>
        %dma_start3A_663 = tpu.memref_squeeze %dma_start3A_662 : memref<1x128x16xf32, #tpu.memory_space<vmem>> -> memref<128x16xf32, #tpu.memory_space<vmem>>
        %dma_start3A_664 = arith.constant 0 : i32
        %dma_start3A_665 = tpu.memref_slice %arg6[%dma_start3A_655, %dma_start3A_656, %dma_start3A_657, %dma_start3A_664] : memref<2x4x2x128xi32, #tpu.memory_space<vmem>> -> memref<1x1x1x128xi32, #tpu.memory_space<vmem>>
        %dma_start3A_666 = tpu.memref_squeeze %dma_start3A_665 : memref<1x1x1x128xi32, #tpu.memory_space<vmem>> -> memref<128xi32, #tpu.memory_space<vmem>>
        %dma_start3A_667 = arith.constant 0 : i32
        %dma_start3A_668 = arith.constant 0 : i32
        %dma_start3A_669 = tpu.memref_slice %arg2[%dma_start3A_667, %dma_start3A_668] : memref<10240x16xf32, #tpu.memory_space<hbm>> -> memref<10240x16xf32, #tpu.memory_space<hbm>>
        %dma_start3A_670 = tpu.memref_slice %arg10[%dma_start3A_659] : memref<4x!tpu.dma_semaphore, #tpu.memory_space<semaphore_mem>> -> memref<1x!tpu.dma_semaphore, #tpu.memory_space<semaphore_mem>>
        %dma_start3A_671 = tpu.memref_squeeze %dma_start3A_670 : memref<1x!tpu.dma_semaphore, #tpu.memory_space<semaphore_mem>> -> memref<!tpu.dma_semaphore, #tpu.memory_space<semaphore_mem>>
        tpu.enqueue_indirect_dma source(%dma_start3A_669 : memref<10240x16xf32, #tpu.memory_space<hbm>>) target(%dma_start3A_663 : memref<128x16xf32, #tpu.memory_space<vmem>>) offsets(%dma_start3A_666 : memref<128xi32, #tpu.memory_space<vmem>>) semaphore(%dma_start3A_671 : memref<!tpu.dma_semaphore, #tpu.memory_space<semaphore_mem>>)
      } else {
      }
      %lt3A_468 = arith.constant 79 : i32
      %lt3A_469 = arith.cmpi slt, %add3A_455, %lt3A_468 : i32
      %convert_element_type3A_470 = arith.extui %lt3A_469 : i1 to i32
      %cond3A_471 = arith.constant 0 : i32
      %cond3A_472 = arith.cmpi ne, %convert_element_type3A_470, %cond3A_471 : i32
      scf.if %cond3A_472 {
        %add3A_632 = arith.addi %mul3A_4, %add3A_455 : i32
        %dma_start3A_633 = arith.constant 0 : i32
        %dma_start3A_634 = arith.constant 2 : i32
        %dma_start3A_635 = arith.constant 0 : i32
        %dma_start3A_636 = arith.constant 2 : i32
        %dma_start3A_637 = arith.constant 0 : i32
        %dma_start3A_638 = arith.constant 0 : i32
        %dma_start3A_639 = tpu.memref_slice %arg6[%dma_start3A_633, %dma_start3A_634, %dma_start3A_637, %dma_start3A_638] : memref<2x4x2x128xi32, #tpu.memory_space<vmem>> -> memref<1x1x2x128xi32, #tpu.memory_space<vmem>>
        %dma_start3A_640 = tpu.memref_squeeze %dma_start3A_639 : memref<1x1x2x128xi32, #tpu.memory_space<vmem>> -> memref<2x128xi32, #tpu.memory_space<vmem>>
        %dma_start3A_641 = arith.constant 0 : i32
        %dma_start3A_642 = arith.constant 0 : i32
        %dma_start3A_643 = tpu.memref_slice %arg3[%add3A_632, %dma_start3A_641, %dma_start3A_642] : memref<2528x2x128xi32, #tpu.memory_space<hbm>> -> memref<1x2x128xi32, #tpu.memory_space<hbm>>
        %dma_start3A_644 = tpu.memref_squeeze %dma_start3A_643 : memref<1x2x128xi32, #tpu.memory_space<hbm>> -> memref<2x128xi32, #tpu.memory_space<hbm>>
        %dma_start3A_645 = tpu.memref_slice %arg9[%dma_start3A_635, %dma_start3A_636] : memref<2x4x!tpu.dma_semaphore, #tpu.memory_space<semaphore_mem>> -> memref<1x1x!tpu.dma_semaphore, #tpu.memory_space<semaphore_mem>>
        %dma_start3A_646 = tpu.memref_squeeze %dma_start3A_645 : memref<1x1x!tpu.dma_semaphore, #tpu.memory_space<semaphore_mem>> -> memref<!tpu.dma_semaphore, #tpu.memory_space<semaphore_mem>>
        %dma_start3A_647 = arith.constant 0 : i32
        %dma_start3A_648 = arith.constant 0 : i32
        %dma_start3A_649 = tpu.memref_slice %arg6[%dma_start3A_633, %dma_start3A_634, %dma_start3A_647, %dma_start3A_648] : memref<2x4x2x128xi32, #tpu.memory_space<vmem>> -> memref<1x1x2x128xi32, #tpu.memory_space<vmem>>
        %dma_start3A_650 = tpu.memref_squeeze %dma_start3A_649 : memref<1x1x2x128xi32, #tpu.memory_space<vmem>> -> memref<2x128xi32, #tpu.memory_space<vmem>>
        %dma_start3A_651 = arith.constant 0 : i32
        %dma_start3A_652 = arith.constant 0 : i32
        %dma_start3A_653 = tpu.memref_slice %arg3[%add3A_632, %dma_start3A_651, %dma_start3A_652] : memref<2528x2x128xi32, #tpu.memory_space<hbm>> -> memref<1x2x128xi32, #tpu.memory_space<hbm>>
        %dma_start3A_654 = tpu.memref_squeeze %dma_start3A_653 : memref<1x2x128xi32, #tpu.memory_space<hbm>> -> memref<2x128xi32, #tpu.memory_space<hbm>>
        tpu.enqueue_dma source(%dma_start3A_654 : memref<2x128xi32, #tpu.memory_space<hbm>>) target(%dma_start3A_650 : memref<2x128xi32, #tpu.memory_space<vmem>>) target_semaphore(%dma_start3A_646 : memref<!tpu.dma_semaphore, #tpu.memory_space<semaphore_mem>>)
      } else {
      }
      %add3A_473 = arith.constant 4 : i32
      %add3A_474 = arith.addi %mul3A_372, %add3A_473 : i32
      %add3A_475 = arith.constant 3 : i32
      %add3A_476 = arith.addi %add3A_474, %add3A_475 : i32
      %add3A_477 = arith.constant 8 : i32
      %add3A_478 = arith.addi %mul3A_372, %add3A_477 : i32
      %add3A_479 = arith.constant 3 : i32
      %add3A_480 = arith.addi %add3A_478, %add3A_479 : i32
      %add3A_481 = arith.constant 3 : i32
      %add3A_482 = arith.addi %mul3A_372, %add3A_481 : i32
      %lt3A_483 = arith.constant 79 : i32
      %lt3A_484 = arith.cmpi slt, %add3A_482, %lt3A_483 : i32
      %convert_element_type3A_485 = arith.extui %lt3A_484 : i1 to i32
      %cond3A_486 = arith.constant 0 : i32
      %cond3A_487 = arith.cmpi ne, %convert_element_type3A_485, %cond3A_486 : i32
      scf.if %cond3A_487 {
        %dma_wait3A_632 = arith.constant 3 : i32
        %dma_wait3A_633 = arith.constant 0 : i32
        %dma_wait3A_634 = arith.constant 3 : i32
        %dma_wait3A_635 = arith.constant 1 : i32
        %dma_wait3A_636 = arith.constant 3 : i32
        %dma_wait3A_637 = arith.constant 0 : i32
        %dma_wait3A_638 = arith.constant 0 : i32
        %dma_wait3A_639 = tpu.memref_slice %arg7[%dma_wait3A_632, %dma_wait3A_637, %dma_wait3A_638] : memref<4x128x16xf32, #tpu.memory_space<vmem>> -> memref<1x128x16xf32, #tpu.memory_space<vmem>>
        %dma_wait3A_640 = tpu.memref_squeeze %dma_wait3A_639 : memref<1x128x16xf32, #tpu.memory_space<vmem>> -> memref<128x16xf32, #tpu.memory_space<vmem>>
        %dma_wait3A_641 = arith.constant 0 : i32
        %dma_wait3A_642 = tpu.memref_slice %arg6[%dma_wait3A_633, %dma_wait3A_634, %dma_wait3A_635, %dma_wait3A_641] : memref<2x4x2x128xi32, #tpu.memory_space<vmem>> -> memref<1x1x1x128xi32, #tpu.memory_space<vmem>>
        %dma_wait3A_643 = tpu.memref_squeeze %dma_wait3A_642 : memref<1x1x1x128xi32, #tpu.memory_space<vmem>> -> memref<128xi32, #tpu.memory_space<vmem>>
        %dma_wait3A_644 = arith.constant 0 : i32
        %dma_wait3A_645 = arith.constant 0 : i32
        %dma_wait3A_646 = tpu.memref_slice %arg8[%dma_wait3A_644, %dma_wait3A_645] : memref<10240x16xf32, #tpu.memory_space<vmem_shared>> -> memref<10240x16xf32, #tpu.memory_space<vmem_shared>>
        %dma_wait3A_647 = tpu.memref_slice %arg11[%dma_wait3A_636] : memref<4x!tpu.dma_semaphore, #tpu.memory_space<semaphore_mem>> -> memref<1x!tpu.dma_semaphore, #tpu.memory_space<semaphore_mem>>
        %dma_wait3A_648 = tpu.memref_squeeze %dma_wait3A_647 : memref<1x!tpu.dma_semaphore, #tpu.memory_space<semaphore_mem>> -> memref<!tpu.dma_semaphore, #tpu.memory_space<semaphore_mem>>
        tpu.wait_indirect_dma semaphore(%dma_wait3A_648 : memref<!tpu.dma_semaphore, #tpu.memory_space<semaphore_mem>>) src(%dma_wait3A_640 : memref<128x16xf32, #tpu.memory_space<vmem>>) dst(%dma_wait3A_646 : memref<10240x16xf32, #tpu.memory_space<vmem_shared>>)
      } else {
      }
      %lt3A_488 = arith.constant 79 : i32
      %lt3A_489 = arith.cmpi slt, %add3A_476, %lt3A_488 : i32
      %convert_element_type3A_490 = arith.extui %lt3A_489 : i1 to i32
      %cond3A_491 = arith.constant 0 : i32
      %cond3A_492 = arith.cmpi ne, %convert_element_type3A_490, %cond3A_491 : i32
      scf.if %cond3A_492 {
        %add3A_632 = arith.addi %mul3A_4, %add3A_476 : i32
        %dma_wait3A_633 = arith.constant 1 : i32
        %dma_wait3A_634 = arith.constant 3 : i32
        %dma_wait3A_635 = arith.constant 1 : i32
        %dma_wait3A_636 = arith.constant 3 : i32
        %dma_wait3A_637 = arith.constant 0 : i32
        %dma_wait3A_638 = arith.constant 0 : i32
        %dma_wait3A_639 = tpu.memref_slice %arg6[%dma_wait3A_633, %dma_wait3A_634, %dma_wait3A_637, %dma_wait3A_638] : memref<2x4x2x128xi32, #tpu.memory_space<vmem>> -> memref<1x1x2x128xi32, #tpu.memory_space<vmem>>
        %dma_wait3A_640 = tpu.memref_squeeze %dma_wait3A_639 : memref<1x1x2x128xi32, #tpu.memory_space<vmem>> -> memref<2x128xi32, #tpu.memory_space<vmem>>
        %dma_wait3A_641 = arith.constant 0 : i32
        %dma_wait3A_642 = arith.constant 0 : i32
        %dma_wait3A_643 = tpu.memref_slice %arg3[%add3A_632, %dma_wait3A_641, %dma_wait3A_642] : memref<2528x2x128xi32, #tpu.memory_space<hbm>> -> memref<1x2x128xi32, #tpu.memory_space<hbm>>
        %dma_wait3A_644 = tpu.memref_squeeze %dma_wait3A_643 : memref<1x2x128xi32, #tpu.memory_space<hbm>> -> memref<2x128xi32, #tpu.memory_space<hbm>>
        %dma_wait3A_645 = tpu.memref_slice %arg9[%dma_wait3A_635, %dma_wait3A_636] : memref<2x4x!tpu.dma_semaphore, #tpu.memory_space<semaphore_mem>> -> memref<1x1x!tpu.dma_semaphore, #tpu.memory_space<semaphore_mem>>
        %dma_wait3A_646 = tpu.memref_squeeze %dma_wait3A_645 : memref<1x1x!tpu.dma_semaphore, #tpu.memory_space<semaphore_mem>> -> memref<!tpu.dma_semaphore, #tpu.memory_space<semaphore_mem>>
        %dma_wait3A_647 = arith.constant 0 : i32
        %dma_wait3A_648 = arith.constant 0 : i32
        %dma_wait3A_649 = tpu.memref_slice %arg6[%dma_wait3A_633, %dma_wait3A_634, %dma_wait3A_647, %dma_wait3A_648] : memref<2x4x2x128xi32, #tpu.memory_space<vmem>> -> memref<1x1x2x128xi32, #tpu.memory_space<vmem>>
        %dma_wait3A_650 = tpu.memref_squeeze %dma_wait3A_649 : memref<1x1x2x128xi32, #tpu.memory_space<vmem>> -> memref<2x128xi32, #tpu.memory_space<vmem>>
        %dma_wait3A_651 = arith.constant 0 : i32
        %dma_wait3A_652 = arith.constant 0 : i32
        %dma_wait3A_653 = tpu.memref_slice %arg3[%add3A_632, %dma_wait3A_651, %dma_wait3A_652] : memref<2528x2x128xi32, #tpu.memory_space<hbm>> -> memref<1x2x128xi32, #tpu.memory_space<hbm>>
        %dma_wait3A_654 = tpu.memref_squeeze %dma_wait3A_653 : memref<1x2x128xi32, #tpu.memory_space<hbm>> -> memref<2x128xi32, #tpu.memory_space<hbm>>
        tpu.wait_dma2 semaphore(%dma_wait3A_646 : memref<!tpu.dma_semaphore, #tpu.memory_space<semaphore_mem>>) src(%dma_wait3A_654 : memref<2x128xi32, #tpu.memory_space<hbm>>) dst(%dma_wait3A_650 : memref<2x128xi32, #tpu.memory_space<vmem>>)
        %dma_start3A_655 = arith.constant 1 : i32
        %dma_start3A_656 = arith.constant 3 : i32
        %dma_start3A_657 = arith.constant 0 : i32
        %dma_start3A_658 = arith.constant 3 : i32
        %dma_start3A_659 = arith.constant 3 : i32
        %dma_start3A_660 = arith.constant 0 : i32
        %dma_start3A_661 = arith.constant 0 : i32
        %dma_start3A_662 = tpu.memref_slice %arg7[%dma_start3A_658, %dma_start3A_660, %dma_start3A_661] : memref<4x128x16xf32, #tpu.memory_space<vmem>> -> memref<1x128x16xf32, #tpu.memory_space<vmem>>
        %dma_start3A_663 = tpu.memref_squeeze %dma_start3A_662 : memref<1x128x16xf32, #tpu.memory_space<vmem>> -> memref<128x16xf32, #tpu.memory_space<vmem>>
        %dma_start3A_664 = arith.constant 0 : i32
        %dma_start3A_665 = tpu.memref_slice %arg6[%dma_start3A_655, %dma_start3A_656, %dma_start3A_657, %dma_start3A_664] : memref<2x4x2x128xi32, #tpu.memory_space<vmem>> -> memref<1x1x1x128xi32, #tpu.memory_space<vmem>>
        %dma_start3A_666 = tpu.memref_squeeze %dma_start3A_665 : memref<1x1x1x128xi32, #tpu.memory_space<vmem>> -> memref<128xi32, #tpu.memory_space<vmem>>
        %dma_start3A_667 = arith.constant 0 : i32
        %dma_start3A_668 = arith.constant 0 : i32
        %dma_start3A_669 = tpu.memref_slice %arg2[%dma_start3A_667, %dma_start3A_668] : memref<10240x16xf32, #tpu.memory_space<hbm>> -> memref<10240x16xf32, #tpu.memory_space<hbm>>
        %dma_start3A_670 = tpu.memref_slice %arg10[%dma_start3A_659] : memref<4x!tpu.dma_semaphore, #tpu.memory_space<semaphore_mem>> -> memref<1x!tpu.dma_semaphore, #tpu.memory_space<semaphore_mem>>
        %dma_start3A_671 = tpu.memref_squeeze %dma_start3A_670 : memref<1x!tpu.dma_semaphore, #tpu.memory_space<semaphore_mem>> -> memref<!tpu.dma_semaphore, #tpu.memory_space<semaphore_mem>>
        tpu.enqueue_indirect_dma source(%dma_start3A_669 : memref<10240x16xf32, #tpu.memory_space<hbm>>) target(%dma_start3A_663 : memref<128x16xf32, #tpu.memory_space<vmem>>) offsets(%dma_start3A_666 : memref<128xi32, #tpu.memory_space<vmem>>) semaphore(%dma_start3A_671 : memref<!tpu.dma_semaphore, #tpu.memory_space<semaphore_mem>>)
      } else {
      }
      %lt3A_493 = arith.constant 79 : i32
      %lt3A_494 = arith.cmpi slt, %add3A_480, %lt3A_493 : i32
      %convert_element_type3A_495 = arith.extui %lt3A_494 : i1 to i32
      %cond3A_496 = arith.constant 0 : i32
      %cond3A_497 = arith.cmpi ne, %convert_element_type3A_495, %cond3A_496 : i32
      scf.if %cond3A_497 {
        %add3A_632 = arith.addi %mul3A_4, %add3A_480 : i32
        %dma_start3A_633 = arith.constant 0 : i32
        %dma_start3A_634 = arith.constant 3 : i32
        %dma_start3A_635 = arith.constant 0 : i32
        %dma_start3A_636 = arith.constant 3 : i32
        %dma_start3A_637 = arith.constant 0 : i32
        %dma_start3A_638 = arith.constant 0 : i32
        %dma_start3A_639 = tpu.memref_slice %arg6[%dma_start3A_633, %dma_start3A_634, %dma_start3A_637, %dma_start3A_638] : memref<2x4x2x128xi32, #tpu.memory_space<vmem>> -> memref<1x1x2x128xi32, #tpu.memory_space<vmem>>
        %dma_start3A_640 = tpu.memref_squeeze %dma_start3A_639 : memref<1x1x2x128xi32, #tpu.memory_space<vmem>> -> memref<2x128xi32, #tpu.memory_space<vmem>>
        %dma_start3A_641 = arith.constant 0 : i32
        %dma_start3A_642 = arith.constant 0 : i32
        %dma_start3A_643 = tpu.memref_slice %arg3[%add3A_632, %dma_start3A_641, %dma_start3A_642] : memref<2528x2x128xi32, #tpu.memory_space<hbm>> -> memref<1x2x128xi32, #tpu.memory_space<hbm>>
        %dma_start3A_644 = tpu.memref_squeeze %dma_start3A_643 : memref<1x2x128xi32, #tpu.memory_space<hbm>> -> memref<2x128xi32, #tpu.memory_space<hbm>>
        %dma_start3A_645 = tpu.memref_slice %arg9[%dma_start3A_635, %dma_start3A_636] : memref<2x4x!tpu.dma_semaphore, #tpu.memory_space<semaphore_mem>> -> memref<1x1x!tpu.dma_semaphore, #tpu.memory_space<semaphore_mem>>
        %dma_start3A_646 = tpu.memref_squeeze %dma_start3A_645 : memref<1x1x!tpu.dma_semaphore, #tpu.memory_space<semaphore_mem>> -> memref<!tpu.dma_semaphore, #tpu.memory_space<semaphore_mem>>
        %dma_start3A_647 = arith.constant 0 : i32
        %dma_start3A_648 = arith.constant 0 : i32
        %dma_start3A_649 = tpu.memref_slice %arg6[%dma_start3A_633, %dma_start3A_634, %dma_start3A_647, %dma_start3A_648] : memref<2x4x2x128xi32, #tpu.memory_space<vmem>> -> memref<1x1x2x128xi32, #tpu.memory_space<vmem>>
        %dma_start3A_650 = tpu.memref_squeeze %dma_start3A_649 : memref<1x1x2x128xi32, #tpu.memory_space<vmem>> -> memref<2x128xi32, #tpu.memory_space<vmem>>
        %dma_start3A_651 = arith.constant 0 : i32
        %dma_start3A_652 = arith.constant 0 : i32
        %dma_start3A_653 = tpu.memref_slice %arg3[%add3A_632, %dma_start3A_651, %dma_start3A_652] : memref<2528x2x128xi32, #tpu.memory_space<hbm>> -> memref<1x2x128xi32, #tpu.memory_space<hbm>>
        %dma_start3A_654 = tpu.memref_squeeze %dma_start3A_653 : memref<1x2x128xi32, #tpu.memory_space<hbm>> -> memref<2x128xi32, #tpu.memory_space<hbm>>
        tpu.enqueue_dma source(%dma_start3A_654 : memref<2x128xi32, #tpu.memory_space<hbm>>) target(%dma_start3A_650 : memref<2x128xi32, #tpu.memory_space<vmem>>) target_semaphore(%dma_start3A_646 : memref<!tpu.dma_semaphore, #tpu.memory_space<semaphore_mem>>)
      } else {
      }
      %mul3A_498 = arith.constant 2 : i32
      %mul3A_499 = arith.muli %scan3A_368, %mul3A_498 : i32
      %add3A_500 = arith.constant 1 : i32
      %add3A_501 = arith.addi %mul3A_499, %add3A_500 : i32
      %mul3A_502 = arith.constant 4 : i32
      %mul3A_503 = arith.muli %add3A_501, %mul3A_502 : i32
      %add3A_504 = arith.constant 0 : i32
      %add3A_505 = arith.addi %mul3A_503, %add3A_504 : i32
      %lt3A_506 = arith.constant 79 : i32
      %lt3A_507 = arith.cmpi slt, %add3A_505, %lt3A_506 : i32
      %convert_element_type3A_508 = arith.extui %lt3A_507 : i1 to i32
      %cond3A_509 = arith.constant 0 : i32
      %cond3A_510 = arith.cmpi ne, %convert_element_type3A_508, %cond3A_509 : i32
      scf.if %cond3A_510 {
        %dma_wait3A_632 = arith.constant 1 : i32
        %dma_wait3A_633 = arith.constant 0 : i32
        %dma_wait3A_634 = arith.constant 0 : i32
        %dma_wait3A_635 = arith.constant 0 : i32
        %dma_wait3A_636 = arith.constant 0 : i32
        %dma_wait3A_637 = arith.constant 0 : i32
        %dma_wait3A_638 = arith.constant 0 : i32
        %dma_wait3A_639 = tpu.memref_slice %arg7[%dma_wait3A_635, %dma_wait3A_637, %dma_wait3A_638] : memref<4x128x16xf32, #tpu.memory_space<vmem>> -> memref<1x128x16xf32, #tpu.memory_space<vmem>>
        %dma_wait3A_640 = tpu.memref_squeeze %dma_wait3A_639 : memref<1x128x16xf32, #tpu.memory_space<vmem>> -> memref<128x16xf32, #tpu.memory_space<vmem>>
        %dma_wait3A_641 = arith.constant 0 : i32
        %dma_wait3A_642 = tpu.memref_slice %arg6[%dma_wait3A_632, %dma_wait3A_633, %dma_wait3A_634, %dma_wait3A_641] : memref<2x4x2x128xi32, #tpu.memory_space<vmem>> -> memref<1x1x1x128xi32, #tpu.memory_space<vmem>>
        %dma_wait3A_643 = tpu.memref_squeeze %dma_wait3A_642 : memref<1x1x1x128xi32, #tpu.memory_space<vmem>> -> memref<128xi32, #tpu.memory_space<vmem>>
        %dma_wait3A_644 = arith.constant 0 : i32
        %dma_wait3A_645 = arith.constant 0 : i32
        %dma_wait3A_646 = tpu.memref_slice %arg2[%dma_wait3A_644, %dma_wait3A_645] : memref<10240x16xf32, #tpu.memory_space<hbm>> -> memref<10240x16xf32, #tpu.memory_space<hbm>>
        %dma_wait3A_647 = tpu.memref_slice %arg10[%dma_wait3A_636] : memref<4x!tpu.dma_semaphore, #tpu.memory_space<semaphore_mem>> -> memref<1x!tpu.dma_semaphore, #tpu.memory_space<semaphore_mem>>
        %dma_wait3A_648 = tpu.memref_squeeze %dma_wait3A_647 : memref<1x!tpu.dma_semaphore, #tpu.memory_space<semaphore_mem>> -> memref<!tpu.dma_semaphore, #tpu.memory_space<semaphore_mem>>
        tpu.wait_indirect_dma semaphore(%dma_wait3A_648 : memref<!tpu.dma_semaphore, #tpu.memory_space<semaphore_mem>>) src(%dma_wait3A_646 : memref<10240x16xf32, #tpu.memory_space<hbm>>) dst(%dma_wait3A_640 : memref<128x16xf32, #tpu.memory_space<vmem>>)
        %dma_start3A_649 = arith.constant 0 : i32
        %dma_start3A_650 = arith.constant 1 : i32
        %dma_start3A_651 = arith.constant 0 : i32
        %dma_start3A_652 = arith.constant 1 : i32
        %dma_start3A_653 = arith.constant 0 : i32
        %dma_start3A_654 = arith.constant 0 : i32
        %dma_start3A_655 = arith.constant 0 : i32
        %dma_start3A_656 = tpu.memref_slice %arg7[%dma_start3A_649, %dma_start3A_654, %dma_start3A_655] : memref<4x128x16xf32, #tpu.memory_space<vmem>> -> memref<1x128x16xf32, #tpu.memory_space<vmem>>
        %dma_start3A_657 = tpu.memref_squeeze %dma_start3A_656 : memref<1x128x16xf32, #tpu.memory_space<vmem>> -> memref<128x16xf32, #tpu.memory_space<vmem>>
        %dma_start3A_658 = arith.constant 0 : i32
        %dma_start3A_659 = tpu.memref_slice %arg6[%dma_start3A_650, %dma_start3A_651, %dma_start3A_652, %dma_start3A_658] : memref<2x4x2x128xi32, #tpu.memory_space<vmem>> -> memref<1x1x1x128xi32, #tpu.memory_space<vmem>>
        %dma_start3A_660 = tpu.memref_squeeze %dma_start3A_659 : memref<1x1x1x128xi32, #tpu.memory_space<vmem>> -> memref<128xi32, #tpu.memory_space<vmem>>
        %dma_start3A_661 = arith.constant 0 : i32
        %dma_start3A_662 = arith.constant 0 : i32
        %dma_start3A_663 = tpu.memref_slice %arg8[%dma_start3A_661, %dma_start3A_662] : memref<10240x16xf32, #tpu.memory_space<vmem_shared>> -> memref<10240x16xf32, #tpu.memory_space<vmem_shared>>
        %dma_start3A_664 = tpu.memref_slice %arg11[%dma_start3A_653] : memref<4x!tpu.dma_semaphore, #tpu.memory_space<semaphore_mem>> -> memref<1x!tpu.dma_semaphore, #tpu.memory_space<semaphore_mem>>
        %dma_start3A_665 = tpu.memref_squeeze %dma_start3A_664 : memref<1x!tpu.dma_semaphore, #tpu.memory_space<semaphore_mem>> -> memref<!tpu.dma_semaphore, #tpu.memory_space<semaphore_mem>>
        tpu.enqueue_indirect_dma source(%dma_start3A_657 : memref<128x16xf32, #tpu.memory_space<vmem>>) target(%dma_start3A_663 : memref<10240x16xf32, #tpu.memory_space<vmem_shared>>) offsets(%dma_start3A_660 : memref<128xi32, #tpu.memory_space<vmem>>) semaphore(%dma_start3A_665 : memref<!tpu.dma_semaphore, #tpu.memory_space<semaphore_mem>>) {add = true}
      } else {
      }
      %add3A_511 = arith.constant 1 : i32
      %add3A_512 = arith.addi %mul3A_503, %add3A_511 : i32
      %lt3A_513 = arith.constant 79 : i32
      %lt3A_514 = arith.cmpi slt, %add3A_512, %lt3A_513 : i32
      %convert_element_type3A_515 = arith.extui %lt3A_514 : i1 to i32
      %cond3A_516 = arith.constant 0 : i32
      %cond3A_517 = arith.cmpi ne, %convert_element_type3A_515, %cond3A_516 : i32
      scf.if %cond3A_517 {
        %dma_wait3A_632 = arith.constant 1 : i32
        %dma_wait3A_633 = arith.constant 1 : i32
        %dma_wait3A_634 = arith.constant 0 : i32
        %dma_wait3A_635 = arith.constant 1 : i32
        %dma_wait3A_636 = arith.constant 1 : i32
        %dma_wait3A_637 = arith.constant 0 : i32
        %dma_wait3A_638 = arith.constant 0 : i32
        %dma_wait3A_639 = tpu.memref_slice %arg7[%dma_wait3A_635, %dma_wait3A_637, %dma_wait3A_638] : memref<4x128x16xf32, #tpu.memory_space<vmem>> -> memref<1x128x16xf32, #tpu.memory_space<vmem>>
        %dma_wait3A_640 = tpu.memref_squeeze %dma_wait3A_639 : memref<1x128x16xf32, #tpu.memory_space<vmem>> -> memref<128x16xf32, #tpu.memory_space<vmem>>
        %dma_wait3A_641 = arith.constant 0 : i32
        %dma_wait3A_642 = tpu.memref_slice %arg6[%dma_wait3A_632, %dma_wait3A_633, %dma_wait3A_634, %dma_wait3A_641] : memref<2x4x2x128xi32, #tpu.memory_space<vmem>> -> memref<1x1x1x128xi32, #tpu.memory_space<vmem>>
        %dma_wait3A_643 = tpu.memref_squeeze %dma_wait3A_642 : memref<1x1x1x128xi32, #tpu.memory_space<vmem>> -> memref<128xi32, #tpu.memory_space<vmem>>
        %dma_wait3A_644 = arith.constant 0 : i32
        %dma_wait3A_645 = arith.constant 0 : i32
        %dma_wait3A_646 = tpu.memref_slice %arg2[%dma_wait3A_644, %dma_wait3A_645] : memref<10240x16xf32, #tpu.memory_space<hbm>> -> memref<10240x16xf32, #tpu.memory_space<hbm>>
        %dma_wait3A_647 = tpu.memref_slice %arg10[%dma_wait3A_636] : memref<4x!tpu.dma_semaphore, #tpu.memory_space<semaphore_mem>> -> memref<1x!tpu.dma_semaphore, #tpu.memory_space<semaphore_mem>>
        %dma_wait3A_648 = tpu.memref_squeeze %dma_wait3A_647 : memref<1x!tpu.dma_semaphore, #tpu.memory_space<semaphore_mem>> -> memref<!tpu.dma_semaphore, #tpu.memory_space<semaphore_mem>>
        tpu.wait_indirect_dma semaphore(%dma_wait3A_648 : memref<!tpu.dma_semaphore, #tpu.memory_space<semaphore_mem>>) src(%dma_wait3A_646 : memref<10240x16xf32, #tpu.memory_space<hbm>>) dst(%dma_wait3A_640 : memref<128x16xf32, #tpu.memory_space<vmem>>)
        %dma_start3A_649 = arith.constant 1 : i32
        %dma_start3A_650 = arith.constant 1 : i32
        %dma_start3A_651 = arith.constant 1 : i32
        %dma_start3A_652 = arith.constant 1 : i32
        %dma_start3A_653 = arith.constant 1 : i32
        %dma_start3A_654 = arith.constant 0 : i32
        %dma_start3A_655 = arith.constant 0 : i32
        %dma_start3A_656 = tpu.memref_slice %arg7[%dma_start3A_649, %dma_start3A_654, %dma_start3A_655] : memref<4x128x16xf32, #tpu.memory_space<vmem>> -> memref<1x128x16xf32, #tpu.memory_space<vmem>>
        %dma_start3A_657 = tpu.memref_squeeze %dma_start3A_656 : memref<1x128x16xf32, #tpu.memory_space<vmem>> -> memref<128x16xf32, #tpu.memory_space<vmem>>
        %dma_start3A_658 = arith.constant 0 : i32
        %dma_start3A_659 = tpu.memref_slice %arg6[%dma_start3A_650, %dma_start3A_651, %dma_start3A_652, %dma_start3A_658] : memref<2x4x2x128xi32, #tpu.memory_space<vmem>> -> memref<1x1x1x128xi32, #tpu.memory_space<vmem>>
        %dma_start3A_660 = tpu.memref_squeeze %dma_start3A_659 : memref<1x1x1x128xi32, #tpu.memory_space<vmem>> -> memref<128xi32, #tpu.memory_space<vmem>>
        %dma_start3A_661 = arith.constant 0 : i32
        %dma_start3A_662 = arith.constant 0 : i32
        %dma_start3A_663 = tpu.memref_slice %arg8[%dma_start3A_661, %dma_start3A_662] : memref<10240x16xf32, #tpu.memory_space<vmem_shared>> -> memref<10240x16xf32, #tpu.memory_space<vmem_shared>>
        %dma_start3A_664 = tpu.memref_slice %arg11[%dma_start3A_653] : memref<4x!tpu.dma_semaphore, #tpu.memory_space<semaphore_mem>> -> memref<1x!tpu.dma_semaphore, #tpu.memory_space<semaphore_mem>>
        %dma_start3A_665 = tpu.memref_squeeze %dma_start3A_664 : memref<1x!tpu.dma_semaphore, #tpu.memory_space<semaphore_mem>> -> memref<!tpu.dma_semaphore, #tpu.memory_space<semaphore_mem>>
        tpu.enqueue_indirect_dma source(%dma_start3A_657 : memref<128x16xf32, #tpu.memory_space<vmem>>) target(%dma_start3A_663 : memref<10240x16xf32, #tpu.memory_space<vmem_shared>>) offsets(%dma_start3A_660 : memref<128xi32, #tpu.memory_space<vmem>>) semaphore(%dma_start3A_665 : memref<!tpu.dma_semaphore, #tpu.memory_space<semaphore_mem>>) {add = true}
      } else {
      }
      %add3A_518 = arith.constant 2 : i32
      %add3A_519 = arith.addi %mul3A_503, %add3A_518 : i32
      %lt3A_520 = arith.constant 79 : i32
      %lt3A_521 = arith.cmpi slt, %add3A_519, %lt3A_520 : i32
      %convert_element_type3A_522 = arith.extui %lt3A_521 : i1 to i32
      %cond3A_523 = arith.constant 0 : i32
      %cond3A_524 = arith.cmpi ne, %convert_element_type3A_522, %cond3A_523 : i32
      scf.if %cond3A_524 {
        %dma_wait3A_632 = arith.constant 1 : i32
        %dma_wait3A_633 = arith.constant 2 : i32
        %dma_wait3A_634 = arith.constant 0 : i32
        %dma_wait3A_635 = arith.constant 2 : i32
        %dma_wait3A_636 = arith.constant 2 : i32
        %dma_wait3A_637 = arith.constant 0 : i32
        %dma_wait3A_638 = arith.constant 0 : i32
        %dma_wait3A_639 = tpu.memref_slice %arg7[%dma_wait3A_635, %dma_wait3A_637, %dma_wait3A_638] : memref<4x128x16xf32, #tpu.memory_space<vmem>> -> memref<1x128x16xf32, #tpu.memory_space<vmem>>
        %dma_wait3A_640 = tpu.memref_squeeze %dma_wait3A_639 : memref<1x128x16xf32, #tpu.memory_space<vmem>> -> memref<128x16xf32, #tpu.memory_space<vmem>>
        %dma_wait3A_641 = arith.constant 0 : i32
        %dma_wait3A_642 = tpu.memref_slice %arg6[%dma_wait3A_632, %dma_wait3A_633, %dma_wait3A_634, %dma_wait3A_641] : memref<2x4x2x128xi32, #tpu.memory_space<vmem>> -> memref<1x1x1x128xi32, #tpu.memory_space<vmem>>
        %dma_wait3A_643 = tpu.memref_squeeze %dma_wait3A_642 : memref<1x1x1x128xi32, #tpu.memory_space<vmem>> -> memref<128xi32, #tpu.memory_space<vmem>>
        %dma_wait3A_644 = arith.constant 0 : i32
        %dma_wait3A_645 = arith.constant 0 : i32
        %dma_wait3A_646 = tpu.memref_slice %arg2[%dma_wait3A_644, %dma_wait3A_645] : memref<10240x16xf32, #tpu.memory_space<hbm>> -> memref<10240x16xf32, #tpu.memory_space<hbm>>
        %dma_wait3A_647 = tpu.memref_slice %arg10[%dma_wait3A_636] : memref<4x!tpu.dma_semaphore, #tpu.memory_space<semaphore_mem>> -> memref<1x!tpu.dma_semaphore, #tpu.memory_space<semaphore_mem>>
        %dma_wait3A_648 = tpu.memref_squeeze %dma_wait3A_647 : memref<1x!tpu.dma_semaphore, #tpu.memory_space<semaphore_mem>> -> memref<!tpu.dma_semaphore, #tpu.memory_space<semaphore_mem>>
        tpu.wait_indirect_dma semaphore(%dma_wait3A_648 : memref<!tpu.dma_semaphore, #tpu.memory_space<semaphore_mem>>) src(%dma_wait3A_646 : memref<10240x16xf32, #tpu.memory_space<hbm>>) dst(%dma_wait3A_640 : memref<128x16xf32, #tpu.memory_space<vmem>>)
        %dma_start3A_649 = arith.constant 2 : i32
        %dma_start3A_650 = arith.constant 1 : i32
        %dma_start3A_651 = arith.constant 2 : i32
        %dma_start3A_652 = arith.constant 1 : i32
        %dma_start3A_653 = arith.constant 2 : i32
        %dma_start3A_654 = arith.constant 0 : i32
        %dma_start3A_655 = arith.constant 0 : i32
        %dma_start3A_656 = tpu.memref_slice %arg7[%dma_start3A_649, %dma_start3A_654, %dma_start3A_655] : memref<4x128x16xf32, #tpu.memory_space<vmem>> -> memref<1x128x16xf32, #tpu.memory_space<vmem>>
        %dma_start3A_657 = tpu.memref_squeeze %dma_start3A_656 : memref<1x128x16xf32, #tpu.memory_space<vmem>> -> memref<128x16xf32, #tpu.memory_space<vmem>>
        %dma_start3A_658 = arith.constant 0 : i32
        %dma_start3A_659 = tpu.memref_slice %arg6[%dma_start3A_650, %dma_start3A_651, %dma_start3A_652, %dma_start3A_658] : memref<2x4x2x128xi32, #tpu.memory_space<vmem>> -> memref<1x1x1x128xi32, #tpu.memory_space<vmem>>
        %dma_start3A_660 = tpu.memref_squeeze %dma_start3A_659 : memref<1x1x1x128xi32, #tpu.memory_space<vmem>> -> memref<128xi32, #tpu.memory_space<vmem>>
        %dma_start3A_661 = arith.constant 0 : i32
        %dma_start3A_662 = arith.constant 0 : i32
        %dma_start3A_663 = tpu.memref_slice %arg8[%dma_start3A_661, %dma_start3A_662] : memref<10240x16xf32, #tpu.memory_space<vmem_shared>> -> memref<10240x16xf32, #tpu.memory_space<vmem_shared>>
        %dma_start3A_664 = tpu.memref_slice %arg11[%dma_start3A_653] : memref<4x!tpu.dma_semaphore, #tpu.memory_space<semaphore_mem>> -> memref<1x!tpu.dma_semaphore, #tpu.memory_space<semaphore_mem>>
        %dma_start3A_665 = tpu.memref_squeeze %dma_start3A_664 : memref<1x!tpu.dma_semaphore, #tpu.memory_space<semaphore_mem>> -> memref<!tpu.dma_semaphore, #tpu.memory_space<semaphore_mem>>
        tpu.enqueue_indirect_dma source(%dma_start3A_657 : memref<128x16xf32, #tpu.memory_space<vmem>>) target(%dma_start3A_663 : memref<10240x16xf32, #tpu.memory_space<vmem_shared>>) offsets(%dma_start3A_660 : memref<128xi32, #tpu.memory_space<vmem>>) semaphore(%dma_start3A_665 : memref<!tpu.dma_semaphore, #tpu.memory_space<semaphore_mem>>) {add = true}
      } else {
      }
      %add3A_525 = arith.constant 3 : i32
      %add3A_526 = arith.addi %mul3A_503, %add3A_525 : i32
      %lt3A_527 = arith.constant 79 : i32
      %lt3A_528 = arith.cmpi slt, %add3A_526, %lt3A_527 : i32
      %convert_element_type3A_529 = arith.extui %lt3A_528 : i1 to i32
      %cond3A_530 = arith.constant 0 : i32
      %cond3A_531 = arith.cmpi ne, %convert_element_type3A_529, %cond3A_530 : i32
      scf.if %cond3A_531 {
        %dma_wait3A_632 = arith.constant 1 : i32
        %dma_wait3A_633 = arith.constant 3 : i32
        %dma_wait3A_634 = arith.constant 0 : i32
        %dma_wait3A_635 = arith.constant 3 : i32
        %dma_wait3A_636 = arith.constant 3 : i32
        %dma_wait3A_637 = arith.constant 0 : i32
        %dma_wait3A_638 = arith.constant 0 : i32
        %dma_wait3A_639 = tpu.memref_slice %arg7[%dma_wait3A_635, %dma_wait3A_637, %dma_wait3A_638] : memref<4x128x16xf32, #tpu.memory_space<vmem>> -> memref<1x128x16xf32, #tpu.memory_space<vmem>>
        %dma_wait3A_640 = tpu.memref_squeeze %dma_wait3A_639 : memref<1x128x16xf32, #tpu.memory_space<vmem>> -> memref<128x16xf32, #tpu.memory_space<vmem>>
        %dma_wait3A_641 = arith.constant 0 : i32
        %dma_wait3A_642 = tpu.memref_slice %arg6[%dma_wait3A_632, %dma_wait3A_633, %dma_wait3A_634, %dma_wait3A_641] : memref<2x4x2x128xi32, #tpu.memory_space<vmem>> -> memref<1x1x1x128xi32, #tpu.memory_space<vmem>>
        %dma_wait3A_643 = tpu.memref_squeeze %dma_wait3A_642 : memref<1x1x1x128xi32, #tpu.memory_space<vmem>> -> memref<128xi32, #tpu.memory_space<vmem>>
        %dma_wait3A_644 = arith.constant 0 : i32
        %dma_wait3A_645 = arith.constant 0 : i32
        %dma_wait3A_646 = tpu.memref_slice %arg2[%dma_wait3A_644, %dma_wait3A_645] : memref<10240x16xf32, #tpu.memory_space<hbm>> -> memref<10240x16xf32, #tpu.memory_space<hbm>>
        %dma_wait3A_647 = tpu.memref_slice %arg10[%dma_wait3A_636] : memref<4x!tpu.dma_semaphore, #tpu.memory_space<semaphore_mem>> -> memref<1x!tpu.dma_semaphore, #tpu.memory_space<semaphore_mem>>
        %dma_wait3A_648 = tpu.memref_squeeze %dma_wait3A_647 : memref<1x!tpu.dma_semaphore, #tpu.memory_space<semaphore_mem>> -> memref<!tpu.dma_semaphore, #tpu.memory_space<semaphore_mem>>
        tpu.wait_indirect_dma semaphore(%dma_wait3A_648 : memref<!tpu.dma_semaphore, #tpu.memory_space<semaphore_mem>>) src(%dma_wait3A_646 : memref<10240x16xf32, #tpu.memory_space<hbm>>) dst(%dma_wait3A_640 : memref<128x16xf32, #tpu.memory_space<vmem>>)
        %dma_start3A_649 = arith.constant 3 : i32
        %dma_start3A_650 = arith.constant 1 : i32
        %dma_start3A_651 = arith.constant 3 : i32
        %dma_start3A_652 = arith.constant 1 : i32
        %dma_start3A_653 = arith.constant 3 : i32
        %dma_start3A_654 = arith.constant 0 : i32
        %dma_start3A_655 = arith.constant 0 : i32
        %dma_start3A_656 = tpu.memref_slice %arg7[%dma_start3A_649, %dma_start3A_654, %dma_start3A_655] : memref<4x128x16xf32, #tpu.memory_space<vmem>> -> memref<1x128x16xf32, #tpu.memory_space<vmem>>
        %dma_start3A_657 = tpu.memref_squeeze %dma_start3A_656 : memref<1x128x16xf32, #tpu.memory_space<vmem>> -> memref<128x16xf32, #tpu.memory_space<vmem>>
        %dma_start3A_658 = arith.constant 0 : i32
        %dma_start3A_659 = tpu.memref_slice %arg6[%dma_start3A_650, %dma_start3A_651, %dma_start3A_652, %dma_start3A_658] : memref<2x4x2x128xi32, #tpu.memory_space<vmem>> -> memref<1x1x1x128xi32, #tpu.memory_space<vmem>>
        %dma_start3A_660 = tpu.memref_squeeze %dma_start3A_659 : memref<1x1x1x128xi32, #tpu.memory_space<vmem>> -> memref<128xi32, #tpu.memory_space<vmem>>
        %dma_start3A_661 = arith.constant 0 : i32
        %dma_start3A_662 = arith.constant 0 : i32
        %dma_start3A_663 = tpu.memref_slice %arg8[%dma_start3A_661, %dma_start3A_662] : memref<10240x16xf32, #tpu.memory_space<vmem_shared>> -> memref<10240x16xf32, #tpu.memory_space<vmem_shared>>
        %dma_start3A_664 = tpu.memref_slice %arg11[%dma_start3A_653] : memref<4x!tpu.dma_semaphore, #tpu.memory_space<semaphore_mem>> -> memref<1x!tpu.dma_semaphore, #tpu.memory_space<semaphore_mem>>
        %dma_start3A_665 = tpu.memref_squeeze %dma_start3A_664 : memref<1x!tpu.dma_semaphore, #tpu.memory_space<semaphore_mem>> -> memref<!tpu.dma_semaphore, #tpu.memory_space<semaphore_mem>>
        tpu.enqueue_indirect_dma source(%dma_start3A_657 : memref<128x16xf32, #tpu.memory_space<vmem>>) target(%dma_start3A_663 : memref<10240x16xf32, #tpu.memory_space<vmem_shared>>) offsets(%dma_start3A_660 : memref<128xi32, #tpu.memory_space<vmem>>) semaphore(%dma_start3A_665 : memref<!tpu.dma_semaphore, #tpu.memory_space<semaphore_mem>>) {add = true}
      } else {
      }
      %add3A_532 = arith.constant 4 : i32
      %add3A_533 = arith.addi %mul3A_503, %add3A_532 : i32
      %add3A_534 = arith.constant 0 : i32
      %add3A_535 = arith.addi %add3A_533, %add3A_534 : i32
      %add3A_536 = arith.constant 8 : i32
      %add3A_537 = arith.addi %mul3A_503, %add3A_536 : i32
      %add3A_538 = arith.constant 0 : i32
      %add3A_539 = arith.addi %add3A_537, %add3A_538 : i32
      %add3A_540 = arith.constant 0 : i32
      %add3A_541 = arith.addi %mul3A_503, %add3A_540 : i32
      %lt3A_542 = arith.constant 79 : i32
      %lt3A_543 = arith.cmpi slt, %add3A_541, %lt3A_542 : i32
      %convert_element_type3A_544 = arith.extui %lt3A_543 : i1 to i32
      %cond3A_545 = arith.constant 0 : i32
      %cond3A_546 = arith.cmpi ne, %convert_element_type3A_544, %cond3A_545 : i32
      scf.if %cond3A_546 {
        %dma_wait3A_632 = arith.constant 0 : i32
        %dma_wait3A_633 = arith.constant 1 : i32
        %dma_wait3A_634 = arith.constant 0 : i32
        %dma_wait3A_635 = arith.constant 1 : i32
        %dma_wait3A_636 = arith.constant 0 : i32
        %dma_wait3A_637 = arith.constant 0 : i32
        %dma_wait3A_638 = arith.constant 0 : i32
        %dma_wait3A_639 = tpu.memref_slice %arg7[%dma_wait3A_632, %dma_wait3A_637, %dma_wait3A_638] : memref<4x128x16xf32, #tpu.memory_space<vmem>> -> memref<1x128x16xf32, #tpu.memory_space<vmem>>
        %dma_wait3A_640 = tpu.memref_squeeze %dma_wait3A_639 : memref<1x128x16xf32, #tpu.memory_space<vmem>> -> memref<128x16xf32, #tpu.memory_space<vmem>>
        %dma_wait3A_641 = arith.constant 0 : i32
        %dma_wait3A_642 = tpu.memref_slice %arg6[%dma_wait3A_633, %dma_wait3A_634, %dma_wait3A_635, %dma_wait3A_641] : memref<2x4x2x128xi32, #tpu.memory_space<vmem>> -> memref<1x1x1x128xi32, #tpu.memory_space<vmem>>
        %dma_wait3A_643 = tpu.memref_squeeze %dma_wait3A_642 : memref<1x1x1x128xi32, #tpu.memory_space<vmem>> -> memref<128xi32, #tpu.memory_space<vmem>>
        %dma_wait3A_644 = arith.constant 0 : i32
        %dma_wait3A_645 = arith.constant 0 : i32
        %dma_wait3A_646 = tpu.memref_slice %arg8[%dma_wait3A_644, %dma_wait3A_645] : memref<10240x16xf32, #tpu.memory_space<vmem_shared>> -> memref<10240x16xf32, #tpu.memory_space<vmem_shared>>
        %dma_wait3A_647 = tpu.memref_slice %arg11[%dma_wait3A_636] : memref<4x!tpu.dma_semaphore, #tpu.memory_space<semaphore_mem>> -> memref<1x!tpu.dma_semaphore, #tpu.memory_space<semaphore_mem>>
        %dma_wait3A_648 = tpu.memref_squeeze %dma_wait3A_647 : memref<1x!tpu.dma_semaphore, #tpu.memory_space<semaphore_mem>> -> memref<!tpu.dma_semaphore, #tpu.memory_space<semaphore_mem>>
        tpu.wait_indirect_dma semaphore(%dma_wait3A_648 : memref<!tpu.dma_semaphore, #tpu.memory_space<semaphore_mem>>) src(%dma_wait3A_640 : memref<128x16xf32, #tpu.memory_space<vmem>>) dst(%dma_wait3A_646 : memref<10240x16xf32, #tpu.memory_space<vmem_shared>>)
      } else {
      }
      %lt3A_547 = arith.constant 79 : i32
      %lt3A_548 = arith.cmpi slt, %add3A_535, %lt3A_547 : i32
      %convert_element_type3A_549 = arith.extui %lt3A_548 : i1 to i32
      %cond3A_550 = arith.constant 0 : i32
      %cond3A_551 = arith.cmpi ne, %convert_element_type3A_549, %cond3A_550 : i32
      scf.if %cond3A_551 {
        %add3A_632 = arith.addi %mul3A_4, %add3A_535 : i32
        %dma_wait3A_633 = arith.constant 0 : i32
        %dma_wait3A_634 = arith.constant 0 : i32
        %dma_wait3A_635 = arith.constant 0 : i32
        %dma_wait3A_636 = arith.constant 0 : i32
        %dma_wait3A_637 = arith.constant 0 : i32
        %dma_wait3A_638 = arith.constant 0 : i32
        %dma_wait3A_639 = tpu.memref_slice %arg6[%dma_wait3A_633, %dma_wait3A_634, %dma_wait3A_637, %dma_wait3A_638] : memref<2x4x2x128xi32, #tpu.memory_space<vmem>> -> memref<1x1x2x128xi32, #tpu.memory_space<vmem>>
        %dma_wait3A_640 = tpu.memref_squeeze %dma_wait3A_639 : memref<1x1x2x128xi32, #tpu.memory_space<vmem>> -> memref<2x128xi32, #tpu.memory_space<vmem>>
        %dma_wait3A_641 = arith.constant 0 : i32
        %dma_wait3A_642 = arith.constant 0 : i32
        %dma_wait3A_643 = tpu.memref_slice %arg3[%add3A_632, %dma_wait3A_641, %dma_wait3A_642] : memref<2528x2x128xi32, #tpu.memory_space<hbm>> -> memref<1x2x128xi32, #tpu.memory_space<hbm>>
        %dma_wait3A_644 = tpu.memref_squeeze %dma_wait3A_643 : memref<1x2x128xi32, #tpu.memory_space<hbm>> -> memref<2x128xi32, #tpu.memory_space<hbm>>
        %dma_wait3A_645 = tpu.memref_slice %arg9[%dma_wait3A_635, %dma_wait3A_636] : memref<2x4x!tpu.dma_semaphore, #tpu.memory_space<semaphore_mem>> -> memref<1x1x!tpu.dma_semaphore, #tpu.memory_space<semaphore_mem>>
        %dma_wait3A_646 = tpu.memref_squeeze %dma_wait3A_645 : memref<1x1x!tpu.dma_semaphore, #tpu.memory_space<semaphore_mem>> -> memref<!tpu.dma_semaphore, #tpu.memory_space<semaphore_mem>>
        %dma_wait3A_647 = arith.constant 0 : i32
        %dma_wait3A_648 = arith.constant 0 : i32
        %dma_wait3A_649 = tpu.memref_slice %arg6[%dma_wait3A_633, %dma_wait3A_634, %dma_wait3A_647, %dma_wait3A_648] : memref<2x4x2x128xi32, #tpu.memory_space<vmem>> -> memref<1x1x2x128xi32, #tpu.memory_space<vmem>>
        %dma_wait3A_650 = tpu.memref_squeeze %dma_wait3A_649 : memref<1x1x2x128xi32, #tpu.memory_space<vmem>> -> memref<2x128xi32, #tpu.memory_space<vmem>>
        %dma_wait3A_651 = arith.constant 0 : i32
        %dma_wait3A_652 = arith.constant 0 : i32
        %dma_wait3A_653 = tpu.memref_slice %arg3[%add3A_632, %dma_wait3A_651, %dma_wait3A_652] : memref<2528x2x128xi32, #tpu.memory_space<hbm>> -> memref<1x2x128xi32, #tpu.memory_space<hbm>>
        %dma_wait3A_654 = tpu.memref_squeeze %dma_wait3A_653 : memref<1x2x128xi32, #tpu.memory_space<hbm>> -> memref<2x128xi32, #tpu.memory_space<hbm>>
        tpu.wait_dma2 semaphore(%dma_wait3A_646 : memref<!tpu.dma_semaphore, #tpu.memory_space<semaphore_mem>>) src(%dma_wait3A_654 : memref<2x128xi32, #tpu.memory_space<hbm>>) dst(%dma_wait3A_650 : memref<2x128xi32, #tpu.memory_space<vmem>>)
        %dma_start3A_655 = arith.constant 0 : i32
        %dma_start3A_656 = arith.constant 0 : i32
        %dma_start3A_657 = arith.constant 0 : i32
        %dma_start3A_658 = arith.constant 0 : i32
        %dma_start3A_659 = arith.constant 0 : i32
        %dma_start3A_660 = arith.constant 0 : i32
        %dma_start3A_661 = arith.constant 0 : i32
        %dma_start3A_662 = tpu.memref_slice %arg7[%dma_start3A_658, %dma_start3A_660, %dma_start3A_661] : memref<4x128x16xf32, #tpu.memory_space<vmem>> -> memref<1x128x16xf32, #tpu.memory_space<vmem>>
        %dma_start3A_663 = tpu.memref_squeeze %dma_start3A_662 : memref<1x128x16xf32, #tpu.memory_space<vmem>> -> memref<128x16xf32, #tpu.memory_space<vmem>>
        %dma_start3A_664 = arith.constant 0 : i32
        %dma_start3A_665 = tpu.memref_slice %arg6[%dma_start3A_655, %dma_start3A_656, %dma_start3A_657, %dma_start3A_664] : memref<2x4x2x128xi32, #tpu.memory_space<vmem>> -> memref<1x1x1x128xi32, #tpu.memory_space<vmem>>
        %dma_start3A_666 = tpu.memref_squeeze %dma_start3A_665 : memref<1x1x1x128xi32, #tpu.memory_space<vmem>> -> memref<128xi32, #tpu.memory_space<vmem>>
        %dma_start3A_667 = arith.constant 0 : i32
        %dma_start3A_668 = arith.constant 0 : i32
        %dma_start3A_669 = tpu.memref_slice %arg2[%dma_start3A_667, %dma_start3A_668] : memref<10240x16xf32, #tpu.memory_space<hbm>> -> memref<10240x16xf32, #tpu.memory_space<hbm>>
        %dma_start3A_670 = tpu.memref_slice %arg10[%dma_start3A_659] : memref<4x!tpu.dma_semaphore, #tpu.memory_space<semaphore_mem>> -> memref<1x!tpu.dma_semaphore, #tpu.memory_space<semaphore_mem>>
        %dma_start3A_671 = tpu.memref_squeeze %dma_start3A_670 : memref<1x!tpu.dma_semaphore, #tpu.memory_space<semaphore_mem>> -> memref<!tpu.dma_semaphore, #tpu.memory_space<semaphore_mem>>
        tpu.enqueue_indirect_dma source(%dma_start3A_669 : memref<10240x16xf32, #tpu.memory_space<hbm>>) target(%dma_start3A_663 : memref<128x16xf32, #tpu.memory_space<vmem>>) offsets(%dma_start3A_666 : memref<128xi32, #tpu.memory_space<vmem>>) semaphore(%dma_start3A_671 : memref<!tpu.dma_semaphore, #tpu.memory_space<semaphore_mem>>)
      } else {
      }
      %lt3A_552 = arith.constant 79 : i32
      %lt3A_553 = arith.cmpi slt, %add3A_539, %lt3A_552 : i32
      %convert_element_type3A_554 = arith.extui %lt3A_553 : i1 to i32
      %cond3A_555 = arith.constant 0 : i32
      %cond3A_556 = arith.cmpi ne, %convert_element_type3A_554, %cond3A_555 : i32
      scf.if %cond3A_556 {
        %add3A_632 = arith.addi %mul3A_4, %add3A_539 : i32
        %dma_start3A_633 = arith.constant 1 : i32
        %dma_start3A_634 = arith.constant 0 : i32
        %dma_start3A_635 = arith.constant 1 : i32
        %dma_start3A_636 = arith.constant 0 : i32
        %dma_start3A_637 = arith.constant 0 : i32
        %dma_start3A_638 = arith.constant 0 : i32
        %dma_start3A_639 = tpu.memref_slice %arg6[%dma_start3A_633, %dma_start3A_634, %dma_start3A_637, %dma_start3A_638] : memref<2x4x2x128xi32, #tpu.memory_space<vmem>> -> memref<1x1x2x128xi32, #tpu.memory_space<vmem>>
        %dma_start3A_640 = tpu.memref_squeeze %dma_start3A_639 : memref<1x1x2x128xi32, #tpu.memory_space<vmem>> -> memref<2x128xi32, #tpu.memory_space<vmem>>
        %dma_start3A_641 = arith.constant 0 : i32
        %dma_start3A_642 = arith.constant 0 : i32
        %dma_start3A_643 = tpu.memref_slice %arg3[%add3A_632, %dma_start3A_641, %dma_start3A_642] : memref<2528x2x128xi32, #tpu.memory_space<hbm>> -> memref<1x2x128xi32, #tpu.memory_space<hbm>>
        %dma_start3A_644 = tpu.memref_squeeze %dma_start3A_643 : memref<1x2x128xi32, #tpu.memory_space<hbm>> -> memref<2x128xi32, #tpu.memory_space<hbm>>
        %dma_start3A_645 = tpu.memref_slice %arg9[%dma_start3A_635, %dma_start3A_636] : memref<2x4x!tpu.dma_semaphore, #tpu.memory_space<semaphore_mem>> -> memref<1x1x!tpu.dma_semaphore, #tpu.memory_space<semaphore_mem>>
        %dma_start3A_646 = tpu.memref_squeeze %dma_start3A_645 : memref<1x1x!tpu.dma_semaphore, #tpu.memory_space<semaphore_mem>> -> memref<!tpu.dma_semaphore, #tpu.memory_space<semaphore_mem>>
        %dma_start3A_647 = arith.constant 0 : i32
        %dma_start3A_648 = arith.constant 0 : i32
        %dma_start3A_649 = tpu.memref_slice %arg6[%dma_start3A_633, %dma_start3A_634, %dma_start3A_647, %dma_start3A_648] : memref<2x4x2x128xi32, #tpu.memory_space<vmem>> -> memref<1x1x2x128xi32, #tpu.memory_space<vmem>>
        %dma_start3A_650 = tpu.memref_squeeze %dma_start3A_649 : memref<1x1x2x128xi32, #tpu.memory_space<vmem>> -> memref<2x128xi32, #tpu.memory_space<vmem>>
        %dma_start3A_651 = arith.constant 0 : i32
        %dma_start3A_652 = arith.constant 0 : i32
        %dma_start3A_653 = tpu.memref_slice %arg3[%add3A_632, %dma_start3A_651, %dma_start3A_652] : memref<2528x2x128xi32, #tpu.memory_space<hbm>> -> memref<1x2x128xi32, #tpu.memory_space<hbm>>
        %dma_start3A_654 = tpu.memref_squeeze %dma_start3A_653 : memref<1x2x128xi32, #tpu.memory_space<hbm>> -> memref<2x128xi32, #tpu.memory_space<hbm>>
        tpu.enqueue_dma source(%dma_start3A_654 : memref<2x128xi32, #tpu.memory_space<hbm>>) target(%dma_start3A_650 : memref<2x128xi32, #tpu.memory_space<vmem>>) target_semaphore(%dma_start3A_646 : memref<!tpu.dma_semaphore, #tpu.memory_space<semaphore_mem>>)
      } else {
      }
      %add3A_557 = arith.constant 4 : i32
      %add3A_558 = arith.addi %mul3A_503, %add3A_557 : i32
      %add3A_559 = arith.constant 1 : i32
      %add3A_560 = arith.addi %add3A_558, %add3A_559 : i32
      %add3A_561 = arith.constant 8 : i32
      %add3A_562 = arith.addi %mul3A_503, %add3A_561 : i32
      %add3A_563 = arith.constant 1 : i32
      %add3A_564 = arith.addi %add3A_562, %add3A_563 : i32
      %add3A_565 = arith.constant 1 : i32
      %add3A_566 = arith.addi %mul3A_503, %add3A_565 : i32
      %lt3A_567 = arith.constant 79 : i32
      %lt3A_568 = arith.cmpi slt, %add3A_566, %lt3A_567 : i32
      %convert_element_type3A_569 = arith.extui %lt3A_568 : i1 to i32
      %cond3A_570 = arith.constant 0 : i32
      %cond3A_571 = arith.cmpi ne, %convert_element_type3A_569, %cond3A_570 : i32
      scf.if %cond3A_571 {
        %dma_wait3A_632 = arith.constant 1 : i32
        %dma_wait3A_633 = arith.constant 1 : i32
        %dma_wait3A_634 = arith.constant 1 : i32
        %dma_wait3A_635 = arith.constant 1 : i32
        %dma_wait3A_636 = arith.constant 1 : i32
        %dma_wait3A_637 = arith.constant 0 : i32
        %dma_wait3A_638 = arith.constant 0 : i32
        %dma_wait3A_639 = tpu.memref_slice %arg7[%dma_wait3A_632, %dma_wait3A_637, %dma_wait3A_638] : memref<4x128x16xf32, #tpu.memory_space<vmem>> -> memref<1x128x16xf32, #tpu.memory_space<vmem>>
        %dma_wait3A_640 = tpu.memref_squeeze %dma_wait3A_639 : memref<1x128x16xf32, #tpu.memory_space<vmem>> -> memref<128x16xf32, #tpu.memory_space<vmem>>
        %dma_wait3A_641 = arith.constant 0 : i32
        %dma_wait3A_642 = tpu.memref_slice %arg6[%dma_wait3A_633, %dma_wait3A_634, %dma_wait3A_635, %dma_wait3A_641] : memref<2x4x2x128xi32, #tpu.memory_space<vmem>> -> memref<1x1x1x128xi32, #tpu.memory_space<vmem>>
        %dma_wait3A_643 = tpu.memref_squeeze %dma_wait3A_642 : memref<1x1x1x128xi32, #tpu.memory_space<vmem>> -> memref<128xi32, #tpu.memory_space<vmem>>
        %dma_wait3A_644 = arith.constant 0 : i32
        %dma_wait3A_645 = arith.constant 0 : i32
        %dma_wait3A_646 = tpu.memref_slice %arg8[%dma_wait3A_644, %dma_wait3A_645] : memref<10240x16xf32, #tpu.memory_space<vmem_shared>> -> memref<10240x16xf32, #tpu.memory_space<vmem_shared>>
        %dma_wait3A_647 = tpu.memref_slice %arg11[%dma_wait3A_636] : memref<4x!tpu.dma_semaphore, #tpu.memory_space<semaphore_mem>> -> memref<1x!tpu.dma_semaphore, #tpu.memory_space<semaphore_mem>>
        %dma_wait3A_648 = tpu.memref_squeeze %dma_wait3A_647 : memref<1x!tpu.dma_semaphore, #tpu.memory_space<semaphore_mem>> -> memref<!tpu.dma_semaphore, #tpu.memory_space<semaphore_mem>>
        tpu.wait_indirect_dma semaphore(%dma_wait3A_648 : memref<!tpu.dma_semaphore, #tpu.memory_space<semaphore_mem>>) src(%dma_wait3A_640 : memref<128x16xf32, #tpu.memory_space<vmem>>) dst(%dma_wait3A_646 : memref<10240x16xf32, #tpu.memory_space<vmem_shared>>)
      } else {
      }
      %lt3A_572 = arith.constant 79 : i32
      %lt3A_573 = arith.cmpi slt, %add3A_560, %lt3A_572 : i32
      %convert_element_type3A_574 = arith.extui %lt3A_573 : i1 to i32
      %cond3A_575 = arith.constant 0 : i32
      %cond3A_576 = arith.cmpi ne, %convert_element_type3A_574, %cond3A_575 : i32
      scf.if %cond3A_576 {
        %add3A_632 = arith.addi %mul3A_4, %add3A_560 : i32
        %dma_wait3A_633 = arith.constant 0 : i32
        %dma_wait3A_634 = arith.constant 1 : i32
        %dma_wait3A_635 = arith.constant 0 : i32
        %dma_wait3A_636 = arith.constant 1 : i32
        %dma_wait3A_637 = arith.constant 0 : i32
        %dma_wait3A_638 = arith.constant 0 : i32
        %dma_wait3A_639 = tpu.memref_slice %arg6[%dma_wait3A_633, %dma_wait3A_634, %dma_wait3A_637, %dma_wait3A_638] : memref<2x4x2x128xi32, #tpu.memory_space<vmem>> -> memref<1x1x2x128xi32, #tpu.memory_space<vmem>>
        %dma_wait3A_640 = tpu.memref_squeeze %dma_wait3A_639 : memref<1x1x2x128xi32, #tpu.memory_space<vmem>> -> memref<2x128xi32, #tpu.memory_space<vmem>>
        %dma_wait3A_641 = arith.constant 0 : i32
        %dma_wait3A_642 = arith.constant 0 : i32
        %dma_wait3A_643 = tpu.memref_slice %arg3[%add3A_632, %dma_wait3A_641, %dma_wait3A_642] : memref<2528x2x128xi32, #tpu.memory_space<hbm>> -> memref<1x2x128xi32, #tpu.memory_space<hbm>>
        %dma_wait3A_644 = tpu.memref_squeeze %dma_wait3A_643 : memref<1x2x128xi32, #tpu.memory_space<hbm>> -> memref<2x128xi32, #tpu.memory_space<hbm>>
        %dma_wait3A_645 = tpu.memref_slice %arg9[%dma_wait3A_635, %dma_wait3A_636] : memref<2x4x!tpu.dma_semaphore, #tpu.memory_space<semaphore_mem>> -> memref<1x1x!tpu.dma_semaphore, #tpu.memory_space<semaphore_mem>>
        %dma_wait3A_646 = tpu.memref_squeeze %dma_wait3A_645 : memref<1x1x!tpu.dma_semaphore, #tpu.memory_space<semaphore_mem>> -> memref<!tpu.dma_semaphore, #tpu.memory_space<semaphore_mem>>
        %dma_wait3A_647 = arith.constant 0 : i32
        %dma_wait3A_648 = arith.constant 0 : i32
        %dma_wait3A_649 = tpu.memref_slice %arg6[%dma_wait3A_633, %dma_wait3A_634, %dma_wait3A_647, %dma_wait3A_648] : memref<2x4x2x128xi32, #tpu.memory_space<vmem>> -> memref<1x1x2x128xi32, #tpu.memory_space<vmem>>
        %dma_wait3A_650 = tpu.memref_squeeze %dma_wait3A_649 : memref<1x1x2x128xi32, #tpu.memory_space<vmem>> -> memref<2x128xi32, #tpu.memory_space<vmem>>
        %dma_wait3A_651 = arith.constant 0 : i32
        %dma_wait3A_652 = arith.constant 0 : i32
        %dma_wait3A_653 = tpu.memref_slice %arg3[%add3A_632, %dma_wait3A_651, %dma_wait3A_652] : memref<2528x2x128xi32, #tpu.memory_space<hbm>> -> memref<1x2x128xi32, #tpu.memory_space<hbm>>
        %dma_wait3A_654 = tpu.memref_squeeze %dma_wait3A_653 : memref<1x2x128xi32, #tpu.memory_space<hbm>> -> memref<2x128xi32, #tpu.memory_space<hbm>>
        tpu.wait_dma2 semaphore(%dma_wait3A_646 : memref<!tpu.dma_semaphore, #tpu.memory_space<semaphore_mem>>) src(%dma_wait3A_654 : memref<2x128xi32, #tpu.memory_space<hbm>>) dst(%dma_wait3A_650 : memref<2x128xi32, #tpu.memory_space<vmem>>)
        %dma_start3A_655 = arith.constant 0 : i32
        %dma_start3A_656 = arith.constant 1 : i32
        %dma_start3A_657 = arith.constant 0 : i32
        %dma_start3A_658 = arith.constant 1 : i32
        %dma_start3A_659 = arith.constant 1 : i32
        %dma_start3A_660 = arith.constant 0 : i32
        %dma_start3A_661 = arith.constant 0 : i32
        %dma_start3A_662 = tpu.memref_slice %arg7[%dma_start3A_658, %dma_start3A_660, %dma_start3A_661] : memref<4x128x16xf32, #tpu.memory_space<vmem>> -> memref<1x128x16xf32, #tpu.memory_space<vmem>>
        %dma_start3A_663 = tpu.memref_squeeze %dma_start3A_662 : memref<1x128x16xf32, #tpu.memory_space<vmem>> -> memref<128x16xf32, #tpu.memory_space<vmem>>
        %dma_start3A_664 = arith.constant 0 : i32
        %dma_start3A_665 = tpu.memref_slice %arg6[%dma_start3A_655, %dma_start3A_656, %dma_start3A_657, %dma_start3A_664] : memref<2x4x2x128xi32, #tpu.memory_space<vmem>> -> memref<1x1x1x128xi32, #tpu.memory_space<vmem>>
        %dma_start3A_666 = tpu.memref_squeeze %dma_start3A_665 : memref<1x1x1x128xi32, #tpu.memory_space<vmem>> -> memref<128xi32, #tpu.memory_space<vmem>>
        %dma_start3A_667 = arith.constant 0 : i32
        %dma_start3A_668 = arith.constant 0 : i32
        %dma_start3A_669 = tpu.memref_slice %arg2[%dma_start3A_667, %dma_start3A_668] : memref<10240x16xf32, #tpu.memory_space<hbm>> -> memref<10240x16xf32, #tpu.memory_space<hbm>>
        %dma_start3A_670 = tpu.memref_slice %arg10[%dma_start3A_659] : memref<4x!tpu.dma_semaphore, #tpu.memory_space<semaphore_mem>> -> memref<1x!tpu.dma_semaphore, #tpu.memory_space<semaphore_mem>>
        %dma_start3A_671 = tpu.memref_squeeze %dma_start3A_670 : memref<1x!tpu.dma_semaphore, #tpu.memory_space<semaphore_mem>> -> memref<!tpu.dma_semaphore, #tpu.memory_space<semaphore_mem>>
        tpu.enqueue_indirect_dma source(%dma_start3A_669 : memref<10240x16xf32, #tpu.memory_space<hbm>>) target(%dma_start3A_663 : memref<128x16xf32, #tpu.memory_space<vmem>>) offsets(%dma_start3A_666 : memref<128xi32, #tpu.memory_space<vmem>>) semaphore(%dma_start3A_671 : memref<!tpu.dma_semaphore, #tpu.memory_space<semaphore_mem>>)
      } else {
      }
      %lt3A_577 = arith.constant 79 : i32
      %lt3A_578 = arith.cmpi slt, %add3A_564, %lt3A_577 : i32
      %convert_element_type3A_579 = arith.extui %lt3A_578 : i1 to i32
      %cond3A_580 = arith.constant 0 : i32
      %cond3A_581 = arith.cmpi ne, %convert_element_type3A_579, %cond3A_580 : i32
      scf.if %cond3A_581 {
        %add3A_632 = arith.addi %mul3A_4, %add3A_564 : i32
        %dma_start3A_633 = arith.constant 1 : i32
        %dma_start3A_634 = arith.constant 1 : i32
        %dma_start3A_635 = arith.constant 1 : i32
        %dma_start3A_636 = arith.constant 1 : i32
        %dma_start3A_637 = arith.constant 0 : i32
        %dma_start3A_638 = arith.constant 0 : i32
        %dma_start3A_639 = tpu.memref_slice %arg6[%dma_start3A_633, %dma_start3A_634, %dma_start3A_637, %dma_start3A_638] : memref<2x4x2x128xi32, #tpu.memory_space<vmem>> -> memref<1x1x2x128xi32, #tpu.memory_space<vmem>>
        %dma_start3A_640 = tpu.memref_squeeze %dma_start3A_639 : memref<1x1x2x128xi32, #tpu.memory_space<vmem>> -> memref<2x128xi32, #tpu.memory_space<vmem>>
        %dma_start3A_641 = arith.constant 0 : i32
        %dma_start3A_642 = arith.constant 0 : i32
        %dma_start3A_643 = tpu.memref_slice %arg3[%add3A_632, %dma_start3A_641, %dma_start3A_642] : memref<2528x2x128xi32, #tpu.memory_space<hbm>> -> memref<1x2x128xi32, #tpu.memory_space<hbm>>
        %dma_start3A_644 = tpu.memref_squeeze %dma_start3A_643 : memref<1x2x128xi32, #tpu.memory_space<hbm>> -> memref<2x128xi32, #tpu.memory_space<hbm>>
        %dma_start3A_645 = tpu.memref_slice %arg9[%dma_start3A_635, %dma_start3A_636] : memref<2x4x!tpu.dma_semaphore, #tpu.memory_space<semaphore_mem>> -> memref<1x1x!tpu.dma_semaphore, #tpu.memory_space<semaphore_mem>>
        %dma_start3A_646 = tpu.memref_squeeze %dma_start3A_645 : memref<1x1x!tpu.dma_semaphore, #tpu.memory_space<semaphore_mem>> -> memref<!tpu.dma_semaphore, #tpu.memory_space<semaphore_mem>>
        %dma_start3A_647 = arith.constant 0 : i32
        %dma_start3A_648 = arith.constant 0 : i32
        %dma_start3A_649 = tpu.memref_slice %arg6[%dma_start3A_633, %dma_start3A_634, %dma_start3A_647, %dma_start3A_648] : memref<2x4x2x128xi32, #tpu.memory_space<vmem>> -> memref<1x1x2x128xi32, #tpu.memory_space<vmem>>
        %dma_start3A_650 = tpu.memref_squeeze %dma_start3A_649 : memref<1x1x2x128xi32, #tpu.memory_space<vmem>> -> memref<2x128xi32, #tpu.memory_space<vmem>>
        %dma_start3A_651 = arith.constant 0 : i32
        %dma_start3A_652 = arith.constant 0 : i32
        %dma_start3A_653 = tpu.memref_slice %arg3[%add3A_632, %dma_start3A_651, %dma_start3A_652] : memref<2528x2x128xi32, #tpu.memory_space<hbm>> -> memref<1x2x128xi32, #tpu.memory_space<hbm>>
        %dma_start3A_654 = tpu.memref_squeeze %dma_start3A_653 : memref<1x2x128xi32, #tpu.memory_space<hbm>> -> memref<2x128xi32, #tpu.memory_space<hbm>>
        tpu.enqueue_dma source(%dma_start3A_654 : memref<2x128xi32, #tpu.memory_space<hbm>>) target(%dma_start3A_650 : memref<2x128xi32, #tpu.memory_space<vmem>>) target_semaphore(%dma_start3A_646 : memref<!tpu.dma_semaphore, #tpu.memory_space<semaphore_mem>>)
      } else {
      }
      %add3A_582 = arith.constant 4 : i32
      %add3A_583 = arith.addi %mul3A_503, %add3A_582 : i32
      %add3A_584 = arith.constant 2 : i32
      %add3A_585 = arith.addi %add3A_583, %add3A_584 : i32
      %add3A_586 = arith.constant 8 : i32
      %add3A_587 = arith.addi %mul3A_503, %add3A_586 : i32
      %add3A_588 = arith.constant 2 : i32
      %add3A_589 = arith.addi %add3A_587, %add3A_588 : i32
      %add3A_590 = arith.constant 2 : i32
      %add3A_591 = arith.addi %mul3A_503, %add3A_590 : i32
      %lt3A_592 = arith.constant 79 : i32
      %lt3A_593 = arith.cmpi slt, %add3A_591, %lt3A_592 : i32
      %convert_element_type3A_594 = arith.extui %lt3A_593 : i1 to i32
      %cond3A_595 = arith.constant 0 : i32
      %cond3A_596 = arith.cmpi ne, %convert_element_type3A_594, %cond3A_595 : i32
      scf.if %cond3A_596 {
        %dma_wait3A_632 = arith.constant 2 : i32
        %dma_wait3A_633 = arith.constant 1 : i32
        %dma_wait3A_634 = arith.constant 2 : i32
        %dma_wait3A_635 = arith.constant 1 : i32
        %dma_wait3A_636 = arith.constant 2 : i32
        %dma_wait3A_637 = arith.constant 0 : i32
        %dma_wait3A_638 = arith.constant 0 : i32
        %dma_wait3A_639 = tpu.memref_slice %arg7[%dma_wait3A_632, %dma_wait3A_637, %dma_wait3A_638] : memref<4x128x16xf32, #tpu.memory_space<vmem>> -> memref<1x128x16xf32, #tpu.memory_space<vmem>>
        %dma_wait3A_640 = tpu.memref_squeeze %dma_wait3A_639 : memref<1x128x16xf32, #tpu.memory_space<vmem>> -> memref<128x16xf32, #tpu.memory_space<vmem>>
        %dma_wait3A_641 = arith.constant 0 : i32
        %dma_wait3A_642 = tpu.memref_slice %arg6[%dma_wait3A_633, %dma_wait3A_634, %dma_wait3A_635, %dma_wait3A_641] : memref<2x4x2x128xi32, #tpu.memory_space<vmem>> -> memref<1x1x1x128xi32, #tpu.memory_space<vmem>>
        %dma_wait3A_643 = tpu.memref_squeeze %dma_wait3A_642 : memref<1x1x1x128xi32, #tpu.memory_space<vmem>> -> memref<128xi32, #tpu.memory_space<vmem>>
        %dma_wait3A_644 = arith.constant 0 : i32
        %dma_wait3A_645 = arith.constant 0 : i32
        %dma_wait3A_646 = tpu.memref_slice %arg8[%dma_wait3A_644, %dma_wait3A_645] : memref<10240x16xf32, #tpu.memory_space<vmem_shared>> -> memref<10240x16xf32, #tpu.memory_space<vmem_shared>>
        %dma_wait3A_647 = tpu.memref_slice %arg11[%dma_wait3A_636] : memref<4x!tpu.dma_semaphore, #tpu.memory_space<semaphore_mem>> -> memref<1x!tpu.dma_semaphore, #tpu.memory_space<semaphore_mem>>
        %dma_wait3A_648 = tpu.memref_squeeze %dma_wait3A_647 : memref<1x!tpu.dma_semaphore, #tpu.memory_space<semaphore_mem>> -> memref<!tpu.dma_semaphore, #tpu.memory_space<semaphore_mem>>
        tpu.wait_indirect_dma semaphore(%dma_wait3A_648 : memref<!tpu.dma_semaphore, #tpu.memory_space<semaphore_mem>>) src(%dma_wait3A_640 : memref<128x16xf32, #tpu.memory_space<vmem>>) dst(%dma_wait3A_646 : memref<10240x16xf32, #tpu.memory_space<vmem_shared>>)
      } else {
      }
      %lt3A_597 = arith.constant 79 : i32
      %lt3A_598 = arith.cmpi slt, %add3A_585, %lt3A_597 : i32
      %convert_element_type3A_599 = arith.extui %lt3A_598 : i1 to i32
      %cond3A_600 = arith.constant 0 : i32
      %cond3A_601 = arith.cmpi ne, %convert_element_type3A_599, %cond3A_600 : i32
      scf.if %cond3A_601 {
        %add3A_632 = arith.addi %mul3A_4, %add3A_585 : i32
        %dma_wait3A_633 = arith.constant 0 : i32
        %dma_wait3A_634 = arith.constant 2 : i32
        %dma_wait3A_635 = arith.constant 0 : i32
        %dma_wait3A_636 = arith.constant 2 : i32
        %dma_wait3A_637 = arith.constant 0 : i32
        %dma_wait3A_638 = arith.constant 0 : i32
        %dma_wait3A_639 = tpu.memref_slice %arg6[%dma_wait3A_633, %dma_wait3A_634, %dma_wait3A_637, %dma_wait3A_638] : memref<2x4x2x128xi32, #tpu.memory_space<vmem>> -> memref<1x1x2x128xi32, #tpu.memory_space<vmem>>
        %dma_wait3A_640 = tpu.memref_squeeze %dma_wait3A_639 : memref<1x1x2x128xi32, #tpu.memory_space<vmem>> -> memref<2x128xi32, #tpu.memory_space<vmem>>
        %dma_wait3A_641 = arith.constant 0 : i32
        %dma_wait3A_642 = arith.constant 0 : i32
        %dma_wait3A_643 = tpu.memref_slice %arg3[%add3A_632, %dma_wait3A_641, %dma_wait3A_642] : memref<2528x2x128xi32, #tpu.memory_space<hbm>> -> memref<1x2x128xi32, #tpu.memory_space<hbm>>
        %dma_wait3A_644 = tpu.memref_squeeze %dma_wait3A_643 : memref<1x2x128xi32, #tpu.memory_space<hbm>> -> memref<2x128xi32, #tpu.memory_space<hbm>>
        %dma_wait3A_645 = tpu.memref_slice %arg9[%dma_wait3A_635, %dma_wait3A_636] : memref<2x4x!tpu.dma_semaphore, #tpu.memory_space<semaphore_mem>> -> memref<1x1x!tpu.dma_semaphore, #tpu.memory_space<semaphore_mem>>
        %dma_wait3A_646 = tpu.memref_squeeze %dma_wait3A_645 : memref<1x1x!tpu.dma_semaphore, #tpu.memory_space<semaphore_mem>> -> memref<!tpu.dma_semaphore, #tpu.memory_space<semaphore_mem>>
        %dma_wait3A_647 = arith.constant 0 : i32
        %dma_wait3A_648 = arith.constant 0 : i32
        %dma_wait3A_649 = tpu.memref_slice %arg6[%dma_wait3A_633, %dma_wait3A_634, %dma_wait3A_647, %dma_wait3A_648] : memref<2x4x2x128xi32, #tpu.memory_space<vmem>> -> memref<1x1x2x128xi32, #tpu.memory_space<vmem>>
        %dma_wait3A_650 = tpu.memref_squeeze %dma_wait3A_649 : memref<1x1x2x128xi32, #tpu.memory_space<vmem>> -> memref<2x128xi32, #tpu.memory_space<vmem>>
        %dma_wait3A_651 = arith.constant 0 : i32
        %dma_wait3A_652 = arith.constant 0 : i32
        %dma_wait3A_653 = tpu.memref_slice %arg3[%add3A_632, %dma_wait3A_651, %dma_wait3A_652] : memref<2528x2x128xi32, #tpu.memory_space<hbm>> -> memref<1x2x128xi32, #tpu.memory_space<hbm>>
        %dma_wait3A_654 = tpu.memref_squeeze %dma_wait3A_653 : memref<1x2x128xi32, #tpu.memory_space<hbm>> -> memref<2x128xi32, #tpu.memory_space<hbm>>
        tpu.wait_dma2 semaphore(%dma_wait3A_646 : memref<!tpu.dma_semaphore, #tpu.memory_space<semaphore_mem>>) src(%dma_wait3A_654 : memref<2x128xi32, #tpu.memory_space<hbm>>) dst(%dma_wait3A_650 : memref<2x128xi32, #tpu.memory_space<vmem>>)
        %dma_start3A_655 = arith.constant 0 : i32
        %dma_start3A_656 = arith.constant 2 : i32
        %dma_start3A_657 = arith.constant 0 : i32
        %dma_start3A_658 = arith.constant 2 : i32
        %dma_start3A_659 = arith.constant 2 : i32
        %dma_start3A_660 = arith.constant 0 : i32
        %dma_start3A_661 = arith.constant 0 : i32
        %dma_start3A_662 = tpu.memref_slice %arg7[%dma_start3A_658, %dma_start3A_660, %dma_start3A_661] : memref<4x128x16xf32, #tpu.memory_space<vmem>> -> memref<1x128x16xf32, #tpu.memory_space<vmem>>
        %dma_start3A_663 = tpu.memref_squeeze %dma_start3A_662 : memref<1x128x16xf32, #tpu.memory_space<vmem>> -> memref<128x16xf32, #tpu.memory_space<vmem>>
        %dma_start3A_664 = arith.constant 0 : i32
        %dma_start3A_665 = tpu.memref_slice %arg6[%dma_start3A_655, %dma_start3A_656, %dma_start3A_657, %dma_start3A_664] : memref<2x4x2x128xi32, #tpu.memory_space<vmem>> -> memref<1x1x1x128xi32, #tpu.memory_space<vmem>>
        %dma_start3A_666 = tpu.memref_squeeze %dma_start3A_665 : memref<1x1x1x128xi32, #tpu.memory_space<vmem>> -> memref<128xi32, #tpu.memory_space<vmem>>
        %dma_start3A_667 = arith.constant 0 : i32
        %dma_start3A_668 = arith.constant 0 : i32
        %dma_start3A_669 = tpu.memref_slice %arg2[%dma_start3A_667, %dma_start3A_668] : memref<10240x16xf32, #tpu.memory_space<hbm>> -> memref<10240x16xf32, #tpu.memory_space<hbm>>
        %dma_start3A_670 = tpu.memref_slice %arg10[%dma_start3A_659] : memref<4x!tpu.dma_semaphore, #tpu.memory_space<semaphore_mem>> -> memref<1x!tpu.dma_semaphore, #tpu.memory_space<semaphore_mem>>
        %dma_start3A_671 = tpu.memref_squeeze %dma_start3A_670 : memref<1x!tpu.dma_semaphore, #tpu.memory_space<semaphore_mem>> -> memref<!tpu.dma_semaphore, #tpu.memory_space<semaphore_mem>>
        tpu.enqueue_indirect_dma source(%dma_start3A_669 : memref<10240x16xf32, #tpu.memory_space<hbm>>) target(%dma_start3A_663 : memref<128x16xf32, #tpu.memory_space<vmem>>) offsets(%dma_start3A_666 : memref<128xi32, #tpu.memory_space<vmem>>) semaphore(%dma_start3A_671 : memref<!tpu.dma_semaphore, #tpu.memory_space<semaphore_mem>>)
      } else {
      }
      %lt3A_602 = arith.constant 79 : i32
      %lt3A_603 = arith.cmpi slt, %add3A_589, %lt3A_602 : i32
      %convert_element_type3A_604 = arith.extui %lt3A_603 : i1 to i32
      %cond3A_605 = arith.constant 0 : i32
      %cond3A_606 = arith.cmpi ne, %convert_element_type3A_604, %cond3A_605 : i32
      scf.if %cond3A_606 {
        %add3A_632 = arith.addi %mul3A_4, %add3A_589 : i32
        %dma_start3A_633 = arith.constant 1 : i32
        %dma_start3A_634 = arith.constant 2 : i32
        %dma_start3A_635 = arith.constant 1 : i32
        %dma_start3A_636 = arith.constant 2 : i32
        %dma_start3A_637 = arith.constant 0 : i32
        %dma_start3A_638 = arith.constant 0 : i32
        %dma_start3A_639 = tpu.memref_slice %arg6[%dma_start3A_633, %dma_start3A_634, %dma_start3A_637, %dma_start3A_638] : memref<2x4x2x128xi32, #tpu.memory_space<vmem>> -> memref<1x1x2x128xi32, #tpu.memory_space<vmem>>
        %dma_start3A_640 = tpu.memref_squeeze %dma_start3A_639 : memref<1x1x2x128xi32, #tpu.memory_space<vmem>> -> memref<2x128xi32, #tpu.memory_space<vmem>>
        %dma_start3A_641 = arith.constant 0 : i32
        %dma_start3A_642 = arith.constant 0 : i32
        %dma_start3A_643 = tpu.memref_slice %arg3[%add3A_632, %dma_start3A_641, %dma_start3A_642] : memref<2528x2x128xi32, #tpu.memory_space<hbm>> -> memref<1x2x128xi32, #tpu.memory_space<hbm>>
        %dma_start3A_644 = tpu.memref_squeeze %dma_start3A_643 : memref<1x2x128xi32, #tpu.memory_space<hbm>> -> memref<2x128xi32, #tpu.memory_space<hbm>>
        %dma_start3A_645 = tpu.memref_slice %arg9[%dma_start3A_635, %dma_start3A_636] : memref<2x4x!tpu.dma_semaphore, #tpu.memory_space<semaphore_mem>> -> memref<1x1x!tpu.dma_semaphore, #tpu.memory_space<semaphore_mem>>
        %dma_start3A_646 = tpu.memref_squeeze %dma_start3A_645 : memref<1x1x!tpu.dma_semaphore, #tpu.memory_space<semaphore_mem>> -> memref<!tpu.dma_semaphore, #tpu.memory_space<semaphore_mem>>
        %dma_start3A_647 = arith.constant 0 : i32
        %dma_start3A_648 = arith.constant 0 : i32
        %dma_start3A_649 = tpu.memref_slice %arg6[%dma_start3A_633, %dma_start3A_634, %dma_start3A_647, %dma_start3A_648] : memref<2x4x2x128xi32, #tpu.memory_space<vmem>> -> memref<1x1x2x128xi32, #tpu.memory_space<vmem>>
        %dma_start3A_650 = tpu.memref_squeeze %dma_start3A_649 : memref<1x1x2x128xi32, #tpu.memory_space<vmem>> -> memref<2x128xi32, #tpu.memory_space<vmem>>
        %dma_start3A_651 = arith.constant 0 : i32
        %dma_start3A_652 = arith.constant 0 : i32
        %dma_start3A_653 = tpu.memref_slice %arg3[%add3A_632, %dma_start3A_651, %dma_start3A_652] : memref<2528x2x128xi32, #tpu.memory_space<hbm>> -> memref<1x2x128xi32, #tpu.memory_space<hbm>>
        %dma_start3A_654 = tpu.memref_squeeze %dma_start3A_653 : memref<1x2x128xi32, #tpu.memory_space<hbm>> -> memref<2x128xi32, #tpu.memory_space<hbm>>
        tpu.enqueue_dma source(%dma_start3A_654 : memref<2x128xi32, #tpu.memory_space<hbm>>) target(%dma_start3A_650 : memref<2x128xi32, #tpu.memory_space<vmem>>) target_semaphore(%dma_start3A_646 : memref<!tpu.dma_semaphore, #tpu.memory_space<semaphore_mem>>)
      } else {
      }
      %add3A_607 = arith.constant 4 : i32
      %add3A_608 = arith.addi %mul3A_503, %add3A_607 : i32
      %add3A_609 = arith.constant 3 : i32
      %add3A_610 = arith.addi %add3A_608, %add3A_609 : i32
      %add3A_611 = arith.constant 8 : i32
      %add3A_612 = arith.addi %mul3A_503, %add3A_611 : i32
      %add3A_613 = arith.constant 3 : i32
      %add3A_614 = arith.addi %add3A_612, %add3A_613 : i32
      %add3A_615 = arith.constant 3 : i32
      %add3A_616 = arith.addi %mul3A_503, %add3A_615 : i32
      %lt3A_617 = arith.constant 79 : i32
      %lt3A_618 = arith.cmpi slt, %add3A_616, %lt3A_617 : i32
      %convert_element_type3A_619 = arith.extui %lt3A_618 : i1 to i32
      %cond3A_620 = arith.constant 0 : i32
      %cond3A_621 = arith.cmpi ne, %convert_element_type3A_619, %cond3A_620 : i32
      scf.if %cond3A_621 {
        %dma_wait3A_632 = arith.constant 3 : i32
        %dma_wait3A_633 = arith.constant 1 : i32
        %dma_wait3A_634 = arith.constant 3 : i32
        %dma_wait3A_635 = arith.constant 1 : i32
        %dma_wait3A_636 = arith.constant 3 : i32
        %dma_wait3A_637 = arith.constant 0 : i32
        %dma_wait3A_638 = arith.constant 0 : i32
        %dma_wait3A_639 = tpu.memref_slice %arg7[%dma_wait3A_632, %dma_wait3A_637, %dma_wait3A_638] : memref<4x128x16xf32, #tpu.memory_space<vmem>> -> memref<1x128x16xf32, #tpu.memory_space<vmem>>
        %dma_wait3A_640 = tpu.memref_squeeze %dma_wait3A_639 : memref<1x128x16xf32, #tpu.memory_space<vmem>> -> memref<128x16xf32, #tpu.memory_space<vmem>>
        %dma_wait3A_641 = arith.constant 0 : i32
        %dma_wait3A_642 = tpu.memref_slice %arg6[%dma_wait3A_633, %dma_wait3A_634, %dma_wait3A_635, %dma_wait3A_641] : memref<2x4x2x128xi32, #tpu.memory_space<vmem>> -> memref<1x1x1x128xi32, #tpu.memory_space<vmem>>
        %dma_wait3A_643 = tpu.memref_squeeze %dma_wait3A_642 : memref<1x1x1x128xi32, #tpu.memory_space<vmem>> -> memref<128xi32, #tpu.memory_space<vmem>>
        %dma_wait3A_644 = arith.constant 0 : i32
        %dma_wait3A_645 = arith.constant 0 : i32
        %dma_wait3A_646 = tpu.memref_slice %arg8[%dma_wait3A_644, %dma_wait3A_645] : memref<10240x16xf32, #tpu.memory_space<vmem_shared>> -> memref<10240x16xf32, #tpu.memory_space<vmem_shared>>
        %dma_wait3A_647 = tpu.memref_slice %arg11[%dma_wait3A_636] : memref<4x!tpu.dma_semaphore, #tpu.memory_space<semaphore_mem>> -> memref<1x!tpu.dma_semaphore, #tpu.memory_space<semaphore_mem>>
        %dma_wait3A_648 = tpu.memref_squeeze %dma_wait3A_647 : memref<1x!tpu.dma_semaphore, #tpu.memory_space<semaphore_mem>> -> memref<!tpu.dma_semaphore, #tpu.memory_space<semaphore_mem>>
        tpu.wait_indirect_dma semaphore(%dma_wait3A_648 : memref<!tpu.dma_semaphore, #tpu.memory_space<semaphore_mem>>) src(%dma_wait3A_640 : memref<128x16xf32, #tpu.memory_space<vmem>>) dst(%dma_wait3A_646 : memref<10240x16xf32, #tpu.memory_space<vmem_shared>>)
      } else {
      }
      %lt3A_622 = arith.constant 79 : i32
      %lt3A_623 = arith.cmpi slt, %add3A_610, %lt3A_622 : i32
      %convert_element_type3A_624 = arith.extui %lt3A_623 : i1 to i32
      %cond3A_625 = arith.constant 0 : i32
      %cond3A_626 = arith.cmpi ne, %convert_element_type3A_624, %cond3A_625 : i32
      scf.if %cond3A_626 {
        %add3A_632 = arith.addi %mul3A_4, %add3A_610 : i32
        %dma_wait3A_633 = arith.constant 0 : i32
        %dma_wait3A_634 = arith.constant 3 : i32
        %dma_wait3A_635 = arith.constant 0 : i32
        %dma_wait3A_636 = arith.constant 3 : i32
        %dma_wait3A_637 = arith.constant 0 : i32
        %dma_wait3A_638 = arith.constant 0 : i32
        %dma_wait3A_639 = tpu.memref_slice %arg6[%dma_wait3A_633, %dma_wait3A_634, %dma_wait3A_637, %dma_wait3A_638] : memref<2x4x2x128xi32, #tpu.memory_space<vmem>> -> memref<1x1x2x128xi32, #tpu.memory_space<vmem>>
        %dma_wait3A_640 = tpu.memref_squeeze %dma_wait3A_639 : memref<1x1x2x128xi32, #tpu.memory_space<vmem>> -> memref<2x128xi32, #tpu.memory_space<vmem>>
        %dma_wait3A_641 = arith.constant 0 : i32
        %dma_wait3A_642 = arith.constant 0 : i32
        %dma_wait3A_643 = tpu.memref_slice %arg3[%add3A_632, %dma_wait3A_641, %dma_wait3A_642] : memref<2528x2x128xi32, #tpu.memory_space<hbm>> -> memref<1x2x128xi32, #tpu.memory_space<hbm>>
        %dma_wait3A_644 = tpu.memref_squeeze %dma_wait3A_643 : memref<1x2x128xi32, #tpu.memory_space<hbm>> -> memref<2x128xi32, #tpu.memory_space<hbm>>
        %dma_wait3A_645 = tpu.memref_slice %arg9[%dma_wait3A_635, %dma_wait3A_636] : memref<2x4x!tpu.dma_semaphore, #tpu.memory_space<semaphore_mem>> -> memref<1x1x!tpu.dma_semaphore, #tpu.memory_space<semaphore_mem>>
        %dma_wait3A_646 = tpu.memref_squeeze %dma_wait3A_645 : memref<1x1x!tpu.dma_semaphore, #tpu.memory_space<semaphore_mem>> -> memref<!tpu.dma_semaphore, #tpu.memory_space<semaphore_mem>>
        %dma_wait3A_647 = arith.constant 0 : i32
        %dma_wait3A_648 = arith.constant 0 : i32
        %dma_wait3A_649 = tpu.memref_slice %arg6[%dma_wait3A_633, %dma_wait3A_634, %dma_wait3A_647, %dma_wait3A_648] : memref<2x4x2x128xi32, #tpu.memory_space<vmem>> -> memref<1x1x2x128xi32, #tpu.memory_space<vmem>>
        %dma_wait3A_650 = tpu.memref_squeeze %dma_wait3A_649 : memref<1x1x2x128xi32, #tpu.memory_space<vmem>> -> memref<2x128xi32, #tpu.memory_space<vmem>>
        %dma_wait3A_651 = arith.constant 0 : i32
        %dma_wait3A_652 = arith.constant 0 : i32
        %dma_wait3A_653 = tpu.memref_slice %arg3[%add3A_632, %dma_wait3A_651, %dma_wait3A_652] : memref<2528x2x128xi32, #tpu.memory_space<hbm>> -> memref<1x2x128xi32, #tpu.memory_space<hbm>>
        %dma_wait3A_654 = tpu.memref_squeeze %dma_wait3A_653 : memref<1x2x128xi32, #tpu.memory_space<hbm>> -> memref<2x128xi32, #tpu.memory_space<hbm>>
        tpu.wait_dma2 semaphore(%dma_wait3A_646 : memref<!tpu.dma_semaphore, #tpu.memory_space<semaphore_mem>>) src(%dma_wait3A_654 : memref<2x128xi32, #tpu.memory_space<hbm>>) dst(%dma_wait3A_650 : memref<2x128xi32, #tpu.memory_space<vmem>>)
        %dma_start3A_655 = arith.constant 0 : i32
        %dma_start3A_656 = arith.constant 3 : i32
        %dma_start3A_657 = arith.constant 0 : i32
        %dma_start3A_658 = arith.constant 3 : i32
        %dma_start3A_659 = arith.constant 3 : i32
        %dma_start3A_660 = arith.constant 0 : i32
        %dma_start3A_661 = arith.constant 0 : i32
        %dma_start3A_662 = tpu.memref_slice %arg7[%dma_start3A_658, %dma_start3A_660, %dma_start3A_661] : memref<4x128x16xf32, #tpu.memory_space<vmem>> -> memref<1x128x16xf32, #tpu.memory_space<vmem>>
        %dma_start3A_663 = tpu.memref_squeeze %dma_start3A_662 : memref<1x128x16xf32, #tpu.memory_space<vmem>> -> memref<128x16xf32, #tpu.memory_space<vmem>>
        %dma_start3A_664 = arith.constant 0 : i32
        %dma_start3A_665 = tpu.memref_slice %arg6[%dma_start3A_655, %dma_start3A_656, %dma_start3A_657, %dma_start3A_664] : memref<2x4x2x128xi32, #tpu.memory_space<vmem>> -> memref<1x1x1x128xi32, #tpu.memory_space<vmem>>
        %dma_start3A_666 = tpu.memref_squeeze %dma_start3A_665 : memref<1x1x1x128xi32, #tpu.memory_space<vmem>> -> memref<128xi32, #tpu.memory_space<vmem>>
        %dma_start3A_667 = arith.constant 0 : i32
        %dma_start3A_668 = arith.constant 0 : i32
        %dma_start3A_669 = tpu.memref_slice %arg2[%dma_start3A_667, %dma_start3A_668] : memref<10240x16xf32, #tpu.memory_space<hbm>> -> memref<10240x16xf32, #tpu.memory_space<hbm>>
        %dma_start3A_670 = tpu.memref_slice %arg10[%dma_start3A_659] : memref<4x!tpu.dma_semaphore, #tpu.memory_space<semaphore_mem>> -> memref<1x!tpu.dma_semaphore, #tpu.memory_space<semaphore_mem>>
        %dma_start3A_671 = tpu.memref_squeeze %dma_start3A_670 : memref<1x!tpu.dma_semaphore, #tpu.memory_space<semaphore_mem>> -> memref<!tpu.dma_semaphore, #tpu.memory_space<semaphore_mem>>
        tpu.enqueue_indirect_dma source(%dma_start3A_669 : memref<10240x16xf32, #tpu.memory_space<hbm>>) target(%dma_start3A_663 : memref<128x16xf32, #tpu.memory_space<vmem>>) offsets(%dma_start3A_666 : memref<128xi32, #tpu.memory_space<vmem>>) semaphore(%dma_start3A_671 : memref<!tpu.dma_semaphore, #tpu.memory_space<semaphore_mem>>)
      } else {
      }
      %lt3A_627 = arith.constant 79 : i32
      %lt3A_628 = arith.cmpi slt, %add3A_614, %lt3A_627 : i32
      %convert_element_type3A_629 = arith.extui %lt3A_628 : i1 to i32
      %cond3A_630 = arith.constant 0 : i32
      %cond3A_631 = arith.cmpi ne, %convert_element_type3A_629, %cond3A_630 : i32
      scf.if %cond3A_631 {
        %add3A_632 = arith.addi %mul3A_4, %add3A_614 : i32
        %dma_start3A_633 = arith.constant 1 : i32
        %dma_start3A_634 = arith.constant 3 : i32
        %dma_start3A_635 = arith.constant 1 : i32
        %dma_start3A_636 = arith.constant 3 : i32
        %dma_start3A_637 = arith.constant 0 : i32
        %dma_start3A_638 = arith.constant 0 : i32
        %dma_start3A_639 = tpu.memref_slice %arg6[%dma_start3A_633, %dma_start3A_634, %dma_start3A_637, %dma_start3A_638] : memref<2x4x2x128xi32, #tpu.memory_space<vmem>> -> memref<1x1x2x128xi32, #tpu.memory_space<vmem>>
        %dma_start3A_640 = tpu.memref_squeeze %dma_start3A_639 : memref<1x1x2x128xi32, #tpu.memory_space<vmem>> -> memref<2x128xi32, #tpu.memory_space<vmem>>
        %dma_start3A_641 = arith.constant 0 : i32
        %dma_start3A_642 = arith.constant 0 : i32
        %dma_start3A_643 = tpu.memref_slice %arg3[%add3A_632, %dma_start3A_641, %dma_start3A_642] : memref<2528x2x128xi32, #tpu.memory_space<hbm>> -> memref<1x2x128xi32, #tpu.memory_space<hbm>>
        %dma_start3A_644 = tpu.memref_squeeze %dma_start3A_643 : memref<1x2x128xi32, #tpu.memory_space<hbm>> -> memref<2x128xi32, #tpu.memory_space<hbm>>
        %dma_start3A_645 = tpu.memref_slice %arg9[%dma_start3A_635, %dma_start3A_636] : memref<2x4x!tpu.dma_semaphore, #tpu.memory_space<semaphore_mem>> -> memref<1x1x!tpu.dma_semaphore, #tpu.memory_space<semaphore_mem>>
        %dma_start3A_646 = tpu.memref_squeeze %dma_start3A_645 : memref<1x1x!tpu.dma_semaphore, #tpu.memory_space<semaphore_mem>> -> memref<!tpu.dma_semaphore, #tpu.memory_space<semaphore_mem>>
        %dma_start3A_647 = arith.constant 0 : i32
        %dma_start3A_648 = arith.constant 0 : i32
        %dma_start3A_649 = tpu.memref_slice %arg6[%dma_start3A_633, %dma_start3A_634, %dma_start3A_647, %dma_start3A_648] : memref<2x4x2x128xi32, #tpu.memory_space<vmem>> -> memref<1x1x2x128xi32, #tpu.memory_space<vmem>>
        %dma_start3A_650 = tpu.memref_squeeze %dma_start3A_649 : memref<1x1x2x128xi32, #tpu.memory_space<vmem>> -> memref<2x128xi32, #tpu.memory_space<vmem>>
        %dma_start3A_651 = arith.constant 0 : i32
        %dma_start3A_652 = arith.constant 0 : i32
        %dma_start3A_653 = tpu.memref_slice %arg3[%add3A_632, %dma_start3A_651, %dma_start3A_652] : memref<2528x2x128xi32, #tpu.memory_space<hbm>> -> memref<1x2x128xi32, #tpu.memory_space<hbm>>
        %dma_start3A_654 = tpu.memref_squeeze %dma_start3A_653 : memref<1x2x128xi32, #tpu.memory_space<hbm>> -> memref<2x128xi32, #tpu.memory_space<hbm>>
        tpu.enqueue_dma source(%dma_start3A_654 : memref<2x128xi32, #tpu.memory_space<hbm>>) target(%dma_start3A_650 : memref<2x128xi32, #tpu.memory_space<vmem>>) target_semaphore(%dma_start3A_646 : memref<!tpu.dma_semaphore, #tpu.memory_space<semaphore_mem>>)
      } else {
      }
    }
    %scan3A_363 = arith.constant 10 : i32
    %barrier3A_364 = arith.constant 0 : index
    tpu.barrier barrier_id(%barrier3A_364)
    %mul3A_365 = arith.constant 10240 : i32
    %mul3A_366 = arith.muli %arg0, %mul3A_365 : i32
    %add3A_367 = arith.addi %mul3A_366, %mul3A_2 : i32
    "tpu.region"() ({
      %run_scoped3A = tpu.sem_alloc : memref<!tpu.dma_semaphore, #tpu.memory_space<semaphore_mem>>
      %dma_start3A_368 = arith.constant 0 : i32
      %dma_start3A_369 = tpu.memref_slice %arg5[%add3A_367, %dma_start3A_368] : memref<20480x16xf32, #tpu.memory_space<hbm>> -> memref<640x16xf32, #tpu.memory_space<hbm>>
      %dma_start3A_370 = arith.constant 0 : i32
      %dma_start3A_371 = tpu.memref_slice %arg8[%mul3A_2, %dma_start3A_370] : memref<10240x16xf32, #tpu.memory_space<vmem_shared>> -> memref<640x16xf32, #tpu.memory_space<vmem_shared>>
      tpu.enqueue_dma source(%dma_start3A_371 : memref<640x16xf32, #tpu.memory_space<vmem_shared>>) target(%dma_start3A_369 : memref<640x16xf32, #tpu.memory_space<hbm>>) target_semaphore(%run_scoped3A : memref<!tpu.dma_semaphore, #tpu.memory_space<semaphore_mem>>)
      %dma_wait3A_372 = arith.constant 0 : i32
      %dma_wait3A_373 = tpu.memref_slice %arg5[%add3A_367, %dma_wait3A_372] : memref<20480x16xf32, #tpu.memory_space<hbm>> -> memref<640x16xf32, #tpu.memory_space<hbm>>
      %dma_wait3A_374 = arith.constant 0 : i32
      %dma_wait3A_375 = tpu.memref_slice %arg8[%mul3A_2, %dma_wait3A_374] : memref<10240x16xf32, #tpu.memory_space<vmem_shared>> -> memref<640x16xf32, #tpu.memory_space<vmem_shared>>
      tpu.wait_dma2 semaphore(%run_scoped3A : memref<!tpu.dma_semaphore, #tpu.memory_space<semaphore_mem>>) src(%dma_wait3A_375 : memref<640x16xf32, #tpu.memory_space<vmem_shared>>) dst(%dma_wait3A_373 : memref<640x16xf32, #tpu.memory_space<hbm>>)
      tpu.yield
    }) : () -> ()
    return
  }
}

module attributes {stable_mosaic.version = 14 : i64} {
  func.func @_tcb_body(%arg0: i32, %arg1: memref<1024x128xf32, #tpu.memory_space<vmem>>, %arg2: memref<1024x128xf32, #tpu.memory_space<vmem>>, %arg3: memref<1024x16xf32, #tpu.memory_space<vmem>>, %arg4: memref<1024x16xf32, #tpu.memory_space<vmem>>, %arg5: memref<1024x128xf32, #tpu.memory_space<vmem>>, %arg6: memref<128x128xf32, #tpu.memory_space<vmem>>, %arg7: memref<128x128xf32, #tpu.memory_space<vmem>>, %arg8: memref<1x128xf32, #tpu.memory_space<vmem>>, %arg9: memref<128x16xf32, #tpu.memory_space<vmem>>, %arg10: memref<128x16xf32, #tpu.memory_space<vmem>>, %arg11: memref<1x16xf32, #tpu.memory_space<vmem>>, %arg12: memref<1024x16xf32, #tpu.memory_space<vmem>>, %arg13: memref<1024x16xf32, #tpu.memory_space<vmem>>) attributes {dimension_semantics = [#tpu.dimension_semantics<arbitrary>], iteration_bounds = array<i64: 10>, scalar_prefetch = 0 : i64, scratch_operands = 0 : i64, tpu.core_type = #tpu.core_type<tc>, window_params = [{transform_indices = @transform_0, window_bounds = array<i64: 1024, 128>}, {transform_indices = @transform_1, window_bounds = array<i64: 1024, 128>}, {transform_indices = @transform_2, window_bounds = array<i64: 1024, 16>}, {transform_indices = @transform_3, window_bounds = array<i64: 1024, 16>}, {transform_indices = @transform_4, window_bounds = array<i64: 1024, 128>}, {pipeline_mode = #tpu.pipeline_mode<synchronous>, transform_indices = @transform_5, window_bounds = array<i64: 128, 128>}, {pipeline_mode = #tpu.pipeline_mode<synchronous>, transform_indices = @transform_6, window_bounds = array<i64: 128, 128>}, {pipeline_mode = #tpu.pipeline_mode<synchronous>, transform_indices = @transform_7, window_bounds = array<i64: 1, 128>}, {pipeline_mode = #tpu.pipeline_mode<synchronous>, transform_indices = @transform_8, window_bounds = array<i64: 128, 16>}, {pipeline_mode = #tpu.pipeline_mode<synchronous>, transform_indices = @transform_9, window_bounds = array<i64: 128, 16>}, {pipeline_mode = #tpu.pipeline_mode<synchronous>, transform_indices = @transform_10, window_bounds = array<i64: 1, 16>}, {transform_indices = @transform_11, window_bounds = array<i64: 1024, 16>}, {transform_indices = @transform_12, window_bounds = array<i64: 1024, 16>}]} {
    %get3A = arith.constant 0 : index
    %get3A_0 = arith.constant 0 : index
    %get3A_1 = vector.load %arg3[%get3A, %get3A_0] : memref<1024x16xf32, #tpu.memory_space<vmem>>, vector<1024x16xf32>
    %slice3A = vector.extract_strided_slice %get3A_1 {offsets = [0, 0], sizes = [1024, 1], strides = [1, 1]} : vector<1024x16xf32> to vector<1024x1xf32>
    %get3A_2 = arith.constant 0 : index
    %get3A_3 = arith.constant 0 : index
    %get3A_4 = vector.load %arg4[%get3A_2, %get3A_3] : memref<1024x16xf32, #tpu.memory_space<vmem>>, vector<1024x16xf32>
    %slice3A_5 = vector.extract_strided_slice %get3A_4 {offsets = [0, 0], sizes = [1024, 1], strides = [1, 1]} : vector<1024x16xf32> to vector<1024x1xf32>
    %add3A = arith.addf %slice3A, %slice3A_5 : vector<1024x1xf32>
    %max3A = arith.constant 1.000000e+00 : f32
    %max3A_6 = vector.broadcast %max3A : f32 to vector<1024x1xf32>
    %max3A_7 = arith.maximumf %add3A, %max3A_6 : vector<1024x1xf32>
    %get3A_8 = arith.constant 0 : index
    %get3A_9 = arith.constant 0 : index
    %get3A_10 = vector.load %arg1[%get3A_8, %get3A_9] : memref<1024x128xf32, #tpu.memory_space<vmem>>, vector<1024x128xf32>
    %get3A_11 = arith.constant 0 : index
    %get3A_12 = arith.constant 0 : index
    %get3A_13 = vector.load %arg2[%get3A_11, %get3A_12] : memref<1024x128xf32, #tpu.memory_space<vmem>>, vector<1024x128xf32>
    %add3A_14 = arith.addf %get3A_10, %get3A_13 : vector<1024x128xf32>
    %div3A = vector.broadcast %max3A_7 : vector<1024x1xf32> to vector<1024x128xf32>
    %div3A_15 = arith.divf %add3A_14, %div3A : vector<1024x128xf32>
    %get3A_16 = arith.constant 0 : index
    %get3A_17 = arith.constant 0 : index
    %get3A_18 = vector.load %arg6[%get3A_16, %get3A_17] : memref<128x128xf32, #tpu.memory_space<vmem>>, vector<128x128xf32>
    %dot_general3A = arith.constant dense<0.000000e+00> : vector<1024x128xf32>
    %dot_general3A_19 = tpu.matmul %div3A_15, %get3A_18, %dot_general3A {dimension_numbers = #tpu.dot_dimension_numbers<[1], [0], [0], [1], [0, 0, 1, 1], [], []>, transpose_lhs_hint = false} : vector<1024x128xf32>, vector<128x128xf32>, vector<1024x128xf32> -> vector<1024x128xf32>
    %get3A_20 = arith.constant 0 : index
    %get3A_21 = arith.constant 0 : index
    %get3A_22 = vector.load %arg5[%get3A_20, %get3A_21] : memref<1024x128xf32, #tpu.memory_space<vmem>>, vector<1024x128xf32>
    %get3A_23 = arith.constant 0 : index
    %get3A_24 = arith.constant 0 : index
    %get3A_25 = vector.load %arg7[%get3A_23, %get3A_24] : memref<128x128xf32, #tpu.memory_space<vmem>>, vector<128x128xf32>
    %dot_general3A_26 = arith.constant dense<0.000000e+00> : vector<1024x128xf32>
    %dot_general3A_27 = tpu.matmul %get3A_22, %get3A_25, %dot_general3A_26 {dimension_numbers = #tpu.dot_dimension_numbers<[1], [0], [0], [1], [0, 0, 1, 1], [], []>, transpose_lhs_hint = false} : vector<1024x128xf32>, vector<128x128xf32>, vector<1024x128xf32> -> vector<1024x128xf32>
    %add3A_28 = arith.addf %dot_general3A_19, %dot_general3A_27 : vector<1024x128xf32>
    %get3A_29 = arith.constant 0 : index
    %get3A_30 = arith.constant 0 : index
    %get3A_31 = vector.load %arg8[%get3A_29, %get3A_30] : memref<1x128xf32, #tpu.memory_space<vmem>>, vector<1x128xf32>
    %add3A_32 = vector.broadcast %get3A_31 : vector<1x128xf32> to vector<1024x128xf32>
    %add3A_33 = arith.addf %add3A_28, %add3A_32 : vector<1024x128xf32>
    %max3A_34 = arith.constant 0.000000e+00 : f32
    %max3A_35 = vector.broadcast %max3A_34 : f32 to vector<1024x128xf32>
    %max3A_36 = arith.maximumf %add3A_33, %max3A_35 : vector<1024x128xf32>
    %get3A_37 = arith.constant 0 : index
    %get3A_38 = arith.constant 0 : index
    %get3A_39 = vector.load %arg9[%get3A_37, %get3A_38] : memref<128x16xf32, #tpu.memory_space<vmem>>, vector<128x16xf32>
    %dot_general3A_40 = arith.constant dense<0.000000e+00> : vector<1024x16xf32>
    %dot_general3A_41 = tpu.matmul %max3A_36, %get3A_39, %dot_general3A_40 {dimension_numbers = #tpu.dot_dimension_numbers<[1], [0], [0], [1], [0, 0, 1, 1], [], []>, transpose_lhs_hint = false} : vector<1024x128xf32>, vector<128x16xf32>, vector<1024x16xf32> -> vector<1024x16xf32>
    %swap3A = arith.constant 0 : index
    %swap3A_42 = arith.constant 0 : index
    %swap3A_43 = vector.load %arg12[%swap3A, %swap3A_42] : memref<1024x16xf32, #tpu.memory_space<vmem>>, vector<1024x16xf32>
    tpu.vector_store %arg12[%swap3A, %swap3A_42], %dot_general3A_41 {strides = array<i32>} : memref<1024x16xf32, #tpu.memory_space<vmem>>, vector<1024x16xf32>,
    %get3A_44 = arith.constant 0 : index
    %get3A_45 = arith.constant 0 : index
    %get3A_46 = vector.load %arg10[%get3A_44, %get3A_45] : memref<128x16xf32, #tpu.memory_space<vmem>>, vector<128x16xf32>
    %dot_general3A_47 = arith.constant dense<0.000000e+00> : vector<1024x16xf32>
    %dot_general3A_48 = tpu.matmul %max3A_36, %get3A_46, %dot_general3A_47 {dimension_numbers = #tpu.dot_dimension_numbers<[1], [0], [0], [1], [0, 0, 1, 1], [], []>, transpose_lhs_hint = false} : vector<1024x128xf32>, vector<128x16xf32>, vector<1024x16xf32> -> vector<1024x16xf32>
    %get3A_49 = arith.constant 0 : index
    %get3A_50 = arith.constant 0 : index
    %get3A_51 = vector.load %arg11[%get3A_49, %get3A_50] : memref<1x16xf32, #tpu.memory_space<vmem>>, vector<1x16xf32>
    %add3A_52 = vector.broadcast %get3A_51 : vector<1x16xf32> to vector<1024x16xf32>
    %add3A_53 = arith.addf %dot_general3A_48, %add3A_52 : vector<1024x16xf32>
    %swap3A_54 = arith.constant 0 : index
    %swap3A_55 = arith.constant 0 : index
    %swap3A_56 = vector.load %arg13[%swap3A_54, %swap3A_55] : memref<1024x16xf32, #tpu.memory_space<vmem>>, vector<1024x16xf32>
    tpu.vector_store %arg13[%swap3A_54, %swap3A_55], %add3A_53 {strides = array<i32>} : memref<1024x16xf32, #tpu.memory_space<vmem>>, vector<1024x16xf32>,
    return
  }
  func.func @transform_0(%arg0: i32) -> (i32, i32) {
    %c0_i32 = arith.constant 0 : i32
    %c0_i32_0 = arith.constant 0 : i32
    return %arg0, %c0_i32 : i32, i32
  }
  func.func @transform_1(%arg0: i32) -> (i32, i32) {
    %add3A = arith.constant 10 : i32
    %add3A_0 = arith.addi %arg0, %add3A : i32
    %c0_i32 = arith.constant 0 : i32
    %c0_i32_1 = arith.constant 0 : i32
    return %add3A_0, %c0_i32 : i32, i32
  }
  func.func @transform_2(%arg0: i32) -> (i32, i32) {
    %c0_i32 = arith.constant 0 : i32
    %c0_i32_0 = arith.constant 0 : i32
    return %arg0, %c0_i32 : i32, i32
  }
  func.func @transform_3(%arg0: i32) -> (i32, i32) {
    %add3A = arith.constant 10 : i32
    %add3A_0 = arith.addi %arg0, %add3A : i32
    %c0_i32 = arith.constant 0 : i32
    %c0_i32_1 = arith.constant 0 : i32
    return %add3A_0, %c0_i32 : i32, i32
  }
  func.func @transform_4(%arg0: i32) -> (i32, i32) {
    %c0_i32 = arith.constant 0 : i32
    %c0_i32_0 = arith.constant 0 : i32
    return %arg0, %c0_i32 : i32, i32
  }
  func.func @transform_5(%arg0: i32) -> (i32, i32) {
    %c0_i32 = arith.constant 0 : i32
    %c0_i32_0 = arith.constant 0 : i32
    %c0_i32_1 = arith.constant 0 : i32
    return %c0_i32, %c0_i32_0 : i32, i32
  }
  func.func @transform_6(%arg0: i32) -> (i32, i32) {
    %c0_i32 = arith.constant 0 : i32
    %c0_i32_0 = arith.constant 0 : i32
    %c0_i32_1 = arith.constant 0 : i32
    return %c0_i32, %c0_i32_0 : i32, i32
  }
  func.func @transform_7(%arg0: i32) -> (i32, i32) {
    %c0_i32 = arith.constant 0 : i32
    %c0_i32_0 = arith.constant 0 : i32
    %c0_i32_1 = arith.constant 0 : i32
    return %c0_i32, %c0_i32_0 : i32, i32
  }
  func.func @transform_8(%arg0: i32) -> (i32, i32) {
    %c0_i32 = arith.constant 0 : i32
    %c0_i32_0 = arith.constant 0 : i32
    %c0_i32_1 = arith.constant 0 : i32
    return %c0_i32, %c0_i32_0 : i32, i32
  }
  func.func @transform_9(%arg0: i32) -> (i32, i32) {
    %c0_i32 = arith.constant 0 : i32
    %c0_i32_0 = arith.constant 0 : i32
    %c0_i32_1 = arith.constant 0 : i32
    return %c0_i32, %c0_i32_0 : i32, i32
  }
  func.func @transform_10(%arg0: i32) -> (i32, i32) {
    %c0_i32 = arith.constant 0 : i32
    %c0_i32_0 = arith.constant 0 : i32
    %c0_i32_1 = arith.constant 0 : i32
    return %c0_i32, %c0_i32_0 : i32, i32
  }
  func.func @transform_11(%arg0: i32) -> (i32, i32) {
    %c0_i32 = arith.constant 0 : i32
    %c0_i32_0 = arith.constant 0 : i32
    return %arg0, %c0_i32 : i32, i32
  }
  func.func @transform_12(%arg0: i32) -> (i32, i32) {
    %c0_i32 = arith.constant 0 : i32
    %c0_i32_0 = arith.constant 0 : i32
    return %arg0, %c0_i32 : i32, i32
  }
}

module attributes {stable_mosaic.version = 14 : i64} {
  func.func @_tcc_body(%arg0: i32, %arg1: memref<1024x16xf32, #tpu.memory_space<vmem>>, %arg2: memref<1024x16xf32, #tpu.memory_space<vmem>>, %arg3: memref<1024x16xf32, #tpu.memory_space<vmem>>, %arg4: memref<1024x16xf32, #tpu.memory_space<vmem>>, %arg5: memref<1024x16xf32, #tpu.memory_space<vmem>>, %arg6: memref<16x256xf32, #tpu.memory_space<vmem>>, %arg7: memref<16x256xf32, #tpu.memory_space<vmem>>, %arg8: memref<256x16xf32, #tpu.memory_space<vmem>>, %arg9: memref<1x16xf32, #tpu.memory_space<vmem>>, %arg10: memref<1024x16xf32, #tpu.memory_space<vmem>>) attributes {dimension_semantics = [#tpu.dimension_semantics<arbitrary>], iteration_bounds = array<i64: 10>, scalar_prefetch = 0 : i64, scratch_operands = 0 : i64, tpu.core_type = #tpu.core_type<tc>, window_params = [{transform_indices = @transform_0, window_bounds = array<i64: 1024, 16>}, {transform_indices = @transform_1, window_bounds = array<i64: 1024, 16>}, {transform_indices = @transform_2, window_bounds = array<i64: 1024, 16>}, {transform_indices = @transform_3, window_bounds = array<i64: 1024, 16>}, {transform_indices = @transform_4, window_bounds = array<i64: 1024, 16>}, {pipeline_mode = #tpu.pipeline_mode<synchronous>, transform_indices = @transform_5, window_bounds = array<i64: 16, 256>}, {pipeline_mode = #tpu.pipeline_mode<synchronous>, transform_indices = @transform_6, window_bounds = array<i64: 16, 256>}, {pipeline_mode = #tpu.pipeline_mode<synchronous>, transform_indices = @transform_7, window_bounds = array<i64: 256, 16>}, {pipeline_mode = #tpu.pipeline_mode<synchronous>, transform_indices = @transform_8, window_bounds = array<i64: 1, 16>}, {transform_indices = @transform_9, window_bounds = array<i64: 1024, 16>}]} {
    %get3A = arith.constant 0 : index
    %get3A_0 = arith.constant 0 : index
    %get3A_1 = vector.load %arg3[%get3A, %get3A_0] : memref<1024x16xf32, #tpu.memory_space<vmem>>, vector<1024x16xf32>
    %slice3A = vector.extract_strided_slice %get3A_1 {offsets = [0, 0], sizes = [1024, 1], strides = [1, 1]} : vector<1024x16xf32> to vector<1024x1xf32>
    %get3A_2 = arith.constant 0 : index
    %get3A_3 = arith.constant 0 : index
    %get3A_4 = vector.load %arg4[%get3A_2, %get3A_3] : memref<1024x16xf32, #tpu.memory_space<vmem>>, vector<1024x16xf32>
    %slice3A_5 = vector.extract_strided_slice %get3A_4 {offsets = [0, 0], sizes = [1024, 1], strides = [1, 1]} : vector<1024x16xf32> to vector<1024x1xf32>
    %add3A = arith.addf %slice3A, %slice3A_5 : vector<1024x1xf32>
    %max3A = arith.constant 1.000000e+00 : f32
    %max3A_6 = vector.broadcast %max3A : f32 to vector<1024x1xf32>
    %max3A_7 = arith.maximumf %add3A, %max3A_6 : vector<1024x1xf32>
    %get3A_8 = arith.constant 0 : index
    %get3A_9 = arith.constant 0 : index
    %get3A_10 = vector.load %arg1[%get3A_8, %get3A_9] : memref<1024x16xf32, #tpu.memory_space<vmem>>, vector<1024x16xf32>
    %get3A_11 = arith.constant 0 : index
    %get3A_12 = arith.constant 0 : index
    %get3A_13 = vector.load %arg2[%get3A_11, %get3A_12] : memref<1024x16xf32, #tpu.memory_space<vmem>>, vector<1024x16xf32>
    %add3A_14 = arith.addf %get3A_10, %get3A_13 : vector<1024x16xf32>
    %div3A = vector.broadcast %max3A_7 : vector<1024x1xf32> to vector<1024x16xf32>
    %div3A_15 = arith.divf %add3A_14, %div3A : vector<1024x16xf32>
    %get3A_16 = arith.constant 0 : index
    %get3A_17 = arith.constant 0 : index
    %get3A_18 = vector.load %arg5[%get3A_16, %get3A_17] : memref<1024x16xf32, #tpu.memory_space<vmem>>, vector<1024x16xf32>
    %add3A_19 = arith.addf %div3A_15, %get3A_18 : vector<1024x16xf32>
    %mul3A = arith.mulf %add3A_19, %add3A_19 : vector<1024x16xf32>
    %reduce_sum3A = arith.constant dense<0.000000e+00> : vector<1024xf32>
    %reduce_sum3A_20 = vector.multi_reduction <add>, %mul3A, %reduce_sum3A [1] : vector<1024x16xf32> to vector<1024xf32>
    %broadcast_in_dim3A = vector.shape_cast %reduce_sum3A_20 : vector<1024xf32> to vector<1024x1xf32>
    %max3A_21 = arith.constant 1.000000e-15 : f32
    %max3A_22 = vector.broadcast %max3A_21 : f32 to vector<1024x1xf32>
    %max3A_23 = arith.maximumf %broadcast_in_dim3A, %max3A_22 : vector<1024x1xf32>
    %gt3A = arith.constant 0.995999991 : f32
    %gt3A_24 = vector.broadcast %gt3A : f32 to vector<1024x1xf32>
    %gt3A_25 = arith.cmpf ogt, %max3A_23, %gt3A_24 : vector<1024x1xf32>
    %div3A_26 = arith.constant 0.995999991 : f32
    %div3A_27 = vector.broadcast %div3A_26 : f32 to vector<1024x1xf32>
    %div3A_28 = arith.divf %div3A_27, %max3A_23 : vector<1024x1xf32>
    %jit3A = arith.constant 1.000000e+00 : f32
    %broadcast_in_dim3A_29 = vector.broadcast %jit3A : f32 to vector<1024x1xf32>
    %select_n3A = arith.select %gt3A_25, %div3A_28, %broadcast_in_dim3A_29 : vector<1024x1xi1>, vector<1024x1xf32>
    %mul3A_30 = arith.mulf %select_n3A, %max3A_23 : vector<1024x1xf32>
    %max3A_31 = arith.constant 1.000000e-15 : f32
    %max3A_32 = vector.broadcast %max3A_31 : f32 to vector<1024x1xf32>
    %max3A_33 = arith.maximumf %mul3A_30, %max3A_32 : vector<1024x1xf32>
    %jit3A_34 = arith.constant -0.99999988 : f32
    %jit3A_35 = arith.constant 0.99999988 : f32
    %max3A_36 = vector.broadcast %jit3A_34 : f32 to vector<1024x1xf32>
    %max3A_37 = arith.maximumf %max3A_36, %max3A_33 : vector<1024x1xf32>
    %min3A = vector.broadcast %jit3A_35 : f32 to vector<1024x1xf32>
    %min3A_38 = arith.minimumf %min3A, %max3A_37 : vector<1024x1xf32>
    %add3A_39 = arith.constant 1.000000e+00 : f32
    %add3A_40 = vector.broadcast %add3A_39 : f32 to vector<1024x1xf32>
    %add3A_41 = arith.addf %add3A_40, %min3A_38 : vector<1024x1xf32>
    %sub3A = arith.constant 1.000000e+00 : f32
    %sub3A_42 = vector.broadcast %sub3A : f32 to vector<1024x1xf32>
    %sub3A_43 = arith.subf %sub3A_42, %min3A_38 : vector<1024x1xf32>
    %div3A_44 = arith.divf %add3A_41, %sub3A_43 : vector<1024x1xf32>
    %log3A = math.log %div3A_44 : vector<1024x1xf32>
    %mul3A_45 = arith.constant 5.000000e-01 : f32
    %mul3A_46 = vector.broadcast %mul3A_45 : f32 to vector<1024x1xf32>
    %mul3A_47 = arith.mulf %mul3A_46, %log3A : vector<1024x1xf32>
    %mul3A_48 = arith.mulf %select_n3A, %mul3A_47 : vector<1024x1xf32>
    %div3A_49 = arith.divf %mul3A_48, %max3A_33 : vector<1024x1xf32>
    %get3A_50 = arith.constant 0 : index
    %get3A_51 = arith.constant 0 : index
    %get3A_52 = vector.load %arg6[%get3A_50, %get3A_51] : memref<16x256xf32, #tpu.memory_space<vmem>>, vector<16x256xf32>
    %dot_general3A = arith.constant dense<0.000000e+00> : vector<1024x256xf32>
    %dot_general3A_53 = tpu.matmul %add3A_19, %get3A_52, %dot_general3A {dimension_numbers = #tpu.dot_dimension_numbers<[1], [0], [0], [1], [0, 0, 1, 1], [], []>, transpose_lhs_hint = false} : vector<1024x16xf32>, vector<16x256xf32>, vector<1024x256xf32> -> vector<1024x256xf32>
    %get3A_54 = arith.constant 0 : index
    %get3A_55 = arith.constant 0 : index
    %get3A_56 = vector.load %arg7[%get3A_54, %get3A_55] : memref<16x256xf32, #tpu.memory_space<vmem>>, vector<16x256xf32>
    %dot_general3A_57 = arith.constant dense<0.000000e+00> : vector<1024x256xf32>
    %dot_general3A_58 = tpu.matmul %add3A_19, %get3A_56, %dot_general3A_57 {dimension_numbers = #tpu.dot_dimension_numbers<[1], [0], [0], [1], [0, 0, 1, 1], [], []>, transpose_lhs_hint = false} : vector<1024x16xf32>, vector<16x256xf32>, vector<1024x256xf32> -> vector<1024x256xf32>
    %mul3A_59 = arith.mulf %dot_general3A_53, %dot_general3A_58 : vector<1024x256xf32>
    %get3A_60 = arith.constant 0 : index
    %get3A_61 = arith.constant 0 : index
    %get3A_62 = vector.load %arg8[%get3A_60, %get3A_61] : memref<256x16xf32, #tpu.memory_space<vmem>>, vector<256x16xf32>
    %dot_general3A_63 = arith.constant dense<0.000000e+00> : vector<1024x16xf32>
    %dot_general3A_64 = tpu.matmul %mul3A_59, %get3A_62, %dot_general3A_63 {dimension_numbers = #tpu.dot_dimension_numbers<[1], [0], [0], [1], [0, 0, 1, 1], [], []>, transpose_lhs_hint = false} : vector<1024x256xf32>, vector<256x16xf32>, vector<1024x16xf32> -> vector<1024x16xf32>
    %mul3A_65 = vector.broadcast %div3A_49 : vector<1024x1xf32> to vector<1024x16xf32>
    %mul3A_66 = arith.mulf %mul3A_65, %dot_general3A_64 : vector<1024x16xf32>
    %get3A_67 = arith.constant 0 : index
    %get3A_68 = arith.constant 0 : index
    %get3A_69 = vector.load %arg9[%get3A_67, %get3A_68] : memref<1x16xf32, #tpu.memory_space<vmem>>, vector<1x16xf32>
    %add3A_70 = vector.broadcast %get3A_69 : vector<1x16xf32> to vector<1024x16xf32>
    %add3A_71 = arith.addf %mul3A_66, %add3A_70 : vector<1024x16xf32>
    %mul3A_72 = arith.mulf %add3A_71, %add3A_71 : vector<1024x16xf32>
    %reduce_sum3A_73 = arith.constant dense<0.000000e+00> : vector<1024xf32>
    %reduce_sum3A_74 = vector.multi_reduction <add>, %mul3A_72, %reduce_sum3A_73 [1] : vector<1024x16xf32> to vector<1024xf32>
    %broadcast_in_dim3A_75 = vector.shape_cast %reduce_sum3A_74 : vector<1024xf32> to vector<1024x1xf32>
    %sqrt3A = math.sqrt %broadcast_in_dim3A_75 : vector<1024x1xf32>
    %max3A_76 = arith.constant 1.000000e-15 : f32
    %max3A_77 = vector.broadcast %max3A_76 : f32 to vector<1024x1xf32>
    %max3A_78 = arith.maximumf %sqrt3A, %max3A_77 : vector<1024x1xf32>
    %tanh3A = math.tanh %max3A_78 : vector<1024x1xf32>
    %mul3A_79 = vector.broadcast %tanh3A : vector<1024x1xf32> to vector<1024x16xf32>
    %mul3A_80 = arith.mulf %mul3A_79, %add3A_71 : vector<1024x16xf32>
    %div3A_81 = vector.broadcast %max3A_78 : vector<1024x1xf32> to vector<1024x16xf32>
    %div3A_82 = arith.divf %mul3A_80, %div3A_81 : vector<1024x16xf32>
    %mul3A_83 = arith.mulf %div3A_82, %div3A_82 : vector<1024x16xf32>
    %reduce_sum3A_84 = arith.constant dense<0.000000e+00> : vector<1024xf32>
    %reduce_sum3A_85 = vector.multi_reduction <add>, %mul3A_83, %reduce_sum3A_84 [1] : vector<1024x16xf32> to vector<1024xf32>
    %broadcast_in_dim3A_86 = vector.shape_cast %reduce_sum3A_85 : vector<1024xf32> to vector<1024x1xf32>
    %sqrt3A_87 = math.sqrt %broadcast_in_dim3A_86 : vector<1024x1xf32>
    %max3A_88 = arith.constant 1.000000e-15 : f32
    %max3A_89 = vector.broadcast %max3A_88 : f32 to vector<1024x1xf32>
    %max3A_90 = arith.maximumf %sqrt3A_87, %max3A_89 : vector<1024x1xf32>
    %gt3A_91 = arith.constant 0.995999991 : f32
    %gt3A_92 = vector.broadcast %gt3A_91 : f32 to vector<1024x1xf32>
    %gt3A_93 = arith.cmpf ogt, %max3A_90, %gt3A_92 : vector<1024x1xf32>
    %div3A_94 = arith.constant 0.995999991 : f32
    %div3A_95 = vector.broadcast %div3A_94 : f32 to vector<1024x1xf32>
    %div3A_96 = arith.divf %div3A_95, %max3A_90 : vector<1024x1xf32>
    %mul3A_97 = vector.broadcast %div3A_96 : vector<1024x1xf32> to vector<1024x16xf32>
    %mul3A_98 = arith.mulf %div3A_82, %mul3A_97 : vector<1024x16xf32>
    %broadcast_in_dim3A_99 = vector.shape_cast %gt3A_93 : vector<1024x1xi1> to vector<1024x1xi1>
    %broadcast_in_dim3A_100 = vector.broadcast %broadcast_in_dim3A_99 : vector<1024x1xi1> to vector<1024x16xi1>
    %select_n3A_101 = arith.select %broadcast_in_dim3A_100, %mul3A_98, %div3A_82 : vector<1024x16xi1>, vector<1024x16xf32>
    %reduce_max3A = arith.constant dense<0xFF800000> : vector<1024xf32>
    %reduce_max3A_102 = vector.multi_reduction <maximumf>, %select_n3A_101, %reduce_max3A [1] : vector<1024x16xf32> to vector<1024xf32>
    %broadcast_in_dim3A_103 = vector.shape_cast %reduce_max3A_102 : vector<1024xf32> to vector<1024x1xf32>
    %sub3A_104 = vector.broadcast %broadcast_in_dim3A_103 : vector<1024x1xf32> to vector<1024x16xf32>
    %sub3A_105 = arith.subf %select_n3A_101, %sub3A_104 : vector<1024x16xf32>
    %exp3A = math.exp %sub3A_105 : vector<1024x16xf32>
    %reduce_sum3A_106 = arith.constant dense<0.000000e+00> : vector<1024xf32>
    %reduce_sum3A_107 = vector.multi_reduction <add>, %exp3A, %reduce_sum3A_106 [1] : vector<1024x16xf32> to vector<1024xf32>
    %broadcast_in_dim3A_108 = vector.shape_cast %reduce_sum3A_107 : vector<1024xf32> to vector<1024x1xf32>
    %log3A_109 = math.log %broadcast_in_dim3A_108 : vector<1024x1xf32>
    %sub3A_110 = vector.broadcast %log3A_109 : vector<1024x1xf32> to vector<1024x16xf32>
    %sub3A_111 = arith.subf %sub3A_105, %sub3A_110 : vector<1024x16xf32>
    %swap3A = arith.constant 0 : index
    %swap3A_112 = arith.constant 0 : index
    %swap3A_113 = vector.load %arg10[%swap3A, %swap3A_112] : memref<1024x16xf32, #tpu.memory_space<vmem>>, vector<1024x16xf32>
    tpu.vector_store %arg10[%swap3A, %swap3A_112], %sub3A_111 {strides = array<i32>} : memref<1024x16xf32, #tpu.memory_space<vmem>>, vector<1024x16xf32>,
    return
  }
  func.func @transform_0(%arg0: i32) -> (i32, i32) {
    %c0_i32 = arith.constant 0 : i32
    %c0_i32_0 = arith.constant 0 : i32
    return %arg0, %c0_i32 : i32, i32
  }
  func.func @transform_1(%arg0: i32) -> (i32, i32) {
    %add3A = arith.constant 10 : i32
    %add3A_0 = arith.addi %arg0, %add3A : i32
    %c0_i32 = arith.constant 0 : i32
    %c0_i32_1 = arith.constant 0 : i32
    return %add3A_0, %c0_i32 : i32, i32
  }
  func.func @transform_2(%arg0: i32) -> (i32, i32) {
    %c0_i32 = arith.constant 0 : i32
    %c0_i32_0 = arith.constant 0 : i32
    return %arg0, %c0_i32 : i32, i32
  }
  func.func @transform_3(%arg0: i32) -> (i32, i32) {
    %add3A = arith.constant 10 : i32
    %add3A_0 = arith.addi %arg0, %add3A : i32
    %c0_i32 = arith.constant 0 : i32
    %c0_i32_1 = arith.constant 0 : i32
    return %add3A_0, %c0_i32 : i32, i32
  }
  func.func @transform_4(%arg0: i32) -> (i32, i32) {
    %c0_i32 = arith.constant 0 : i32
    %c0_i32_0 = arith.constant 0 : i32
    return %arg0, %c0_i32 : i32, i32
  }
  func.func @transform_5(%arg0: i32) -> (i32, i32) {
    %c0_i32 = arith.constant 0 : i32
    %c0_i32_0 = arith.constant 0 : i32
    %c0_i32_1 = arith.constant 0 : i32
    return %c0_i32, %c0_i32_0 : i32, i32
  }
  func.func @transform_6(%arg0: i32) -> (i32, i32) {
    %c0_i32 = arith.constant 0 : i32
    %c0_i32_0 = arith.constant 0 : i32
    %c0_i32_1 = arith.constant 0 : i32
    return %c0_i32, %c0_i32_0 : i32, i32
  }
  func.func @transform_7(%arg0: i32) -> (i32, i32) {
    %c0_i32 = arith.constant 0 : i32
    %c0_i32_0 = arith.constant 0 : i32
    %c0_i32_1 = arith.constant 0 : i32
    return %c0_i32, %c0_i32_0 : i32, i32
  }
  func.func @transform_8(%arg0: i32) -> (i32, i32) {
    %c0_i32 = arith.constant 0 : i32
    %c0_i32_0 = arith.constant 0 : i32
    %c0_i32_1 = arith.constant 0 : i32
    return %c0_i32, %c0_i32_0 : i32, i32
  }
  func.func @transform_9(%arg0: i32) -> (i32, i32) {
    %c0_i32 = arith.constant 0 : i32
    %c0_i32_0 = arith.constant 0 : i32
    return %arg0, %c0_i32 : i32, i32
  }
}

</mosaic_0001>

<sc_bundles>
// kernel: kernel.6.cloned.1.call-start
scs
__scs_entry_jumppad:
0x0: {  	(pc) =	sbr.rel $0x88, $3  }
0x1: {  	(tag) =	ssettag $0x0;
	lr =	simm.s32 $0x1  }
0x2: {  	[smem:$0x3F97] =	sst lr;
	_ =	strace $0xD0000000  }
0x3: {  	_ = 	snop  }
0x4: {  	_ = 	snop  }
0x5: {  	_ = 	snop  }
0x6: {  	_ = 	snop  }
0x7: {  	_ = 	snop  }
__scs_overlays_trampoline_lowered:
0x8: {  	[smem:$0x3FA6] =	sst s0  }
0x9: {  	[smem:$0x3FA7] =	sst s1  }
0xa: {  	[smem:$0x3FA8] =	sst s2  }
0xb: {  	[smem:$0x3FA9] =	sst s3  }
0xc: {  	[smem:$0x3FAA] =	sst s4  }
0xd: {  	[smem:$0x3FAB] =	sst s5  }
0xe: {  	[smem:$0x3FAC] =	sst s6  }
0xf: {  	[smem:$0x3FAD] =	sst s7  }
0x10: {  	[smem:$0x3FAE] =	sst s8  }
0x11: {  	[smem:$0x3FAF] =	sst s9;
	s0 =	simm.s32 @!p0 $0x0  }
0x12: {  	s1 =	sld [smem:$0x3F95];
	s0 =	simm.s32 @p0 $0x1  }
0x13: {  	[smem:$0x3FB0] =	sst s0;
	s0 =	simm.s32 @!p1 $0x0  }
0x14: {  	s2 =	sld [smem:$0x3F94];
	s0 =	simm.s32 @p1 $0x1  }
0x15: {  	[smem:$0x3FB1] =	sst s0;
	s0 =	simm.s32 @!p2 $0x0  }
0x16: {  	s3 =	sld [smem:$0x3FDB];
	s0 =	simm.s32 @p2 $0x1  }
0x17: {  	s4 =	simm.s32 $0x1BF5;
	[smem:$0x3FB3] =	sst s0  }
0x18: {  	s0 =	sld [smem:$0x3F96];
	_ =	swait.ge [sflag:s4], $0x0  }
0x19: {  	s7 =	sld [smem:$0x3F97]  }
0x1a: {  	s8 =	sadd.s32 $0xFFFFE003, lr  }
0x1b: {  	s9 =	sadd.s32 $0xFFFFFEF7, lr;
	s5 =	simm.s32 $0xFFFFFFFF;
	p2 =	slt.u32 s8, $0xFFFFF086  }
0x1c: {  	p1 =	slt.u32 s9, $0xF7A;
	s5 =	simm.s32 @!p2 $0x0  }
0x1d: {  	s5 =	simm.s32 @p1 $0x1;
	p0 =	seq.s32 s7, s2  }
0x1e: {  	s7 =	smul.u32 @!p0 $0xF7A, s2;
	p2 =	seq.s32 @!p0 s5, $0x0  }
0x1f: {  	s9 =	smul.u32 $0xF7A, s1;
	s8 =	simm.s32 @!p0 $0x1BF5;
	p2 =	por !p2, p0  }
0x20: {  	[sflag:s8] =	ssyncset.s32 @!p0 $0xFFFFF086;
	s6 =	sadd.s32 @!p0 s3, s7;
	s7 =	simm.s32 @!p0 $0x108  }
0x21: {  	s3 =	sadd.s32 s3, s9;
	s6 =	sadd.s32 @!p0 $0x88, s6;
	s7 =	simm.s32 @p2 $0x1082  }
0x22: {  	[simem:s7], [sflag:s8] =	dma.local @!p0 [hbm:s6], $0xF7A  }
0x23: {  	s9 =	sor.u32 $0xD0000000, s2;
	s6 =	simm.s32 $0x108;
	_ =	swait.ge @!p0 [sflag:s8], $0x0  }
0x24: {  	s3 =	sadd.s32 $0x88, s3;
	s6 =	simm.s32 @!p1 $0x1082;
	[sflag:s4] =	ssyncset.s32 $0xFFFFF086  }
0x25: {  	[simem:s6], [sflag:s4] =	dma.local [hbm:s3], $0xF7A  }
0x26: {  	[smem:$0x3F97] =	sst s1;
	(tag) =	ssettag s2;
	_ =	strace s9  }
0x27: {  	s1 =	sld [smem:$0x3FA7]  }
0x28: {  	s2 =	sld [smem:$0x3FA8]  }
0x29: {  	s4 =	sld [smem:$0x3FAA]  }
0x2a: {  	p0 =	seq.s32 s5, $0x0;
	s5 =	sld [smem:$0x3FAB]  }
0x2b: {  	s6 =	sld [smem:$0x3FAC]  }
0x2c: {  	s7 =	sld [smem:$0x3FAD]  }
0x2d: {  	s3 =	simm.s32 $0x108;
	s8 =	sld [smem:$0x3FAE]  }
0x2e: {  	s3 =	simm.s32 @!p0 $0x1082;
	s9 =	sld [smem:$0x3FAF]  }
0x2f: {  	lr =	sadd.s32 s0, s3;
	s0 =	sld [smem:$0x3FA6]  }
0x30: {  	s3 =	sld [smem:$0x3FA9]  }
0x31: {  	[smem:$0x3FB2] =	sst s10  }
0x32: {  	s10 =	sld [smem:$0x3FB0];
	_ =	sdelay $0x3  }
0x33: {  	p0 =	seq.s32 s10, $0x1;
	s10 =	sld [smem:$0x3FB2];
	_ =	sdelay $0x3  }
0x34: {  	[smem:$0x3FB2] =	sst s10  }
0x35: {  	s10 =	sld [smem:$0x3FB1];
	_ =	sdelay $0x3  }
0x36: {  	p1 =	seq.s32 s10, $0x1;
	s10 =	sld [smem:$0x3FB2];
	_ =	sdelay $0x3  }
0x37: {  	[smem:$0x3FB2] =	sst s10  }
0x38: {  	s10 =	sld [smem:$0x3FB3]  }
0x39: {  	_ = 	snop;
	(pc) =	sbr.ind lr, $3  }
0x3a: {  	_ = 	snop  }
0x3b: {  	_ = 	snop  }
0x3c: {  	p2 =	seq.s32 s10, $0x1;
	s10 =	sld [smem:$0x3FB2]  }
0x3d: {  	_ =	shalt  }
0x3e: {  	_ =	shalt  }
0x3f: {  	_ =	shalt  }
0x40: {  	_ =	shalt  }
0x41: {  	_ =	shalt  }
0x42: {  	_ =	shalt  }
0x43: {  	_ =	shalt  }
0x44: {  	_ =	shalt  }
0x45: {  	_ =	shalt  }
0x46: {  	_ =	shalt  }
0x47: {  	_ =	shalt  }
0x48: {  	_ =	shalt  }
0x49: {  	_ =	shalt  }
0x4a: {  	_ =	shalt  }
0x4b: {  	_ =	shalt  }
0x4c: {  	_ =	shalt  }
0x4d: {  	_ =	shalt  }
0x4e: {  	_ =	shalt  }
0x4f: {  	_ =	shalt  }
0x50: {  	_ =	shalt  }
0x51: {  	_ =	shalt  }
0x52: {  	_ =	shalt  }
0x53: {  	_ =	shalt  }
0x54: {  	_ =	shalt  }
0x55: {  	_ =	shalt  }
0x56: {  	_ =	shalt  }
0x57: {  	_ =	shalt  }
0x58: {  	_ =	shalt  }
0x59: {  	_ =	shalt  }
0x5a: {  	_ =	shalt  }
0x5b: {  	_ =	shalt  }
0x5c: {  	_ =	shalt  }
0x5d: {  	_ =	shalt  }
0x5e: {  	_ =	shalt  }
0x5f: {  	_ =	shalt  }
0x60: {  	_ =	shalt  }
0x61: {  	_ =	shalt  }
0x62: {  	_ =	shalt  }
0x63: {  	_ =	shalt  }
0x64: {  	_ =	shalt  }
0x65: {  	_ =	shalt  }
0x66: {  	_ =	shalt  }
0x67: {  	_ =	shalt  }
0x68: {  	_ =	shalt  }
0x69: {  	_ =	shalt  }
0x6a: {  	_ =	shalt  }
0x6b: {  	_ =	shalt  }
0x6c: {  	_ =	shalt  }
0x6d: {  	_ =	shalt  }
0x6e: {  	_ =	shalt  }
0x6f: {  	_ =	shalt  }
0x70: {  	_ =	shalt  }
0x71: {  	_ =	shalt  }
0x72: {  	_ =	shalt  }
0x73: {  	_ =	shalt  }
0x74: {  	_ =	shalt  }
0x75: {  	_ =	shalt  }
0x76: {  	_ =	shalt  }
0x77: {  	_ =	shalt  }
0x78: {  	_ =	shalt  }
0x79: {  	_ =	shalt  }
0x7a: {  	_ =	shalt  }
0x7b: {  	_ =	shalt  }
0x7c: {  	_ =	shalt  }
0x7d: {  	_ =	shalt  }
0x7e: {  	_ =	shalt  }
0x7f: {  	_ =	shalt  }
0x80: {  	_ =	shalt  }
0x81: {  	_ =	shalt  }
0x82: {  	_ =	shalt  }
0x83: {  	_ =	shalt  }
0x84: {  	_ =	shalt  }
0x85: {  	_ =	shalt  }
0x86: {  	_ =	shalt  }
0x87: {  	_ =	shalt  }
.Lfunc_end0:
.L_simem_size_0:
called_computation_lowered:
.L_overlay_start_0:
0x88: {  	s2 =	sld [smem:$0x3FD9]  }
0x89: {  	s3 =	sld [smem:$0x3FFE];
	_ =	sdelay $0x1  }
0x8a: {  	s1 =	srdreg.scid  }
0x8b: {  	s0 =	sand.u32 $0x1, s1  }
0x8c: {  	s17 =	sshll.u32 s0, $0xA;
	s2 =	sadd.s32 s3, s2  }
0x8d: {  	s2 =	sadd.s32 s2, s17  }
0x8e: {  	[smem:$0x3FBE] =	sst s2  }
0x8f: {  	_ = 	snop  }
0x90: {  	s2 =	sld [smem:$0x3FC9]  }
0x91: {  	s18 =	sld [smem:$0x3FD0];
	(tm) =	ssettm $0x1  }
0x92: {  	s4 =	sld [smem:$0x3FFB];
	_ =	sdelay $0x3  }
0x93: {  	_ =	strace s4  }
0x94: {  	s4 =	sld [smem:$0x3FFC];
	_ =	sdelay $0x3  }
0x95: {  	_ =	strace s4  }
0x96: {  	s4 =	sld [smem:$0x3FFD];
	_ =	sdelay $0x3  }
0x97: {  	_ =	strace s4  }
0x98: {  	_ =	strace $0x8FFFFFFF  }
0x99: {  	s19 =	sld [smem:$0x3FDB];
	_ =	sdelay $0x1  }
0x9a: {  	s5 =	simm.s32 $_scs_section_size  }
0x9b: {  	s6 =	simm.s32 $_size__tile_overlayer_lowered;
	s7 =	simm.s32 $_tile_overlayer_lowered  }
0x9c: {  	s22 =	simm.s32 $0x1BFF;
	s21 =	sshll.u32 s7, $0x1;
	s4 =	sadd.s32 s5, s19  }
0x9d: {  	s8 =	simm.s32 $0x0;
	s20 =	sshll.u32 s6, $0x1;
	s6 =	sadd.s32 s21, s4  }
0x9e: {  	[timem:s8], [sflag:s22] =	dma.local [hbm:s6], s20  }
0x9f: {  	_ =	swait.ge [sflag:s22], s20  }
0xa0: {  	s5 =	ssub.s32 $0x0, s20;
	[sflag:s22] =	ssyncset.done $0x0  }
0xa1: {  	[sflag:s22] =	ssyncadd.s32 s5;
	_ =	sdelay $0x1  }
0xa2: {  	s23 =	simm.s32 $0x1B8B  }
0xa3: {  	_ =	swait.ge [sflag:s23], $0x1  }
0xa4: {  	[sflag:s23] =	ssyncset.done $0x0  }
0xa5: {  	s25 =	simm.s32 $0x1B8E;
	s24 =	sld [smem:$0x3FFE];
	[sflag:s23] =	ssyncadd.s32 $0xFFFFFFFF  }
0xa6: {  	s26 =	simm.s32 $execute0_lowered;
	[smem:$0x3FD2] =	sst s25  }
0xa7: {  	s6 =	sshll.u32 s26, $0x1;
	_ =	strace $0x80000046;
	[dreg:$0x1] =	wrdreg $0xFFFFFFFF  }
0xa8: {  	s28 =	simm.s32 $_size_execute0_lowered;
	s4 =	sadd.s32 s4, s6;
	[dreg:$0x0] =	wrdreg $0x0  }
0xa9: {  	s6 =	sshll.u32 s28, $0x1;
	[dreg:$0x2] =	wrdreg s4  }
0xaa: {  	[dreg:$0x3] =	wrdreg s6  }
0xab: {  	[dreg:$0x4] =	wrdreg $0xC0  }
0xac: {  	_ =	task [dreg:s8], $0x5FFFF  }
0xad: {  	[dreg:$0x1] =	wrdreg $0xFFFFFFFF  }
0xae: {  	[dreg:$0x0] =	wrdreg $0x60  }
0xaf: {  	[dreg:$0x2] =	wrdreg s2  }
0xb0: {  	[dreg:$0x3] =	wrdreg s24  }
0xb1: {  	[dreg:$0x4] =	wrdreg s18  }
0xb2: {  	[dreg:$0x5] =	wrdreg $0x84000  }
0xb3: {  	[dreg:$0x6] =	wrdreg $0x1CC000  }
0xb4: {  	[dreg:$0x7] =	wrdreg $0x9  }
0xb5: {  	_ =	task.clear_ibuf [dreg:s8], $0x8FFFF;
	_ =	strace $0x90000046  }
0xb6: {  	s29 =	simm.s32 $0x9;
	_ =	strace $0x80000048  }
0xb7: {  	_ =	swait.ge [sflag:s29], $0x1  }
0xb8: {  	[sflag:s29] =	ssyncadd.s32 $0xFFFFFFFF  }
0xb9: {  	_ =	strace $0x90000048  }
0xba: {  	_ =	sfence  }
0xbb: {  	s30 =	sld [smem:$0x0];
	_ =	sdelay $0x2  }
0xbc: {  	s31 =	sshll.u32 s1, $0xD;
	s1 =	sshrl.u32 s1, $0x2  }
0xbd: {  	s3 =	sand.u32 $0x4000, s31;
	s1 =	sadd.s32 s1, s30  }
0xbe: {  	s0 =	sor.u32 s3, s0;
	s1 =	sshll.u32 s1, $0x11  }
0xbf: {  	s0 =	sor.u32 s1, s0  }
0xc0: {  	s0 =	sadd.s32 $0x8F2B, s0  }
0xc1: {  	[sflag:s0] =	ssyncadd.remote.s32 $0x1  }
0xc2: {  	_ =	sfence.sel $0xFFFF  }
0xc3: {  	[dreg:$0x0] =	wrdreg $0xFFFFFFFF;
	(pc) =	sbr.abs _section_cstart, $3  }
0xc4: {  	[dreg:$0x1] =	wrdreg $0xFFFFFFFF  }
0xc5: {  	_ =	task.clear_ibuf [dreg:s8], $0x2FFFF;
	_ =	strace $0x9FFFFFFF  }
0xc6: {  	(tm) =	ssettm $0x7FFFFFFF  }
0xc7: {  	_ =	shalt  }
tec
execute0_lowered:
.L_overlay_start_1:
0x0: {  	(tag) =	ssettag $0x1  }
0x1: {  	s0 =	rddreg [dreg:$0x0]  }
0x2: {  	s1 =	rddreg [dreg:$0x1]  }
0x3: {  	s4 =	rddreg [dreg:$0x3];
	s2 =	srdreg.scid  }
0x4: {  	s14 =	stileid.u32;
	s5 =	rddreg [dreg:$0x4];
	s6 =	simm.s32 $0x0  }
0x5: {  	s28 =	simm.s32 $0x80;
	s29 =	simm.s32 $0x400;
	s30 =	simm.s32 $0x5  }
0x6: {  	s2 =	sand.u32 $0x1, s2;
	s3 =	smul.u32 $0x280, s14;
	[smem:$0x7FF] =	sst s6  }
0x7: {  	s8 =	sadd.s32 $0x15A00, s1;
	s9 =	sadd.s32 $0x16000, s1;
	s11 =	smul.u32 $0x50000, s14  }
0x8: {  	s10 =	sshll.u32 s14, $0x1;
	s13 =	smul.u32 $0xA000, s14;
	s19 =	sshll.u32 s14, $0x6  }
0x9: {  	s14 =	smul.u32 $0x9E, s14;
	_ =	strace $0x80000047;
	[dreg:$0x6] =	wrdreg s8  }
0xa: {  	s31 =	simm.s32 $0x2;
	s7 =	smul.u32 $0x2800, s2;
	[dreg:$0x7] =	wrdreg s9  }
0xb: {  	s25 =	ssub.s32 $0x2, s2;
	s10 =	sor.u32 s2, s10;
	s2 =	smul.u32 $0x4F, s2  }
0xc: {  	s16 =	sor.u32 $0x1C09, s19;
	s12 =	sshrl.u32 s25, $0x1;
	s17 =	smul.u32 $0x4F00, s10  }
0xd: {  	s18 =	sshrl.u32 s11, $0x2;
	s20 =	sshrl.u32 s13, $0x2;
	s10 =	smul.u32 $0x9E0, s10  }
0xe: {  	s11 =	simm.s32 $0x8;
	[dreg:$0x8] =	wrdreg s16;
	s3 =	sadd.s32 s3, s7  }
0xf: {  	s7 =	sadd.s32 $0x1E00, s1;
	s26 =	ssub.s32 s25, s12;
	s15 =	sadd.s32 s18, s4  }
0x10: {  	s21 =	sadd.s32 s20, s5;
	s2 =	sadd.s32 s2, s14;
	s14 =	simm.s32 $0x9  }
0x11: {  	s24 =	sshll.u32 s3, $0x4;
	s3 =	sshll.u32 s3, $0x1;
	s12 =	sshrl.u32 s17, $0x3  }
0x12: {  	[dreg:$0x9] =	wrdreg s21;
	s23 =	sadd.s32 s7, s10;
	s2 =	sshll.u32 s2, $0x5  }
0x13: {  	s26 =	smax.u32 s26, $0x1;
	s13 =	sshrl.u32 s15, $0x3;
	s10 =	simm.s32 $0x280  }
0x14: {  	s8 =	sadd.s32 s24, s1;
	s1 =	sadd.s32 s3, s1;
	[dreg:$0xa] =	wrdreg s23  }
0x15: {  	s22 =	sadd.s32 s7, s12;
	s2 =	sadd.s32 s2, s7;
	[dreg:$0xf] =	wrdreg s26  }
0x16: {  	s23 =	simm.s32 $0x1C400;
	s26 =	simm.s32 $0x1;
	s3 =	simm.s32 $0x4400  }
0x17: {  	s7 =	simm.s32 $0x7;
	s12 =	simm.s32 $0x0;
	[dreg:$0x10] =	wrdreg s13  }
0x18: {  	s24 =	sadd.s32 $0x20, s22;
	s25 =	sadd.s32 $0x40, s22;
	s8 =	sadd.s32 $0x20200, s8  }
.Ltmp0:
0x19: {  	s1 =	sadd.s32 $0x16200, s1;
	[dreg:$0xb] =	wrdreg s24;
	(pc) =	sbr.rel .LBB2_1-.Ltmp0, $4  }
0x1a: {  	s17 =	sadd.s32 $0xC0, s2;
	s18 =	sadd.s32 $0xA0, s2;
	[dreg:$0xc] =	wrdreg s25  }
0x1b: {  	s19 =	sadd.s32 $0x80, s2;
	s20 =	sadd.s32 $0x60, s2;
	[dreg:$0xd] =	wrdreg s8  }
0x1c: {  	s2 =	simm.s32 $0x180;
	[dreg:$0xe] =	wrdreg s1;
	s24 =	simm.s32 $0x100  }
0x1d: {  	s25 =	simm.s32 $0x200;
	s1 =	simm.s32 $0x6;
	s8 =	simm.s32 $0x3  }
.LBB2_4:
0x1e: {  	[bflag:$0x0] =	sbarrier.arrive $0xFFFF  }
0x1f: {  	s16 =	rddreg [dreg:$0x8]  }
0x20: {  	s9 =	rddreg [dreg:$0xd]  }
0x21: {  	s14 =	simm.s32 $0x9;
	s13 =	rddreg [dreg:$0x10]  }
0x22: {  	[hbm:s9], [sflag:s16] =	dma.local [spmem:s13], $0x2800  }
0x23: {  	_ =	swait.ge [sflag:s14], $0x2800  }
0x24: {  	[sflag:s14] =	ssyncset.done $0x0;
	s21 =	rddreg [dreg:$0xe]  }
0x25: {  	s15 =	rddreg [dreg:$0x11];
	[sflag:s14] =	ssyncadd.s32 $0xFFFFD800  }
0x26: {  	[hbm:s21], [sflag:s16] =	dma.local [spmem:s15], $0x500  }
0x27: {  	_ =	swait.ge [sflag:s14], $0x500  }
0x28: {  	s12 =	sadd.s32 $0x1, s12;
	s22 =	rddreg [dreg:$0xf]  }
0x29: {  	p0 =	sne.s32 s12, s22  }
.Ltmp1:
0x2a: {  	_ = 	snop;
	(pc) =	sbr.rel @!p0 .LBB2_5-.Ltmp1, $3  }
0x2b: {  	_ =	sdelay $0x1  }
0x2c: {  	[sflag:s14] =	ssyncset.done $0x0  }
0x2d: {  	[sflag:s14] =	ssyncadd.s32 $0xFFFFFB00  }
.LBB2_1:
0x2e: {  	s9 =	rddreg [dreg:$0x2]  }
0x2f: {  	[spmem:s13], [sflag:s16] =	dma.local [hbm:s9], $0x2800  }
0x30: {  	_ =	swait.ge [sflag:s14], $0x2800  }
0x31: {  	s15 =	rddreg [dreg:$0x9]  }
0x32: {  	[sflag:s14] =	ssyncset.done $0x0;
	s22 =	rddreg [dreg:$0x6];
	s21 =	sshrl.u32 s15, $0x3  }
0x33: {  	[sflag:s14] =	ssyncadd.s32 $0xFFFFD800;
	[dreg:$0x11] =	wrdreg s21  }
0x34: {  	[spmem:s21], [sflag:s16] =	dma.local [hbm:s22], $0x500  }
0x35: {  	_ =	swait.ge [sflag:s14], $0x500  }
0x36: {  	[sflag:s14] =	ssyncset.done $0x0  }
0x37: {  	s15 =	rddreg [dreg:$0x7];
	[sflag:s14] =	ssyncadd.s32 $0xFFFFFB00  }
0x38: {  	[tilespmem:s23], [sflag:$0x9] =	stream.linear.gather [hbm4b:s15+s6], $0x800, $0x38;
	[tilespmem:$0x1F400] =	vst v63  }
0x39: {  	_ =	swait.ge [sflag:s14], $0x800  }
0x3a: {  	[sflag:s14] =	ssyncset.done $0x0  }
0x3b: {  	[sflag:s14] =	ssyncadd.s32 $0xFFFFF800  }
0x3c: {  	[bflag:$0x0] =	sbarrier.arrive $0xFFFF  }
0x3d: {  	s16 =	rddreg [dreg:$0xa]  }
0x3e: {  	[tilespmem:s6], [sflag:$0x1] =	stream.linear.gather [hbm4b:s16+s6], $0x100, $0x38;
	[tilespmem:$0x1F400] =	vst v63  }
0x3f: {  	s21 =	rddreg [dreg:$0xb]  }
0x40: {  	[tilespmem:s24], [sflag:$0x2] =	stream.linear.gather [hbm4b:s21+s6], $0x100, $0x38;
	[tilespmem:$0x1F400] =	vst v63  }
0x41: {  	s22 =	rddreg [dreg:$0xc]  }
0x42: {  	[tilespmem:s25], [sflag:$0x3] =	stream.linear.gather [hbm4b:s22+s6], $0x100, $0x38;
	[tilespmem:$0x1F400] =	vst v63  }
0x43: {  	_ =	swait.ge [sflag:s26], $0x100  }
0x44: {  	[sflag:s26] =	ssyncset.done $0x0  }
0x45: {  	s15 =	simm.s32 $0x0;
	s14 =	simm.s32 $0x3;
	[sflag:s26] =	ssyncadd.s32 $0xFFFFFF00  }
0x46: {  	[tilespmem:s29], [sflag:$0x5] =	stream.indirect.gather [hbm4b:s0+s28], $0x80, s6, s28, $0xb8;
	[tilespmem:$0x1F400] =	vst v63  }
.LBB2_2:
0x47: {  	_ =	swait.ge [sflag:s30], $0x4000  }
0x48: {  	s16 =	sadd.s32 $0xFFFFFFFC, s14;
	[sflag:s30] =	ssyncset.done $0x0  }
0x49: {  	p0 =	sgt.u32 s16, $0x4E;
	[sflag:s30] =	ssyncadd.s32 $0xFFFFC000  }
0x4a: {  	[spmem:s4] =	stream.indirect.scatter.add.f32 [tilespmem:s29], [sflag:$0x7], $0x80, s28, s28, $0xb8;
	[tilespmem:$0x1F400] =	vst v63  }
0x4b: {  	s16 =	simm.s32 @!p0 $0x8  }
0x4c: {  	[spmem:s5] =	stream.indirect.scatter.add.f32 [tilespmem:s23], [sflag:$0x7], $0x10, s28, s28, $0xb8;
	[tilespmem:$0x1F400] =	vst v63  }
0x4d: {  	_ =	swait.ge @!p0 [sflag:s16], $0x4000  }
0x4e: {  	[sflag:s16] =	ssyncset.done @!p0 $0x0  }
0x4f: {  	[sflag:s16] =	ssyncadd.s32 @!p0 $0xFFFFC000  }
0x50: {  	_ =	swait.ge @!p0 [sflag:s16], $0x800  }
0x51: {  	[sflag:s16] =	ssyncset.done @!p0 $0x0  }
0x52: {  	[sflag:s16] =	ssyncadd.s32 @!p0 $0xFFFFF800  }
0x53: {  	_ =	swait.ge [sflag:s31], $0x100  }
0x54: {  	[sflag:s31] =	ssyncset.done $0x0  }
0x55: {  	p0 =	sgt.u32 s14, $0x4E;
	[sflag:s31] =	ssyncadd.s32 $0xFFFFFF00  }
0x56: {  	[tilespmem:s3], [sflag:$0x6] =	stream.indirect.gather [hbm4b:s0+s28], $0x80, s24, s28, $0xb8;
	[tilespmem:$0x1F400] =	vst v63  }
0x57: {  	s16 =	sadd.s32 @!p0 s15, s20;
	s21 =	simm.s32 @!p0 $0x0;
	s9 =	simm.s32 @!p0 $0x300  }
0x58: {  	[tilespmem:s9], [sflag:$0x4] =	stream.linear.gather @!p0 [hbm4b:s16+s21], $0x100, $0x38;
	[tilespmem:$0x1F400] =	vst v63  }
0x59: {  	_ =	swait.ge [sflag:s1], $0x4000  }
0x5a: {  	[sflag:s1] =	ssyncset.done $0x0  }
0x5b: {  	[sflag:s1] =	ssyncadd.s32 $0xFFFFC000  }
0x5c: {  	[spmem:s4] =	stream.indirect.scatter.add.f32 [tilespmem:s3], [sflag:$0x8], $0x80, s2, s28, $0xb8;
	[tilespmem:$0x1F400] =	vst v63  }
0x5d: {  	_ = 	snop  }
0x5e: {  	[spmem:s5] =	stream.indirect.scatter.add.f32 [tilespmem:s23], [sflag:$0x8], $0x10, s2, s28, $0xb8;
	[tilespmem:$0x1F400] =	vst v63  }
0x5f: {  	_ =	swait.ge [sflag:s7], $0x4000  }
0x60: {  	[sflag:s7] =	ssyncset.done $0x0  }
0x61: {  	[sflag:s7] =	ssyncadd.s32 $0xFFFFC000  }
0x62: {  	_ =	swait.ge [sflag:s7], $0x800  }
0x63: {  	[sflag:s7] =	ssyncset.done $0x0  }
0x64: {  	[sflag:s7] =	ssyncadd.s32 $0xFFFFF800  }
0x65: {  	_ =	swait.ge [sflag:s8], $0x100  }
0x66: {  	[sflag:s8] =	ssyncset.done $0x0  }
0x67: {  	p1 =	seq.s32 s15, $0x980;
	[sflag:s8] =	ssyncadd.s32 $0xFFFFFF00  }
0x68: {  	[tilespmem:s29], [sflag:$0x5] =	stream.indirect.gather [hbm4b:s0+s28], $0x80, s25, s28, $0xb8;
	[tilespmem:$0x1F400] =	vst v63  }
0x69: {  	s16 =	sadd.s32 @!p1 s15, s19;
	s21 =	simm.s32 @!p1 $0x0  }
0x6a: {  	[tilespmem:s21], [sflag:$0x1] =	stream.linear.gather @!p1 [hbm4b:s16+s21], $0x100, $0x38;
	[tilespmem:$0x1F400] =	vst v63  }
0x6b: {  	_ =	swait.ge [sflag:s30], $0x4000  }
0x6c: {  	[sflag:s30] =	ssyncset.done $0x0  }
0x6d: {  	[sflag:s30] =	ssyncadd.s32 $0xFFFFC000  }
0x6e: {  	[spmem:s4] =	stream.indirect.scatter.add.f32 [tilespmem:s29], [sflag:$0x7], $0x80, s10, s28, $0xb8;
	[tilespmem:$0x1F400] =	vst v63  }
0x6f: {  	_ = 	snop  }
0x70: {  	[spmem:s5] =	stream.indirect.scatter.add.f32 [tilespmem:s23], [sflag:$0x7], $0x10, s10, s28, $0xb8;
	[tilespmem:$0x1F400] =	vst v63  }
0x71: {  	_ =	swait.ge [sflag:s11], $0x4000  }
0x72: {  	[sflag:s11] =	ssyncset.done $0x0  }
0x73: {  	[sflag:s11] =	ssyncadd.s32 $0xFFFFC000  }
0x74: {  	_ =	swait.ge [sflag:s11], $0x800  }
0x75: {  	[sflag:s11] =	ssyncset.done $0x0  }
0x76: {  	s16 =	simm.s32 @!p0 $0x4;
	[sflag:s11] =	ssyncadd.s32 $0xFFFFF800  }
0x77: {  	_ =	swait.ge @!p0 [sflag:s16], $0x100  }
0x78: {  	[sflag:s16] =	ssyncset.done @!p0 $0x0  }
0x79: {  	s13 =	simm.s32 @!p0 $0x4400;
	[sflag:s16] =	ssyncadd.s32 @!p0 $0xFFFFFF00;
	s16 =	simm.s32 @!p0 $0x80  }
0x7a: {  	[tilespmem:s13], [sflag:$0x6] =	stream.indirect.gather @!p0 [hbm4b:s0+s16], $0x80, s9, s16, $0xb8;
	[tilespmem:$0x1F400] =	vst v63  }
0x7b: {  	s22 =	simm.s32 @!p1 $0x100;
	s9 =	sadd.s32 @!p1 s15, s18  }
0x7c: {  	[tilespmem:s22], [sflag:$0x2] =	stream.linear.gather @!p1 [hbm4b:s9+s21], $0x100, $0x38;
	[tilespmem:$0x1F400] =	vst v63  }
0x7d: {  	s9 =	simm.s32 @!p0 $0x6  }
0x7e: {  	_ =	swait.ge @!p0 [sflag:s9], $0x4000  }
0x7f: {  	[sflag:s9] =	ssyncset.done @!p0 $0x0  }
0x80: {  	[sflag:s9] =	ssyncadd.s32 @!p0 $0xFFFFC000;
	s9 =	simm.s32 @!p0 $0x380  }
0x81: {  	[spmem:s4] =	stream.indirect.scatter.add.f32 @!p0 [tilespmem:s13], [sflag:$0x8], $0x80, s9, s16, $0xb8;
	[tilespmem:$0x1F400] =	vst v63  }
0x82: {  	s13 =	simm.s32 @!p0 $0x1C400  }
0x83: {  	[spmem:s5] =	stream.indirect.scatter.add.f32 @!p0 [tilespmem:s13], [sflag:$0x8], $0x10, s9, s16, $0xb8;
	[tilespmem:$0x1F400] =	vst v63  }
0x84: {  	_ =	swait.ge [sflag:s7], $0x4000  }
.Ltmp2:
0x85: {  	[sflag:s7] =	ssyncset.done $0x0;
	(pc) =	sbr.rel @p1 .LBB2_4-.Ltmp2, $4  }
0x86: {  	[sflag:s7] =	ssyncadd.s32 $0xFFFFC000  }
0x87: {  	_ =	swait.ge [sflag:s7], $0x800  }
0x88: {  	[sflag:s7] =	ssyncset.done $0x0  }
0x89: {  	[sflag:s7] =	ssyncadd.s32 $0xFFFFF800  }
0x8a: {  	_ =	swait.ge [sflag:s26], $0x100  }
.Ltmp3:
0x8b: {  	[sflag:s26] =	ssyncset.done $0x0;
	(pc) =	sbr.rel .LBB2_2-.Ltmp3, $4  }
0x8c: {  	[sflag:s26] =	ssyncadd.s32 $0xFFFFFF00  }
0x8d: {  	[tilespmem:s29], [sflag:$0x5] =	stream.indirect.gather [hbm4b:s0+s28], $0x80, s6, s28, $0xb8;
	[tilespmem:$0x1F400] =	vst v63  }
0x8e: {  	s9 =	sadd.s32 s15, s17;
	s15 =	sadd.s32 $0x80, s15;
	s14 =	sadd.s32 $0x4, s14  }
0x8f: {  	[tilespmem:s25], [sflag:$0x3] =	stream.linear.gather [hbm4b:s9+s6], $0x100, $0x38;
	[tilespmem:$0x1F400] =	vst v63  }
.LBB2_5:
0x90: {  	_ =	sfence.sel $0x180000  }
0x91: {  	[bflag:$0x0] =	sbarrier.arrive $0xFFFF  }
0x92: {  	_ =	strace $0x90000047  }
0x93: {  	s0 =	stileid.u32;
	[bflag:$0x2] =	sbarrier.arrive $0xFFFF  }
0x94: {  	p0 =	sne.s32 s0, $0x0;
	s0 =	rddreg [dreg:$0x5]  }
0x95: {  	s0 =	sadd.s32 @!p0 $0x100000, s0  }
0x96: {  	[sflag:s0] =	ssyncadd.tile.s32 @!p0 $0x1;
	_ =	shalt  }
.Lfunc_end2:
_tile_overlayer_lowered:
.L_overlay_start_2:
0x97: {  	(tag) =	ssettag $0x2  }
0x98: {  	s0 =	rddreg [dreg:$0x0];
	s2 =	stileid.u32  }
0x99: {  	s1 =	rddreg [dreg:$0x1];
	p0 =	sne.s32 s2, $0x0  }
0x9a: {  	s3 =	rddreg [dreg:$0x2];
	[bflag:$0x3] =	sbarrier.arrive $0xFFFF;
	s2 =	simm.s32 @!p0 $0x1C09  }
0x9b: {  	[timem:s3], [sflag:s2] =	dma.local @!p0 [hbm:s0], s1  }
0x9c: {  	s0 =	simm.s32 @!p0 $0x9  }
0x9d: {  	_ =	swait.ge @!p0 [sflag:s0], s1  }
0x9e: {  	s1 =	ssub.s32 @!p0 $0x0, s1;
	[sflag:s0] =	ssyncset.done @!p0 $0x0  }
0x9f: {  	[sflag:s0] =	ssyncadd.s32 @!p0 s1  }
0xa0: {  	[bflag:$0x3] =	sbarrier.arrive $0xFFFF  }
0xa1: {  	_ =	shalt  }

// kernel: kernel.9.cloned.1.call-start
scs
__scs_entry_jumppad:
0x0: {  	(pc) =	sbr.rel $0x88, $3  }
0x1: {  	(tag) =	ssettag $0x0;
	lr =	simm.s32 $0x1  }
0x2: {  	[smem:$0x3F97] =	sst lr;
	_ =	strace $0xD0000000  }
0x3: {  	_ = 	snop  }
0x4: {  	_ = 	snop  }
0x5: {  	_ = 	snop  }
0x6: {  	_ = 	snop  }
0x7: {  	_ = 	snop  }
__scs_overlays_trampoline_lowered:
0x8: {  	[smem:$0x3FA6] =	sst s0  }
0x9: {  	[smem:$0x3FA7] =	sst s1  }
0xa: {  	[smem:$0x3FA8] =	sst s2  }
0xb: {  	[smem:$0x3FA9] =	sst s3  }
0xc: {  	[smem:$0x3FAA] =	sst s4  }
0xd: {  	[smem:$0x3FAB] =	sst s5  }
0xe: {  	[smem:$0x3FAC] =	sst s6  }
0xf: {  	[smem:$0x3FAD] =	sst s7  }
0x10: {  	[smem:$0x3FAE] =	sst s8  }
0x11: {  	[smem:$0x3FAF] =	sst s9;
	s0 =	simm.s32 @!p0 $0x0  }
0x12: {  	s1 =	sld [smem:$0x3F95];
	s0 =	simm.s32 @p0 $0x1  }
0x13: {  	[smem:$0x3FB0] =	sst s0;
	s0 =	simm.s32 @!p1 $0x0  }
0x14: {  	s2 =	sld [smem:$0x3F94];
	s0 =	simm.s32 @p1 $0x1  }
0x15: {  	[smem:$0x3FB1] =	sst s0;
	s0 =	simm.s32 @!p2 $0x0  }
0x16: {  	s3 =	sld [smem:$0x3FDB];
	s0 =	simm.s32 @p2 $0x1  }
0x17: {  	s4 =	simm.s32 $0x1BF5;
	[smem:$0x3FB3] =	sst s0  }
0x18: {  	s0 =	sld [smem:$0x3F96];
	_ =	swait.ge [sflag:s4], $0x0  }
0x19: {  	s7 =	sld [smem:$0x3F97]  }
0x1a: {  	s8 =	sadd.s32 $0xFFFFE003, lr  }
0x1b: {  	s9 =	sadd.s32 $0xFFFFFEF7, lr;
	s5 =	simm.s32 $0xFFFFFFFF;
	p2 =	slt.u32 s8, $0xFFFFF086  }
0x1c: {  	p1 =	slt.u32 s9, $0xF7A;
	s5 =	simm.s32 @!p2 $0x0  }
0x1d: {  	s5 =	simm.s32 @p1 $0x1;
	p0 =	seq.s32 s7, s2  }
0x1e: {  	s7 =	smul.u32 @!p0 $0xF7A, s2;
	p2 =	seq.s32 @!p0 s5, $0x0  }
0x1f: {  	s9 =	smul.u32 $0xF7A, s1;
	s8 =	simm.s32 @!p0 $0x1BF5;
	p2 =	por !p2, p0  }
0x20: {  	[sflag:s8] =	ssyncset.s32 @!p0 $0xFFFFF086;
	s6 =	sadd.s32 @!p0 s3, s7;
	s7 =	simm.s32 @!p0 $0x108  }
0x21: {  	s3 =	sadd.s32 s3, s9;
	s6 =	sadd.s32 @!p0 $0x88, s6;
	s7 =	simm.s32 @p2 $0x1082  }
0x22: {  	[simem:s7], [sflag:s8] =	dma.local @!p0 [hbm:s6], $0xF7A  }
0x23: {  	s9 =	sor.u32 $0xD0000000, s2;
	s6 =	simm.s32 $0x108;
	_ =	swait.ge @!p0 [sflag:s8], $0x0  }
0x24: {  	s3 =	sadd.s32 $0x88, s3;
	s6 =	simm.s32 @!p1 $0x1082;
	[sflag:s4] =	ssyncset.s32 $0xFFFFF086  }
0x25: {  	[simem:s6], [sflag:s4] =	dma.local [hbm:s3], $0xF7A  }
0x26: {  	[smem:$0x3F97] =	sst s1;
	(tag) =	ssettag s2;
	_ =	strace s9  }
0x27: {  	s1 =	sld [smem:$0x3FA7]  }
0x28: {  	s2 =	sld [smem:$0x3FA8]  }
0x29: {  	s4 =	sld [smem:$0x3FAA]  }
0x2a: {  	p0 =	seq.s32 s5, $0x0;
	s5 =	sld [smem:$0x3FAB]  }
0x2b: {  	s6 =	sld [smem:$0x3FAC]  }
0x2c: {  	s7 =	sld [smem:$0x3FAD]  }
0x2d: {  	s3 =	simm.s32 $0x108;
	s8 =	sld [smem:$0x3FAE]  }
0x2e: {  	s3 =	simm.s32 @!p0 $0x1082;
	s9 =	sld [smem:$0x3FAF]  }
0x2f: {  	lr =	sadd.s32 s0, s3;
	s0 =	sld [smem:$0x3FA6]  }
0x30: {  	s3 =	sld [smem:$0x3FA9]  }
0x31: {  	[smem:$0x3FB2] =	sst s10  }
0x32: {  	s10 =	sld [smem:$0x3FB0];
	_ =	sdelay $0x3  }
0x33: {  	p0 =	seq.s32 s10, $0x1;
	s10 =	sld [smem:$0x3FB2];
	_ =	sdelay $0x3  }
0x34: {  	[smem:$0x3FB2] =	sst s10  }
0x35: {  	s10 =	sld [smem:$0x3FB1];
	_ =	sdelay $0x3  }
0x36: {  	p1 =	seq.s32 s10, $0x1;
	s10 =	sld [smem:$0x3FB2];
	_ =	sdelay $0x3  }
0x37: {  	[smem:$0x3FB2] =	sst s10  }
0x38: {  	s10 =	sld [smem:$0x3FB3]  }
0x39: {  	_ = 	snop;
	(pc) =	sbr.ind lr, $3  }
0x3a: {  	_ = 	snop  }
0x3b: {  	_ = 	snop  }
0x3c: {  	p2 =	seq.s32 s10, $0x1;
	s10 =	sld [smem:$0x3FB2]  }
0x3d: {  	_ =	shalt  }
0x3e: {  	_ =	shalt  }
0x3f: {  	_ =	shalt  }
0x40: {  	_ =	shalt  }
0x41: {  	_ =	shalt  }
0x42: {  	_ =	shalt  }
0x43: {  	_ =	shalt  }
0x44: {  	_ =	shalt  }
0x45: {  	_ =	shalt  }
0x46: {  	_ =	shalt  }
0x47: {  	_ =	shalt  }
0x48: {  	_ =	shalt  }
0x49: {  	_ =	shalt  }
0x4a: {  	_ =	shalt  }
0x4b: {  	_ =	shalt  }
0x4c: {  	_ =	shalt  }
0x4d: {  	_ =	shalt  }
0x4e: {  	_ =	shalt  }
0x4f: {  	_ =	shalt  }
0x50: {  	_ =	shalt  }
0x51: {  	_ =	shalt  }
0x52: {  	_ =	shalt  }
0x53: {  	_ =	shalt  }
0x54: {  	_ =	shalt  }
0x55: {  	_ =	shalt  }
0x56: {  	_ =	shalt  }
0x57: {  	_ =	shalt  }
0x58: {  	_ =	shalt  }
0x59: {  	_ =	shalt  }
0x5a: {  	_ =	shalt  }
0x5b: {  	_ =	shalt  }
0x5c: {  	_ =	shalt  }
0x5d: {  	_ =	shalt  }
0x5e: {  	_ =	shalt  }
0x5f: {  	_ =	shalt  }
0x60: {  	_ =	shalt  }
0x61: {  	_ =	shalt  }
0x62: {  	_ =	shalt  }
0x63: {  	_ =	shalt  }
0x64: {  	_ =	shalt  }
0x65: {  	_ =	shalt  }
0x66: {  	_ =	shalt  }
0x67: {  	_ =	shalt  }
0x68: {  	_ =	shalt  }
0x69: {  	_ =	shalt  }
0x6a: {  	_ =	shalt  }
0x6b: {  	_ =	shalt  }
0x6c: {  	_ =	shalt  }
0x6d: {  	_ =	shalt  }
0x6e: {  	_ =	shalt  }
0x6f: {  	_ =	shalt  }
0x70: {  	_ =	shalt  }
0x71: {  	_ =	shalt  }
0x72: {  	_ =	shalt  }
0x73: {  	_ =	shalt  }
0x74: {  	_ =	shalt  }
0x75: {  	_ =	shalt  }
0x76: {  	_ =	shalt  }
0x77: {  	_ =	shalt  }
0x78: {  	_ =	shalt  }
0x79: {  	_ =	shalt  }
0x7a: {  	_ =	shalt  }
0x7b: {  	_ =	shalt  }
0x7c: {  	_ =	shalt  }
0x7d: {  	_ =	shalt  }
0x7e: {  	_ =	shalt  }
0x7f: {  	_ =	shalt  }
0x80: {  	_ =	shalt  }
0x81: {  	_ =	shalt  }
0x82: {  	_ =	shalt  }
0x83: {  	_ =	shalt  }
0x84: {  	_ =	shalt  }
0x85: {  	_ =	shalt  }
0x86: {  	_ =	shalt  }
0x87: {  	_ =	shalt  }
.Lfunc_end0:
.L_simem_size_0:
called_computation.1_lowered:
.L_overlay_start_0:
0x88: {  	s2 =	sld [smem:$0x3FD9]  }
0x89: {  	s3 =	sld [smem:$0x3FFE];
	_ =	sdelay $0x1  }
0x8a: {  	s1 =	srdreg.scid  }
0x8b: {  	s0 =	sand.u32 $0x1, s1  }
0x8c: {  	s16 =	sshll.u32 s0, $0xA;
	s2 =	sadd.s32 s3, s2  }
0x8d: {  	s2 =	sadd.s32 s2, s16  }
0x8e: {  	[smem:$0x3FBE] =	sst s2  }
0x8f: {  	_ = 	snop  }
0x90: {  	(tm) =	ssettm $0x1  }
0x91: {  	s17 =	sld [smem:$0x3FFB];
	_ =	sdelay $0x3  }
0x92: {  	_ =	strace s17  }
0x93: {  	s2 =	sld [smem:$0x3FFC];
	_ =	sdelay $0x3  }
0x94: {  	_ =	strace s2  }
0x95: {  	s2 =	sld [smem:$0x3FFD];
	_ =	sdelay $0x3  }
0x96: {  	_ =	strace s2  }
0x97: {  	_ =	strace $0x8FFFFFFF  }
0x98: {  	s18 =	sld [smem:$0x3FDB];
	_ =	sdelay $0x1  }
0x99: {  	s19 =	simm.s32 $_scs_section_size  }
0x9a: {  	s4 =	simm.s32 $_size__tile_overlayer_lowered;
	s5 =	simm.s32 $_tile_overlayer_lowered  }
0x9b: {  	s22 =	simm.s32 $0x1BFF;
	s21 =	sshll.u32 s5, $0x1;
	s2 =	sadd.s32 s19, s18  }
0x9c: {  	s6 =	simm.s32 $0x0;
	s20 =	sshll.u32 s4, $0x1;
	s4 =	sadd.s32 s21, s2  }
0x9d: {  	[timem:s6], [sflag:s22] =	dma.local [hbm:s4], s20  }
0x9e: {  	_ =	swait.ge [sflag:s22], s20  }
0x9f: {  	s3 =	ssub.s32 $0x0, s20;
	[sflag:s22] =	ssyncset.done $0x0  }
0xa0: {  	[sflag:s22] =	ssyncadd.s32 s3;
	_ =	sdelay $0x1  }
0xa1: {  	s23 =	simm.s32 $0x1B8B  }
0xa2: {  	_ =	swait.ge [sflag:s23], $0x1  }
0xa3: {  	[sflag:s23] =	ssyncset.done $0x0  }
0xa4: {  	s25 =	simm.s32 $0x1B8E;
	s24 =	sld [smem:$0x3FFE];
	[sflag:s23] =	ssyncadd.s32 $0xFFFFFFFF  }
0xa5: {  	s26 =	simm.s32 $execute0_lowered;
	[smem:$0x3FD2] =	sst s25  }
0xa6: {  	s4 =	sshll.u32 s26, $0x1;
	_ =	strace $0x80000049;
	[dreg:$0x1] =	wrdreg $0xFFFFFFFF  }
0xa7: {  	s28 =	simm.s32 $_size_execute0_lowered;
	s2 =	sadd.s32 s2, s4;
	[dreg:$0x0] =	wrdreg $0x0  }
0xa8: {  	s4 =	sshll.u32 s28, $0x1;
	[dreg:$0x2] =	wrdreg s2  }
0xa9: {  	[dreg:$0x3] =	wrdreg s4  }
0xaa: {  	[dreg:$0x4] =	wrdreg $0xC0  }
0xab: {  	_ =	task [dreg:s6], $0x5FFFF  }
0xac: {  	[dreg:$0x1] =	wrdreg $0xFFFFFFFF  }
0xad: {  	[dreg:$0x0] =	wrdreg $0x60  }
0xae: {  	[dreg:$0x2] =	wrdreg s24  }
0xaf: {  	[dreg:$0x3] =	wrdreg $0x28000  }
0xb0: {  	[dreg:$0x4] =	wrdreg $0x9  }
0xb1: {  	_ =	task.clear_ibuf [dreg:s6], $0x5FFFF;
	_ =	strace $0x90000049  }
0xb2: {  	s29 =	simm.s32 $0x9;
	_ =	strace $0x8000004B  }
0xb3: {  	_ =	swait.ge [sflag:s29], $0x1  }
0xb4: {  	[sflag:s29] =	ssyncadd.s32 $0xFFFFFFFF  }
0xb5: {  	_ =	strace $0x9000004B  }
0xb6: {  	_ =	sfence  }
0xb7: {  	s30 =	sld [smem:$0x0];
	_ =	sdelay $0x2  }
0xb8: {  	s31 =	sshll.u32 s1, $0xD;
	s1 =	sshrl.u32 s1, $0x2  }
0xb9: {  	s3 =	sand.u32 $0x4000, s31;
	s1 =	sadd.s32 s1, s30  }
0xba: {  	s0 =	sor.u32 s3, s0;
	s1 =	sshll.u32 s1, $0x11  }
0xbb: {  	s0 =	sor.u32 s1, s0  }
0xbc: {  	s0 =	sadd.s32 $0x8F2B, s0  }
0xbd: {  	[sflag:s0] =	ssyncadd.remote.s32 $0x1  }
0xbe: {  	_ =	sfence.sel $0xFFFF  }
0xbf: {  	[dreg:$0x0] =	wrdreg $0xFFFFFFFF;
	(pc) =	sbr.abs _section_cstart, $3  }
0xc0: {  	[dreg:$0x1] =	wrdreg $0xFFFFFFFF  }
0xc1: {  	_ =	task.clear_ibuf [dreg:s6], $0x2FFFF;
	_ =	strace $0x9FFFFFFF  }
0xc2: {  	(tm) =	ssettm $0x7FFFFFFF  }
0xc3: {  	_ =	shalt  }
tec
execute0_lowered:
.L_overlay_start_1:
0x0: {  	(tag) =	ssettag $0x1  }
0x1: {  	s0 =	rddreg [dreg:$0x0]  }
0x2: {  	s2 =	rddreg [dreg:$0x1]  }
0x3: {  	s3 =	simm.s32 $0x0;
	s1 =	srdreg.scid;
	s11 =	stileid.u32  }
0x4: {  	s31 =	simm.s32 $0x400;
	[smem:$0x7FF] =	sst s3;
	s1 =	sand.u32 $0x1, s1  }
0x5: {  	s5 =	smul.u32 $0x500, s11;
	s4 =	sadd.s32 $0x16000, s0;
	s7 =	sadd.s32 $0x1E00, s0  }
0x6: {  	s8 =	sadd.s32 $0x15A00, s0;
	s20 =	sshll.u32 s11, $0x1;
	s21 =	smul.u32 $0xA000, s11  }
0x7: {  	s23 =	sshll.u32 s11, $0x6;
	_ =	strace $0x8000004A;
	s6 =	smul.u32 $0x5000, s1  }
0x8: {  	[dreg:$0x3] =	wrdreg s8;
	s22 =	ssub.s32 $0x2, s1;
	s19 =	sor.u32 $0x1C11, s23  }
0x9: {  	s9 =	sshrl.u32 s22, $0x1;
	s8 =	sshrl.u32 s21, $0x2;
	[dreg:$0x5] =	wrdreg s19  }
0xa: {  	s5 =	sadd.s32 s5, s6;
	s6 =	sor.u32 s1, s20;
	s8 =	sadd.s32 s8, s2  }
0xb: {  	s0 =	sadd.s32 s5, s0;
	s10 =	smul.u32 $0x4F00, s6;
	s5 =	ssub.s32 s22, s9  }
0xc: {  	[dreg:$0x4] =	wrdreg s8;
	s6 =	smul.u32 $0x9E0, s6;
	s0 =	sadd.s32 $0x1B000, s0  }
0xd: {  	s18 =	smax.u32 s5, $0x1;
	s24 =	sshrl.u32 s10, $0x3;
	[dreg:$0xe] =	wrdreg s0  }
0xe: {  	s6 =	sadd.s32 s7, s6;
	[dreg:$0xf] =	wrdreg s18;
	s26 =	sadd.s32 s7, s24  }
0xf: {  	s28 =	simm.s32 $0xD;
	[dreg:$0x6] =	wrdreg s6;
	s9 =	sadd.s32 $0x20, s26  }
0x10: {  	s25 =	smul.u32 $0x9E, s11;
	s11 =	sadd.s32 $0x40, s26;
	[dreg:$0x7] =	wrdreg s9  }
0x11: {  	s1 =	smul.u32 $0x4F, s1;
	s12 =	sadd.s32 $0x60, s26;
	[dreg:$0x8] =	wrdreg s11  }
0x12: {  	s29 =	simm.s32 $0xF;
	s13 =	sadd.s32 $0x80, s26;
	[dreg:$0x9] =	wrdreg s12  }
0x13: {  	s1 =	sadd.s32 s1, s25;
	s14 =	sadd.s32 $0xA0, s26;
	[dreg:$0xa] =	wrdreg s13  }
0x14: {  	s1 =	sshll.u32 s1, $0x5;
	s15 =	sadd.s32 $0xC0, s26;
	[dreg:$0xb] =	wrdreg s14  }
0x15: {  	s17 =	sadd.s32 s1, s7;
	s16 =	sadd.s32 $0xE0, s26;
	[dreg:$0xc] =	wrdreg s15  }
0x16: {  	s30 =	simm.s32 $0xE;
	s20 =	sadd.s32 $0x1E0, s17;
	[dreg:$0xd] =	wrdreg s16  }
0x17: {  	s8 =	simm.s32 $0x80;
	s21 =	sadd.s32 $0x1C0, s17;
	[dreg:$0x10] =	wrdreg s20  }
0x18: {  	s5 =	simm.s32 $0x5;
	s22 =	sadd.s32 $0x1A0, s17;
	[dreg:$0x11] =	wrdreg s21  }
0x19: {  	s10 =	simm.s32 $0x2;
	s23 =	sadd.s32 $0x180, s17;
	[dreg:$0x12] =	wrdreg s22  }
0x1a: {  	s1 =	simm.s32 $0x600;
	s24 =	sadd.s32 $0x160, s17;
	[dreg:$0x13] =	wrdreg s23  }
0x1b: {  	s6 =	simm.s32 $0x1;
	s25 =	sadd.s32 $0x140, s17;
	[dreg:$0x14] =	wrdreg s24  }
0x1c: {  	s7 =	simm.s32 $0x7;
	s26 =	sadd.s32 $0x120, s17;
	[dreg:$0x15] =	wrdreg s25  }
0x1d: {  	s0 =	sadd.s32 $0x100, s17;
	s17 =	simm.s32 $0xA;
	[dreg:$0x16] =	wrdreg s26  }
.Ltmp0:
0x1e: {  	[dreg:$0x17] =	wrdreg s0;
	s20 =	simm.s32 $0x11;
	(pc) =	sbr.rel .LBB2_1-.Ltmp0, $4  }
0x1f: {  	s9 =	simm.s32 $0x800;
	s11 =	simm.s32 $0x1000;
	s12 =	simm.s32 $0x3  }
0x20: {  	s13 =	simm.s32 $0x1800;
	s14 =	simm.s32 $0x4;
	s15 =	simm.s32 $0x2000  }
0x21: {  	s16 =	simm.s32 $0x9;
	s26 =	simm.s32 $0xB;
	s0 =	simm.s32 $0xC  }
0x22: {  	s22 =	simm.s32 $0x10;
	s21 =	simm.s32 $0x0;
	s25 =	simm.s32 $0x300  }
.LBB2_10:
0x23: {  	[bflag:$0x0] =	sbarrier.arrive $0xFFFF  }
0x24: {  	s19 =	rddreg [dreg:$0x5]  }
0x25: {  	s18 =	rddreg [dreg:$0xe]  }
0x26: {  	s20 =	rddreg [dreg:$0x19]  }
0x27: {  	[hbm:s18], [sflag:s19] =	dma.local [spmem:s20], $0x500  }
0x28: {  	s20 =	simm.s32 $0x11  }
0x29: {  	_ =	swait.ge [sflag:s20], $0x500  }
0x2a: {  	s21 =	rddreg [dreg:$0x18]  }
0x2b: {  	s24 =	rddreg [dreg:$0xf];
	s21 =	sadd.s32 $0x1, s21  }
0x2c: {  	p0 =	sne.s32 s21, s24  }
.Ltmp1:
0x2d: {  	_ = 	snop;
	(pc) =	sbr.rel @!p0 .LBB2_11-.Ltmp1, $3  }
0x2e: {  	_ =	sdelay $0x1  }
0x2f: {  	[sflag:s20] =	ssyncset.done $0x0  }
0x30: {  	[sflag:s20] =	ssyncadd.s32 $0xFFFFFB00  }
.LBB2_1:
0x31: {  	[dreg:$0x18] =	wrdreg s21  }
0x32: {  	s18 =	rddreg [dreg:$0x4]  }
0x33: {  	s24 =	rddreg [dreg:$0x3];
	s23 =	sshrl.u32 s18, $0x3  }
0x34: {  	[dreg:$0x19] =	wrdreg s23  }
0x35: {  	[spmem:s23], [sflag:s19] =	dma.local [hbm:s24], $0x500  }
0x36: {  	_ =	swait.ge [sflag:s20], $0x500  }
0x37: {  	[sflag:s20] =	ssyncset.done $0x0  }
0x38: {  	[sflag:s20] =	ssyncadd.s32 $0xFFFFFB00  }
0x39: {  	[bflag:$0x0] =	sbarrier.arrive $0xFFFF  }
0x3a: {  	s20 =	rddreg [dreg:$0x6]  }
0x3b: {  	[tilespmem:s3], [sflag:$0x1] =	stream.linear.gather [hbm4b:s20+s3], $0x100, $0x38;
	[tilespmem:$0x5000] =	vst v63  }
0x3c: {  	s19 =	simm.s32 $0x100;
	s21 =	rddreg [dreg:$0x7]  }
0x3d: {  	[tilespmem:s19], [sflag:$0x2] =	stream.linear.gather [hbm4b:s21+s3], $0x100, $0x38;
	[tilespmem:$0x5000] =	vst v63  }
0x3e: {  	s23 =	rddreg [dreg:$0x8];
	s20 =	simm.s32 $0x200  }
0x3f: {  	[tilespmem:s20], [sflag:$0x3] =	stream.linear.gather [hbm4b:s23+s3], $0x100, $0x38;
	[tilespmem:$0x5000] =	vst v63  }
0x40: {  	s24 =	rddreg [dreg:$0x9];
	s21 =	simm.s32 $0x300  }
0x41: {  	[tilespmem:s21], [sflag:$0x4] =	stream.linear.gather [hbm4b:s24+s3], $0x100, $0x38;
	[tilespmem:$0x5000] =	vst v63  }
0x42: {  	s23 =	rddreg [dreg:$0xa]  }
0x43: {  	[tilespmem:s31], [sflag:$0x5] =	stream.linear.gather [hbm4b:s23+s3], $0x100, $0x38;
	[tilespmem:$0x5000] =	vst v63  }
0x44: {  	s24 =	rddreg [dreg:$0xb];
	s23 =	simm.s32 $0x500  }
0x45: {  	[tilespmem:s23], [sflag:$0x6] =	stream.linear.gather [hbm4b:s24+s3], $0x100, $0x38;
	[tilespmem:$0x5000] =	vst v63  }
0x46: {  	s24 =	rddreg [dreg:$0xc]  }
0x47: {  	[tilespmem:s1], [sflag:$0x7] =	stream.linear.gather [hbm4b:s24+s3], $0x100, $0x38;
	[tilespmem:$0x5000] =	vst v63  }
0x48: {  	s23 =	rddreg [dreg:$0xd];
	s24 =	simm.s32 $0x700  }
0x49: {  	[tilespmem:s24], [sflag:$0x8] =	stream.linear.gather [hbm4b:s23+s3], $0x100, $0x38;
	[tilespmem:$0x5000] =	vst v63  }
0x4a: {  	_ =	swait.ge [sflag:s6], $0x100  }
0x4b: {  	[sflag:s6] =	ssyncset.done $0x0  }
0x4c: {  	[sflag:s6] =	ssyncadd.s32 $0xFFFFFF00  }
0x4d: {  	[tilespmem:s9], [sflag:$0x9] =	stream.indirect.gather [hbm4b:s4+s8], $0x10, s3, s8, $0xb8;
	[tilespmem:$0x5000] =	vst v63  }
0x4e: {  	_ =	swait.ge [sflag:s10], $0x100  }
0x4f: {  	[sflag:s10] =	ssyncset.done $0x0  }
0x50: {  	[sflag:s10] =	ssyncadd.s32 $0xFFFFFF00  }
0x51: {  	[tilespmem:s11], [sflag:$0xA] =	stream.indirect.gather [hbm4b:s4+s8], $0x10, s19, s8, $0xb8;
	[tilespmem:$0x5000] =	vst v63  }
0x52: {  	_ =	swait.ge [sflag:s12], $0x100  }
0x53: {  	[sflag:s12] =	ssyncset.done $0x0  }
0x54: {  	[sflag:s12] =	ssyncadd.s32 $0xFFFFFF00  }
0x55: {  	[tilespmem:s13], [sflag:$0xB] =	stream.indirect.gather [hbm4b:s4+s8], $0x10, s20, s8, $0xb8;
	[tilespmem:$0x5000] =	vst v63  }
.Ltmp2:
0x56: {  	_ = 	snop;
	(pc) =	sbr.rel .LBB2_2-.Ltmp2, $4  }
0x57: {  	_ =	swait.ge [sflag:s14], $0x100  }
0x58: {  	[sflag:s14] =	ssyncset.done $0x0  }
0x59: {  	s18 =	simm.s32 $0x0;
	s19 =	simm.s32 $0x0;
	[sflag:s14] =	ssyncadd.s32 $0xFFFFFF00  }
0x5a: {  	[tilespmem:s15], [sflag:$0xC] =	stream.indirect.gather [hbm4b:s4+s8], $0x10, s21, s8, $0xb8;
	[tilespmem:$0x5000] =	vst v63  }
.LBB2_7:
0x5b: {  	_ =	swait.ge [sflag:s0], $0x800  }
0x5c: {  	[sflag:s0] =	ssyncset.done $0x0  }
0x5d: {  	s20 =	simm.s32 $0x780;
	[sflag:s0] =	ssyncadd.s32 $0xFFFFF800  }
0x5e: {  	[spmem:s2] =	stream.indirect.scatter.add.f32 [tilespmem:s15], [sflag:$0x10], $0x10, s20, s8, $0xb8;
	[tilespmem:$0x5000] =	vst v63  }
0x5f: {  	_ =	swait.ge [sflag:s28], $0x800  }
0x60: {  	[sflag:s28] =	ssyncset.done $0x0  }
0x61: {  	[sflag:s28] =	ssyncadd.s32 $0xFFFFF800  }
.LBB2_9:
0x62: {  	_ =	swait.ge [sflag:s6], $0x100  }
0x63: {  	[sflag:s6] =	ssyncset.done $0x0  }
0x64: {  	s20 =	rddreg [dreg:$0x13];
	[sflag:s6] =	ssyncadd.s32 $0xFFFFFF00  }
0x65: {  	[tilespmem:s9], [sflag:$0x9] =	stream.indirect.gather [hbm4b:s4+s8], $0x10, s3, s8, $0xb8;
	[tilespmem:$0x5000] =	vst v63  }
0x66: {  	s20 =	sadd.s32 s18, s20  }
0x67: {  	[tilespmem:s31], [sflag:$0x5] =	stream.linear.gather [hbm4b:s20+s3], $0x100, $0x38;
	[tilespmem:$0x5000] =	vst v63  }
0x68: {  	_ =	swait.ge [sflag:s30], $0x800  }
0x69: {  	[sflag:s30] =	ssyncset.done $0x0  }
0x6a: {  	[sflag:s30] =	ssyncadd.s32 $0xFFFFF800  }
0x6b: {  	_ =	swait.ge [sflag:s10], $0x100  }
0x6c: {  	[sflag:s10] =	ssyncset.done $0x0  }
0x6d: {  	s24 =	simm.s32 $0x100;
	s21 =	rddreg [dreg:$0x12];
	[sflag:s10] =	ssyncadd.s32 $0xFFFFFF00  }
0x6e: {  	[tilespmem:s11], [sflag:$0xA] =	stream.indirect.gather [hbm4b:s4+s8], $0x10, s24, s8, $0xb8;
	[tilespmem:$0x5000] =	vst v63  }
0x6f: {  	s20 =	sadd.s32 s18, s21;
	s21 =	simm.s32 $0x500  }
0x70: {  	[tilespmem:s21], [sflag:$0x6] =	stream.linear.gather [hbm4b:s20+s3], $0x100, $0x38;
	[tilespmem:$0x5000] =	vst v63  }
0x71: {  	_ =	swait.ge [sflag:s29], $0x800  }
0x72: {  	[sflag:s29] =	ssyncset.done $0x0  }
0x73: {  	[sflag:s29] =	ssyncadd.s32 $0xFFFFF800  }
0x74: {  	_ =	swait.ge [sflag:s12], $0x100  }
0x75: {  	[sflag:s12] =	ssyncset.done $0x0  }
0x76: {  	s23 =	simm.s32 $0x200;
	s24 =	rddreg [dreg:$0x11];
	[sflag:s12] =	ssyncadd.s32 $0xFFFFFF00  }
0x77: {  	[tilespmem:s13], [sflag:$0xB] =	stream.indirect.gather [hbm4b:s4+s8], $0x10, s23, s8, $0xb8;
	[tilespmem:$0x5000] =	vst v63  }
0x78: {  	s20 =	sadd.s32 s18, s24  }
0x79: {  	[tilespmem:s1], [sflag:$0x7] =	stream.linear.gather [hbm4b:s20+s3], $0x100, $0x38;
	[tilespmem:$0x5000] =	vst v63  }
0x7a: {  	s20 =	simm.s32 @!p1 $0x10  }
0x7b: {  	_ =	swait.ge @!p1 [sflag:s20], $0x800  }
0x7c: {  	[sflag:s20] =	ssyncset.done @!p1 $0x0  }
0x7d: {  	[sflag:s20] =	ssyncadd.s32 @!p1 $0xFFFFF800  }
0x7e: {  	_ =	swait.ge [sflag:s14], $0x100  }
0x7f: {  	p0 =	sgt.u32 s19, $0x7;
	[sflag:s14] =	ssyncset.done $0x0  }
0x80: {  	s21 =	simm.s32 @!p0 $0x0;
	s20 =	rddreg [dreg:$0x10];
	[sflag:s14] =	ssyncadd.s32 $0xFFFFFF00  }
0x81: {  	[tilespmem:s15], [sflag:$0xC] =	stream.indirect.gather [hbm4b:s4+s8], $0x10, s25, s8, $0xb8;
	[tilespmem:$0x5000] =	vst v63  }
0x82: {  	s23 =	simm.s32 @!p0 $0x700;
	s20 =	sadd.s32 @!p0 s18, s20;
	s18 =	sadd.s32 $0x100, s18  }
0x83: {  	[tilespmem:s23], [sflag:$0x8] =	stream.linear.gather @!p0 [hbm4b:s20+s21], $0x100, $0x38;
	[tilespmem:$0x5000] =	vst v63  }
0x84: {  	p0 =	sne.s32 s18, $0xA00  }
.Ltmp3:
0x85: {  	_ = 	snop;
	(pc) =	sbr.rel @!p0 .LBB2_10-.Ltmp3, $2  }
0x86: {  	_ =	sdelay $0x2  }
0x87: {  	s19 =	sadd.s32 $0x1, s19  }
.LBB2_2:
0x88: {  	_ =	swait.ge [sflag:s16], $0x800  }
0x89: {  	[sflag:s16] =	ssyncset.done $0x0  }
0x8a: {  	[sflag:s16] =	ssyncadd.s32 $0xFFFFF800  }
0x8b: {  	[spmem:s2] =	stream.indirect.scatter.add.f32 [tilespmem:s9], [sflag:$0xD], $0x10, s8, s8, $0xb8;
	[tilespmem:$0x5000] =	vst v63  }
0x8c: {  	_ =	swait.ge [sflag:s17], $0x800  }
0x8d: {  	[sflag:s17] =	ssyncset.done $0x0  }
0x8e: {  	s20 =	simm.s32 $0x180;
	[sflag:s17] =	ssyncadd.s32 $0xFFFFF800  }
0x8f: {  	[spmem:s2] =	stream.indirect.scatter.add.f32 [tilespmem:s11], [sflag:$0xE], $0x10, s20, s8, $0xb8;
	[tilespmem:$0x5000] =	vst v63  }
0x90: {  	_ =	swait.ge [sflag:s26], $0x800  }
0x91: {  	[sflag:s26] =	ssyncset.done $0x0  }
0x92: {  	s23 =	simm.s32 $0x280;
	[sflag:s26] =	ssyncadd.s32 $0xFFFFF800  }
0x93: {  	[spmem:s2] =	stream.indirect.scatter.add.f32 [tilespmem:s13], [sflag:$0xF], $0x10, s23, s8, $0xb8;
	[tilespmem:$0x5000] =	vst v63  }
0x94: {  	_ =	swait.ge [sflag:s0], $0x800  }
0x95: {  	[sflag:s0] =	ssyncset.done $0x0  }
0x96: {  	s24 =	simm.s32 $0x380;
	[sflag:s0] =	ssyncadd.s32 $0xFFFFF800  }
0x97: {  	[spmem:s2] =	stream.indirect.scatter.add.f32 [tilespmem:s15], [sflag:$0x10], $0x10, s24, s8, $0xb8;
	[tilespmem:$0x5000] =	vst v63  }
0x98: {  	_ =	swait.ge [sflag:s28], $0x800  }
0x99: {  	[sflag:s28] =	ssyncset.done $0x0  }
0x9a: {  	[sflag:s28] =	ssyncadd.s32 $0xFFFFF800  }
0x9b: {  	_ =	swait.ge [sflag:s5], $0x100  }
0x9c: {  	p0 =	seq.s32 s18, $0x900;
	[sflag:s5] =	ssyncset.done $0x0  }
0x9d: {  	s20 =	simm.s32 @p0 $0xE;
	[sflag:s5] =	ssyncadd.s32 $0xFFFFFF00  }
0x9e: {  	[tilespmem:s9], [sflag:$0x9] =	stream.indirect.gather [hbm4b:s4+s8], $0x10, s31, s8, $0xb8;
	[tilespmem:$0x5000] =	vst v63  }
0x9f: {  	_ =	swait.ge @p0 [sflag:s20], $0x800  }
0xa0: {  	[sflag:s20] =	ssyncset.done @p0 $0x0  }
0xa1: {  	[sflag:s20] =	ssyncadd.s32 @p0 $0xFFFFF800;
	s20 =	simm.s32 @p0 $0x6  }
0xa2: {  	_ =	swait.ge @p0 [sflag:s20], $0x100  }
0xa3: {  	s21 =	simm.s32 @p0 $0x500;
	[sflag:s20] =	ssyncset.done @p0 $0x0  }
0xa4: {  	s23 =	simm.s32 @p0 $0x1000;
	[sflag:s20] =	ssyncadd.s32 @p0 $0xFFFFFF00;
	s20 =	simm.s32 @p0 $0x80  }
0xa5: {  	[tilespmem:s23], [sflag:$0xA] =	stream.indirect.gather @p0 [hbm4b:s4+s20], $0x10, s21, s20, $0xb8;
	[tilespmem:$0x5000] =	vst v63  }
0xa6: {  	s20 =	rddreg [dreg:$0x17]  }
0xa7: {  	s21 =	simm.s32 @!p0 $0x0;
	s20 =	sadd.s32 @!p0 s18, s20  }
0xa8: {  	[tilespmem:s21], [sflag:$0x1] =	stream.linear.gather @!p0 [hbm4b:s20+s21], $0x100, $0x38;
	[tilespmem:$0x5000] =	vst v63  }
0xa9: {  	s20 =	simm.s32 @!p0 $0xE  }
0xaa: {  	_ =	swait.ge @!p0 [sflag:s20], $0x800  }
0xab: {  	[sflag:s20] =	ssyncset.done @!p0 $0x0  }
0xac: {  	[sflag:s20] =	ssyncadd.s32 @!p0 $0xFFFFF800;
	s20 =	simm.s32 @!p0 $0x6  }
0xad: {  	_ =	swait.ge @!p0 [sflag:s20], $0x100  }
0xae: {  	s24 =	simm.s32 @!p0 $0x1000;
	[sflag:s20] =	ssyncset.done @!p0 $0x0  }
0xaf: {  	s23 =	simm.s32 @!p0 $0x500;
	[sflag:s20] =	ssyncadd.s32 @!p0 $0xFFFFFF00;
	s20 =	simm.s32 @!p0 $0x80  }
0xb0: {  	[tilespmem:s24], [sflag:$0xA] =	stream.indirect.gather @!p0 [hbm4b:s4+s20], $0x10, s23, s20, $0xb8;
	[tilespmem:$0x5000] =	vst v63  }
0xb1: {  	s20 =	rddreg [dreg:$0x16]  }
0xb2: {  	s23 =	simm.s32 @!p0 $0x100;
	s20 =	sadd.s32 @!p0 s18, s20  }
0xb3: {  	[tilespmem:s23], [sflag:$0x2] =	stream.linear.gather @!p0 [hbm4b:s20+s21], $0x100, $0x38;
	[tilespmem:$0x5000] =	vst v63  }
0xb4: {  	_ =	swait.ge [sflag:s29], $0x800  }
0xb5: {  	[sflag:s29] =	ssyncset.done $0x0  }
0xb6: {  	[sflag:s29] =	ssyncadd.s32 $0xFFFFF800  }
0xb7: {  	_ =	swait.ge [sflag:s7], $0x100  }
0xb8: {  	[sflag:s7] =	ssyncset.done $0x0  }
0xb9: {  	p1 =	sgt.u32 s19, $0x8;
	s20 =	rddreg [dreg:$0x15];
	[sflag:s7] =	ssyncadd.s32 $0xFFFFFF00  }
0xba: {  	[tilespmem:s13], [sflag:$0xB] =	stream.indirect.gather [hbm4b:s4+s8], $0x10, s1, s8, $0xb8;
	[tilespmem:$0x5000] =	vst v63  }
.Ltmp4:
0xbb: {  	s23 =	simm.s32 @!p0 $0x200;
	s20 =	sadd.s32 @!p0 s18, s20;
	(pc) =	sbr.rel @p1 .LBB2_4-.Ltmp4, $4  }
0xbc: {  	[tilespmem:s23], [sflag:$0x3] =	stream.linear.gather @!p0 [hbm4b:s20+s21], $0x100, $0x38;
	[tilespmem:$0x5000] =	vst v63  }
0xbd: {  	_ =	swait.ge [sflag:s22], $0x800  }
0xbe: {  	[sflag:s22] =	ssyncset.done $0x0  }
0xbf: {  	[sflag:s22] =	ssyncadd.s32 $0xFFFFF800  }
.Ltmp5:
0xc0: {  	s20 =	simm.s32 $0x8;
	(pc) =	sbr.rel .LBB2_5-.Ltmp5, $4  }
0xc1: {  	_ =	swait.ge [sflag:s20], $0x100  }
0xc2: {  	[sflag:s20] =	ssyncset.done $0x0  }
0xc3: {  	s24 =	simm.s32 $0x700;
	[sflag:s20] =	ssyncadd.s32 $0xFFFFFF00  }
0xc4: {  	[tilespmem:s15], [sflag:$0xC] =	stream.indirect.gather [hbm4b:s4+s8], $0x10, s24, s8, $0xb8;
	[tilespmem:$0x5000] =	vst v63  }
.LBB2_4:
.Ltmp6:
0xc5: {  	(pc) =	sbr.rel @p0 .LBB2_6-.Ltmp6, $1  }
0xc6: {  	_ =	sdelay $0x3  }
.LBB2_5:
0xc7: {  	s20 =	rddreg [dreg:$0x14]  }
0xc8: {  	s20 =	sadd.s32 s18, s20  }
0xc9: {  	[tilespmem:s25], [sflag:$0x4] =	stream.linear.gather [hbm4b:s20+s3], $0x100, $0x38;
	[tilespmem:$0x5000] =	vst v63  }
.LBB2_6:
0xca: {  	_ =	swait.ge [sflag:s16], $0x800  }
0xcb: {  	[sflag:s16] =	ssyncset.done $0x0  }
0xcc: {  	s20 =	simm.s32 $0x480;
	[sflag:s16] =	ssyncadd.s32 $0xFFFFF800  }
0xcd: {  	[spmem:s2] =	stream.indirect.scatter.add.f32 [tilespmem:s9], [sflag:$0xD], $0x10, s20, s8, $0xb8;
	[tilespmem:$0x5000] =	vst v63  }
0xce: {  	_ =	swait.ge [sflag:s17], $0x800  }
0xcf: {  	[sflag:s17] =	ssyncset.done $0x0  }
0xd0: {  	s23 =	simm.s32 $0x580;
	[sflag:s17] =	ssyncadd.s32 $0xFFFFF800  }
0xd1: {  	[spmem:s2] =	stream.indirect.scatter.add.f32 [tilespmem:s11], [sflag:$0xE], $0x10, s23, s8, $0xb8;
	[tilespmem:$0x5000] =	vst v63  }
.Ltmp7:
0xd2: {  	_ = 	snop;
	(pc) =	sbr.rel @!p1 .LBB2_7-.Ltmp7, $4  }
0xd3: {  	_ =	swait.ge [sflag:s26], $0x800  }
0xd4: {  	[sflag:s26] =	ssyncset.done $0x0  }
0xd5: {  	s24 =	simm.s32 $0x680;
	[sflag:s26] =	ssyncadd.s32 $0xFFFFF800  }
0xd6: {  	[spmem:s2] =	stream.indirect.scatter.add.f32 [tilespmem:s13], [sflag:$0xF], $0x10, s24, s8, $0xb8;
	[tilespmem:$0x5000] =	vst v63  }
.Ltmp8:
0xd7: {  	(pc) =	sbr.rel @!p0 .LBB2_9-.Ltmp8, $4  }
0xd8: {  	_ = 	snop  }
0xd9: {  	_ =	swait.ge [sflag:s28], $0x800  }
0xda: {  	[sflag:s28] =	ssyncset.done $0x0  }
0xdb: {  	[sflag:s28] =	ssyncadd.s32 $0xFFFFF800  }
0xdc: {  	_ =	swait.ge [sflag:s30], $0x800  }
.Ltmp9:
0xdd: {  	[sflag:s30] =	ssyncset.done $0x0;
	(pc) =	sbr.rel .LBB2_10-.Ltmp9, $4  }
0xde: {  	[sflag:s30] =	ssyncadd.s32 $0xFFFFF800  }
0xdf: {  	_ =	swait.ge [sflag:s29], $0x800  }
0xe0: {  	[sflag:s29] =	ssyncset.done $0x0  }
0xe1: {  	[sflag:s29] =	ssyncadd.s32 $0xFFFFF800  }
.LBB2_11:
0xe2: {  	_ =	sfence.sel $0x180000  }
0xe3: {  	[bflag:$0x0] =	sbarrier.arrive $0xFFFF  }
0xe4: {  	_ =	strace $0x9000004A  }
0xe5: {  	s0 =	stileid.u32;
	[bflag:$0x2] =	sbarrier.arrive $0xFFFF  }
0xe6: {  	p0 =	sne.s32 s0, $0x0;
	s0 =	rddreg [dreg:$0x2]  }
0xe7: {  	s0 =	sadd.s32 @!p0 $0x100000, s0  }
0xe8: {  	[sflag:s0] =	ssyncadd.tile.s32 @!p0 $0x1;
	_ =	shalt  }
.Lfunc_end2:
_tile_overlayer_lowered:
.L_overlay_start_2:
0xe9: {  	(tag) =	ssettag $0x2  }
0xea: {  	s0 =	rddreg [dreg:$0x0];
	s2 =	stileid.u32  }
0xeb: {  	s1 =	rddreg [dreg:$0x1];
	p0 =	sne.s32 s2, $0x0  }
0xec: {  	s3 =	rddreg [dreg:$0x2];
	[bflag:$0x3] =	sbarrier.arrive $0xFFFF;
	s2 =	simm.s32 @!p0 $0x1C11  }
0xed: {  	[timem:s3], [sflag:s2] =	dma.local @!p0 [hbm:s0], s1  }
0xee: {  	s0 =	simm.s32 @!p0 $0x11  }
0xef: {  	_ =	swait.ge @!p0 [sflag:s0], s1  }
0xf0: {  	s1 =	ssub.s32 @!p0 $0x0, s1;
	[sflag:s0] =	ssyncset.done @!p0 $0x0  }
0xf1: {  	[sflag:s0] =	ssyncadd.s32 @!p0 s1  }
0xf2: {  	[bflag:$0x3] =	sbarrier.arrive $0xFFFF  }
0xf3: {  	_ =	shalt  }

</sc_bundles>
